<compile_context>
chip_gen: v7x
topology: tpu7x:2x2x1
jax: 0.10.2.dev20260603
libtpu: 0.0.44.dev20260713+nightly
codegen_flags: <defaults>
</compile_context>

<pallas_src>
import functools
import math

import jax
import jax.numpy as jnp
from jax import lax
from jax.experimental import pallas as pl
from jax.experimental.pallas import tpu as pltpu
from jax.experimental.pallas import tpu_sc as plsc

D_MODEL = 64
SCALE = math.sqrt(D_MODEL)

NW = 32
CHUNK = 256
ROWS = 409600
ROWS_PER_W = ROWS // NW
NCHUNK = ROWS_PER_W // CHUNK


def _sc_body(x_hbm, p_hbm, out_hbm, xb0, xb1, pb0, pb1, sin, sp, sout):
    wid = lax.axis_index("s") * 2 + lax.axis_index("c")
    wstart = wid * ROWS_PER_W
    xbufs = (xb0, xb1)
    pbufs = (pb0, pb1)

    def qbase_of(base):
        return (base // 2048) * 64 + ((base // 256) % 8) * 8

    def start_in(g, b):
        base = wstart + g * CHUNK
        pltpu.make_async_copy(
            x_hbm.at[pl.ds(base, CHUNK)], xbufs[b], sin.at[b]).start()
        pltpu.make_async_copy(
            p_hbm.at[pl.ds(qbase_of(base), 8)], pbufs[b], sp.at[b]).start()

    def wait_in(g, b):
        base = g * CHUNK
        pltpu.make_async_copy(
            x_hbm.at[pl.ds(base, CHUNK)], xbufs[b], sin.at[b]).wait()
        pltpu.make_async_copy(
            p_hbm.at[pl.ds(qbase_of(base), 8)], pbufs[b], sp.at[b]).wait()

    def start_out(g, b):
        base = wstart + g * CHUNK
        pltpu.make_async_copy(
            xbufs[b], out_hbm.at[pl.ds(base, CHUNK)], sout.at[b]).start()

    def wait_out(g, b):
        base = g * CHUNK
        pltpu.make_async_copy(
            xbufs[b], out_hbm.at[pl.ds(base, CHUNK)], sout.at[b]).wait()

    def compute(b):
        xb, pb = xbufs[b], pbufs[b]

        def inner(bt, _):
            for di in range(8):
                r = bt * 8 + di
                for j in range(8):
                    sl = pl.ds(j * 16, 16)
                    xb[r, sl] = xb[r, sl] * SCALE + pb[di, sl]
            return 0

        lax.fori_loop(0, 32, inner, 0)

    start_in(0, 0)

    def outer(k, _):
        for b in (0, 1):
            g = 2 * k + b

            @pl.when(jnp.logical_and(g >= 1, g + 1 < NCHUNK))
            def _():
                wait_out(g - 1, 1 - b)

            @pl.when(g + 1 < NCHUNK)
            def _():
                start_in(g + 1, 1 - b)

            wait_in(g, b)
            compute(b)
            start_out(g, b)
        return 0

    lax.fori_loop(0, NCHUNK // 2, outer, 0)
    wait_out(NCHUNK - 2, 0)
    wait_out(NCHUNK - 1, 1)


def kernel(x, pos_emb):
    B, L, D = x.shape
    xt = x.transpose(1, 2, 0)
    x5 = xt.reshape(L, D // 8, 8, B // 128, 128)
    xlin = x5.transpose(0, 1, 3, 2, 4).reshape(ROWS, 128)
    pbig = jnp.broadcast_to(pos_emb.reshape(L * D, 1), (L * D, 128))

    mesh = plsc.VectorSubcoreMesh(core_axis_name="c", subcore_axis_name="s")
    f = functools.partial(
        pl.kernel,
        mesh=mesh,
        out_type=jax.ShapeDtypeStruct((ROWS, 128), jnp.float32),
        scratch_types=[
            pltpu.VMEM((CHUNK, 128), jnp.float32),
            pltpu.VMEM((CHUNK, 128), jnp.float32),
            pltpu.VMEM((8, 128), jnp.float32),
            pltpu.VMEM((8, 128), jnp.float32),
            pltpu.SemaphoreType.DMA((2,)),
            pltpu.SemaphoreType.DMA((2,)),
            pltpu.SemaphoreType.DMA((2,)),
        ],
    )(_sc_body)
    outlin = f(xlin, pbig)
    o5 = outlin.reshape(L, D // 8, B // 128, 8, 128).transpose(0, 1, 3, 2, 4)
    return o5.reshape(L, D, B).transpose(2, 0, 1)

# --- scband reference (transcript-rebuilt; emitter-appended) ---
"""Pipeline reference for scband-learnable-position-encoder-62130996904408 (READ-ONLY COPY).

The authoritative reference and input builder live on the scoring server;
editing this copy changes nothing except your own understanding.
"""

import jax, jax.numpy as jnp
import numpy as np
import math

D_MODEL = 64
MAX_LEN = 200
BATCH = 4096

def setup_inputs(seed: int = 0) -> dict:
    key = jax.random.key(seed)
    k1, k2 = jax.random.split(key)
    x = jax.random.normal(k1, (BATCH, MAX_LEN, D_MODEL), dtype=jnp.float32)
    pos_emb = jax.random.normal(k2, (MAX_LEN, D_MODEL), dtype=jnp.float32)
    return {"x": x, "pos_emb": pos_emb}

def reference(x, pos_emb):
    # x = x * sqrt(d_model); x = x + position_embedding.weight (broadcast over batch)
    # dropout with p=0 is identity
    out = x * math.sqrt(D_MODEL)
    out = out + pos_emb
    return out

if __name__ == "__main__":
    import jax
    _d = setup_inputs()
    print(jax.jit(kernel)(*tuple(_d.values())))

</pallas_src>

<mosaic_0001>
#map = affine_map<(d0, d1) -> (0, 0)>
module attributes {stable_mosaic.version = 14 : i64} {
  func.func @_sc_body(%arg0: i32, %arg1: i32, %arg2: memref<409600x128xf32, #tpu.memory_space<hbm>>, %arg3: memref<12800x128xf32, #tpu.memory_space<hbm>>, %arg4: memref<409600x128xf32, #tpu.memory_space<hbm>>, %arg5: memref<256x128xf32, #tpu.memory_space<vmem>>, %arg6: memref<256x128xf32, #tpu.memory_space<vmem>>, %arg7: memref<8x128xf32, #tpu.memory_space<vmem>>, %arg8: memref<8x128xf32, #tpu.memory_space<vmem>>, %arg9: memref<2x!tpu.dma_semaphore, #tpu.memory_space<semaphore_mem>>, %arg10: memref<2x!tpu.dma_semaphore, #tpu.memory_space<semaphore_mem>>, %arg11: memref<2x!tpu.dma_semaphore, #tpu.memory_space<semaphore_mem>>) attributes {dimension_semantics = [#tpu.dimension_semantics<core_parallel>, #tpu.dimension_semantics<subcore_parallel>], iteration_bounds = array<i64: 2, 16>, scalar_prefetch = 0 : i64, scratch_operands = 7 : i64, tpu.core_type = #tpu.core_type<sc_vector_subcore>, window_params = [{transform_indices = #map}, {transform_indices = #map}, {transform_indices = #map}]} {
    %mul3A = arith.constant 2 : i32
    %mul3A_0 = arith.muli %arg1, %mul3A : i32
    %add3A = arith.addi %mul3A_0, %arg0 : i32
    %mul3A_1 = arith.constant 12800 : i32
    %mul3A_2 = arith.muli %add3A, %mul3A_1 : i32
    %add3A_3 = arith.constant 0 : i32
    %add3A_4 = arith.addi %mul3A_2, %add3A_3 : i32
    %dma_start3A = arith.constant 0 : i32
    %dma_start3A_5 = arith.constant 0 : i32
    %dma_start3A_6 = tpu.memref_slice %arg2[%add3A_4, %dma_start3A_5] : memref<409600x128xf32, #tpu.memory_space<hbm>> -> memref<256x128xf32, #tpu.memory_space<hbm>>
    %dma_start3A_7 = tpu.memref_slice %arg9[%dma_start3A] : memref<2x!tpu.dma_semaphore, #tpu.memory_space<semaphore_mem>> -> memref<1x!tpu.dma_semaphore, #tpu.memory_space<semaphore_mem>>
    %dma_start3A_8 = tpu.memref_squeeze %dma_start3A_7 : memref<1x!tpu.dma_semaphore, #tpu.memory_space<semaphore_mem>> -> memref<!tpu.dma_semaphore, #tpu.memory_space<semaphore_mem>>
    %dma_start3A_9 = arith.constant 0 : i32
    %dma_start3A_10 = tpu.memref_slice %arg2[%add3A_4, %dma_start3A_9] : memref<409600x128xf32, #tpu.memory_space<hbm>> -> memref<256x128xf32, #tpu.memory_space<hbm>>
    tpu.enqueue_dma source(%dma_start3A_10 : memref<256x128xf32, #tpu.memory_space<hbm>>) target(%arg5 : memref<256x128xf32, #tpu.memory_space<vmem>>) target_semaphore(%dma_start3A_8 : memref<!tpu.dma_semaphore, #tpu.memory_space<semaphore_mem>>)
    %jit3A = arith.constant 2048 : i32
    %div3A = arith.divsi %add3A_4, %jit3A : i32
    %sign3A = arith.constant 0 : i32
    %sign3A_11 = arith.cmpi sgt, %add3A_4, %sign3A : i32
    %sign3A_12 = arith.extui %sign3A_11 : i1 to i32
    %sign3A_13 = arith.constant 0 : i32
    %sign3A_14 = arith.cmpi slt, %add3A_4, %sign3A_13 : i32
    %sign3A_15 = arith.extui %sign3A_14 : i1 to i32
    %sign3A_16 = arith.subi %sign3A_12, %sign3A_15 : i32
    %sign3A_17 = arith.constant 0 : i32
    %sign3A_18 = arith.cmpi sgt, %jit3A, %sign3A_17 : i32
    %sign3A_19 = arith.extui %sign3A_18 : i1 to i32
    %sign3A_20 = arith.constant 0 : i32
    %sign3A_21 = arith.cmpi slt, %jit3A, %sign3A_20 : i32
    %sign3A_22 = arith.extui %sign3A_21 : i1 to i32
    %sign3A_23 = arith.subi %sign3A_19, %sign3A_22 : i32
    %ne3A = arith.cmpi ne, %sign3A_16, %sign3A_23 : i32
    %rem3A = arith.remsi %add3A_4, %jit3A : i32
    %ne3A_24 = arith.constant 0 : i32
    %ne3A_25 = arith.cmpi ne, %rem3A, %ne3A_24 : i32
    %and3A = arith.andi %ne3A, %ne3A_25 : i1
    %sub3A = arith.constant 1 : i32
    %sub3A_26 = arith.subi %div3A, %sub3A : i32
    %select_n3A = arith.select %and3A, %sub3A_26, %div3A : i32
    %mul3A_27 = arith.constant 64 : i32
    %mul3A_28 = arith.muli %select_n3A, %mul3A_27 : i32
    %jit3A_29 = arith.constant 256 : i32
    %div3A_30 = arith.divsi %add3A_4, %jit3A_29 : i32
    %sign3A_31 = arith.constant 0 : i32
    %sign3A_32 = arith.cmpi sgt, %add3A_4, %sign3A_31 : i32
    %sign3A_33 = arith.extui %sign3A_32 : i1 to i32
    %sign3A_34 = arith.constant 0 : i32
    %sign3A_35 = arith.cmpi slt, %add3A_4, %sign3A_34 : i32
    %sign3A_36 = arith.extui %sign3A_35 : i1 to i32
    %sign3A_37 = arith.subi %sign3A_33, %sign3A_36 : i32
    %sign3A_38 = arith.constant 0 : i32
    %sign3A_39 = arith.cmpi sgt, %jit3A_29, %sign3A_38 : i32
    %sign3A_40 = arith.extui %sign3A_39 : i1 to i32
    %sign3A_41 = arith.constant 0 : i32
    %sign3A_42 = arith.cmpi slt, %jit3A_29, %sign3A_41 : i32
    %sign3A_43 = arith.extui %sign3A_42 : i1 to i32
    %sign3A_44 = arith.subi %sign3A_40, %sign3A_43 : i32
    %ne3A_45 = arith.cmpi ne, %sign3A_37, %sign3A_44 : i32
    %rem3A_46 = arith.remsi %add3A_4, %jit3A_29 : i32
    %ne3A_47 = arith.constant 0 : i32
    %ne3A_48 = arith.cmpi ne, %rem3A_46, %ne3A_47 : i32
    %and3A_49 = arith.andi %ne3A_45, %ne3A_48 : i1
    %sub3A_50 = arith.constant 1 : i32
    %sub3A_51 = arith.subi %div3A_30, %sub3A_50 : i32
    %select_n3A_52 = arith.select %and3A_49, %sub3A_51, %div3A_30 : i32
    %jit3A_53 = arith.constant 8 : i32
    %eq3A = arith.constant 0 : i32
    %eq3A_54 = arith.cmpi eq, %jit3A_53, %eq3A : i32
    %jit3A_55 = arith.constant 1 : i32
    %select_n3A_56 = arith.select %eq3A_54, %jit3A_55, %jit3A_53 : i32
    %rem3A_57 = arith.remsi %select_n3A_52, %select_n3A_56 : i32
    %ne3A_58 = arith.constant 0 : i32
    %ne3A_59 = arith.cmpi ne, %rem3A_57, %ne3A_58 : i32
    %lt3A = arith.constant 0 : i32
    %lt3A_60 = arith.cmpi slt, %rem3A_57, %lt3A : i32
    %lt3A_61 = arith.constant 0 : i32
    %lt3A_62 = arith.cmpi slt, %select_n3A_56, %lt3A_61 : i32
    %ne3A_63 = arith.xori %lt3A_60, %lt3A_62 : i1
    %and3A_64 = arith.andi %ne3A_63, %ne3A_59 : i1
    %add3A_65 = arith.addi %rem3A_57, %select_n3A_56 : i32
    %select_n3A_66 = arith.select %and3A_64, %add3A_65, %rem3A_57 : i32
    %mul3A_67 = arith.constant 8 : i32
    %mul3A_68 = arith.muli %select_n3A_66, %mul3A_67 : i32
    %add3A_69 = arith.addi %mul3A_28, %mul3A_68 : i32
    %dma_start3A_70 = arith.constant 0 : i32
    %dma_start3A_71 = arith.constant 0 : i32
    %dma_start3A_72 = tpu.memref_slice %arg3[%add3A_69, %dma_start3A_71] : memref<12800x128xf32, #tpu.memory_space<hbm>> -> memref<8x128xf32, #tpu.memory_space<hbm>>
    %dma_start3A_73 = tpu.memref_slice %arg10[%dma_start3A_70] : memref<2x!tpu.dma_semaphore, #tpu.memory_space<semaphore_mem>> -> memref<1x!tpu.dma_semaphore, #tpu.memory_space<semaphore_mem>>
    %dma_start3A_74 = tpu.memref_squeeze %dma_start3A_73 : memref<1x!tpu.dma_semaphore, #tpu.memory_space<semaphore_mem>> -> memref<!tpu.dma_semaphore, #tpu.memory_space<semaphore_mem>>
    %dma_start3A_75 = arith.constant 0 : i32
    %dma_start3A_76 = tpu.memref_slice %arg3[%add3A_69, %dma_start3A_75] : memref<12800x128xf32, #tpu.memory_space<hbm>> -> memref<8x128xf32, #tpu.memory_space<hbm>>
    tpu.enqueue_dma source(%dma_start3A_76 : memref<8x128xf32, #tpu.memory_space<hbm>>) target(%arg7 : memref<8x128xf32, #tpu.memory_space<vmem>>) target_semaphore(%dma_start3A_74 : memref<!tpu.dma_semaphore, #tpu.memory_space<semaphore_mem>>)
    %scan3A = arith.constant 0 : i32
    %scan3A_77 = arith.constant 0 : i32
    %scan3A_78 = arith.constant 25 : i32
    %scan3A_79 = arith.addi %scan3A_77, %scan3A_78 : i32
    %scan3A_80 = arith.constant 1 : i32
    %scan3A_81 = scf.for %scan3A_100 = %scan3A_77 to %scan3A_79 step %scan3A_80 iter_args(%scan3A_101 = %scan3A) -> (i32)  : i32 {
      %mul3A_102 = arith.constant 2 : i32
      %mul3A_103 = arith.muli %mul3A_102, %scan3A_100 : i32
      %add3A_104 = arith.constant 0 : i32
      %add3A_105 = arith.addi %mul3A_103, %add3A_104 : i32
      %ge3A = arith.constant 1 : i32
      %ge3A_106 = arith.cmpi sge, %add3A_105, %ge3A : i32
      %add3A_107 = arith.constant 1 : i32
      %add3A_108 = arith.addi %add3A_105, %add3A_107 : i32
      %lt3A_109 = arith.constant 50 : i32
      %lt3A_110 = arith.cmpi slt, %add3A_108, %lt3A_109 : i32
      %and3A_111 = arith.andi %ge3A_106, %lt3A_110 : i1
      %convert_element_type3A = arith.extui %and3A_111 : i1 to i32
      %cond3A = arith.constant 0 : i32
      %cond3A_112 = arith.cmpi ne, %convert_element_type3A, %cond3A : i32
      scf.if %cond3A_112 {
        %sub3A_346 = arith.constant 1 : i32
        %sub3A_347 = arith.subi %add3A_105, %sub3A_346 : i32
        %mul3A_348 = arith.constant 256 : i32
        %mul3A_349 = arith.muli %sub3A_347, %mul3A_348 : i32
        %dma_wait3A_350 = arith.constant 1 : i32
        %dma_wait3A_351 = arith.constant 0 : i32
        %dma_wait3A_352 = tpu.memref_slice %arg4[%mul3A_349, %dma_wait3A_351] : memref<409600x128xf32, #tpu.memory_space<hbm>> -> memref<256x128xf32, #tpu.memory_space<hbm>>
        %dma_wait3A_353 = tpu.memref_slice %arg11[%dma_wait3A_350] : memref<2x!tpu.dma_semaphore, #tpu.memory_space<semaphore_mem>> -> memref<1x!tpu.dma_semaphore, #tpu.memory_space<semaphore_mem>>
        %dma_wait3A_354 = tpu.memref_squeeze %dma_wait3A_353 : memref<1x!tpu.dma_semaphore, #tpu.memory_space<semaphore_mem>> -> memref<!tpu.dma_semaphore, #tpu.memory_space<semaphore_mem>>
        %dma_wait3A_355 = arith.constant 0 : i32
        %dma_wait3A_356 = tpu.memref_slice %arg4[%mul3A_349, %dma_wait3A_355] : memref<409600x128xf32, #tpu.memory_space<hbm>> -> memref<256x128xf32, #tpu.memory_space<hbm>>
        tpu.wait_dma2 semaphore(%dma_wait3A_354 : memref<!tpu.dma_semaphore, #tpu.memory_space<semaphore_mem>>) src(%arg6 : memref<256x128xf32, #tpu.memory_space<vmem>>) dst(%dma_wait3A_356 : memref<256x128xf32, #tpu.memory_space<hbm>>)
      } else {
      }
      %add3A_113 = arith.constant 1 : i32
      %add3A_114 = arith.addi %add3A_105, %add3A_113 : i32
      %lt3A_115 = arith.constant 50 : i32
      %lt3A_116 = arith.cmpi slt, %add3A_114, %lt3A_115 : i32
      %convert_element_type3A_117 = arith.extui %lt3A_116 : i1 to i32
      %cond3A_118 = arith.constant 0 : i32
      %cond3A_119 = arith.cmpi ne, %convert_element_type3A_117, %cond3A_118 : i32
      scf.if %cond3A_119 {
        %add3A_346 = arith.constant 1 : i32
        %add3A_347 = arith.addi %add3A_105, %add3A_346 : i32
        %mul3A_348 = arith.constant 256 : i32
        %mul3A_349 = arith.muli %add3A_347, %mul3A_348 : i32
        %add3A_350 = arith.addi %mul3A_2, %mul3A_349 : i32
        %dma_start3A_351 = arith.constant 1 : i32
        %dma_start3A_352 = arith.constant 0 : i32
        %dma_start3A_353 = tpu.memref_slice %arg2[%add3A_350, %dma_start3A_352] : memref<409600x128xf32, #tpu.memory_space<hbm>> -> memref<256x128xf32, #tpu.memory_space<hbm>>
        %dma_start3A_354 = tpu.memref_slice %arg9[%dma_start3A_351] : memref<2x!tpu.dma_semaphore, #tpu.memory_space<semaphore_mem>> -> memref<1x!tpu.dma_semaphore, #tpu.memory_space<semaphore_mem>>
        %dma_start3A_355 = tpu.memref_squeeze %dma_start3A_354 : memref<1x!tpu.dma_semaphore, #tpu.memory_space<semaphore_mem>> -> memref<!tpu.dma_semaphore, #tpu.memory_space<semaphore_mem>>
        %dma_start3A_356 = arith.constant 0 : i32
        %dma_start3A_357 = tpu.memref_slice %arg2[%add3A_350, %dma_start3A_356] : memref<409600x128xf32, #tpu.memory_space<hbm>> -> memref<256x128xf32, #tpu.memory_space<hbm>>
        tpu.enqueue_dma source(%dma_start3A_357 : memref<256x128xf32, #tpu.memory_space<hbm>>) target(%arg6 : memref<256x128xf32, #tpu.memory_space<vmem>>) target_semaphore(%dma_start3A_355 : memref<!tpu.dma_semaphore, #tpu.memory_space<semaphore_mem>>)
        %jit3A_358 = arith.constant 2048 : i32
        %div3A_359 = arith.divsi %add3A_350, %jit3A_358 : i32
        %sign3A_360 = arith.constant 0 : i32
        %sign3A_361 = arith.cmpi sgt, %add3A_350, %sign3A_360 : i32
        %sign3A_362 = arith.extui %sign3A_361 : i1 to i32
        %sign3A_363 = arith.constant 0 : i32
        %sign3A_364 = arith.cmpi slt, %add3A_350, %sign3A_363 : i32
        %sign3A_365 = arith.extui %sign3A_364 : i1 to i32
        %sign3A_366 = arith.subi %sign3A_362, %sign3A_365 : i32
        %sign3A_367 = arith.constant 0 : i32
        %sign3A_368 = arith.cmpi sgt, %jit3A_358, %sign3A_367 : i32
        %sign3A_369 = arith.extui %sign3A_368 : i1 to i32
        %sign3A_370 = arith.constant 0 : i32
        %sign3A_371 = arith.cmpi slt, %jit3A_358, %sign3A_370 : i32
        %sign3A_372 = arith.extui %sign3A_371 : i1 to i32
        %sign3A_373 = arith.subi %sign3A_369, %sign3A_372 : i32
        %ne3A_374 = arith.cmpi ne, %sign3A_366, %sign3A_373 : i32
        %rem3A_375 = arith.remsi %add3A_350, %jit3A_358 : i32
        %ne3A_376 = arith.constant 0 : i32
        %ne3A_377 = arith.cmpi ne, %rem3A_375, %ne3A_376 : i32
        %and3A_378 = arith.andi %ne3A_374, %ne3A_377 : i1
        %sub3A_379 = arith.constant 1 : i32
        %sub3A_380 = arith.subi %div3A_359, %sub3A_379 : i32
        %select_n3A_381 = arith.select %and3A_378, %sub3A_380, %div3A_359 : i32
        %mul3A_382 = arith.constant 64 : i32
        %mul3A_383 = arith.muli %select_n3A_381, %mul3A_382 : i32
        %jit3A_384 = arith.constant 256 : i32
        %div3A_385 = arith.divsi %add3A_350, %jit3A_384 : i32
        %sign3A_386 = arith.constant 0 : i32
        %sign3A_387 = arith.cmpi sgt, %add3A_350, %sign3A_386 : i32
        %sign3A_388 = arith.extui %sign3A_387 : i1 to i32
        %sign3A_389 = arith.constant 0 : i32
        %sign3A_390 = arith.cmpi slt, %add3A_350, %sign3A_389 : i32
        %sign3A_391 = arith.extui %sign3A_390 : i1 to i32
        %sign3A_392 = arith.subi %sign3A_388, %sign3A_391 : i32
        %sign3A_393 = arith.constant 0 : i32
        %sign3A_394 = arith.cmpi sgt, %jit3A_384, %sign3A_393 : i32
        %sign3A_395 = arith.extui %sign3A_394 : i1 to i32
        %sign3A_396 = arith.constant 0 : i32
        %sign3A_397 = arith.cmpi slt, %jit3A_384, %sign3A_396 : i32
        %sign3A_398 = arith.extui %sign3A_397 : i1 to i32
        %sign3A_399 = arith.subi %sign3A_395, %sign3A_398 : i32
        %ne3A_400 = arith.cmpi ne, %sign3A_392, %sign3A_399 : i32
        %rem3A_401 = arith.remsi %add3A_350, %jit3A_384 : i32
        %ne3A_402 = arith.constant 0 : i32
        %ne3A_403 = arith.cmpi ne, %rem3A_401, %ne3A_402 : i32
        %and3A_404 = arith.andi %ne3A_400, %ne3A_403 : i1
        %sub3A_405 = arith.constant 1 : i32
        %sub3A_406 = arith.subi %div3A_385, %sub3A_405 : i32
        %select_n3A_407 = arith.select %and3A_404, %sub3A_406, %div3A_385 : i32
        %jit3A_408 = arith.constant 8 : i32
        %eq3A_409 = arith.constant 0 : i32
        %eq3A_410 = arith.cmpi eq, %jit3A_408, %eq3A_409 : i32
        %jit3A_411 = arith.constant 1 : i32
        %select_n3A_412 = arith.select %eq3A_410, %jit3A_411, %jit3A_408 : i32
        %rem3A_413 = arith.remsi %select_n3A_407, %select_n3A_412 : i32
        %ne3A_414 = arith.constant 0 : i32
        %ne3A_415 = arith.cmpi ne, %rem3A_413, %ne3A_414 : i32
        %lt3A_416 = arith.constant 0 : i32
        %lt3A_417 = arith.cmpi slt, %rem3A_413, %lt3A_416 : i32
        %lt3A_418 = arith.constant 0 : i32
        %lt3A_419 = arith.cmpi slt, %select_n3A_412, %lt3A_418 : i32
        %ne3A_420 = arith.xori %lt3A_417, %lt3A_419 : i1
        %and3A_421 = arith.andi %ne3A_420, %ne3A_415 : i1
        %add3A_422 = arith.addi %rem3A_413, %select_n3A_412 : i32
        %select_n3A_423 = arith.select %and3A_421, %add3A_422, %rem3A_413 : i32
        %mul3A_424 = arith.constant 8 : i32
        %mul3A_425 = arith.muli %select_n3A_423, %mul3A_424 : i32
        %add3A_426 = arith.addi %mul3A_383, %mul3A_425 : i32
        %dma_start3A_427 = arith.constant 1 : i32
        %dma_start3A_428 = arith.constant 0 : i32
        %dma_start3A_429 = tpu.memref_slice %arg3[%add3A_426, %dma_start3A_428] : memref<12800x128xf32, #tpu.memory_space<hbm>> -> memref<8x128xf32, #tpu.memory_space<hbm>>
        %dma_start3A_430 = tpu.memref_slice %arg10[%dma_start3A_427] : memref<2x!tpu.dma_semaphore, #tpu.memory_space<semaphore_mem>> -> memref<1x!tpu.dma_semaphore, #tpu.memory_space<semaphore_mem>>
        %dma_start3A_431 = tpu.memref_squeeze %dma_start3A_430 : memref<1x!tpu.dma_semaphore, #tpu.memory_space<semaphore_mem>> -> memref<!tpu.dma_semaphore, #tpu.memory_space<semaphore_mem>>
        %dma_start3A_432 = arith.constant 0 : i32
        %dma_start3A_433 = tpu.memref_slice %arg3[%add3A_426, %dma_start3A_432] : memref<12800x128xf32, #tpu.memory_space<hbm>> -> memref<8x128xf32, #tpu.memory_space<hbm>>
        tpu.enqueue_dma source(%dma_start3A_433 : memref<8x128xf32, #tpu.memory_space<hbm>>) target(%arg8 : memref<8x128xf32, #tpu.memory_space<vmem>>) target_semaphore(%dma_start3A_431 : memref<!tpu.dma_semaphore, #tpu.memory_space<semaphore_mem>>)
      } else {
      }
      %mul3A_120 = arith.constant 256 : i32
      %mul3A_121 = arith.muli %add3A_105, %mul3A_120 : i32
      %dma_wait3A_122 = arith.constant 0 : i32
      %dma_wait3A_123 = arith.constant 0 : i32
      %dma_wait3A_124 = tpu.memref_slice %arg2[%mul3A_121, %dma_wait3A_123] : memref<409600x128xf32, #tpu.memory_space<hbm>> -> memref<256x128xf32, #tpu.memory_space<hbm>>
      %dma_wait3A_125 = tpu.memref_slice %arg9[%dma_wait3A_122] : memref<2x!tpu.dma_semaphore, #tpu.memory_space<semaphore_mem>> -> memref<1x!tpu.dma_semaphore, #tpu.memory_space<semaphore_mem>>
      %dma_wait3A_126 = tpu.memref_squeeze %dma_wait3A_125 : memref<1x!tpu.dma_semaphore, #tpu.memory_space<semaphore_mem>> -> memref<!tpu.dma_semaphore, #tpu.memory_space<semaphore_mem>>
      %dma_wait3A_127 = arith.constant 0 : i32
      %dma_wait3A_128 = tpu.memref_slice %arg2[%mul3A_121, %dma_wait3A_127] : memref<409600x128xf32, #tpu.memory_space<hbm>> -> memref<256x128xf32, #tpu.memory_space<hbm>>
      tpu.wait_dma2 semaphore(%dma_wait3A_126 : memref<!tpu.dma_semaphore, #tpu.memory_space<semaphore_mem>>) src(%dma_wait3A_128 : memref<256x128xf32, #tpu.memory_space<hbm>>) dst(%arg5 : memref<256x128xf32, #tpu.memory_space<vmem>>)
      %jit3A_129 = arith.constant 2048 : i32
      %div3A_130 = arith.divsi %mul3A_121, %jit3A_129 : i32
      %sign3A_131 = arith.constant 0 : i32
      %sign3A_132 = arith.cmpi sgt, %mul3A_121, %sign3A_131 : i32
      %sign3A_133 = arith.extui %sign3A_132 : i1 to i32
      %sign3A_134 = arith.constant 0 : i32
      %sign3A_135 = arith.cmpi slt, %mul3A_121, %sign3A_134 : i32
      %sign3A_136 = arith.extui %sign3A_135 : i1 to i32
      %sign3A_137 = arith.subi %sign3A_133, %sign3A_136 : i32
      %sign3A_138 = arith.constant 0 : i32
      %sign3A_139 = arith.cmpi sgt, %jit3A_129, %sign3A_138 : i32
      %sign3A_140 = arith.extui %sign3A_139 : i1 to i32
      %sign3A_141 = arith.constant 0 : i32
      %sign3A_142 = arith.cmpi slt, %jit3A_129, %sign3A_141 : i32
      %sign3A_143 = arith.extui %sign3A_142 : i1 to i32
      %sign3A_144 = arith.subi %sign3A_140, %sign3A_143 : i32
      %ne3A_145 = arith.cmpi ne, %sign3A_137, %sign3A_144 : i32
      %rem3A_146 = arith.remsi %mul3A_121, %jit3A_129 : i32
      %ne3A_147 = arith.constant 0 : i32
      %ne3A_148 = arith.cmpi ne, %rem3A_146, %ne3A_147 : i32
      %and3A_149 = arith.andi %ne3A_145, %ne3A_148 : i1
      %sub3A_150 = arith.constant 1 : i32
      %sub3A_151 = arith.subi %div3A_130, %sub3A_150 : i32
      %select_n3A_152 = arith.select %and3A_149, %sub3A_151, %div3A_130 : i32
      %mul3A_153 = arith.constant 64 : i32
      %mul3A_154 = arith.muli %select_n3A_152, %mul3A_153 : i32
      %jit3A_155 = arith.constant 256 : i32
      %div3A_156 = arith.divsi %mul3A_121, %jit3A_155 : i32
      %sign3A_157 = arith.constant 0 : i32
      %sign3A_158 = arith.cmpi sgt, %mul3A_121, %sign3A_157 : i32
      %sign3A_159 = arith.extui %sign3A_158 : i1 to i32
      %sign3A_160 = arith.constant 0 : i32
      %sign3A_161 = arith.cmpi slt, %mul3A_121, %sign3A_160 : i32
      %sign3A_162 = arith.extui %sign3A_161 : i1 to i32
      %sign3A_163 = arith.subi %sign3A_159, %sign3A_162 : i32
      %sign3A_164 = arith.constant 0 : i32
      %sign3A_165 = arith.cmpi sgt, %jit3A_155, %sign3A_164 : i32
      %sign3A_166 = arith.extui %sign3A_165 : i1 to i32
      %sign3A_167 = arith.constant 0 : i32
      %sign3A_168 = arith.cmpi slt, %jit3A_155, %sign3A_167 : i32
      %sign3A_169 = arith.extui %sign3A_168 : i1 to i32
      %sign3A_170 = arith.subi %sign3A_166, %sign3A_169 : i32
      %ne3A_171 = arith.cmpi ne, %sign3A_163, %sign3A_170 : i32
      %rem3A_172 = arith.remsi %mul3A_121, %jit3A_155 : i32
      %ne3A_173 = arith.constant 0 : i32
      %ne3A_174 = arith.cmpi ne, %rem3A_172, %ne3A_173 : i32
      %and3A_175 = arith.andi %ne3A_171, %ne3A_174 : i1
      %sub3A_176 = arith.constant 1 : i32
      %sub3A_177 = arith.subi %div3A_156, %sub3A_176 : i32
      %select_n3A_178 = arith.select %and3A_175, %sub3A_177, %div3A_156 : i32
      %jit3A_179 = arith.constant 8 : i32
      %eq3A_180 = arith.constant 0 : i32
      %eq3A_181 = arith.cmpi eq, %jit3A_179, %eq3A_180 : i32
      %jit3A_182 = arith.constant 1 : i32
      %select_n3A_183 = arith.select %eq3A_181, %jit3A_182, %jit3A_179 : i32
      %rem3A_184 = arith.remsi %select_n3A_178, %select_n3A_183 : i32
      %ne3A_185 = arith.constant 0 : i32
      %ne3A_186 = arith.cmpi ne, %rem3A_184, %ne3A_185 : i32
      %lt3A_187 = arith.constant 0 : i32
      %lt3A_188 = arith.cmpi slt, %rem3A_184, %lt3A_187 : i32
      %lt3A_189 = arith.constant 0 : i32
      %lt3A_190 = arith.cmpi slt, %select_n3A_183, %lt3A_189 : i32
      %ne3A_191 = arith.xori %lt3A_188, %lt3A_190 : i1
      %and3A_192 = arith.andi %ne3A_191, %ne3A_186 : i1
      %add3A_193 = arith.addi %rem3A_184, %select_n3A_183 : i32
      %select_n3A_194 = arith.select %and3A_192, %add3A_193, %rem3A_184 : i32
      %mul3A_195 = arith.constant 8 : i32
      %mul3A_196 = arith.muli %select_n3A_194, %mul3A_195 : i32
      %add3A_197 = arith.addi %mul3A_154, %mul3A_196 : i32
      %dma_wait3A_198 = arith.constant 0 : i32
      %dma_wait3A_199 = arith.constant 0 : i32
      %dma_wait3A_200 = tpu.memref_slice %arg3[%add3A_197, %dma_wait3A_199] : memref<12800x128xf32, #tpu.memory_space<hbm>> -> memref<8x128xf32, #tpu.memory_space<hbm>>
      %dma_wait3A_201 = tpu.memref_slice %arg10[%dma_wait3A_198] : memref<2x!tpu.dma_semaphore, #tpu.memory_space<semaphore_mem>> -> memref<1x!tpu.dma_semaphore, #tpu.memory_space<semaphore_mem>>
      %dma_wait3A_202 = tpu.memref_squeeze %dma_wait3A_201 : memref<1x!tpu.dma_semaphore, #tpu.memory_space<semaphore_mem>> -> memref<!tpu.dma_semaphore, #tpu.memory_space<semaphore_mem>>
      %dma_wait3A_203 = arith.constant 0 : i32
      %dma_wait3A_204 = tpu.memref_slice %arg3[%add3A_197, %dma_wait3A_203] : memref<12800x128xf32, #tpu.memory_space<hbm>> -> memref<8x128xf32, #tpu.memory_space<hbm>>
      tpu.wait_dma2 semaphore(%dma_wait3A_202 : memref<!tpu.dma_semaphore, #tpu.memory_space<semaphore_mem>>) src(%dma_wait3A_204 : memref<8x128xf32, #tpu.memory_space<hbm>>) dst(%arg7 : memref<8x128xf32, #tpu.memory_space<vmem>>)
      %scan3A_205 = arith.constant 0 : i32
      %scan3A_206 = arith.constant 0 : i32
      %scan3A_207 = arith.constant 32 : i32
      %scan3A_208 = arith.addi %scan3A_206, %scan3A_207 : i32
      %scan3A_209 = arith.constant 1 : i32
      %scan3A_210 = scf.for %scan3A_346 = %scan3A_206 to %scan3A_208 step %scan3A_209 iter_args(%scan3A_347 = %scan3A_205) -> (i32)  : i32 {
        %mul3A_348 = arith.constant 8 : i32
        %mul3A_349 = arith.muli %scan3A_346, %mul3A_348 : i32
        %add3A_350 = arith.constant 0 : i32
        %add3A_351 = arith.addi %mul3A_349, %add3A_350 : i32
        %get3A = arith.index_cast %add3A_351 : i32 to index
        %get3A_352 = arith.constant 0 : index
        %get3A_353 = tpu.vector_load %arg5[%get3A, %get3A_352] {strides = array<i32>} : memref<256x128xf32, #tpu.memory_space<vmem>>, vector<1x16xf32>,
        %get3A_354 = vector.shape_cast %get3A_353 : vector<1x16xf32> to vector<16xf32>
        %mul3A_355 = arith.constant 8.000000e+00 : f32
        %mul3A_356 = vector.broadcast %mul3A_355 : f32 to vector<16xf32>
        %mul3A_357 = arith.mulf %get3A_354, %mul3A_356 : vector<16xf32>
        %get3A_358 = arith.constant 0 : i32
        %get3A_359 = arith.index_cast %get3A_358 : i32 to index
        %get3A_360 = arith.constant 0 : index
        %get3A_361 = tpu.vector_load %arg7[%get3A_359, %get3A_360] {strides = array<i32>} : memref<8x128xf32, #tpu.memory_space<vmem>>, vector<1x16xf32>,
        %get3A_362 = vector.shape_cast %get3A_361 : vector<1x16xf32> to vector<16xf32>
        %add3A_363 = arith.addf %mul3A_357, %get3A_362 : vector<16xf32>
        %swap3A = arith.index_cast %add3A_351 : i32 to index
        %swap3A_364 = arith.constant 0 : index
        %swap3A_365 = tpu.vector_load %arg5[%swap3A, %swap3A_364] {strides = array<i32>} : memref<256x128xf32, #tpu.memory_space<vmem>>, vector<1x16xf32>,
        %swap3A_366 = vector.shape_cast %swap3A_365 : vector<1x16xf32> to vector<16xf32>
        %swap3A_367 = vector.shape_cast %add3A_363 : vector<16xf32> to vector<1x16xf32>
        tpu.vector_store %arg5[%swap3A, %swap3A_364], %swap3A_367 {strides = array<i32>} : memref<256x128xf32, #tpu.memory_space<vmem>>, vector<1x16xf32>,
        %get3A_368 = arith.index_cast %add3A_351 : i32 to index
        %get3A_369 = arith.constant 16 : index
        %get3A_370 = tpu.vector_load %arg5[%get3A_368, %get3A_369] {strides = array<i32>} : memref<256x128xf32, #tpu.memory_space<vmem>>, vector<1x16xf32>,
        %get3A_371 = vector.shape_cast %get3A_370 : vector<1x16xf32> to vector<16xf32>
        %mul3A_372 = arith.constant 8.000000e+00 : f32
        %mul3A_373 = vector.broadcast %mul3A_372 : f32 to vector<16xf32>
        %mul3A_374 = arith.mulf %get3A_371, %mul3A_373 : vector<16xf32>
        %get3A_375 = arith.constant 0 : i32
        %get3A_376 = arith.index_cast %get3A_375 : i32 to index
        %get3A_377 = arith.constant 16 : index
        %get3A_378 = tpu.vector_load %arg7[%get3A_376, %get3A_377] {strides = array<i32>} : memref<8x128xf32, #tpu.memory_space<vmem>>, vector<1x16xf32>,
        %get3A_379 = vector.shape_cast %get3A_378 : vector<1x16xf32> to vector<16xf32>
        %add3A_380 = arith.addf %mul3A_374, %get3A_379 : vector<16xf32>
        %swap3A_381 = arith.index_cast %add3A_351 : i32 to index
        %swap3A_382 = arith.constant 16 : index
        %swap3A_383 = tpu.vector_load %arg5[%swap3A_381, %swap3A_382] {strides = array<i32>} : memref<256x128xf32, #tpu.memory_space<vmem>>, vector<1x16xf32>,
        %swap3A_384 = vector.shape_cast %swap3A_383 : vector<1x16xf32> to vector<16xf32>
        %swap3A_385 = vector.shape_cast %add3A_380 : vector<16xf32> to vector<1x16xf32>
        tpu.vector_store %arg5[%swap3A_381, %swap3A_382], %swap3A_385 {strides = array<i32>} : memref<256x128xf32, #tpu.memory_space<vmem>>, vector<1x16xf32>,
        %get3A_386 = arith.index_cast %add3A_351 : i32 to index
        %get3A_387 = arith.constant 32 : index
        %get3A_388 = tpu.vector_load %arg5[%get3A_386, %get3A_387] {strides = array<i32>} : memref<256x128xf32, #tpu.memory_space<vmem>>, vector<1x16xf32>,
        %get3A_389 = vector.shape_cast %get3A_388 : vector<1x16xf32> to vector<16xf32>
        %mul3A_390 = arith.constant 8.000000e+00 : f32
        %mul3A_391 = vector.broadcast %mul3A_390 : f32 to vector<16xf32>
        %mul3A_392 = arith.mulf %get3A_389, %mul3A_391 : vector<16xf32>
        %get3A_393 = arith.constant 0 : i32
        %get3A_394 = arith.index_cast %get3A_393 : i32 to index
        %get3A_395 = arith.constant 32 : index
        %get3A_396 = tpu.vector_load %arg7[%get3A_394, %get3A_395] {strides = array<i32>} : memref<8x128xf32, #tpu.memory_space<vmem>>, vector<1x16xf32>,
        %get3A_397 = vector.shape_cast %get3A_396 : vector<1x16xf32> to vector<16xf32>
        %add3A_398 = arith.addf %mul3A_392, %get3A_397 : vector<16xf32>
        %swap3A_399 = arith.index_cast %add3A_351 : i32 to index
        %swap3A_400 = arith.constant 32 : index
        %swap3A_401 = tpu.vector_load %arg5[%swap3A_399, %swap3A_400] {strides = array<i32>} : memref<256x128xf32, #tpu.memory_space<vmem>>, vector<1x16xf32>,
        %swap3A_402 = vector.shape_cast %swap3A_401 : vector<1x16xf32> to vector<16xf32>
        %swap3A_403 = vector.shape_cast %add3A_398 : vector<16xf32> to vector<1x16xf32>
        tpu.vector_store %arg5[%swap3A_399, %swap3A_400], %swap3A_403 {strides = array<i32>} : memref<256x128xf32, #tpu.memory_space<vmem>>, vector<1x16xf32>,
        %get3A_404 = arith.index_cast %add3A_351 : i32 to index
        %get3A_405 = arith.constant 48 : index
        %get3A_406 = tpu.vector_load %arg5[%get3A_404, %get3A_405] {strides = array<i32>} : memref<256x128xf32, #tpu.memory_space<vmem>>, vector<1x16xf32>,
        %get3A_407 = vector.shape_cast %get3A_406 : vector<1x16xf32> to vector<16xf32>
        %mul3A_408 = arith.constant 8.000000e+00 : f32
        %mul3A_409 = vector.broadcast %mul3A_408 : f32 to vector<16xf32>
        %mul3A_410 = arith.mulf %get3A_407, %mul3A_409 : vector<16xf32>
        %get3A_411 = arith.constant 0 : i32
        %get3A_412 = arith.index_cast %get3A_411 : i32 to index
        %get3A_413 = arith.constant 48 : index
        %get3A_414 = tpu.vector_load %arg7[%get3A_412, %get3A_413] {strides = array<i32>} : memref<8x128xf32, #tpu.memory_space<vmem>>, vector<1x16xf32>,
        %get3A_415 = vector.shape_cast %get3A_414 : vector<1x16xf32> to vector<16xf32>
        %add3A_416 = arith.addf %mul3A_410, %get3A_415 : vector<16xf32>
        %swap3A_417 = arith.index_cast %add3A_351 : i32 to index
        %swap3A_418 = arith.constant 48 : index
        %swap3A_419 = tpu.vector_load %arg5[%swap3A_417, %swap3A_418] {strides = array<i32>} : memref<256x128xf32, #tpu.memory_space<vmem>>, vector<1x16xf32>,
        %swap3A_420 = vector.shape_cast %swap3A_419 : vector<1x16xf32> to vector<16xf32>
        %swap3A_421 = vector.shape_cast %add3A_416 : vector<16xf32> to vector<1x16xf32>
        tpu.vector_store %arg5[%swap3A_417, %swap3A_418], %swap3A_421 {strides = array<i32>} : memref<256x128xf32, #tpu.memory_space<vmem>>, vector<1x16xf32>,
        %get3A_422 = arith.index_cast %add3A_351 : i32 to index
        %get3A_423 = arith.constant 64 : index
        %get3A_424 = tpu.vector_load %arg5[%get3A_422, %get3A_423] {strides = array<i32>} : memref<256x128xf32, #tpu.memory_space<vmem>>, vector<1x16xf32>,
        %get3A_425 = vector.shape_cast %get3A_424 : vector<1x16xf32> to vector<16xf32>
        %mul3A_426 = arith.constant 8.000000e+00 : f32
        %mul3A_427 = vector.broadcast %mul3A_426 : f32 to vector<16xf32>
        %mul3A_428 = arith.mulf %get3A_425, %mul3A_427 : vector<16xf32>
        %get3A_429 = arith.constant 0 : i32
        %get3A_430 = arith.index_cast %get3A_429 : i32 to index
        %get3A_431 = arith.constant 64 : index
        %get3A_432 = tpu.vector_load %arg7[%get3A_430, %get3A_431] {strides = array<i32>} : memref<8x128xf32, #tpu.memory_space<vmem>>, vector<1x16xf32>,
        %get3A_433 = vector.shape_cast %get3A_432 : vector<1x16xf32> to vector<16xf32>
        %add3A_434 = arith.addf %mul3A_428, %get3A_433 : vector<16xf32>
        %swap3A_435 = arith.index_cast %add3A_351 : i32 to index
        %swap3A_436 = arith.constant 64 : index
        %swap3A_437 = tpu.vector_load %arg5[%swap3A_435, %swap3A_436] {strides = array<i32>} : memref<256x128xf32, #tpu.memory_space<vmem>>, vector<1x16xf32>,
        %swap3A_438 = vector.shape_cast %swap3A_437 : vector<1x16xf32> to vector<16xf32>
        %swap3A_439 = vector.shape_cast %add3A_434 : vector<16xf32> to vector<1x16xf32>
        tpu.vector_store %arg5[%swap3A_435, %swap3A_436], %swap3A_439 {strides = array<i32>} : memref<256x128xf32, #tpu.memory_space<vmem>>, vector<1x16xf32>,
        %get3A_440 = arith.index_cast %add3A_351 : i32 to index
        %get3A_441 = arith.constant 80 : index
        %get3A_442 = tpu.vector_load %arg5[%get3A_440, %get3A_441] {strides = array<i32>} : memref<256x128xf32, #tpu.memory_space<vmem>>, vector<1x16xf32>,
        %get3A_443 = vector.shape_cast %get3A_442 : vector<1x16xf32> to vector<16xf32>
        %mul3A_444 = arith.constant 8.000000e+00 : f32
        %mul3A_445 = vector.broadcast %mul3A_444 : f32 to vector<16xf32>
        %mul3A_446 = arith.mulf %get3A_443, %mul3A_445 : vector<16xf32>
        %get3A_447 = arith.constant 0 : i32
        %get3A_448 = arith.index_cast %get3A_447 : i32 to index
        %get3A_449 = arith.constant 80 : index
        %get3A_450 = tpu.vector_load %arg7[%get3A_448, %get3A_449] {strides = array<i32>} : memref<8x128xf32, #tpu.memory_space<vmem>>, vector<1x16xf32>,
        %get3A_451 = vector.shape_cast %get3A_450 : vector<1x16xf32> to vector<16xf32>
        %add3A_452 = arith.addf %mul3A_446, %get3A_451 : vector<16xf32>
        %swap3A_453 = arith.index_cast %add3A_351 : i32 to index
        %swap3A_454 = arith.constant 80 : index
        %swap3A_455 = tpu.vector_load %arg5[%swap3A_453, %swap3A_454] {strides = array<i32>} : memref<256x128xf32, #tpu.memory_space<vmem>>, vector<1x16xf32>,
        %swap3A_456 = vector.shape_cast %swap3A_455 : vector<1x16xf32> to vector<16xf32>
        %swap3A_457 = vector.shape_cast %add3A_452 : vector<16xf32> to vector<1x16xf32>
        tpu.vector_store %arg5[%swap3A_453, %swap3A_454], %swap3A_457 {strides = array<i32>} : memref<256x128xf32, #tpu.memory_space<vmem>>, vector<1x16xf32>,
        %get3A_458 = arith.index_cast %add3A_351 : i32 to index
        %get3A_459 = arith.constant 96 : index
        %get3A_460 = tpu.vector_load %arg5[%get3A_458, %get3A_459] {strides = array<i32>} : memref<256x128xf32, #tpu.memory_space<vmem>>, vector<1x16xf32>,
        %get3A_461 = vector.shape_cast %get3A_460 : vector<1x16xf32> to vector<16xf32>
        %mul3A_462 = arith.constant 8.000000e+00 : f32
        %mul3A_463 = vector.broadcast %mul3A_462 : f32 to vector<16xf32>
        %mul3A_464 = arith.mulf %get3A_461, %mul3A_463 : vector<16xf32>
        %get3A_465 = arith.constant 0 : i32
        %get3A_466 = arith.index_cast %get3A_465 : i32 to index
        %get3A_467 = arith.constant 96 : index
        %get3A_468 = tpu.vector_load %arg7[%get3A_466, %get3A_467] {strides = array<i32>} : memref<8x128xf32, #tpu.memory_space<vmem>>, vector<1x16xf32>,
        %get3A_469 = vector.shape_cast %get3A_468 : vector<1x16xf32> to vector<16xf32>
        %add3A_470 = arith.addf %mul3A_464, %get3A_469 : vector<16xf32>
        %swap3A_471 = arith.index_cast %add3A_351 : i32 to index
        %swap3A_472 = arith.constant 96 : index
        %swap3A_473 = tpu.vector_load %arg5[%swap3A_471, %swap3A_472] {strides = array<i32>} : memref<256x128xf32, #tpu.memory_space<vmem>>, vector<1x16xf32>,
        %swap3A_474 = vector.shape_cast %swap3A_473 : vector<1x16xf32> to vector<16xf32>
        %swap3A_475 = vector.shape_cast %add3A_470 : vector<16xf32> to vector<1x16xf32>
        tpu.vector_store %arg5[%swap3A_471, %swap3A_472], %swap3A_475 {strides = array<i32>} : memref<256x128xf32, #tpu.memory_space<vmem>>, vector<1x16xf32>,
        %get3A_476 = arith.index_cast %add3A_351 : i32 to index
        %get3A_477 = arith.constant 112 : index
        %get3A_478 = tpu.vector_load %arg5[%get3A_476, %get3A_477] {strides = array<i32>} : memref<256x128xf32, #tpu.memory_space<vmem>>, vector<1x16xf32>,
        %get3A_479 = vector.shape_cast %get3A_478 : vector<1x16xf32> to vector<16xf32>
        %mul3A_480 = arith.constant 8.000000e+00 : f32
        %mul3A_481 = vector.broadcast %mul3A_480 : f32 to vector<16xf32>
        %mul3A_482 = arith.mulf %get3A_479, %mul3A_481 : vector<16xf32>
        %get3A_483 = arith.constant 0 : i32
        %get3A_484 = arith.index_cast %get3A_483 : i32 to index
        %get3A_485 = arith.constant 112 : index
        %get3A_486 = tpu.vector_load %arg7[%get3A_484, %get3A_485] {strides = array<i32>} : memref<8x128xf32, #tpu.memory_space<vmem>>, vector<1x16xf32>,
        %get3A_487 = vector.shape_cast %get3A_486 : vector<1x16xf32> to vector<16xf32>
        %add3A_488 = arith.addf %mul3A_482, %get3A_487 : vector<16xf32>
        %swap3A_489 = arith.index_cast %add3A_351 : i32 to index
        %swap3A_490 = arith.constant 112 : index
        %swap3A_491 = tpu.vector_load %arg5[%swap3A_489, %swap3A_490] {strides = array<i32>} : memref<256x128xf32, #tpu.memory_space<vmem>>, vector<1x16xf32>,
        %swap3A_492 = vector.shape_cast %swap3A_491 : vector<1x16xf32> to vector<16xf32>
        %swap3A_493 = vector.shape_cast %add3A_488 : vector<16xf32> to vector<1x16xf32>
        tpu.vector_store %arg5[%swap3A_489, %swap3A_490], %swap3A_493 {strides = array<i32>} : memref<256x128xf32, #tpu.memory_space<vmem>>, vector<1x16xf32>,
        %mul3A_494 = arith.constant 8 : i32
        %mul3A_495 = arith.muli %scan3A_346, %mul3A_494 : i32
        %add3A_496 = arith.constant 1 : i32
        %add3A_497 = arith.addi %mul3A_495, %add3A_496 : i32
        %get3A_498 = arith.index_cast %add3A_497 : i32 to index
        %get3A_499 = arith.constant 0 : index
        %get3A_500 = tpu.vector_load %arg5[%get3A_498, %get3A_499] {strides = array<i32>} : memref<256x128xf32, #tpu.memory_space<vmem>>, vector<1x16xf32>,
        %get3A_501 = vector.shape_cast %get3A_500 : vector<1x16xf32> to vector<16xf32>
        %mul3A_502 = arith.constant 8.000000e+00 : f32
        %mul3A_503 = vector.broadcast %mul3A_502 : f32 to vector<16xf32>
        %mul3A_504 = arith.mulf %get3A_501, %mul3A_503 : vector<16xf32>
        %get3A_505 = arith.constant 1 : i32
        %get3A_506 = arith.index_cast %get3A_505 : i32 to index
        %get3A_507 = arith.constant 0 : index
        %get3A_508 = tpu.vector_load %arg7[%get3A_506, %get3A_507] {strides = array<i32>} : memref<8x128xf32, #tpu.memory_space<vmem>>, vector<1x16xf32>,
        %get3A_509 = vector.shape_cast %get3A_508 : vector<1x16xf32> to vector<16xf32>
        %add3A_510 = arith.addf %mul3A_504, %get3A_509 : vector<16xf32>
        %swap3A_511 = arith.index_cast %add3A_497 : i32 to index
        %swap3A_512 = arith.constant 0 : index
        %swap3A_513 = tpu.vector_load %arg5[%swap3A_511, %swap3A_512] {strides = array<i32>} : memref<256x128xf32, #tpu.memory_space<vmem>>, vector<1x16xf32>,
        %swap3A_514 = vector.shape_cast %swap3A_513 : vector<1x16xf32> to vector<16xf32>
        %swap3A_515 = vector.shape_cast %add3A_510 : vector<16xf32> to vector<1x16xf32>
        tpu.vector_store %arg5[%swap3A_511, %swap3A_512], %swap3A_515 {strides = array<i32>} : memref<256x128xf32, #tpu.memory_space<vmem>>, vector<1x16xf32>,
        %get3A_516 = arith.index_cast %add3A_497 : i32 to index
        %get3A_517 = arith.constant 16 : index
        %get3A_518 = tpu.vector_load %arg5[%get3A_516, %get3A_517] {strides = array<i32>} : memref<256x128xf32, #tpu.memory_space<vmem>>, vector<1x16xf32>,
        %get3A_519 = vector.shape_cast %get3A_518 : vector<1x16xf32> to vector<16xf32>
        %mul3A_520 = arith.constant 8.000000e+00 : f32
        %mul3A_521 = vector.broadcast %mul3A_520 : f32 to vector<16xf32>
        %mul3A_522 = arith.mulf %get3A_519, %mul3A_521 : vector<16xf32>
        %get3A_523 = arith.constant 1 : i32
        %get3A_524 = arith.index_cast %get3A_523 : i32 to index
        %get3A_525 = arith.constant 16 : index
        %get3A_526 = tpu.vector_load %arg7[%get3A_524, %get3A_525] {strides = array<i32>} : memref<8x128xf32, #tpu.memory_space<vmem>>, vector<1x16xf32>,
        %get3A_527 = vector.shape_cast %get3A_526 : vector<1x16xf32> to vector<16xf32>
        %add3A_528 = arith.addf %mul3A_522, %get3A_527 : vector<16xf32>
        %swap3A_529 = arith.index_cast %add3A_497 : i32 to index
        %swap3A_530 = arith.constant 16 : index
        %swap3A_531 = tpu.vector_load %arg5[%swap3A_529, %swap3A_530] {strides = array<i32>} : memref<256x128xf32, #tpu.memory_space<vmem>>, vector<1x16xf32>,
        %swap3A_532 = vector.shape_cast %swap3A_531 : vector<1x16xf32> to vector<16xf32>
        %swap3A_533 = vector.shape_cast %add3A_528 : vector<16xf32> to vector<1x16xf32>
        tpu.vector_store %arg5[%swap3A_529, %swap3A_530], %swap3A_533 {strides = array<i32>} : memref<256x128xf32, #tpu.memory_space<vmem>>, vector<1x16xf32>,
        %get3A_534 = arith.index_cast %add3A_497 : i32 to index
        %get3A_535 = arith.constant 32 : index
        %get3A_536 = tpu.vector_load %arg5[%get3A_534, %get3A_535] {strides = array<i32>} : memref<256x128xf32, #tpu.memory_space<vmem>>, vector<1x16xf32>,
        %get3A_537 = vector.shape_cast %get3A_536 : vector<1x16xf32> to vector<16xf32>
        %mul3A_538 = arith.constant 8.000000e+00 : f32
        %mul3A_539 = vector.broadcast %mul3A_538 : f32 to vector<16xf32>
        %mul3A_540 = arith.mulf %get3A_537, %mul3A_539 : vector<16xf32>
        %get3A_541 = arith.constant 1 : i32
        %get3A_542 = arith.index_cast %get3A_541 : i32 to index
        %get3A_543 = arith.constant 32 : index
        %get3A_544 = tpu.vector_load %arg7[%get3A_542, %get3A_543] {strides = array<i32>} : memref<8x128xf32, #tpu.memory_space<vmem>>, vector<1x16xf32>,
        %get3A_545 = vector.shape_cast %get3A_544 : vector<1x16xf32> to vector<16xf32>
        %add3A_546 = arith.addf %mul3A_540, %get3A_545 : vector<16xf32>
        %swap3A_547 = arith.index_cast %add3A_497 : i32 to index
        %swap3A_548 = arith.constant 32 : index
        %swap3A_549 = tpu.vector_load %arg5[%swap3A_547, %swap3A_548] {strides = array<i32>} : memref<256x128xf32, #tpu.memory_space<vmem>>, vector<1x16xf32>,
        %swap3A_550 = vector.shape_cast %swap3A_549 : vector<1x16xf32> to vector<16xf32>
        %swap3A_551 = vector.shape_cast %add3A_546 : vector<16xf32> to vector<1x16xf32>
        tpu.vector_store %arg5[%swap3A_547, %swap3A_548], %swap3A_551 {strides = array<i32>} : memref<256x128xf32, #tpu.memory_space<vmem>>, vector<1x16xf32>,
        %get3A_552 = arith.index_cast %add3A_497 : i32 to index
        %get3A_553 = arith.constant 48 : index
        %get3A_554 = tpu.vector_load %arg5[%get3A_552, %get3A_553] {strides = array<i32>} : memref<256x128xf32, #tpu.memory_space<vmem>>, vector<1x16xf32>,
        %get3A_555 = vector.shape_cast %get3A_554 : vector<1x16xf32> to vector<16xf32>
        %mul3A_556 = arith.constant 8.000000e+00 : f32
        %mul3A_557 = vector.broadcast %mul3A_556 : f32 to vector<16xf32>
        %mul3A_558 = arith.mulf %get3A_555, %mul3A_557 : vector<16xf32>
        %get3A_559 = arith.constant 1 : i32
        %get3A_560 = arith.index_cast %get3A_559 : i32 to index
        %get3A_561 = arith.constant 48 : index
        %get3A_562 = tpu.vector_load %arg7[%get3A_560, %get3A_561] {strides = array<i32>} : memref<8x128xf32, #tpu.memory_space<vmem>>, vector<1x16xf32>,
        %get3A_563 = vector.shape_cast %get3A_562 : vector<1x16xf32> to vector<16xf32>
        %add3A_564 = arith.addf %mul3A_558, %get3A_563 : vector<16xf32>
        %swap3A_565 = arith.index_cast %add3A_497 : i32 to index
        %swap3A_566 = arith.constant 48 : index
        %swap3A_567 = tpu.vector_load %arg5[%swap3A_565, %swap3A_566] {strides = array<i32>} : memref<256x128xf32, #tpu.memory_space<vmem>>, vector<1x16xf32>,
        %swap3A_568 = vector.shape_cast %swap3A_567 : vector<1x16xf32> to vector<16xf32>
        %swap3A_569 = vector.shape_cast %add3A_564 : vector<16xf32> to vector<1x16xf32>
        tpu.vector_store %arg5[%swap3A_565, %swap3A_566], %swap3A_569 {strides = array<i32>} : memref<256x128xf32, #tpu.memory_space<vmem>>, vector<1x16xf32>,
        %get3A_570 = arith.index_cast %add3A_497 : i32 to index
        %get3A_571 = arith.constant 64 : index
        %get3A_572 = tpu.vector_load %arg5[%get3A_570, %get3A_571] {strides = array<i32>} : memref<256x128xf32, #tpu.memory_space<vmem>>, vector<1x16xf32>,
        %get3A_573 = vector.shape_cast %get3A_572 : vector<1x16xf32> to vector<16xf32>
        %mul3A_574 = arith.constant 8.000000e+00 : f32
        %mul3A_575 = vector.broadcast %mul3A_574 : f32 to vector<16xf32>
        %mul3A_576 = arith.mulf %get3A_573, %mul3A_575 : vector<16xf32>
        %get3A_577 = arith.constant 1 : i32
        %get3A_578 = arith.index_cast %get3A_577 : i32 to index
        %get3A_579 = arith.constant 64 : index
        %get3A_580 = tpu.vector_load %arg7[%get3A_578, %get3A_579] {strides = array<i32>} : memref<8x128xf32, #tpu.memory_space<vmem>>, vector<1x16xf32>,
        %get3A_581 = vector.shape_cast %get3A_580 : vector<1x16xf32> to vector<16xf32>
        %add3A_582 = arith.addf %mul3A_576, %get3A_581 : vector<16xf32>
        %swap3A_583 = arith.index_cast %add3A_497 : i32 to index
        %swap3A_584 = arith.constant 64 : index
        %swap3A_585 = tpu.vector_load %arg5[%swap3A_583, %swap3A_584] {strides = array<i32>} : memref<256x128xf32, #tpu.memory_space<vmem>>, vector<1x16xf32>,
        %swap3A_586 = vector.shape_cast %swap3A_585 : vector<1x16xf32> to vector<16xf32>
        %swap3A_587 = vector.shape_cast %add3A_582 : vector<16xf32> to vector<1x16xf32>
        tpu.vector_store %arg5[%swap3A_583, %swap3A_584], %swap3A_587 {strides = array<i32>} : memref<256x128xf32, #tpu.memory_space<vmem>>, vector<1x16xf32>,
        %get3A_588 = arith.index_cast %add3A_497 : i32 to index
        %get3A_589 = arith.constant 80 : index
        %get3A_590 = tpu.vector_load %arg5[%get3A_588, %get3A_589] {strides = array<i32>} : memref<256x128xf32, #tpu.memory_space<vmem>>, vector<1x16xf32>,
        %get3A_591 = vector.shape_cast %get3A_590 : vector<1x16xf32> to vector<16xf32>
        %mul3A_592 = arith.constant 8.000000e+00 : f32
        %mul3A_593 = vector.broadcast %mul3A_592 : f32 to vector<16xf32>
        %mul3A_594 = arith.mulf %get3A_591, %mul3A_593 : vector<16xf32>
        %get3A_595 = arith.constant 1 : i32
        %get3A_596 = arith.index_cast %get3A_595 : i32 to index
        %get3A_597 = arith.constant 80 : index
        %get3A_598 = tpu.vector_load %arg7[%get3A_596, %get3A_597] {strides = array<i32>} : memref<8x128xf32, #tpu.memory_space<vmem>>, vector<1x16xf32>,
        %get3A_599 = vector.shape_cast %get3A_598 : vector<1x16xf32> to vector<16xf32>
        %add3A_600 = arith.addf %mul3A_594, %get3A_599 : vector<16xf32>
        %swap3A_601 = arith.index_cast %add3A_497 : i32 to index
        %swap3A_602 = arith.constant 80 : index
        %swap3A_603 = tpu.vector_load %arg5[%swap3A_601, %swap3A_602] {strides = array<i32>} : memref<256x128xf32, #tpu.memory_space<vmem>>, vector<1x16xf32>,
        %swap3A_604 = vector.shape_cast %swap3A_603 : vector<1x16xf32> to vector<16xf32>
        %swap3A_605 = vector.shape_cast %add3A_600 : vector<16xf32> to vector<1x16xf32>
        tpu.vector_store %arg5[%swap3A_601, %swap3A_602], %swap3A_605 {strides = array<i32>} : memref<256x128xf32, #tpu.memory_space<vmem>>, vector<1x16xf32>,
        %get3A_606 = arith.index_cast %add3A_497 : i32 to index
        %get3A_607 = arith.constant 96 : index
        %get3A_608 = tpu.vector_load %arg5[%get3A_606, %get3A_607] {strides = array<i32>} : memref<256x128xf32, #tpu.memory_space<vmem>>, vector<1x16xf32>,
        %get3A_609 = vector.shape_cast %get3A_608 : vector<1x16xf32> to vector<16xf32>
        %mul3A_610 = arith.constant 8.000000e+00 : f32
        %mul3A_611 = vector.broadcast %mul3A_610 : f32 to vector<16xf32>
        %mul3A_612 = arith.mulf %get3A_609, %mul3A_611 : vector<16xf32>
        %get3A_613 = arith.constant 1 : i32
        %get3A_614 = arith.index_cast %get3A_613 : i32 to index
        %get3A_615 = arith.constant 96 : index
        %get3A_616 = tpu.vector_load %arg7[%get3A_614, %get3A_615] {strides = array<i32>} : memref<8x128xf32, #tpu.memory_space<vmem>>, vector<1x16xf32>,
        %get3A_617 = vector.shape_cast %get3A_616 : vector<1x16xf32> to vector<16xf32>
        %add3A_618 = arith.addf %mul3A_612, %get3A_617 : vector<16xf32>
        %swap3A_619 = arith.index_cast %add3A_497 : i32 to index
        %swap3A_620 = arith.constant 96 : index
        %swap3A_621 = tpu.vector_load %arg5[%swap3A_619, %swap3A_620] {strides = array<i32>} : memref<256x128xf32, #tpu.memory_space<vmem>>, vector<1x16xf32>,
        %swap3A_622 = vector.shape_cast %swap3A_621 : vector<1x16xf32> to vector<16xf32>
        %swap3A_623 = vector.shape_cast %add3A_618 : vector<16xf32> to vector<1x16xf32>
        tpu.vector_store %arg5[%swap3A_619, %swap3A_620], %swap3A_623 {strides = array<i32>} : memref<256x128xf32, #tpu.memory_space<vmem>>, vector<1x16xf32>,
        %get3A_624 = arith.index_cast %add3A_497 : i32 to index
        %get3A_625 = arith.constant 112 : index
        %get3A_626 = tpu.vector_load %arg5[%get3A_624, %get3A_625] {strides = array<i32>} : memref<256x128xf32, #tpu.memory_space<vmem>>, vector<1x16xf32>,
        %get3A_627 = vector.shape_cast %get3A_626 : vector<1x16xf32> to vector<16xf32>
        %mul3A_628 = arith.constant 8.000000e+00 : f32
        %mul3A_629 = vector.broadcast %mul3A_628 : f32 to vector<16xf32>
        %mul3A_630 = arith.mulf %get3A_627, %mul3A_629 : vector<16xf32>
        %get3A_631 = arith.constant 1 : i32
        %get3A_632 = arith.index_cast %get3A_631 : i32 to index
        %get3A_633 = arith.constant 112 : index
        %get3A_634 = tpu.vector_load %arg7[%get3A_632, %get3A_633] {strides = array<i32>} : memref<8x128xf32, #tpu.memory_space<vmem>>, vector<1x16xf32>,
        %get3A_635 = vector.shape_cast %get3A_634 : vector<1x16xf32> to vector<16xf32>
        %add3A_636 = arith.addf %mul3A_630, %get3A_635 : vector<16xf32>
        %swap3A_637 = arith.index_cast %add3A_497 : i32 to index
        %swap3A_638 = arith.constant 112 : index
        %swap3A_639 = tpu.vector_load %arg5[%swap3A_637, %swap3A_638] {strides = array<i32>} : memref<256x128xf32, #tpu.memory_space<vmem>>, vector<1x16xf32>,
        %swap3A_640 = vector.shape_cast %swap3A_639 : vector<1x16xf32> to vector<16xf32>
        %swap3A_641 = vector.shape_cast %add3A_636 : vector<16xf32> to vector<1x16xf32>
        tpu.vector_store %arg5[%swap3A_637, %swap3A_638], %swap3A_641 {strides = array<i32>} : memref<256x128xf32, #tpu.memory_space<vmem>>, vector<1x16xf32>,
        %mul3A_642 = arith.constant 8 : i32
        %mul3A_643 = arith.muli %scan3A_346, %mul3A_642 : i32
        %add3A_644 = arith.constant 2 : i32
        %add3A_645 = arith.addi %mul3A_643, %add3A_644 : i32
        %get3A_646 = arith.index_cast %add3A_645 : i32 to index
        %get3A_647 = arith.constant 0 : index
        %get3A_648 = tpu.vector_load %arg5[%get3A_646, %get3A_647] {strides = array<i32>} : memref<256x128xf32, #tpu.memory_space<vmem>>, vector<1x16xf32>,
        %get3A_649 = vector.shape_cast %get3A_648 : vector<1x16xf32> to vector<16xf32>
        %mul3A_650 = arith.constant 8.000000e+00 : f32
        %mul3A_651 = vector.broadcast %mul3A_650 : f32 to vector<16xf32>
        %mul3A_652 = arith.mulf %get3A_649, %mul3A_651 : vector<16xf32>
        %get3A_653 = arith.constant 2 : i32
        %get3A_654 = arith.index_cast %get3A_653 : i32 to index
        %get3A_655 = arith.constant 0 : index
        %get3A_656 = tpu.vector_load %arg7[%get3A_654, %get3A_655] {strides = array<i32>} : memref<8x128xf32, #tpu.memory_space<vmem>>, vector<1x16xf32>,
        %get3A_657 = vector.shape_cast %get3A_656 : vector<1x16xf32> to vector<16xf32>
        %add3A_658 = arith.addf %mul3A_652, %get3A_657 : vector<16xf32>
        %swap3A_659 = arith.index_cast %add3A_645 : i32 to index
        %swap3A_660 = arith.constant 0 : index
        %swap3A_661 = tpu.vector_load %arg5[%swap3A_659, %swap3A_660] {strides = array<i32>} : memref<256x128xf32, #tpu.memory_space<vmem>>, vector<1x16xf32>,
        %swap3A_662 = vector.shape_cast %swap3A_661 : vector<1x16xf32> to vector<16xf32>
        %swap3A_663 = vector.shape_cast %add3A_658 : vector<16xf32> to vector<1x16xf32>
        tpu.vector_store %arg5[%swap3A_659, %swap3A_660], %swap3A_663 {strides = array<i32>} : memref<256x128xf32, #tpu.memory_space<vmem>>, vector<1x16xf32>,
        %get3A_664 = arith.index_cast %add3A_645 : i32 to index
        %get3A_665 = arith.constant 16 : index
        %get3A_666 = tpu.vector_load %arg5[%get3A_664, %get3A_665] {strides = array<i32>} : memref<256x128xf32, #tpu.memory_space<vmem>>, vector<1x16xf32>,
        %get3A_667 = vector.shape_cast %get3A_666 : vector<1x16xf32> to vector<16xf32>
        %mul3A_668 = arith.constant 8.000000e+00 : f32
        %mul3A_669 = vector.broadcast %mul3A_668 : f32 to vector<16xf32>
        %mul3A_670 = arith.mulf %get3A_667, %mul3A_669 : vector<16xf32>
        %get3A_671 = arith.constant 2 : i32
        %get3A_672 = arith.index_cast %get3A_671 : i32 to index
        %get3A_673 = arith.constant 16 : index
        %get3A_674 = tpu.vector_load %arg7[%get3A_672, %get3A_673] {strides = array<i32>} : memref<8x128xf32, #tpu.memory_space<vmem>>, vector<1x16xf32>,
        %get3A_675 = vector.shape_cast %get3A_674 : vector<1x16xf32> to vector<16xf32>
        %add3A_676 = arith.addf %mul3A_670, %get3A_675 : vector<16xf32>
        %swap3A_677 = arith.index_cast %add3A_645 : i32 to index
        %swap3A_678 = arith.constant 16 : index
        %swap3A_679 = tpu.vector_load %arg5[%swap3A_677, %swap3A_678] {strides = array<i32>} : memref<256x128xf32, #tpu.memory_space<vmem>>, vector<1x16xf32>,
        %swap3A_680 = vector.shape_cast %swap3A_679 : vector<1x16xf32> to vector<16xf32>
        %swap3A_681 = vector.shape_cast %add3A_676 : vector<16xf32> to vector<1x16xf32>
        tpu.vector_store %arg5[%swap3A_677, %swap3A_678], %swap3A_681 {strides = array<i32>} : memref<256x128xf32, #tpu.memory_space<vmem>>, vector<1x16xf32>,
        %get3A_682 = arith.index_cast %add3A_645 : i32 to index
        %get3A_683 = arith.constant 32 : index
        %get3A_684 = tpu.vector_load %arg5[%get3A_682, %get3A_683] {strides = array<i32>} : memref<256x128xf32, #tpu.memory_space<vmem>>, vector<1x16xf32>,
        %get3A_685 = vector.shape_cast %get3A_684 : vector<1x16xf32> to vector<16xf32>
        %mul3A_686 = arith.constant 8.000000e+00 : f32
        %mul3A_687 = vector.broadcast %mul3A_686 : f32 to vector<16xf32>
        %mul3A_688 = arith.mulf %get3A_685, %mul3A_687 : vector<16xf32>
        %get3A_689 = arith.constant 2 : i32
        %get3A_690 = arith.index_cast %get3A_689 : i32 to index
        %get3A_691 = arith.constant 32 : index
        %get3A_692 = tpu.vector_load %arg7[%get3A_690, %get3A_691] {strides = array<i32>} : memref<8x128xf32, #tpu.memory_space<vmem>>, vector<1x16xf32>,
        %get3A_693 = vector.shape_cast %get3A_692 : vector<1x16xf32> to vector<16xf32>
        %add3A_694 = arith.addf %mul3A_688, %get3A_693 : vector<16xf32>
        %swap3A_695 = arith.index_cast %add3A_645 : i32 to index
        %swap3A_696 = arith.constant 32 : index
        %swap3A_697 = tpu.vector_load %arg5[%swap3A_695, %swap3A_696] {strides = array<i32>} : memref<256x128xf32, #tpu.memory_space<vmem>>, vector<1x16xf32>,
        %swap3A_698 = vector.shape_cast %swap3A_697 : vector<1x16xf32> to vector<16xf32>
        %swap3A_699 = vector.shape_cast %add3A_694 : vector<16xf32> to vector<1x16xf32>
        tpu.vector_store %arg5[%swap3A_695, %swap3A_696], %swap3A_699 {strides = array<i32>} : memref<256x128xf32, #tpu.memory_space<vmem>>, vector<1x16xf32>,
        %get3A_700 = arith.index_cast %add3A_645 : i32 to index
        %get3A_701 = arith.constant 48 : index
        %get3A_702 = tpu.vector_load %arg5[%get3A_700, %get3A_701] {strides = array<i32>} : memref<256x128xf32, #tpu.memory_space<vmem>>, vector<1x16xf32>,
        %get3A_703 = vector.shape_cast %get3A_702 : vector<1x16xf32> to vector<16xf32>
        %mul3A_704 = arith.constant 8.000000e+00 : f32
        %mul3A_705 = vector.broadcast %mul3A_704 : f32 to vector<16xf32>
        %mul3A_706 = arith.mulf %get3A_703, %mul3A_705 : vector<16xf32>
        %get3A_707 = arith.constant 2 : i32
        %get3A_708 = arith.index_cast %get3A_707 : i32 to index
        %get3A_709 = arith.constant 48 : index
        %get3A_710 = tpu.vector_load %arg7[%get3A_708, %get3A_709] {strides = array<i32>} : memref<8x128xf32, #tpu.memory_space<vmem>>, vector<1x16xf32>,
        %get3A_711 = vector.shape_cast %get3A_710 : vector<1x16xf32> to vector<16xf32>
        %add3A_712 = arith.addf %mul3A_706, %get3A_711 : vector<16xf32>
        %swap3A_713 = arith.index_cast %add3A_645 : i32 to index
        %swap3A_714 = arith.constant 48 : index
        %swap3A_715 = tpu.vector_load %arg5[%swap3A_713, %swap3A_714] {strides = array<i32>} : memref<256x128xf32, #tpu.memory_space<vmem>>, vector<1x16xf32>,
        %swap3A_716 = vector.shape_cast %swap3A_715 : vector<1x16xf32> to vector<16xf32>
        %swap3A_717 = vector.shape_cast %add3A_712 : vector<16xf32> to vector<1x16xf32>
        tpu.vector_store %arg5[%swap3A_713, %swap3A_714], %swap3A_717 {strides = array<i32>} : memref<256x128xf32, #tpu.memory_space<vmem>>, vector<1x16xf32>,
        %get3A_718 = arith.index_cast %add3A_645 : i32 to index
        %get3A_719 = arith.constant 64 : index
        %get3A_720 = tpu.vector_load %arg5[%get3A_718, %get3A_719] {strides = array<i32>} : memref<256x128xf32, #tpu.memory_space<vmem>>, vector<1x16xf32>,
        %get3A_721 = vector.shape_cast %get3A_720 : vector<1x16xf32> to vector<16xf32>
        %mul3A_722 = arith.constant 8.000000e+00 : f32
        %mul3A_723 = vector.broadcast %mul3A_722 : f32 to vector<16xf32>
        %mul3A_724 = arith.mulf %get3A_721, %mul3A_723 : vector<16xf32>
        %get3A_725 = arith.constant 2 : i32
        %get3A_726 = arith.index_cast %get3A_725 : i32 to index
        %get3A_727 = arith.constant 64 : index
        %get3A_728 = tpu.vector_load %arg7[%get3A_726, %get3A_727] {strides = array<i32>} : memref<8x128xf32, #tpu.memory_space<vmem>>, vector<1x16xf32>,
        %get3A_729 = vector.shape_cast %get3A_728 : vector<1x16xf32> to vector<16xf32>
        %add3A_730 = arith.addf %mul3A_724, %get3A_729 : vector<16xf32>
        %swap3A_731 = arith.index_cast %add3A_645 : i32 to index
        %swap3A_732 = arith.constant 64 : index
        %swap3A_733 = tpu.vector_load %arg5[%swap3A_731, %swap3A_732] {strides = array<i32>} : memref<256x128xf32, #tpu.memory_space<vmem>>, vector<1x16xf32>,
        %swap3A_734 = vector.shape_cast %swap3A_733 : vector<1x16xf32> to vector<16xf32>
        %swap3A_735 = vector.shape_cast %add3A_730 : vector<16xf32> to vector<1x16xf32>
        tpu.vector_store %arg5[%swap3A_731, %swap3A_732], %swap3A_735 {strides = array<i32>} : memref<256x128xf32, #tpu.memory_space<vmem>>, vector<1x16xf32>,
        %get3A_736 = arith.index_cast %add3A_645 : i32 to index
        %get3A_737 = arith.constant 80 : index
        %get3A_738 = tpu.vector_load %arg5[%get3A_736, %get3A_737] {strides = array<i32>} : memref<256x128xf32, #tpu.memory_space<vmem>>, vector<1x16xf32>,
        %get3A_739 = vector.shape_cast %get3A_738 : vector<1x16xf32> to vector<16xf32>
        %mul3A_740 = arith.constant 8.000000e+00 : f32
        %mul3A_741 = vector.broadcast %mul3A_740 : f32 to vector<16xf32>
        %mul3A_742 = arith.mulf %get3A_739, %mul3A_741 : vector<16xf32>
        %get3A_743 = arith.constant 2 : i32
        %get3A_744 = arith.index_cast %get3A_743 : i32 to index
        %get3A_745 = arith.constant 80 : index
        %get3A_746 = tpu.vector_load %arg7[%get3A_744, %get3A_745] {strides = array<i32>} : memref<8x128xf32, #tpu.memory_space<vmem>>, vector<1x16xf32>,
        %get3A_747 = vector.shape_cast %get3A_746 : vector<1x16xf32> to vector<16xf32>
        %add3A_748 = arith.addf %mul3A_742, %get3A_747 : vector<16xf32>
        %swap3A_749 = arith.index_cast %add3A_645 : i32 to index
        %swap3A_750 = arith.constant 80 : index
        %swap3A_751 = tpu.vector_load %arg5[%swap3A_749, %swap3A_750] {strides = array<i32>} : memref<256x128xf32, #tpu.memory_space<vmem>>, vector<1x16xf32>,
        %swap3A_752 = vector.shape_cast %swap3A_751 : vector<1x16xf32> to vector<16xf32>
        %swap3A_753 = vector.shape_cast %add3A_748 : vector<16xf32> to vector<1x16xf32>
        tpu.vector_store %arg5[%swap3A_749, %swap3A_750], %swap3A_753 {strides = array<i32>} : memref<256x128xf32, #tpu.memory_space<vmem>>, vector<1x16xf32>,
        %get3A_754 = arith.index_cast %add3A_645 : i32 to index
        %get3A_755 = arith.constant 96 : index
        %get3A_756 = tpu.vector_load %arg5[%get3A_754, %get3A_755] {strides = array<i32>} : memref<256x128xf32, #tpu.memory_space<vmem>>, vector<1x16xf32>,
        %get3A_757 = vector.shape_cast %get3A_756 : vector<1x16xf32> to vector<16xf32>
        %mul3A_758 = arith.constant 8.000000e+00 : f32
        %mul3A_759 = vector.broadcast %mul3A_758 : f32 to vector<16xf32>
        %mul3A_760 = arith.mulf %get3A_757, %mul3A_759 : vector<16xf32>
        %get3A_761 = arith.constant 2 : i32
        %get3A_762 = arith.index_cast %get3A_761 : i32 to index
        %get3A_763 = arith.constant 96 : index
        %get3A_764 = tpu.vector_load %arg7[%get3A_762, %get3A_763] {strides = array<i32>} : memref<8x128xf32, #tpu.memory_space<vmem>>, vector<1x16xf32>,
        %get3A_765 = vector.shape_cast %get3A_764 : vector<1x16xf32> to vector<16xf32>
        %add3A_766 = arith.addf %mul3A_760, %get3A_765 : vector<16xf32>
        %swap3A_767 = arith.index_cast %add3A_645 : i32 to index
        %swap3A_768 = arith.constant 96 : index
        %swap3A_769 = tpu.vector_load %arg5[%swap3A_767, %swap3A_768] {strides = array<i32>} : memref<256x128xf32, #tpu.memory_space<vmem>>, vector<1x16xf32>,
        %swap3A_770 = vector.shape_cast %swap3A_769 : vector<1x16xf32> to vector<16xf32>
        %swap3A_771 = vector.shape_cast %add3A_766 : vector<16xf32> to vector<1x16xf32>
        tpu.vector_store %arg5[%swap3A_767, %swap3A_768], %swap3A_771 {strides = array<i32>} : memref<256x128xf32, #tpu.memory_space<vmem>>, vector<1x16xf32>,
        %get3A_772 = arith.index_cast %add3A_645 : i32 to index
        %get3A_773 = arith.constant 112 : index
        %get3A_774 = tpu.vector_load %arg5[%get3A_772, %get3A_773] {strides = array<i32>} : memref<256x128xf32, #tpu.memory_space<vmem>>, vector<1x16xf32>,
        %get3A_775 = vector.shape_cast %get3A_774 : vector<1x16xf32> to vector<16xf32>
        %mul3A_776 = arith.constant 8.000000e+00 : f32
        %mul3A_777 = vector.broadcast %mul3A_776 : f32 to vector<16xf32>
        %mul3A_778 = arith.mulf %get3A_775, %mul3A_777 : vector<16xf32>
        %get3A_779 = arith.constant 2 : i32
        %get3A_780 = arith.index_cast %get3A_779 : i32 to index
        %get3A_781 = arith.constant 112 : index
        %get3A_782 = tpu.vector_load %arg7[%get3A_780, %get3A_781] {strides = array<i32>} : memref<8x128xf32, #tpu.memory_space<vmem>>, vector<1x16xf32>,
        %get3A_783 = vector.shape_cast %get3A_782 : vector<1x16xf32> to vector<16xf32>
        %add3A_784 = arith.addf %mul3A_778, %get3A_783 : vector<16xf32>
        %swap3A_785 = arith.index_cast %add3A_645 : i32 to index
        %swap3A_786 = arith.constant 112 : index
        %swap3A_787 = tpu.vector_load %arg5[%swap3A_785, %swap3A_786] {strides = array<i32>} : memref<256x128xf32, #tpu.memory_space<vmem>>, vector<1x16xf32>,
        %swap3A_788 = vector.shape_cast %swap3A_787 : vector<1x16xf32> to vector<16xf32>
        %swap3A_789 = vector.shape_cast %add3A_784 : vector<16xf32> to vector<1x16xf32>
        tpu.vector_store %arg5[%swap3A_785, %swap3A_786], %swap3A_789 {strides = array<i32>} : memref<256x128xf32, #tpu.memory_space<vmem>>, vector<1x16xf32>,
        %mul3A_790 = arith.constant 8 : i32
        %mul3A_791 = arith.muli %scan3A_346, %mul3A_790 : i32
        %add3A_792 = arith.constant 3 : i32
        %add3A_793 = arith.addi %mul3A_791, %add3A_792 : i32
        %get3A_794 = arith.index_cast %add3A_793 : i32 to index
        %get3A_795 = arith.constant 0 : index
        %get3A_796 = tpu.vector_load %arg5[%get3A_794, %get3A_795] {strides = array<i32>} : memref<256x128xf32, #tpu.memory_space<vmem>>, vector<1x16xf32>,
        %get3A_797 = vector.shape_cast %get3A_796 : vector<1x16xf32> to vector<16xf32>
        %mul3A_798 = arith.constant 8.000000e+00 : f32
        %mul3A_799 = vector.broadcast %mul3A_798 : f32 to vector<16xf32>
        %mul3A_800 = arith.mulf %get3A_797, %mul3A_799 : vector<16xf32>
        %get3A_801 = arith.constant 3 : i32
        %get3A_802 = arith.index_cast %get3A_801 : i32 to index
        %get3A_803 = arith.constant 0 : index
        %get3A_804 = tpu.vector_load %arg7[%get3A_802, %get3A_803] {strides = array<i32>} : memref<8x128xf32, #tpu.memory_space<vmem>>, vector<1x16xf32>,
        %get3A_805 = vector.shape_cast %get3A_804 : vector<1x16xf32> to vector<16xf32>
        %add3A_806 = arith.addf %mul3A_800, %get3A_805 : vector<16xf32>
        %swap3A_807 = arith.index_cast %add3A_793 : i32 to index
        %swap3A_808 = arith.constant 0 : index
        %swap3A_809 = tpu.vector_load %arg5[%swap3A_807, %swap3A_808] {strides = array<i32>} : memref<256x128xf32, #tpu.memory_space<vmem>>, vector<1x16xf32>,
        %swap3A_810 = vector.shape_cast %swap3A_809 : vector<1x16xf32> to vector<16xf32>
        %swap3A_811 = vector.shape_cast %add3A_806 : vector<16xf32> to vector<1x16xf32>
        tpu.vector_store %arg5[%swap3A_807, %swap3A_808], %swap3A_811 {strides = array<i32>} : memref<256x128xf32, #tpu.memory_space<vmem>>, vector<1x16xf32>,
        %get3A_812 = arith.index_cast %add3A_793 : i32 to index
        %get3A_813 = arith.constant 16 : index
        %get3A_814 = tpu.vector_load %arg5[%get3A_812, %get3A_813] {strides = array<i32>} : memref<256x128xf32, #tpu.memory_space<vmem>>, vector<1x16xf32>,
        %get3A_815 = vector.shape_cast %get3A_814 : vector<1x16xf32> to vector<16xf32>
        %mul3A_816 = arith.constant 8.000000e+00 : f32
        %mul3A_817 = vector.broadcast %mul3A_816 : f32 to vector<16xf32>
        %mul3A_818 = arith.mulf %get3A_815, %mul3A_817 : vector<16xf32>
        %get3A_819 = arith.constant 3 : i32
        %get3A_820 = arith.index_cast %get3A_819 : i32 to index
        %get3A_821 = arith.constant 16 : index
        %get3A_822 = tpu.vector_load %arg7[%get3A_820, %get3A_821] {strides = array<i32>} : memref<8x128xf32, #tpu.memory_space<vmem>>, vector<1x16xf32>,
        %get3A_823 = vector.shape_cast %get3A_822 : vector<1x16xf32> to vector<16xf32>
        %add3A_824 = arith.addf %mul3A_818, %get3A_823 : vector<16xf32>
        %swap3A_825 = arith.index_cast %add3A_793 : i32 to index
        %swap3A_826 = arith.constant 16 : index
        %swap3A_827 = tpu.vector_load %arg5[%swap3A_825, %swap3A_826] {strides = array<i32>} : memref<256x128xf32, #tpu.memory_space<vmem>>, vector<1x16xf32>,
        %swap3A_828 = vector.shape_cast %swap3A_827 : vector<1x16xf32> to vector<16xf32>
        %swap3A_829 = vector.shape_cast %add3A_824 : vector<16xf32> to vector<1x16xf32>
        tpu.vector_store %arg5[%swap3A_825, %swap3A_826], %swap3A_829 {strides = array<i32>} : memref<256x128xf32, #tpu.memory_space<vmem>>, vector<1x16xf32>,
        %get3A_830 = arith.index_cast %add3A_793 : i32 to index
        %get3A_831 = arith.constant 32 : index
        %get3A_832 = tpu.vector_load %arg5[%get3A_830, %get3A_831] {strides = array<i32>} : memref<256x128xf32, #tpu.memory_space<vmem>>, vector<1x16xf32>,
        %get3A_833 = vector.shape_cast %get3A_832 : vector<1x16xf32> to vector<16xf32>
        %mul3A_834 = arith.constant 8.000000e+00 : f32
        %mul3A_835 = vector.broadcast %mul3A_834 : f32 to vector<16xf32>
        %mul3A_836 = arith.mulf %get3A_833, %mul3A_835 : vector<16xf32>
        %get3A_837 = arith.constant 3 : i32
        %get3A_838 = arith.index_cast %get3A_837 : i32 to index
        %get3A_839 = arith.constant 32 : index
        %get3A_840 = tpu.vector_load %arg7[%get3A_838, %get3A_839] {strides = array<i32>} : memref<8x128xf32, #tpu.memory_space<vmem>>, vector<1x16xf32>,
        %get3A_841 = vector.shape_cast %get3A_840 : vector<1x16xf32> to vector<16xf32>
        %add3A_842 = arith.addf %mul3A_836, %get3A_841 : vector<16xf32>
        %swap3A_843 = arith.index_cast %add3A_793 : i32 to index
        %swap3A_844 = arith.constant 32 : index
        %swap3A_845 = tpu.vector_load %arg5[%swap3A_843, %swap3A_844] {strides = array<i32>} : memref<256x128xf32, #tpu.memory_space<vmem>>, vector<1x16xf32>,
        %swap3A_846 = vector.shape_cast %swap3A_845 : vector<1x16xf32> to vector<16xf32>
        %swap3A_847 = vector.shape_cast %add3A_842 : vector<16xf32> to vector<1x16xf32>
        tpu.vector_store %arg5[%swap3A_843, %swap3A_844], %swap3A_847 {strides = array<i32>} : memref<256x128xf32, #tpu.memory_space<vmem>>, vector<1x16xf32>,
        %get3A_848 = arith.index_cast %add3A_793 : i32 to index
        %get3A_849 = arith.constant 48 : index
        %get3A_850 = tpu.vector_load %arg5[%get3A_848, %get3A_849] {strides = array<i32>} : memref<256x128xf32, #tpu.memory_space<vmem>>, vector<1x16xf32>,
        %get3A_851 = vector.shape_cast %get3A_850 : vector<1x16xf32> to vector<16xf32>
        %mul3A_852 = arith.constant 8.000000e+00 : f32
        %mul3A_853 = vector.broadcast %mul3A_852 : f32 to vector<16xf32>
        %mul3A_854 = arith.mulf %get3A_851, %mul3A_853 : vector<16xf32>
        %get3A_855 = arith.constant 3 : i32
        %get3A_856 = arith.index_cast %get3A_855 : i32 to index
        %get3A_857 = arith.constant 48 : index
        %get3A_858 = tpu.vector_load %arg7[%get3A_856, %get3A_857] {strides = array<i32>} : memref<8x128xf32, #tpu.memory_space<vmem>>, vector<1x16xf32>,
        %get3A_859 = vector.shape_cast %get3A_858 : vector<1x16xf32> to vector<16xf32>
        %add3A_860 = arith.addf %mul3A_854, %get3A_859 : vector<16xf32>
        %swap3A_861 = arith.index_cast %add3A_793 : i32 to index
        %swap3A_862 = arith.constant 48 : index
        %swap3A_863 = tpu.vector_load %arg5[%swap3A_861, %swap3A_862] {strides = array<i32>} : memref<256x128xf32, #tpu.memory_space<vmem>>, vector<1x16xf32>,
        %swap3A_864 = vector.shape_cast %swap3A_863 : vector<1x16xf32> to vector<16xf32>
        %swap3A_865 = vector.shape_cast %add3A_860 : vector<16xf32> to vector<1x16xf32>
        tpu.vector_store %arg5[%swap3A_861, %swap3A_862], %swap3A_865 {strides = array<i32>} : memref<256x128xf32, #tpu.memory_space<vmem>>, vector<1x16xf32>,
        %get3A_866 = arith.index_cast %add3A_793 : i32 to index
        %get3A_867 = arith.constant 64 : index
        %get3A_868 = tpu.vector_load %arg5[%get3A_866, %get3A_867] {strides = array<i32>} : memref<256x128xf32, #tpu.memory_space<vmem>>, vector<1x16xf32>,
        %get3A_869 = vector.shape_cast %get3A_868 : vector<1x16xf32> to vector<16xf32>
        %mul3A_870 = arith.constant 8.000000e+00 : f32
        %mul3A_871 = vector.broadcast %mul3A_870 : f32 to vector<16xf32>
        %mul3A_872 = arith.mulf %get3A_869, %mul3A_871 : vector<16xf32>
        %get3A_873 = arith.constant 3 : i32
        %get3A_874 = arith.index_cast %get3A_873 : i32 to index
        %get3A_875 = arith.constant 64 : index
        %get3A_876 = tpu.vector_load %arg7[%get3A_874, %get3A_875] {strides = array<i32>} : memref<8x128xf32, #tpu.memory_space<vmem>>, vector<1x16xf32>,
        %get3A_877 = vector.shape_cast %get3A_876 : vector<1x16xf32> to vector<16xf32>
        %add3A_878 = arith.addf %mul3A_872, %get3A_877 : vector<16xf32>
        %swap3A_879 = arith.index_cast %add3A_793 : i32 to index
        %swap3A_880 = arith.constant 64 : index
        %swap3A_881 = tpu.vector_load %arg5[%swap3A_879, %swap3A_880] {strides = array<i32>} : memref<256x128xf32, #tpu.memory_space<vmem>>, vector<1x16xf32>,
        %swap3A_882 = vector.shape_cast %swap3A_881 : vector<1x16xf32> to vector<16xf32>
        %swap3A_883 = vector.shape_cast %add3A_878 : vector<16xf32> to vector<1x16xf32>
        tpu.vector_store %arg5[%swap3A_879, %swap3A_880], %swap3A_883 {strides = array<i32>} : memref<256x128xf32, #tpu.memory_space<vmem>>, vector<1x16xf32>,
        %get3A_884 = arith.index_cast %add3A_793 : i32 to index
        %get3A_885 = arith.constant 80 : index
        %get3A_886 = tpu.vector_load %arg5[%get3A_884, %get3A_885] {strides = array<i32>} : memref<256x128xf32, #tpu.memory_space<vmem>>, vector<1x16xf32>,
        %get3A_887 = vector.shape_cast %get3A_886 : vector<1x16xf32> to vector<16xf32>
        %mul3A_888 = arith.constant 8.000000e+00 : f32
        %mul3A_889 = vector.broadcast %mul3A_888 : f32 to vector<16xf32>
        %mul3A_890 = arith.mulf %get3A_887, %mul3A_889 : vector<16xf32>
        %get3A_891 = arith.constant 3 : i32
        %get3A_892 = arith.index_cast %get3A_891 : i32 to index
        %get3A_893 = arith.constant 80 : index
        %get3A_894 = tpu.vector_load %arg7[%get3A_892, %get3A_893] {strides = array<i32>} : memref<8x128xf32, #tpu.memory_space<vmem>>, vector<1x16xf32>,
        %get3A_895 = vector.shape_cast %get3A_894 : vector<1x16xf32> to vector<16xf32>
        %add3A_896 = arith.addf %mul3A_890, %get3A_895 : vector<16xf32>
        %swap3A_897 = arith.index_cast %add3A_793 : i32 to index
        %swap3A_898 = arith.constant 80 : index
        %swap3A_899 = tpu.vector_load %arg5[%swap3A_897, %swap3A_898] {strides = array<i32>} : memref<256x128xf32, #tpu.memory_space<vmem>>, vector<1x16xf32>,
        %swap3A_900 = vector.shape_cast %swap3A_899 : vector<1x16xf32> to vector<16xf32>
        %swap3A_901 = vector.shape_cast %add3A_896 : vector<16xf32> to vector<1x16xf32>
        tpu.vector_store %arg5[%swap3A_897, %swap3A_898], %swap3A_901 {strides = array<i32>} : memref<256x128xf32, #tpu.memory_space<vmem>>, vector<1x16xf32>,
        %get3A_902 = arith.index_cast %add3A_793 : i32 to index
        %get3A_903 = arith.constant 96 : index
        %get3A_904 = tpu.vector_load %arg5[%get3A_902, %get3A_903] {strides = array<i32>} : memref<256x128xf32, #tpu.memory_space<vmem>>, vector<1x16xf32>,
        %get3A_905 = vector.shape_cast %get3A_904 : vector<1x16xf32> to vector<16xf32>
        %mul3A_906 = arith.constant 8.000000e+00 : f32
        %mul3A_907 = vector.broadcast %mul3A_906 : f32 to vector<16xf32>
        %mul3A_908 = arith.mulf %get3A_905, %mul3A_907 : vector<16xf32>
        %get3A_909 = arith.constant 3 : i32
        %get3A_910 = arith.index_cast %get3A_909 : i32 to index
        %get3A_911 = arith.constant 96 : index
        %get3A_912 = tpu.vector_load %arg7[%get3A_910, %get3A_911] {strides = array<i32>} : memref<8x128xf32, #tpu.memory_space<vmem>>, vector<1x16xf32>,
        %get3A_913 = vector.shape_cast %get3A_912 : vector<1x16xf32> to vector<16xf32>
        %add3A_914 = arith.addf %mul3A_908, %get3A_913 : vector<16xf32>
        %swap3A_915 = arith.index_cast %add3A_793 : i32 to index
        %swap3A_916 = arith.constant 96 : index
        %swap3A_917 = tpu.vector_load %arg5[%swap3A_915, %swap3A_916] {strides = array<i32>} : memref<256x128xf32, #tpu.memory_space<vmem>>, vector<1x16xf32>,
        %swap3A_918 = vector.shape_cast %swap3A_917 : vector<1x16xf32> to vector<16xf32>
        %swap3A_919 = vector.shape_cast %add3A_914 : vector<16xf32> to vector<1x16xf32>
        tpu.vector_store %arg5[%swap3A_915, %swap3A_916], %swap3A_919 {strides = array<i32>} : memref<256x128xf32, #tpu.memory_space<vmem>>, vector<1x16xf32>,
        %get3A_920 = arith.index_cast %add3A_793 : i32 to index
        %get3A_921 = arith.constant 112 : index
        %get3A_922 = tpu.vector_load %arg5[%get3A_920, %get3A_921] {strides = array<i32>} : memref<256x128xf32, #tpu.memory_space<vmem>>, vector<1x16xf32>,
        %get3A_923 = vector.shape_cast %get3A_922 : vector<1x16xf32> to vector<16xf32>
        %mul3A_924 = arith.constant 8.000000e+00 : f32
        %mul3A_925 = vector.broadcast %mul3A_924 : f32 to vector<16xf32>
        %mul3A_926 = arith.mulf %get3A_923, %mul3A_925 : vector<16xf32>
        %get3A_927 = arith.constant 3 : i32
        %get3A_928 = arith.index_cast %get3A_927 : i32 to index
        %get3A_929 = arith.constant 112 : index
        %get3A_930 = tpu.vector_load %arg7[%get3A_928, %get3A_929] {strides = array<i32>} : memref<8x128xf32, #tpu.memory_space<vmem>>, vector<1x16xf32>,
        %get3A_931 = vector.shape_cast %get3A_930 : vector<1x16xf32> to vector<16xf32>
        %add3A_932 = arith.addf %mul3A_926, %get3A_931 : vector<16xf32>
        %swap3A_933 = arith.index_cast %add3A_793 : i32 to index
        %swap3A_934 = arith.constant 112 : index
        %swap3A_935 = tpu.vector_load %arg5[%swap3A_933, %swap3A_934] {strides = array<i32>} : memref<256x128xf32, #tpu.memory_space<vmem>>, vector<1x16xf32>,
        %swap3A_936 = vector.shape_cast %swap3A_935 : vector<1x16xf32> to vector<16xf32>
        %swap3A_937 = vector.shape_cast %add3A_932 : vector<16xf32> to vector<1x16xf32>
        tpu.vector_store %arg5[%swap3A_933, %swap3A_934], %swap3A_937 {strides = array<i32>} : memref<256x128xf32, #tpu.memory_space<vmem>>, vector<1x16xf32>,
        %mul3A_938 = arith.constant 8 : i32
        %mul3A_939 = arith.muli %scan3A_346, %mul3A_938 : i32
        %add3A_940 = arith.constant 4 : i32
        %add3A_941 = arith.addi %mul3A_939, %add3A_940 : i32
        %get3A_942 = arith.index_cast %add3A_941 : i32 to index
        %get3A_943 = arith.constant 0 : index
        %get3A_944 = tpu.vector_load %arg5[%get3A_942, %get3A_943] {strides = array<i32>} : memref<256x128xf32, #tpu.memory_space<vmem>>, vector<1x16xf32>,
        %get3A_945 = vector.shape_cast %get3A_944 : vector<1x16xf32> to vector<16xf32>
        %mul3A_946 = arith.constant 8.000000e+00 : f32
        %mul3A_947 = vector.broadcast %mul3A_946 : f32 to vector<16xf32>
        %mul3A_948 = arith.mulf %get3A_945, %mul3A_947 : vector<16xf32>
        %get3A_949 = arith.constant 4 : i32
        %get3A_950 = arith.index_cast %get3A_949 : i32 to index
        %get3A_951 = arith.constant 0 : index
        %get3A_952 = tpu.vector_load %arg7[%get3A_950, %get3A_951] {strides = array<i32>} : memref<8x128xf32, #tpu.memory_space<vmem>>, vector<1x16xf32>,
        %get3A_953 = vector.shape_cast %get3A_952 : vector<1x16xf32> to vector<16xf32>
        %add3A_954 = arith.addf %mul3A_948, %get3A_953 : vector<16xf32>
        %swap3A_955 = arith.index_cast %add3A_941 : i32 to index
        %swap3A_956 = arith.constant 0 : index
        %swap3A_957 = tpu.vector_load %arg5[%swap3A_955, %swap3A_956] {strides = array<i32>} : memref<256x128xf32, #tpu.memory_space<vmem>>, vector<1x16xf32>,
        %swap3A_958 = vector.shape_cast %swap3A_957 : vector<1x16xf32> to vector<16xf32>
        %swap3A_959 = vector.shape_cast %add3A_954 : vector<16xf32> to vector<1x16xf32>
        tpu.vector_store %arg5[%swap3A_955, %swap3A_956], %swap3A_959 {strides = array<i32>} : memref<256x128xf32, #tpu.memory_space<vmem>>, vector<1x16xf32>,
        %get3A_960 = arith.index_cast %add3A_941 : i32 to index
        %get3A_961 = arith.constant 16 : index
        %get3A_962 = tpu.vector_load %arg5[%get3A_960, %get3A_961] {strides = array<i32>} : memref<256x128xf32, #tpu.memory_space<vmem>>, vector<1x16xf32>,
        %get3A_963 = vector.shape_cast %get3A_962 : vector<1x16xf32> to vector<16xf32>
        %mul3A_964 = arith.constant 8.000000e+00 : f32
        %mul3A_965 = vector.broadcast %mul3A_964 : f32 to vector<16xf32>
        %mul3A_966 = arith.mulf %get3A_963, %mul3A_965 : vector<16xf32>
        %get3A_967 = arith.constant 4 : i32
        %get3A_968 = arith.index_cast %get3A_967 : i32 to index
        %get3A_969 = arith.constant 16 : index
        %get3A_970 = tpu.vector_load %arg7[%get3A_968, %get3A_969] {strides = array<i32>} : memref<8x128xf32, #tpu.memory_space<vmem>>, vector<1x16xf32>,
        %get3A_971 = vector.shape_cast %get3A_970 : vector<1x16xf32> to vector<16xf32>
        %add3A_972 = arith.addf %mul3A_966, %get3A_971 : vector<16xf32>
        %swap3A_973 = arith.index_cast %add3A_941 : i32 to index
        %swap3A_974 = arith.constant 16 : index
        %swap3A_975 = tpu.vector_load %arg5[%swap3A_973, %swap3A_974] {strides = array<i32>} : memref<256x128xf32, #tpu.memory_space<vmem>>, vector<1x16xf32>,
        %swap3A_976 = vector.shape_cast %swap3A_975 : vector<1x16xf32> to vector<16xf32>
        %swap3A_977 = vector.shape_cast %add3A_972 : vector<16xf32> to vector<1x16xf32>
        tpu.vector_store %arg5[%swap3A_973, %swap3A_974], %swap3A_977 {strides = array<i32>} : memref<256x128xf32, #tpu.memory_space<vmem>>, vector<1x16xf32>,
        %get3A_978 = arith.index_cast %add3A_941 : i32 to index
        %get3A_979 = arith.constant 32 : index
        %get3A_980 = tpu.vector_load %arg5[%get3A_978, %get3A_979] {strides = array<i32>} : memref<256x128xf32, #tpu.memory_space<vmem>>, vector<1x16xf32>,
        %get3A_981 = vector.shape_cast %get3A_980 : vector<1x16xf32> to vector<16xf32>
        %mul3A_982 = arith.constant 8.000000e+00 : f32
        %mul3A_983 = vector.broadcast %mul3A_982 : f32 to vector<16xf32>
        %mul3A_984 = arith.mulf %get3A_981, %mul3A_983 : vector<16xf32>
        %get3A_985 = arith.constant 4 : i32
        %get3A_986 = arith.index_cast %get3A_985 : i32 to index
        %get3A_987 = arith.constant 32 : index
        %get3A_988 = tpu.vector_load %arg7[%get3A_986, %get3A_987] {strides = array<i32>} : memref<8x128xf32, #tpu.memory_space<vmem>>, vector<1x16xf32>,
        %get3A_989 = vector.shape_cast %get3A_988 : vector<1x16xf32> to vector<16xf32>
        %add3A_990 = arith.addf %mul3A_984, %get3A_989 : vector<16xf32>
        %swap3A_991 = arith.index_cast %add3A_941 : i32 to index
        %swap3A_992 = arith.constant 32 : index
        %swap3A_993 = tpu.vector_load %arg5[%swap3A_991, %swap3A_992] {strides = array<i32>} : memref<256x128xf32, #tpu.memory_space<vmem>>, vector<1x16xf32>,
        %swap3A_994 = vector.shape_cast %swap3A_993 : vector<1x16xf32> to vector<16xf32>
        %swap3A_995 = vector.shape_cast %add3A_990 : vector<16xf32> to vector<1x16xf32>
        tpu.vector_store %arg5[%swap3A_991, %swap3A_992], %swap3A_995 {strides = array<i32>} : memref<256x128xf32, #tpu.memory_space<vmem>>, vector<1x16xf32>,
        %get3A_996 = arith.index_cast %add3A_941 : i32 to index
        %get3A_997 = arith.constant 48 : index
        %get3A_998 = tpu.vector_load %arg5[%get3A_996, %get3A_997] {strides = array<i32>} : memref<256x128xf32, #tpu.memory_space<vmem>>, vector<1x16xf32>,
        %get3A_999 = vector.shape_cast %get3A_998 : vector<1x16xf32> to vector<16xf32>
        %mul3A_1000 = arith.constant 8.000000e+00 : f32
        %mul3A_1001 = vector.broadcast %mul3A_1000 : f32 to vector<16xf32>
        %mul3A_1002 = arith.mulf %get3A_999, %mul3A_1001 : vector<16xf32>
        %get3A_1003 = arith.constant 4 : i32
        %get3A_1004 = arith.index_cast %get3A_1003 : i32 to index
        %get3A_1005 = arith.constant 48 : index
        %get3A_1006 = tpu.vector_load %arg7[%get3A_1004, %get3A_1005] {strides = array<i32>} : memref<8x128xf32, #tpu.memory_space<vmem>>, vector<1x16xf32>,
        %get3A_1007 = vector.shape_cast %get3A_1006 : vector<1x16xf32> to vector<16xf32>
        %add3A_1008 = arith.addf %mul3A_1002, %get3A_1007 : vector<16xf32>
        %swap3A_1009 = arith.index_cast %add3A_941 : i32 to index
        %swap3A_1010 = arith.constant 48 : index
        %swap3A_1011 = tpu.vector_load %arg5[%swap3A_1009, %swap3A_1010] {strides = array<i32>} : memref<256x128xf32, #tpu.memory_space<vmem>>, vector<1x16xf32>,
        %swap3A_1012 = vector.shape_cast %swap3A_1011 : vector<1x16xf32> to vector<16xf32>
        %swap3A_1013 = vector.shape_cast %add3A_1008 : vector<16xf32> to vector<1x16xf32>
        tpu.vector_store %arg5[%swap3A_1009, %swap3A_1010], %swap3A_1013 {strides = array<i32>} : memref<256x128xf32, #tpu.memory_space<vmem>>, vector<1x16xf32>,
        %get3A_1014 = arith.index_cast %add3A_941 : i32 to index
        %get3A_1015 = arith.constant 64 : index
        %get3A_1016 = tpu.vector_load %arg5[%get3A_1014, %get3A_1015] {strides = array<i32>} : memref<256x128xf32, #tpu.memory_space<vmem>>, vector<1x16xf32>,
        %get3A_1017 = vector.shape_cast %get3A_1016 : vector<1x16xf32> to vector<16xf32>
        %mul3A_1018 = arith.constant 8.000000e+00 : f32
        %mul3A_1019 = vector.broadcast %mul3A_1018 : f32 to vector<16xf32>
        %mul3A_1020 = arith.mulf %get3A_1017, %mul3A_1019 : vector<16xf32>
        %get3A_1021 = arith.constant 4 : i32
        %get3A_1022 = arith.index_cast %get3A_1021 : i32 to index
        %get3A_1023 = arith.constant 64 : index
        %get3A_1024 = tpu.vector_load %arg7[%get3A_1022, %get3A_1023] {strides = array<i32>} : memref<8x128xf32, #tpu.memory_space<vmem>>, vector<1x16xf32>,
        %get3A_1025 = vector.shape_cast %get3A_1024 : vector<1x16xf32> to vector<16xf32>
        %add3A_1026 = arith.addf %mul3A_1020, %get3A_1025 : vector<16xf32>
        %swap3A_1027 = arith.index_cast %add3A_941 : i32 to index
        %swap3A_1028 = arith.constant 64 : index
        %swap3A_1029 = tpu.vector_load %arg5[%swap3A_1027, %swap3A_1028] {strides = array<i32>} : memref<256x128xf32, #tpu.memory_space<vmem>>, vector<1x16xf32>,
        %swap3A_1030 = vector.shape_cast %swap3A_1029 : vector<1x16xf32> to vector<16xf32>
        %swap3A_1031 = vector.shape_cast %add3A_1026 : vector<16xf32> to vector<1x16xf32>
        tpu.vector_store %arg5[%swap3A_1027, %swap3A_1028], %swap3A_1031 {strides = array<i32>} : memref<256x128xf32, #tpu.memory_space<vmem>>, vector<1x16xf32>,
        %get3A_1032 = arith.index_cast %add3A_941 : i32 to index
        %get3A_1033 = arith.constant 80 : index
        %get3A_1034 = tpu.vector_load %arg5[%get3A_1032, %get3A_1033] {strides = array<i32>} : memref<256x128xf32, #tpu.memory_space<vmem>>, vector<1x16xf32>,
        %get3A_1035 = vector.shape_cast %get3A_1034 : vector<1x16xf32> to vector<16xf32>
        %mul3A_1036 = arith.constant 8.000000e+00 : f32
        %mul3A_1037 = vector.broadcast %mul3A_1036 : f32 to vector<16xf32>
        %mul3A_1038 = arith.mulf %get3A_1035, %mul3A_1037 : vector<16xf32>
        %get3A_1039 = arith.constant 4 : i32
        %get3A_1040 = arith.index_cast %get3A_1039 : i32 to index
        %get3A_1041 = arith.constant 80 : index
        %get3A_1042 = tpu.vector_load %arg7[%get3A_1040, %get3A_1041] {strides = array<i32>} : memref<8x128xf32, #tpu.memory_space<vmem>>, vector<1x16xf32>,
        %get3A_1043 = vector.shape_cast %get3A_1042 : vector<1x16xf32> to vector<16xf32>
        %add3A_1044 = arith.addf %mul3A_1038, %get3A_1043 : vector<16xf32>
        %swap3A_1045 = arith.index_cast %add3A_941 : i32 to index
        %swap3A_1046 = arith.constant 80 : index
        %swap3A_1047 = tpu.vector_load %arg5[%swap3A_1045, %swap3A_1046] {strides = array<i32>} : memref<256x128xf32, #tpu.memory_space<vmem>>, vector<1x16xf32>,
        %swap3A_1048 = vector.shape_cast %swap3A_1047 : vector<1x16xf32> to vector<16xf32>
        %swap3A_1049 = vector.shape_cast %add3A_1044 : vector<16xf32> to vector<1x16xf32>
        tpu.vector_store %arg5[%swap3A_1045, %swap3A_1046], %swap3A_1049 {strides = array<i32>} : memref<256x128xf32, #tpu.memory_space<vmem>>, vector<1x16xf32>,
        %get3A_1050 = arith.index_cast %add3A_941 : i32 to index
        %get3A_1051 = arith.constant 96 : index
        %get3A_1052 = tpu.vector_load %arg5[%get3A_1050, %get3A_1051] {strides = array<i32>} : memref<256x128xf32, #tpu.memory_space<vmem>>, vector<1x16xf32>,
        %get3A_1053 = vector.shape_cast %get3A_1052 : vector<1x16xf32> to vector<16xf32>
        %mul3A_1054 = arith.constant 8.000000e+00 : f32
        %mul3A_1055 = vector.broadcast %mul3A_1054 : f32 to vector<16xf32>
        %mul3A_1056 = arith.mulf %get3A_1053, %mul3A_1055 : vector<16xf32>
        %get3A_1057 = arith.constant 4 : i32
        %get3A_1058 = arith.index_cast %get3A_1057 : i32 to index
        %get3A_1059 = arith.constant 96 : index
        %get3A_1060 = tpu.vector_load %arg7[%get3A_1058, %get3A_1059] {strides = array<i32>} : memref<8x128xf32, #tpu.memory_space<vmem>>, vector<1x16xf32>,
        %get3A_1061 = vector.shape_cast %get3A_1060 : vector<1x16xf32> to vector<16xf32>
        %add3A_1062 = arith.addf %mul3A_1056, %get3A_1061 : vector<16xf32>
        %swap3A_1063 = arith.index_cast %add3A_941 : i32 to index
        %swap3A_1064 = arith.constant 96 : index
        %swap3A_1065 = tpu.vector_load %arg5[%swap3A_1063, %swap3A_1064] {strides = array<i32>} : memref<256x128xf32, #tpu.memory_space<vmem>>, vector<1x16xf32>,
        %swap3A_1066 = vector.shape_cast %swap3A_1065 : vector<1x16xf32> to vector<16xf32>
        %swap3A_1067 = vector.shape_cast %add3A_1062 : vector<16xf32> to vector<1x16xf32>
        tpu.vector_store %arg5[%swap3A_1063, %swap3A_1064], %swap3A_1067 {strides = array<i32>} : memref<256x128xf32, #tpu.memory_space<vmem>>, vector<1x16xf32>,
        %get3A_1068 = arith.index_cast %add3A_941 : i32 to index
        %get3A_1069 = arith.constant 112 : index
        %get3A_1070 = tpu.vector_load %arg5[%get3A_1068, %get3A_1069] {strides = array<i32>} : memref<256x128xf32, #tpu.memory_space<vmem>>, vector<1x16xf32>,
        %get3A_1071 = vector.shape_cast %get3A_1070 : vector<1x16xf32> to vector<16xf32>
        %mul3A_1072 = arith.constant 8.000000e+00 : f32
        %mul3A_1073 = vector.broadcast %mul3A_1072 : f32 to vector<16xf32>
        %mul3A_1074 = arith.mulf %get3A_1071, %mul3A_1073 : vector<16xf32>
        %get3A_1075 = arith.constant 4 : i32
        %get3A_1076 = arith.index_cast %get3A_1075 : i32 to index
        %get3A_1077 = arith.constant 112 : index
        %get3A_1078 = tpu.vector_load %arg7[%get3A_1076, %get3A_1077] {strides = array<i32>} : memref<8x128xf32, #tpu.memory_space<vmem>>, vector<1x16xf32>,
        %get3A_1079 = vector.shape_cast %get3A_1078 : vector<1x16xf32> to vector<16xf32>
        %add3A_1080 = arith.addf %mul3A_1074, %get3A_1079 : vector<16xf32>
        %swap3A_1081 = arith.index_cast %add3A_941 : i32 to index
        %swap3A_1082 = arith.constant 112 : index
        %swap3A_1083 = tpu.vector_load %arg5[%swap3A_1081, %swap3A_1082] {strides = array<i32>} : memref<256x128xf32, #tpu.memory_space<vmem>>, vector<1x16xf32>,
        %swap3A_1084 = vector.shape_cast %swap3A_1083 : vector<1x16xf32> to vector<16xf32>
        %swap3A_1085 = vector.shape_cast %add3A_1080 : vector<16xf32> to vector<1x16xf32>
        tpu.vector_store %arg5[%swap3A_1081, %swap3A_1082], %swap3A_1085 {strides = array<i32>} : memref<256x128xf32, #tpu.memory_space<vmem>>, vector<1x16xf32>,
        %mul3A_1086 = arith.constant 8 : i32
        %mul3A_1087 = arith.muli %scan3A_346, %mul3A_1086 : i32
        %add3A_1088 = arith.constant 5 : i32
        %add3A_1089 = arith.addi %mul3A_1087, %add3A_1088 : i32
        %get3A_1090 = arith.index_cast %add3A_1089 : i32 to index
        %get3A_1091 = arith.constant 0 : index
        %get3A_1092 = tpu.vector_load %arg5[%get3A_1090, %get3A_1091] {strides = array<i32>} : memref<256x128xf32, #tpu.memory_space<vmem>>, vector<1x16xf32>,
        %get3A_1093 = vector.shape_cast %get3A_1092 : vector<1x16xf32> to vector<16xf32>
        %mul3A_1094 = arith.constant 8.000000e+00 : f32
        %mul3A_1095 = vector.broadcast %mul3A_1094 : f32 to vector<16xf32>
        %mul3A_1096 = arith.mulf %get3A_1093, %mul3A_1095 : vector<16xf32>
        %get3A_1097 = arith.constant 5 : i32
        %get3A_1098 = arith.index_cast %get3A_1097 : i32 to index
        %get3A_1099 = arith.constant 0 : index
        %get3A_1100 = tpu.vector_load %arg7[%get3A_1098, %get3A_1099] {strides = array<i32>} : memref<8x128xf32, #tpu.memory_space<vmem>>, vector<1x16xf32>,
        %get3A_1101 = vector.shape_cast %get3A_1100 : vector<1x16xf32> to vector<16xf32>
        %add3A_1102 = arith.addf %mul3A_1096, %get3A_1101 : vector<16xf32>
        %swap3A_1103 = arith.index_cast %add3A_1089 : i32 to index
        %swap3A_1104 = arith.constant 0 : index
        %swap3A_1105 = tpu.vector_load %arg5[%swap3A_1103, %swap3A_1104] {strides = array<i32>} : memref<256x128xf32, #tpu.memory_space<vmem>>, vector<1x16xf32>,
        %swap3A_1106 = vector.shape_cast %swap3A_1105 : vector<1x16xf32> to vector<16xf32>
        %swap3A_1107 = vector.shape_cast %add3A_1102 : vector<16xf32> to vector<1x16xf32>
        tpu.vector_store %arg5[%swap3A_1103, %swap3A_1104], %swap3A_1107 {strides = array<i32>} : memref<256x128xf32, #tpu.memory_space<vmem>>, vector<1x16xf32>,
        %get3A_1108 = arith.index_cast %add3A_1089 : i32 to index
        %get3A_1109 = arith.constant 16 : index
        %get3A_1110 = tpu.vector_load %arg5[%get3A_1108, %get3A_1109] {strides = array<i32>} : memref<256x128xf32, #tpu.memory_space<vmem>>, vector<1x16xf32>,
        %get3A_1111 = vector.shape_cast %get3A_1110 : vector<1x16xf32> to vector<16xf32>
        %mul3A_1112 = arith.constant 8.000000e+00 : f32
        %mul3A_1113 = vector.broadcast %mul3A_1112 : f32 to vector<16xf32>
        %mul3A_1114 = arith.mulf %get3A_1111, %mul3A_1113 : vector<16xf32>
        %get3A_1115 = arith.constant 5 : i32
        %get3A_1116 = arith.index_cast %get3A_1115 : i32 to index
        %get3A_1117 = arith.constant 16 : index
        %get3A_1118 = tpu.vector_load %arg7[%get3A_1116, %get3A_1117] {strides = array<i32>} : memref<8x128xf32, #tpu.memory_space<vmem>>, vector<1x16xf32>,
        %get3A_1119 = vector.shape_cast %get3A_1118 : vector<1x16xf32> to vector<16xf32>
        %add3A_1120 = arith.addf %mul3A_1114, %get3A_1119 : vector<16xf32>
        %swap3A_1121 = arith.index_cast %add3A_1089 : i32 to index
        %swap3A_1122 = arith.constant 16 : index
        %swap3A_1123 = tpu.vector_load %arg5[%swap3A_1121, %swap3A_1122] {strides = array<i32>} : memref<256x128xf32, #tpu.memory_space<vmem>>, vector<1x16xf32>,
        %swap3A_1124 = vector.shape_cast %swap3A_1123 : vector<1x16xf32> to vector<16xf32>
        %swap3A_1125 = vector.shape_cast %add3A_1120 : vector<16xf32> to vector<1x16xf32>
        tpu.vector_store %arg5[%swap3A_1121, %swap3A_1122], %swap3A_1125 {strides = array<i32>} : memref<256x128xf32, #tpu.memory_space<vmem>>, vector<1x16xf32>,
        %get3A_1126 = arith.index_cast %add3A_1089 : i32 to index
        %get3A_1127 = arith.constant 32 : index
        %get3A_1128 = tpu.vector_load %arg5[%get3A_1126, %get3A_1127] {strides = array<i32>} : memref<256x128xf32, #tpu.memory_space<vmem>>, vector<1x16xf32>,
        %get3A_1129 = vector.shape_cast %get3A_1128 : vector<1x16xf32> to vector<16xf32>
        %mul3A_1130 = arith.constant 8.000000e+00 : f32
        %mul3A_1131 = vector.broadcast %mul3A_1130 : f32 to vector<16xf32>
        %mul3A_1132 = arith.mulf %get3A_1129, %mul3A_1131 : vector<16xf32>
        %get3A_1133 = arith.constant 5 : i32
        %get3A_1134 = arith.index_cast %get3A_1133 : i32 to index
        %get3A_1135 = arith.constant 32 : index
        %get3A_1136 = tpu.vector_load %arg7[%get3A_1134, %get3A_1135] {strides = array<i32>} : memref<8x128xf32, #tpu.memory_space<vmem>>, vector<1x16xf32>,
        %get3A_1137 = vector.shape_cast %get3A_1136 : vector<1x16xf32> to vector<16xf32>
        %add3A_1138 = arith.addf %mul3A_1132, %get3A_1137 : vector<16xf32>
        %swap3A_1139 = arith.index_cast %add3A_1089 : i32 to index
        %swap3A_1140 = arith.constant 32 : index
        %swap3A_1141 = tpu.vector_load %arg5[%swap3A_1139, %swap3A_1140] {strides = array<i32>} : memref<256x128xf32, #tpu.memory_space<vmem>>, vector<1x16xf32>,
        %swap3A_1142 = vector.shape_cast %swap3A_1141 : vector<1x16xf32> to vector<16xf32>
        %swap3A_1143 = vector.shape_cast %add3A_1138 : vector<16xf32> to vector<1x16xf32>
        tpu.vector_store %arg5[%swap3A_1139, %swap3A_1140], %swap3A_1143 {strides = array<i32>} : memref<256x128xf32, #tpu.memory_space<vmem>>, vector<1x16xf32>,
        %get3A_1144 = arith.index_cast %add3A_1089 : i32 to index
        %get3A_1145 = arith.constant 48 : index
        %get3A_1146 = tpu.vector_load %arg5[%get3A_1144, %get3A_1145] {strides = array<i32>} : memref<256x128xf32, #tpu.memory_space<vmem>>, vector<1x16xf32>,
        %get3A_1147 = vector.shape_cast %get3A_1146 : vector<1x16xf32> to vector<16xf32>
        %mul3A_1148 = arith.constant 8.000000e+00 : f32
        %mul3A_1149 = vector.broadcast %mul3A_1148 : f32 to vector<16xf32>
        %mul3A_1150 = arith.mulf %get3A_1147, %mul3A_1149 : vector<16xf32>
        %get3A_1151 = arith.constant 5 : i32
        %get3A_1152 = arith.index_cast %get3A_1151 : i32 to index
        %get3A_1153 = arith.constant 48 : index
        %get3A_1154 = tpu.vector_load %arg7[%get3A_1152, %get3A_1153] {strides = array<i32>} : memref<8x128xf32, #tpu.memory_space<vmem>>, vector<1x16xf32>,
        %get3A_1155 = vector.shape_cast %get3A_1154 : vector<1x16xf32> to vector<16xf32>
        %add3A_1156 = arith.addf %mul3A_1150, %get3A_1155 : vector<16xf32>
        %swap3A_1157 = arith.index_cast %add3A_1089 : i32 to index
        %swap3A_1158 = arith.constant 48 : index
        %swap3A_1159 = tpu.vector_load %arg5[%swap3A_1157, %swap3A_1158] {strides = array<i32>} : memref<256x128xf32, #tpu.memory_space<vmem>>, vector<1x16xf32>,
        %swap3A_1160 = vector.shape_cast %swap3A_1159 : vector<1x16xf32> to vector<16xf32>
        %swap3A_1161 = vector.shape_cast %add3A_1156 : vector<16xf32> to vector<1x16xf32>
        tpu.vector_store %arg5[%swap3A_1157, %swap3A_1158], %swap3A_1161 {strides = array<i32>} : memref<256x128xf32, #tpu.memory_space<vmem>>, vector<1x16xf32>,
        %get3A_1162 = arith.index_cast %add3A_1089 : i32 to index
        %get3A_1163 = arith.constant 64 : index
        %get3A_1164 = tpu.vector_load %arg5[%get3A_1162, %get3A_1163] {strides = array<i32>} : memref<256x128xf32, #tpu.memory_space<vmem>>, vector<1x16xf32>,
        %get3A_1165 = vector.shape_cast %get3A_1164 : vector<1x16xf32> to vector<16xf32>
        %mul3A_1166 = arith.constant 8.000000e+00 : f32
        %mul3A_1167 = vector.broadcast %mul3A_1166 : f32 to vector<16xf32>
        %mul3A_1168 = arith.mulf %get3A_1165, %mul3A_1167 : vector<16xf32>
        %get3A_1169 = arith.constant 5 : i32
        %get3A_1170 = arith.index_cast %get3A_1169 : i32 to index
        %get3A_1171 = arith.constant 64 : index
        %get3A_1172 = tpu.vector_load %arg7[%get3A_1170, %get3A_1171] {strides = array<i32>} : memref<8x128xf32, #tpu.memory_space<vmem>>, vector<1x16xf32>,
        %get3A_1173 = vector.shape_cast %get3A_1172 : vector<1x16xf32> to vector<16xf32>
        %add3A_1174 = arith.addf %mul3A_1168, %get3A_1173 : vector<16xf32>
        %swap3A_1175 = arith.index_cast %add3A_1089 : i32 to index
        %swap3A_1176 = arith.constant 64 : index
        %swap3A_1177 = tpu.vector_load %arg5[%swap3A_1175, %swap3A_1176] {strides = array<i32>} : memref<256x128xf32, #tpu.memory_space<vmem>>, vector<1x16xf32>,
        %swap3A_1178 = vector.shape_cast %swap3A_1177 : vector<1x16xf32> to vector<16xf32>
        %swap3A_1179 = vector.shape_cast %add3A_1174 : vector<16xf32> to vector<1x16xf32>
        tpu.vector_store %arg5[%swap3A_1175, %swap3A_1176], %swap3A_1179 {strides = array<i32>} : memref<256x128xf32, #tpu.memory_space<vmem>>, vector<1x16xf32>,
        %get3A_1180 = arith.index_cast %add3A_1089 : i32 to index
        %get3A_1181 = arith.constant 80 : index
        %get3A_1182 = tpu.vector_load %arg5[%get3A_1180, %get3A_1181] {strides = array<i32>} : memref<256x128xf32, #tpu.memory_space<vmem>>, vector<1x16xf32>,
        %get3A_1183 = vector.shape_cast %get3A_1182 : vector<1x16xf32> to vector<16xf32>
        %mul3A_1184 = arith.constant 8.000000e+00 : f32
        %mul3A_1185 = vector.broadcast %mul3A_1184 : f32 to vector<16xf32>
        %mul3A_1186 = arith.mulf %get3A_1183, %mul3A_1185 : vector<16xf32>
        %get3A_1187 = arith.constant 5 : i32
        %get3A_1188 = arith.index_cast %get3A_1187 : i32 to index
        %get3A_1189 = arith.constant 80 : index
        %get3A_1190 = tpu.vector_load %arg7[%get3A_1188, %get3A_1189] {strides = array<i32>} : memref<8x128xf32, #tpu.memory_space<vmem>>, vector<1x16xf32>,
        %get3A_1191 = vector.shape_cast %get3A_1190 : vector<1x16xf32> to vector<16xf32>
        %add3A_1192 = arith.addf %mul3A_1186, %get3A_1191 : vector<16xf32>
        %swap3A_1193 = arith.index_cast %add3A_1089 : i32 to index
        %swap3A_1194 = arith.constant 80 : index
        %swap3A_1195 = tpu.vector_load %arg5[%swap3A_1193, %swap3A_1194] {strides = array<i32>} : memref<256x128xf32, #tpu.memory_space<vmem>>, vector<1x16xf32>,
        %swap3A_1196 = vector.shape_cast %swap3A_1195 : vector<1x16xf32> to vector<16xf32>
        %swap3A_1197 = vector.shape_cast %add3A_1192 : vector<16xf32> to vector<1x16xf32>
        tpu.vector_store %arg5[%swap3A_1193, %swap3A_1194], %swap3A_1197 {strides = array<i32>} : memref<256x128xf32, #tpu.memory_space<vmem>>, vector<1x16xf32>,
        %get3A_1198 = arith.index_cast %add3A_1089 : i32 to index
        %get3A_1199 = arith.constant 96 : index
        %get3A_1200 = tpu.vector_load %arg5[%get3A_1198, %get3A_1199] {strides = array<i32>} : memref<256x128xf32, #tpu.memory_space<vmem>>, vector<1x16xf32>,
        %get3A_1201 = vector.shape_cast %get3A_1200 : vector<1x16xf32> to vector<16xf32>
        %mul3A_1202 = arith.constant 8.000000e+00 : f32
        %mul3A_1203 = vector.broadcast %mul3A_1202 : f32 to vector<16xf32>
        %mul3A_1204 = arith.mulf %get3A_1201, %mul3A_1203 : vector<16xf32>
        %get3A_1205 = arith.constant 5 : i32
        %get3A_1206 = arith.index_cast %get3A_1205 : i32 to index
        %get3A_1207 = arith.constant 96 : index
        %get3A_1208 = tpu.vector_load %arg7[%get3A_1206, %get3A_1207] {strides = array<i32>} : memref<8x128xf32, #tpu.memory_space<vmem>>, vector<1x16xf32>,
        %get3A_1209 = vector.shape_cast %get3A_1208 : vector<1x16xf32> to vector<16xf32>
        %add3A_1210 = arith.addf %mul3A_1204, %get3A_1209 : vector<16xf32>
        %swap3A_1211 = arith.index_cast %add3A_1089 : i32 to index
        %swap3A_1212 = arith.constant 96 : index
        %swap3A_1213 = tpu.vector_load %arg5[%swap3A_1211, %swap3A_1212] {strides = array<i32>} : memref<256x128xf32, #tpu.memory_space<vmem>>, vector<1x16xf32>,
        %swap3A_1214 = vector.shape_cast %swap3A_1213 : vector<1x16xf32> to vector<16xf32>
        %swap3A_1215 = vector.shape_cast %add3A_1210 : vector<16xf32> to vector<1x16xf32>
        tpu.vector_store %arg5[%swap3A_1211, %swap3A_1212], %swap3A_1215 {strides = array<i32>} : memref<256x128xf32, #tpu.memory_space<vmem>>, vector<1x16xf32>,
        %get3A_1216 = arith.index_cast %add3A_1089 : i32 to index
        %get3A_1217 = arith.constant 112 : index
        %get3A_1218 = tpu.vector_load %arg5[%get3A_1216, %get3A_1217] {strides = array<i32>} : memref<256x128xf32, #tpu.memory_space<vmem>>, vector<1x16xf32>,
        %get3A_1219 = vector.shape_cast %get3A_1218 : vector<1x16xf32> to vector<16xf32>
        %mul3A_1220 = arith.constant 8.000000e+00 : f32
        %mul3A_1221 = vector.broadcast %mul3A_1220 : f32 to vector<16xf32>
        %mul3A_1222 = arith.mulf %get3A_1219, %mul3A_1221 : vector<16xf32>
        %get3A_1223 = arith.constant 5 : i32
        %get3A_1224 = arith.index_cast %get3A_1223 : i32 to index
        %get3A_1225 = arith.constant 112 : index
        %get3A_1226 = tpu.vector_load %arg7[%get3A_1224, %get3A_1225] {strides = array<i32>} : memref<8x128xf32, #tpu.memory_space<vmem>>, vector<1x16xf32>,
        %get3A_1227 = vector.shape_cast %get3A_1226 : vector<1x16xf32> to vector<16xf32>
        %add3A_1228 = arith.addf %mul3A_1222, %get3A_1227 : vector<16xf32>
        %swap3A_1229 = arith.index_cast %add3A_1089 : i32 to index
        %swap3A_1230 = arith.constant 112 : index
        %swap3A_1231 = tpu.vector_load %arg5[%swap3A_1229, %swap3A_1230] {strides = array<i32>} : memref<256x128xf32, #tpu.memory_space<vmem>>, vector<1x16xf32>,
        %swap3A_1232 = vector.shape_cast %swap3A_1231 : vector<1x16xf32> to vector<16xf32>
        %swap3A_1233 = vector.shape_cast %add3A_1228 : vector<16xf32> to vector<1x16xf32>
        tpu.vector_store %arg5[%swap3A_1229, %swap3A_1230], %swap3A_1233 {strides = array<i32>} : memref<256x128xf32, #tpu.memory_space<vmem>>, vector<1x16xf32>,
        %mul3A_1234 = arith.constant 8 : i32
        %mul3A_1235 = arith.muli %scan3A_346, %mul3A_1234 : i32
        %add3A_1236 = arith.constant 6 : i32
        %add3A_1237 = arith.addi %mul3A_1235, %add3A_1236 : i32
        %get3A_1238 = arith.index_cast %add3A_1237 : i32 to index
        %get3A_1239 = arith.constant 0 : index
        %get3A_1240 = tpu.vector_load %arg5[%get3A_1238, %get3A_1239] {strides = array<i32>} : memref<256x128xf32, #tpu.memory_space<vmem>>, vector<1x16xf32>,
        %get3A_1241 = vector.shape_cast %get3A_1240 : vector<1x16xf32> to vector<16xf32>
        %mul3A_1242 = arith.constant 8.000000e+00 : f32
        %mul3A_1243 = vector.broadcast %mul3A_1242 : f32 to vector<16xf32>
        %mul3A_1244 = arith.mulf %get3A_1241, %mul3A_1243 : vector<16xf32>
        %get3A_1245 = arith.constant 6 : i32
        %get3A_1246 = arith.index_cast %get3A_1245 : i32 to index
        %get3A_1247 = arith.constant 0 : index
        %get3A_1248 = tpu.vector_load %arg7[%get3A_1246, %get3A_1247] {strides = array<i32>} : memref<8x128xf32, #tpu.memory_space<vmem>>, vector<1x16xf32>,
        %get3A_1249 = vector.shape_cast %get3A_1248 : vector<1x16xf32> to vector<16xf32>
        %add3A_1250 = arith.addf %mul3A_1244, %get3A_1249 : vector<16xf32>
        %swap3A_1251 = arith.index_cast %add3A_1237 : i32 to index
        %swap3A_1252 = arith.constant 0 : index
        %swap3A_1253 = tpu.vector_load %arg5[%swap3A_1251, %swap3A_1252] {strides = array<i32>} : memref<256x128xf32, #tpu.memory_space<vmem>>, vector<1x16xf32>,
        %swap3A_1254 = vector.shape_cast %swap3A_1253 : vector<1x16xf32> to vector<16xf32>
        %swap3A_1255 = vector.shape_cast %add3A_1250 : vector<16xf32> to vector<1x16xf32>
        tpu.vector_store %arg5[%swap3A_1251, %swap3A_1252], %swap3A_1255 {strides = array<i32>} : memref<256x128xf32, #tpu.memory_space<vmem>>, vector<1x16xf32>,
        %get3A_1256 = arith.index_cast %add3A_1237 : i32 to index
        %get3A_1257 = arith.constant 16 : index
        %get3A_1258 = tpu.vector_load %arg5[%get3A_1256, %get3A_1257] {strides = array<i32>} : memref<256x128xf32, #tpu.memory_space<vmem>>, vector<1x16xf32>,
        %get3A_1259 = vector.shape_cast %get3A_1258 : vector<1x16xf32> to vector<16xf32>
        %mul3A_1260 = arith.constant 8.000000e+00 : f32
        %mul3A_1261 = vector.broadcast %mul3A_1260 : f32 to vector<16xf32>
        %mul3A_1262 = arith.mulf %get3A_1259, %mul3A_1261 : vector<16xf32>
        %get3A_1263 = arith.constant 6 : i32
        %get3A_1264 = arith.index_cast %get3A_1263 : i32 to index
        %get3A_1265 = arith.constant 16 : index
        %get3A_1266 = tpu.vector_load %arg7[%get3A_1264, %get3A_1265] {strides = array<i32>} : memref<8x128xf32, #tpu.memory_space<vmem>>, vector<1x16xf32>,
        %get3A_1267 = vector.shape_cast %get3A_1266 : vector<1x16xf32> to vector<16xf32>
        %add3A_1268 = arith.addf %mul3A_1262, %get3A_1267 : vector<16xf32>
        %swap3A_1269 = arith.index_cast %add3A_1237 : i32 to index
        %swap3A_1270 = arith.constant 16 : index
        %swap3A_1271 = tpu.vector_load %arg5[%swap3A_1269, %swap3A_1270] {strides = array<i32>} : memref<256x128xf32, #tpu.memory_space<vmem>>, vector<1x16xf32>,
        %swap3A_1272 = vector.shape_cast %swap3A_1271 : vector<1x16xf32> to vector<16xf32>
        %swap3A_1273 = vector.shape_cast %add3A_1268 : vector<16xf32> to vector<1x16xf32>
        tpu.vector_store %arg5[%swap3A_1269, %swap3A_1270], %swap3A_1273 {strides = array<i32>} : memref<256x128xf32, #tpu.memory_space<vmem>>, vector<1x16xf32>,
        %get3A_1274 = arith.index_cast %add3A_1237 : i32 to index
        %get3A_1275 = arith.constant 32 : index
        %get3A_1276 = tpu.vector_load %arg5[%get3A_1274, %get3A_1275] {strides = array<i32>} : memref<256x128xf32, #tpu.memory_space<vmem>>, vector<1x16xf32>,
        %get3A_1277 = vector.shape_cast %get3A_1276 : vector<1x16xf32> to vector<16xf32>
        %mul3A_1278 = arith.constant 8.000000e+00 : f32
        %mul3A_1279 = vector.broadcast %mul3A_1278 : f32 to vector<16xf32>
        %mul3A_1280 = arith.mulf %get3A_1277, %mul3A_1279 : vector<16xf32>
        %get3A_1281 = arith.constant 6 : i32
        %get3A_1282 = arith.index_cast %get3A_1281 : i32 to index
        %get3A_1283 = arith.constant 32 : index
        %get3A_1284 = tpu.vector_load %arg7[%get3A_1282, %get3A_1283] {strides = array<i32>} : memref<8x128xf32, #tpu.memory_space<vmem>>, vector<1x16xf32>,
        %get3A_1285 = vector.shape_cast %get3A_1284 : vector<1x16xf32> to vector<16xf32>
        %add3A_1286 = arith.addf %mul3A_1280, %get3A_1285 : vector<16xf32>
        %swap3A_1287 = arith.index_cast %add3A_1237 : i32 to index
        %swap3A_1288 = arith.constant 32 : index
        %swap3A_1289 = tpu.vector_load %arg5[%swap3A_1287, %swap3A_1288] {strides = array<i32>} : memref<256x128xf32, #tpu.memory_space<vmem>>, vector<1x16xf32>,
        %swap3A_1290 = vector.shape_cast %swap3A_1289 : vector<1x16xf32> to vector<16xf32>
        %swap3A_1291 = vector.shape_cast %add3A_1286 : vector<16xf32> to vector<1x16xf32>
        tpu.vector_store %arg5[%swap3A_1287, %swap3A_1288], %swap3A_1291 {strides = array<i32>} : memref<256x128xf32, #tpu.memory_space<vmem>>, vector<1x16xf32>,
        %get3A_1292 = arith.index_cast %add3A_1237 : i32 to index
        %get3A_1293 = arith.constant 48 : index
        %get3A_1294 = tpu.vector_load %arg5[%get3A_1292, %get3A_1293] {strides = array<i32>} : memref<256x128xf32, #tpu.memory_space<vmem>>, vector<1x16xf32>,
        %get3A_1295 = vector.shape_cast %get3A_1294 : vector<1x16xf32> to vector<16xf32>
        %mul3A_1296 = arith.constant 8.000000e+00 : f32
        %mul3A_1297 = vector.broadcast %mul3A_1296 : f32 to vector<16xf32>
        %mul3A_1298 = arith.mulf %get3A_1295, %mul3A_1297 : vector<16xf32>
        %get3A_1299 = arith.constant 6 : i32
        %get3A_1300 = arith.index_cast %get3A_1299 : i32 to index
        %get3A_1301 = arith.constant 48 : index
        %get3A_1302 = tpu.vector_load %arg7[%get3A_1300, %get3A_1301] {strides = array<i32>} : memref<8x128xf32, #tpu.memory_space<vmem>>, vector<1x16xf32>,
        %get3A_1303 = vector.shape_cast %get3A_1302 : vector<1x16xf32> to vector<16xf32>
        %add3A_1304 = arith.addf %mul3A_1298, %get3A_1303 : vector<16xf32>
        %swap3A_1305 = arith.index_cast %add3A_1237 : i32 to index
        %swap3A_1306 = arith.constant 48 : index
        %swap3A_1307 = tpu.vector_load %arg5[%swap3A_1305, %swap3A_1306] {strides = array<i32>} : memref<256x128xf32, #tpu.memory_space<vmem>>, vector<1x16xf32>,
        %swap3A_1308 = vector.shape_cast %swap3A_1307 : vector<1x16xf32> to vector<16xf32>
        %swap3A_1309 = vector.shape_cast %add3A_1304 : vector<16xf32> to vector<1x16xf32>
        tpu.vector_store %arg5[%swap3A_1305, %swap3A_1306], %swap3A_1309 {strides = array<i32>} : memref<256x128xf32, #tpu.memory_space<vmem>>, vector<1x16xf32>,
        %get3A_1310 = arith.index_cast %add3A_1237 : i32 to index
        %get3A_1311 = arith.constant 64 : index
        %get3A_1312 = tpu.vector_load %arg5[%get3A_1310, %get3A_1311] {strides = array<i32>} : memref<256x128xf32, #tpu.memory_space<vmem>>, vector<1x16xf32>,
        %get3A_1313 = vector.shape_cast %get3A_1312 : vector<1x16xf32> to vector<16xf32>
        %mul3A_1314 = arith.constant 8.000000e+00 : f32
        %mul3A_1315 = vector.broadcast %mul3A_1314 : f32 to vector<16xf32>
        %mul3A_1316 = arith.mulf %get3A_1313, %mul3A_1315 : vector<16xf32>
        %get3A_1317 = arith.constant 6 : i32
        %get3A_1318 = arith.index_cast %get3A_1317 : i32 to index
        %get3A_1319 = arith.constant 64 : index
        %get3A_1320 = tpu.vector_load %arg7[%get3A_1318, %get3A_1319] {strides = array<i32>} : memref<8x128xf32, #tpu.memory_space<vmem>>, vector<1x16xf32>,
        %get3A_1321 = vector.shape_cast %get3A_1320 : vector<1x16xf32> to vector<16xf32>
        %add3A_1322 = arith.addf %mul3A_1316, %get3A_1321 : vector<16xf32>
        %swap3A_1323 = arith.index_cast %add3A_1237 : i32 to index
        %swap3A_1324 = arith.constant 64 : index
        %swap3A_1325 = tpu.vector_load %arg5[%swap3A_1323, %swap3A_1324] {strides = array<i32>} : memref<256x128xf32, #tpu.memory_space<vmem>>, vector<1x16xf32>,
        %swap3A_1326 = vector.shape_cast %swap3A_1325 : vector<1x16xf32> to vector<16xf32>
        %swap3A_1327 = vector.shape_cast %add3A_1322 : vector<16xf32> to vector<1x16xf32>
        tpu.vector_store %arg5[%swap3A_1323, %swap3A_1324], %swap3A_1327 {strides = array<i32>} : memref<256x128xf32, #tpu.memory_space<vmem>>, vector<1x16xf32>,
        %get3A_1328 = arith.index_cast %add3A_1237 : i32 to index
        %get3A_1329 = arith.constant 80 : index
        %get3A_1330 = tpu.vector_load %arg5[%get3A_1328, %get3A_1329] {strides = array<i32>} : memref<256x128xf32, #tpu.memory_space<vmem>>, vector<1x16xf32>,
        %get3A_1331 = vector.shape_cast %get3A_1330 : vector<1x16xf32> to vector<16xf32>
        %mul3A_1332 = arith.constant 8.000000e+00 : f32
        %mul3A_1333 = vector.broadcast %mul3A_1332 : f32 to vector<16xf32>
        %mul3A_1334 = arith.mulf %get3A_1331, %mul3A_1333 : vector<16xf32>
        %get3A_1335 = arith.constant 6 : i32
        %get3A_1336 = arith.index_cast %get3A_1335 : i32 to index
        %get3A_1337 = arith.constant 80 : index
        %get3A_1338 = tpu.vector_load %arg7[%get3A_1336, %get3A_1337] {strides = array<i32>} : memref<8x128xf32, #tpu.memory_space<vmem>>, vector<1x16xf32>,
        %get3A_1339 = vector.shape_cast %get3A_1338 : vector<1x16xf32> to vector<16xf32>
        %add3A_1340 = arith.addf %mul3A_1334, %get3A_1339 : vector<16xf32>
        %swap3A_1341 = arith.index_cast %add3A_1237 : i32 to index
        %swap3A_1342 = arith.constant 80 : index
        %swap3A_1343 = tpu.vector_load %arg5[%swap3A_1341, %swap3A_1342] {strides = array<i32>} : memref<256x128xf32, #tpu.memory_space<vmem>>, vector<1x16xf32>,
        %swap3A_1344 = vector.shape_cast %swap3A_1343 : vector<1x16xf32> to vector<16xf32>
        %swap3A_1345 = vector.shape_cast %add3A_1340 : vector<16xf32> to vector<1x16xf32>
        tpu.vector_store %arg5[%swap3A_1341, %swap3A_1342], %swap3A_1345 {strides = array<i32>} : memref<256x128xf32, #tpu.memory_space<vmem>>, vector<1x16xf32>,
        %get3A_1346 = arith.index_cast %add3A_1237 : i32 to index
        %get3A_1347 = arith.constant 96 : index
        %get3A_1348 = tpu.vector_load %arg5[%get3A_1346, %get3A_1347] {strides = array<i32>} : memref<256x128xf32, #tpu.memory_space<vmem>>, vector<1x16xf32>,
        %get3A_1349 = vector.shape_cast %get3A_1348 : vector<1x16xf32> to vector<16xf32>
        %mul3A_1350 = arith.constant 8.000000e+00 : f32
        %mul3A_1351 = vector.broadcast %mul3A_1350 : f32 to vector<16xf32>
        %mul3A_1352 = arith.mulf %get3A_1349, %mul3A_1351 : vector<16xf32>
        %get3A_1353 = arith.constant 6 : i32
        %get3A_1354 = arith.index_cast %get3A_1353 : i32 to index
        %get3A_1355 = arith.constant 96 : index
        %get3A_1356 = tpu.vector_load %arg7[%get3A_1354, %get3A_1355] {strides = array<i32>} : memref<8x128xf32, #tpu.memory_space<vmem>>, vector<1x16xf32>,
        %get3A_1357 = vector.shape_cast %get3A_1356 : vector<1x16xf32> to vector<16xf32>
        %add3A_1358 = arith.addf %mul3A_1352, %get3A_1357 : vector<16xf32>
        %swap3A_1359 = arith.index_cast %add3A_1237 : i32 to index
        %swap3A_1360 = arith.constant 96 : index
        %swap3A_1361 = tpu.vector_load %arg5[%swap3A_1359, %swap3A_1360] {strides = array<i32>} : memref<256x128xf32, #tpu.memory_space<vmem>>, vector<1x16xf32>,
        %swap3A_1362 = vector.shape_cast %swap3A_1361 : vector<1x16xf32> to vector<16xf32>
        %swap3A_1363 = vector.shape_cast %add3A_1358 : vector<16xf32> to vector<1x16xf32>
        tpu.vector_store %arg5[%swap3A_1359, %swap3A_1360], %swap3A_1363 {strides = array<i32>} : memref<256x128xf32, #tpu.memory_space<vmem>>, vector<1x16xf32>,
        %get3A_1364 = arith.index_cast %add3A_1237 : i32 to index
        %get3A_1365 = arith.constant 112 : index
        %get3A_1366 = tpu.vector_load %arg5[%get3A_1364, %get3A_1365] {strides = array<i32>} : memref<256x128xf32, #tpu.memory_space<vmem>>, vector<1x16xf32>,
        %get3A_1367 = vector.shape_cast %get3A_1366 : vector<1x16xf32> to vector<16xf32>
        %mul3A_1368 = arith.constant 8.000000e+00 : f32
        %mul3A_1369 = vector.broadcast %mul3A_1368 : f32 to vector<16xf32>
        %mul3A_1370 = arith.mulf %get3A_1367, %mul3A_1369 : vector<16xf32>
        %get3A_1371 = arith.constant 6 : i32
        %get3A_1372 = arith.index_cast %get3A_1371 : i32 to index
        %get3A_1373 = arith.constant 112 : index
        %get3A_1374 = tpu.vector_load %arg7[%get3A_1372, %get3A_1373] {strides = array<i32>} : memref<8x128xf32, #tpu.memory_space<vmem>>, vector<1x16xf32>,
        %get3A_1375 = vector.shape_cast %get3A_1374 : vector<1x16xf32> to vector<16xf32>
        %add3A_1376 = arith.addf %mul3A_1370, %get3A_1375 : vector<16xf32>
        %swap3A_1377 = arith.index_cast %add3A_1237 : i32 to index
        %swap3A_1378 = arith.constant 112 : index
        %swap3A_1379 = tpu.vector_load %arg5[%swap3A_1377, %swap3A_1378] {strides = array<i32>} : memref<256x128xf32, #tpu.memory_space<vmem>>, vector<1x16xf32>,
        %swap3A_1380 = vector.shape_cast %swap3A_1379 : vector<1x16xf32> to vector<16xf32>
        %swap3A_1381 = vector.shape_cast %add3A_1376 : vector<16xf32> to vector<1x16xf32>
        tpu.vector_store %arg5[%swap3A_1377, %swap3A_1378], %swap3A_1381 {strides = array<i32>} : memref<256x128xf32, #tpu.memory_space<vmem>>, vector<1x16xf32>,
        %mul3A_1382 = arith.constant 8 : i32
        %mul3A_1383 = arith.muli %scan3A_346, %mul3A_1382 : i32
        %add3A_1384 = arith.constant 7 : i32
        %add3A_1385 = arith.addi %mul3A_1383, %add3A_1384 : i32
        %get3A_1386 = arith.index_cast %add3A_1385 : i32 to index
        %get3A_1387 = arith.constant 0 : index
        %get3A_1388 = tpu.vector_load %arg5[%get3A_1386, %get3A_1387] {strides = array<i32>} : memref<256x128xf32, #tpu.memory_space<vmem>>, vector<1x16xf32>,
        %get3A_1389 = vector.shape_cast %get3A_1388 : vector<1x16xf32> to vector<16xf32>
        %mul3A_1390 = arith.constant 8.000000e+00 : f32
        %mul3A_1391 = vector.broadcast %mul3A_1390 : f32 to vector<16xf32>
        %mul3A_1392 = arith.mulf %get3A_1389, %mul3A_1391 : vector<16xf32>
        %get3A_1393 = arith.constant 7 : i32
        %get3A_1394 = arith.index_cast %get3A_1393 : i32 to index
        %get3A_1395 = arith.constant 0 : index
        %get3A_1396 = tpu.vector_load %arg7[%get3A_1394, %get3A_1395] {strides = array<i32>} : memref<8x128xf32, #tpu.memory_space<vmem>>, vector<1x16xf32>,
        %get3A_1397 = vector.shape_cast %get3A_1396 : vector<1x16xf32> to vector<16xf32>
        %add3A_1398 = arith.addf %mul3A_1392, %get3A_1397 : vector<16xf32>
        %swap3A_1399 = arith.index_cast %add3A_1385 : i32 to index
        %swap3A_1400 = arith.constant 0 : index
        %swap3A_1401 = tpu.vector_load %arg5[%swap3A_1399, %swap3A_1400] {strides = array<i32>} : memref<256x128xf32, #tpu.memory_space<vmem>>, vector<1x16xf32>,
        %swap3A_1402 = vector.shape_cast %swap3A_1401 : vector<1x16xf32> to vector<16xf32>
        %swap3A_1403 = vector.shape_cast %add3A_1398 : vector<16xf32> to vector<1x16xf32>
        tpu.vector_store %arg5[%swap3A_1399, %swap3A_1400], %swap3A_1403 {strides = array<i32>} : memref<256x128xf32, #tpu.memory_space<vmem>>, vector<1x16xf32>,
        %get3A_1404 = arith.index_cast %add3A_1385 : i32 to index
        %get3A_1405 = arith.constant 16 : index
        %get3A_1406 = tpu.vector_load %arg5[%get3A_1404, %get3A_1405] {strides = array<i32>} : memref<256x128xf32, #tpu.memory_space<vmem>>, vector<1x16xf32>,
        %get3A_1407 = vector.shape_cast %get3A_1406 : vector<1x16xf32> to vector<16xf32>
        %mul3A_1408 = arith.constant 8.000000e+00 : f32
        %mul3A_1409 = vector.broadcast %mul3A_1408 : f32 to vector<16xf32>
        %mul3A_1410 = arith.mulf %get3A_1407, %mul3A_1409 : vector<16xf32>
        %get3A_1411 = arith.constant 7 : i32
        %get3A_1412 = arith.index_cast %get3A_1411 : i32 to index
        %get3A_1413 = arith.constant 16 : index
        %get3A_1414 = tpu.vector_load %arg7[%get3A_1412, %get3A_1413] {strides = array<i32>} : memref<8x128xf32, #tpu.memory_space<vmem>>, vector<1x16xf32>,
        %get3A_1415 = vector.shape_cast %get3A_1414 : vector<1x16xf32> to vector<16xf32>
        %add3A_1416 = arith.addf %mul3A_1410, %get3A_1415 : vector<16xf32>
        %swap3A_1417 = arith.index_cast %add3A_1385 : i32 to index
        %swap3A_1418 = arith.constant 16 : index
        %swap3A_1419 = tpu.vector_load %arg5[%swap3A_1417, %swap3A_1418] {strides = array<i32>} : memref<256x128xf32, #tpu.memory_space<vmem>>, vector<1x16xf32>,
        %swap3A_1420 = vector.shape_cast %swap3A_1419 : vector<1x16xf32> to vector<16xf32>
        %swap3A_1421 = vector.shape_cast %add3A_1416 : vector<16xf32> to vector<1x16xf32>
        tpu.vector_store %arg5[%swap3A_1417, %swap3A_1418], %swap3A_1421 {strides = array<i32>} : memref<256x128xf32, #tpu.memory_space<vmem>>, vector<1x16xf32>,
        %get3A_1422 = arith.index_cast %add3A_1385 : i32 to index
        %get3A_1423 = arith.constant 32 : index
        %get3A_1424 = tpu.vector_load %arg5[%get3A_1422, %get3A_1423] {strides = array<i32>} : memref<256x128xf32, #tpu.memory_space<vmem>>, vector<1x16xf32>,
        %get3A_1425 = vector.shape_cast %get3A_1424 : vector<1x16xf32> to vector<16xf32>
        %mul3A_1426 = arith.constant 8.000000e+00 : f32
        %mul3A_1427 = vector.broadcast %mul3A_1426 : f32 to vector<16xf32>
        %mul3A_1428 = arith.mulf %get3A_1425, %mul3A_1427 : vector<16xf32>
        %get3A_1429 = arith.constant 7 : i32
        %get3A_1430 = arith.index_cast %get3A_1429 : i32 to index
        %get3A_1431 = arith.constant 32 : index
        %get3A_1432 = tpu.vector_load %arg7[%get3A_1430, %get3A_1431] {strides = array<i32>} : memref<8x128xf32, #tpu.memory_space<vmem>>, vector<1x16xf32>,
        %get3A_1433 = vector.shape_cast %get3A_1432 : vector<1x16xf32> to vector<16xf32>
        %add3A_1434 = arith.addf %mul3A_1428, %get3A_1433 : vector<16xf32>
        %swap3A_1435 = arith.index_cast %add3A_1385 : i32 to index
        %swap3A_1436 = arith.constant 32 : index
        %swap3A_1437 = tpu.vector_load %arg5[%swap3A_1435, %swap3A_1436] {strides = array<i32>} : memref<256x128xf32, #tpu.memory_space<vmem>>, vector<1x16xf32>,
        %swap3A_1438 = vector.shape_cast %swap3A_1437 : vector<1x16xf32> to vector<16xf32>
        %swap3A_1439 = vector.shape_cast %add3A_1434 : vector<16xf32> to vector<1x16xf32>
        tpu.vector_store %arg5[%swap3A_1435, %swap3A_1436], %swap3A_1439 {strides = array<i32>} : memref<256x128xf32, #tpu.memory_space<vmem>>, vector<1x16xf32>,
        %get3A_1440 = arith.index_cast %add3A_1385 : i32 to index
        %get3A_1441 = arith.constant 48 : index
        %get3A_1442 = tpu.vector_load %arg5[%get3A_1440, %get3A_1441] {strides = array<i32>} : memref<256x128xf32, #tpu.memory_space<vmem>>, vector<1x16xf32>,
        %get3A_1443 = vector.shape_cast %get3A_1442 : vector<1x16xf32> to vector<16xf32>
        %mul3A_1444 = arith.constant 8.000000e+00 : f32
        %mul3A_1445 = vector.broadcast %mul3A_1444 : f32 to vector<16xf32>
        %mul3A_1446 = arith.mulf %get3A_1443, %mul3A_1445 : vector<16xf32>
        %get3A_1447 = arith.constant 7 : i32
        %get3A_1448 = arith.index_cast %get3A_1447 : i32 to index
        %get3A_1449 = arith.constant 48 : index
        %get3A_1450 = tpu.vector_load %arg7[%get3A_1448, %get3A_1449] {strides = array<i32>} : memref<8x128xf32, #tpu.memory_space<vmem>>, vector<1x16xf32>,
        %get3A_1451 = vector.shape_cast %get3A_1450 : vector<1x16xf32> to vector<16xf32>
        %add3A_1452 = arith.addf %mul3A_1446, %get3A_1451 : vector<16xf32>
        %swap3A_1453 = arith.index_cast %add3A_1385 : i32 to index
        %swap3A_1454 = arith.constant 48 : index
        %swap3A_1455 = tpu.vector_load %arg5[%swap3A_1453, %swap3A_1454] {strides = array<i32>} : memref<256x128xf32, #tpu.memory_space<vmem>>, vector<1x16xf32>,
        %swap3A_1456 = vector.shape_cast %swap3A_1455 : vector<1x16xf32> to vector<16xf32>
        %swap3A_1457 = vector.shape_cast %add3A_1452 : vector<16xf32> to vector<1x16xf32>
        tpu.vector_store %arg5[%swap3A_1453, %swap3A_1454], %swap3A_1457 {strides = array<i32>} : memref<256x128xf32, #tpu.memory_space<vmem>>, vector<1x16xf32>,
        %get3A_1458 = arith.index_cast %add3A_1385 : i32 to index
        %get3A_1459 = arith.constant 64 : index
        %get3A_1460 = tpu.vector_load %arg5[%get3A_1458, %get3A_1459] {strides = array<i32>} : memref<256x128xf32, #tpu.memory_space<vmem>>, vector<1x16xf32>,
        %get3A_1461 = vector.shape_cast %get3A_1460 : vector<1x16xf32> to vector<16xf32>
        %mul3A_1462 = arith.constant 8.000000e+00 : f32
        %mul3A_1463 = vector.broadcast %mul3A_1462 : f32 to vector<16xf32>
        %mul3A_1464 = arith.mulf %get3A_1461, %mul3A_1463 : vector<16xf32>
        %get3A_1465 = arith.constant 7 : i32
        %get3A_1466 = arith.index_cast %get3A_1465 : i32 to index
        %get3A_1467 = arith.constant 64 : index
        %get3A_1468 = tpu.vector_load %arg7[%get3A_1466, %get3A_1467] {strides = array<i32>} : memref<8x128xf32, #tpu.memory_space<vmem>>, vector<1x16xf32>,
        %get3A_1469 = vector.shape_cast %get3A_1468 : vector<1x16xf32> to vector<16xf32>
        %add3A_1470 = arith.addf %mul3A_1464, %get3A_1469 : vector<16xf32>
        %swap3A_1471 = arith.index_cast %add3A_1385 : i32 to index
        %swap3A_1472 = arith.constant 64 : index
        %swap3A_1473 = tpu.vector_load %arg5[%swap3A_1471, %swap3A_1472] {strides = array<i32>} : memref<256x128xf32, #tpu.memory_space<vmem>>, vector<1x16xf32>,
        %swap3A_1474 = vector.shape_cast %swap3A_1473 : vector<1x16xf32> to vector<16xf32>
        %swap3A_1475 = vector.shape_cast %add3A_1470 : vector<16xf32> to vector<1x16xf32>
        tpu.vector_store %arg5[%swap3A_1471, %swap3A_1472], %swap3A_1475 {strides = array<i32>} : memref<256x128xf32, #tpu.memory_space<vmem>>, vector<1x16xf32>,
        %get3A_1476 = arith.index_cast %add3A_1385 : i32 to index
        %get3A_1477 = arith.constant 80 : index
        %get3A_1478 = tpu.vector_load %arg5[%get3A_1476, %get3A_1477] {strides = array<i32>} : memref<256x128xf32, #tpu.memory_space<vmem>>, vector<1x16xf32>,
        %get3A_1479 = vector.shape_cast %get3A_1478 : vector<1x16xf32> to vector<16xf32>
        %mul3A_1480 = arith.constant 8.000000e+00 : f32
        %mul3A_1481 = vector.broadcast %mul3A_1480 : f32 to vector<16xf32>
        %mul3A_1482 = arith.mulf %get3A_1479, %mul3A_1481 : vector<16xf32>
        %get3A_1483 = arith.constant 7 : i32
        %get3A_1484 = arith.index_cast %get3A_1483 : i32 to index
        %get3A_1485 = arith.constant 80 : index
        %get3A_1486 = tpu.vector_load %arg7[%get3A_1484, %get3A_1485] {strides = array<i32>} : memref<8x128xf32, #tpu.memory_space<vmem>>, vector<1x16xf32>,
        %get3A_1487 = vector.shape_cast %get3A_1486 : vector<1x16xf32> to vector<16xf32>
        %add3A_1488 = arith.addf %mul3A_1482, %get3A_1487 : vector<16xf32>
        %swap3A_1489 = arith.index_cast %add3A_1385 : i32 to index
        %swap3A_1490 = arith.constant 80 : index
        %swap3A_1491 = tpu.vector_load %arg5[%swap3A_1489, %swap3A_1490] {strides = array<i32>} : memref<256x128xf32, #tpu.memory_space<vmem>>, vector<1x16xf32>,
        %swap3A_1492 = vector.shape_cast %swap3A_1491 : vector<1x16xf32> to vector<16xf32>
        %swap3A_1493 = vector.shape_cast %add3A_1488 : vector<16xf32> to vector<1x16xf32>
        tpu.vector_store %arg5[%swap3A_1489, %swap3A_1490], %swap3A_1493 {strides = array<i32>} : memref<256x128xf32, #tpu.memory_space<vmem>>, vector<1x16xf32>,
        %get3A_1494 = arith.index_cast %add3A_1385 : i32 to index
        %get3A_1495 = arith.constant 96 : index
        %get3A_1496 = tpu.vector_load %arg5[%get3A_1494, %get3A_1495] {strides = array<i32>} : memref<256x128xf32, #tpu.memory_space<vmem>>, vector<1x16xf32>,
        %get3A_1497 = vector.shape_cast %get3A_1496 : vector<1x16xf32> to vector<16xf32>
        %mul3A_1498 = arith.constant 8.000000e+00 : f32
        %mul3A_1499 = vector.broadcast %mul3A_1498 : f32 to vector<16xf32>
        %mul3A_1500 = arith.mulf %get3A_1497, %mul3A_1499 : vector<16xf32>
        %get3A_1501 = arith.constant 7 : i32
        %get3A_1502 = arith.index_cast %get3A_1501 : i32 to index
        %get3A_1503 = arith.constant 96 : index
        %get3A_1504 = tpu.vector_load %arg7[%get3A_1502, %get3A_1503] {strides = array<i32>} : memref<8x128xf32, #tpu.memory_space<vmem>>, vector<1x16xf32>,
        %get3A_1505 = vector.shape_cast %get3A_1504 : vector<1x16xf32> to vector<16xf32>
        %add3A_1506 = arith.addf %mul3A_1500, %get3A_1505 : vector<16xf32>
        %swap3A_1507 = arith.index_cast %add3A_1385 : i32 to index
        %swap3A_1508 = arith.constant 96 : index
        %swap3A_1509 = tpu.vector_load %arg5[%swap3A_1507, %swap3A_1508] {strides = array<i32>} : memref<256x128xf32, #tpu.memory_space<vmem>>, vector<1x16xf32>,
        %swap3A_1510 = vector.shape_cast %swap3A_1509 : vector<1x16xf32> to vector<16xf32>
        %swap3A_1511 = vector.shape_cast %add3A_1506 : vector<16xf32> to vector<1x16xf32>
        tpu.vector_store %arg5[%swap3A_1507, %swap3A_1508], %swap3A_1511 {strides = array<i32>} : memref<256x128xf32, #tpu.memory_space<vmem>>, vector<1x16xf32>,
        %get3A_1512 = arith.index_cast %add3A_1385 : i32 to index
        %get3A_1513 = arith.constant 112 : index
        %get3A_1514 = tpu.vector_load %arg5[%get3A_1512, %get3A_1513] {strides = array<i32>} : memref<256x128xf32, #tpu.memory_space<vmem>>, vector<1x16xf32>,
        %get3A_1515 = vector.shape_cast %get3A_1514 : vector<1x16xf32> to vector<16xf32>
        %mul3A_1516 = arith.constant 8.000000e+00 : f32
        %mul3A_1517 = vector.broadcast %mul3A_1516 : f32 to vector<16xf32>
        %mul3A_1518 = arith.mulf %get3A_1515, %mul3A_1517 : vector<16xf32>
        %get3A_1519 = arith.constant 7 : i32
        %get3A_1520 = arith.index_cast %get3A_1519 : i32 to index
        %get3A_1521 = arith.constant 112 : index
        %get3A_1522 = tpu.vector_load %arg7[%get3A_1520, %get3A_1521] {strides = array<i32>} : memref<8x128xf32, #tpu.memory_space<vmem>>, vector<1x16xf32>,
        %get3A_1523 = vector.shape_cast %get3A_1522 : vector<1x16xf32> to vector<16xf32>
        %add3A_1524 = arith.addf %mul3A_1518, %get3A_1523 : vector<16xf32>
        %swap3A_1525 = arith.index_cast %add3A_1385 : i32 to index
        %swap3A_1526 = arith.constant 112 : index
        %swap3A_1527 = tpu.vector_load %arg5[%swap3A_1525, %swap3A_1526] {strides = array<i32>} : memref<256x128xf32, #tpu.memory_space<vmem>>, vector<1x16xf32>,
        %swap3A_1528 = vector.shape_cast %swap3A_1527 : vector<1x16xf32> to vector<16xf32>
        %swap3A_1529 = vector.shape_cast %add3A_1524 : vector<16xf32> to vector<1x16xf32>
        tpu.vector_store %arg5[%swap3A_1525, %swap3A_1526], %swap3A_1529 {strides = array<i32>} : memref<256x128xf32, #tpu.memory_space<vmem>>, vector<1x16xf32>,
        %scan3A_1530 = arith.constant 0 : i32
        scf.yield %scan3A_1530 : i32
      }
      %scan3A_211 = arith.constant 32 : i32
      %mul3A_212 = arith.constant 256 : i32
      %mul3A_213 = arith.muli %add3A_105, %mul3A_212 : i32
      %add3A_214 = arith.addi %mul3A_2, %mul3A_213 : i32
      %dma_start3A_215 = arith.constant 0 : i32
      %dma_start3A_216 = arith.constant 0 : i32
      %dma_start3A_217 = tpu.memref_slice %arg4[%add3A_214, %dma_start3A_216] : memref<409600x128xf32, #tpu.memory_space<hbm>> -> memref<256x128xf32, #tpu.memory_space<hbm>>
      %dma_start3A_218 = tpu.memref_slice %arg11[%dma_start3A_215] : memref<2x!tpu.dma_semaphore, #tpu.memory_space<semaphore_mem>> -> memref<1x!tpu.dma_semaphore, #tpu.memory_space<semaphore_mem>>
      %dma_start3A_219 = tpu.memref_squeeze %dma_start3A_218 : memref<1x!tpu.dma_semaphore, #tpu.memory_space<semaphore_mem>> -> memref<!tpu.dma_semaphore, #tpu.memory_space<semaphore_mem>>
      %dma_start3A_220 = arith.constant 0 : i32
      %dma_start3A_221 = tpu.memref_slice %arg4[%add3A_214, %dma_start3A_220] : memref<409600x128xf32, #tpu.memory_space<hbm>> -> memref<256x128xf32, #tpu.memory_space<hbm>>
      tpu.enqueue_dma source(%arg5 : memref<256x128xf32, #tpu.memory_space<vmem>>) target(%dma_start3A_221 : memref<256x128xf32, #tpu.memory_space<hbm>>) target_semaphore(%dma_start3A_219 : memref<!tpu.dma_semaphore, #tpu.memory_space<semaphore_mem>>)
      %mul3A_222 = arith.constant 2 : i32
      %mul3A_223 = arith.muli %mul3A_222, %scan3A_100 : i32
      %add3A_224 = arith.constant 1 : i32
      %add3A_225 = arith.addi %mul3A_223, %add3A_224 : i32
      %ge3A_226 = arith.constant 1 : i32
      %ge3A_227 = arith.cmpi sge, %add3A_225, %ge3A_226 : i32
      %add3A_228 = arith.constant 1 : i32
      %add3A_229 = arith.addi %add3A_225, %add3A_228 : i32
      %lt3A_230 = arith.constant 50 : i32
      %lt3A_231 = arith.cmpi slt, %add3A_229, %lt3A_230 : i32
      %and3A_232 = arith.andi %ge3A_227, %lt3A_231 : i1
      %convert_element_type3A_233 = arith.extui %and3A_232 : i1 to i32
      %cond3A_234 = arith.constant 0 : i32
      %cond3A_235 = arith.cmpi ne, %convert_element_type3A_233, %cond3A_234 : i32
      scf.if %cond3A_235 {
        %sub3A_346 = arith.constant 1 : i32
        %sub3A_347 = arith.subi %add3A_225, %sub3A_346 : i32
        %mul3A_348 = arith.constant 256 : i32
        %mul3A_349 = arith.muli %sub3A_347, %mul3A_348 : i32
        %dma_wait3A_350 = arith.constant 0 : i32
        %dma_wait3A_351 = arith.constant 0 : i32
        %dma_wait3A_352 = tpu.memref_slice %arg4[%mul3A_349, %dma_wait3A_351] : memref<409600x128xf32, #tpu.memory_space<hbm>> -> memref<256x128xf32, #tpu.memory_space<hbm>>
        %dma_wait3A_353 = tpu.memref_slice %arg11[%dma_wait3A_350] : memref<2x!tpu.dma_semaphore, #tpu.memory_space<semaphore_mem>> -> memref<1x!tpu.dma_semaphore, #tpu.memory_space<semaphore_mem>>
        %dma_wait3A_354 = tpu.memref_squeeze %dma_wait3A_353 : memref<1x!tpu.dma_semaphore, #tpu.memory_space<semaphore_mem>> -> memref<!tpu.dma_semaphore, #tpu.memory_space<semaphore_mem>>
        %dma_wait3A_355 = arith.constant 0 : i32
        %dma_wait3A_356 = tpu.memref_slice %arg4[%mul3A_349, %dma_wait3A_355] : memref<409600x128xf32, #tpu.memory_space<hbm>> -> memref<256x128xf32, #tpu.memory_space<hbm>>
        tpu.wait_dma2 semaphore(%dma_wait3A_354 : memref<!tpu.dma_semaphore, #tpu.memory_space<semaphore_mem>>) src(%arg5 : memref<256x128xf32, #tpu.memory_space<vmem>>) dst(%dma_wait3A_356 : memref<256x128xf32, #tpu.memory_space<hbm>>)
      } else {
      }
      %add3A_236 = arith.constant 1 : i32
      %add3A_237 = arith.addi %add3A_225, %add3A_236 : i32
      %lt3A_238 = arith.constant 50 : i32
      %lt3A_239 = arith.cmpi slt, %add3A_237, %lt3A_238 : i32
      %convert_element_type3A_240 = arith.extui %lt3A_239 : i1 to i32
      %cond3A_241 = arith.constant 0 : i32
      %cond3A_242 = arith.cmpi ne, %convert_element_type3A_240, %cond3A_241 : i32
      scf.if %cond3A_242 {
        %add3A_346 = arith.constant 1 : i32
        %add3A_347 = arith.addi %add3A_225, %add3A_346 : i32
        %mul3A_348 = arith.constant 256 : i32
        %mul3A_349 = arith.muli %add3A_347, %mul3A_348 : i32
        %add3A_350 = arith.addi %mul3A_2, %mul3A_349 : i32
        %dma_start3A_351 = arith.constant 0 : i32
        %dma_start3A_352 = arith.constant 0 : i32
        %dma_start3A_353 = tpu.memref_slice %arg2[%add3A_350, %dma_start3A_352] : memref<409600x128xf32, #tpu.memory_space<hbm>> -> memref<256x128xf32, #tpu.memory_space<hbm>>
        %dma_start3A_354 = tpu.memref_slice %arg9[%dma_start3A_351] : memref<2x!tpu.dma_semaphore, #tpu.memory_space<semaphore_mem>> -> memref<1x!tpu.dma_semaphore, #tpu.memory_space<semaphore_mem>>
        %dma_start3A_355 = tpu.memref_squeeze %dma_start3A_354 : memref<1x!tpu.dma_semaphore, #tpu.memory_space<semaphore_mem>> -> memref<!tpu.dma_semaphore, #tpu.memory_space<semaphore_mem>>
        %dma_start3A_356 = arith.constant 0 : i32
        %dma_start3A_357 = tpu.memref_slice %arg2[%add3A_350, %dma_start3A_356] : memref<409600x128xf32, #tpu.memory_space<hbm>> -> memref<256x128xf32, #tpu.memory_space<hbm>>
        tpu.enqueue_dma source(%dma_start3A_357 : memref<256x128xf32, #tpu.memory_space<hbm>>) target(%arg5 : memref<256x128xf32, #tpu.memory_space<vmem>>) target_semaphore(%dma_start3A_355 : memref<!tpu.dma_semaphore, #tpu.memory_space<semaphore_mem>>)
        %jit3A_358 = arith.constant 2048 : i32
        %div3A_359 = arith.divsi %add3A_350, %jit3A_358 : i32
        %sign3A_360 = arith.constant 0 : i32
        %sign3A_361 = arith.cmpi sgt, %add3A_350, %sign3A_360 : i32
        %sign3A_362 = arith.extui %sign3A_361 : i1 to i32
        %sign3A_363 = arith.constant 0 : i32
        %sign3A_364 = arith.cmpi slt, %add3A_350, %sign3A_363 : i32
        %sign3A_365 = arith.extui %sign3A_364 : i1 to i32
        %sign3A_366 = arith.subi %sign3A_362, %sign3A_365 : i32
        %sign3A_367 = arith.constant 0 : i32
        %sign3A_368 = arith.cmpi sgt, %jit3A_358, %sign3A_367 : i32
        %sign3A_369 = arith.extui %sign3A_368 : i1 to i32
        %sign3A_370 = arith.constant 0 : i32
        %sign3A_371 = arith.cmpi slt, %jit3A_358, %sign3A_370 : i32
        %sign3A_372 = arith.extui %sign3A_371 : i1 to i32
        %sign3A_373 = arith.subi %sign3A_369, %sign3A_372 : i32
        %ne3A_374 = arith.cmpi ne, %sign3A_366, %sign3A_373 : i32
        %rem3A_375 = arith.remsi %add3A_350, %jit3A_358 : i32
        %ne3A_376 = arith.constant 0 : i32
        %ne3A_377 = arith.cmpi ne, %rem3A_375, %ne3A_376 : i32
        %and3A_378 = arith.andi %ne3A_374, %ne3A_377 : i1
        %sub3A_379 = arith.constant 1 : i32
        %sub3A_380 = arith.subi %div3A_359, %sub3A_379 : i32
        %select_n3A_381 = arith.select %and3A_378, %sub3A_380, %div3A_359 : i32
        %mul3A_382 = arith.constant 64 : i32
        %mul3A_383 = arith.muli %select_n3A_381, %mul3A_382 : i32
        %jit3A_384 = arith.constant 256 : i32
        %div3A_385 = arith.divsi %add3A_350, %jit3A_384 : i32
        %sign3A_386 = arith.constant 0 : i32
        %sign3A_387 = arith.cmpi sgt, %add3A_350, %sign3A_386 : i32
        %sign3A_388 = arith.extui %sign3A_387 : i1 to i32
        %sign3A_389 = arith.constant 0 : i32
        %sign3A_390 = arith.cmpi slt, %add3A_350, %sign3A_389 : i32
        %sign3A_391 = arith.extui %sign3A_390 : i1 to i32
        %sign3A_392 = arith.subi %sign3A_388, %sign3A_391 : i32
        %sign3A_393 = arith.constant 0 : i32
        %sign3A_394 = arith.cmpi sgt, %jit3A_384, %sign3A_393 : i32
        %sign3A_395 = arith.extui %sign3A_394 : i1 to i32
        %sign3A_396 = arith.constant 0 : i32
        %sign3A_397 = arith.cmpi slt, %jit3A_384, %sign3A_396 : i32
        %sign3A_398 = arith.extui %sign3A_397 : i1 to i32
        %sign3A_399 = arith.subi %sign3A_395, %sign3A_398 : i32
        %ne3A_400 = arith.cmpi ne, %sign3A_392, %sign3A_399 : i32
        %rem3A_401 = arith.remsi %add3A_350, %jit3A_384 : i32
        %ne3A_402 = arith.constant 0 : i32
        %ne3A_403 = arith.cmpi ne, %rem3A_401, %ne3A_402 : i32
        %and3A_404 = arith.andi %ne3A_400, %ne3A_403 : i1
        %sub3A_405 = arith.constant 1 : i32
        %sub3A_406 = arith.subi %div3A_385, %sub3A_405 : i32
        %select_n3A_407 = arith.select %and3A_404, %sub3A_406, %div3A_385 : i32
        %jit3A_408 = arith.constant 8 : i32
        %eq3A_409 = arith.constant 0 : i32
        %eq3A_410 = arith.cmpi eq, %jit3A_408, %eq3A_409 : i32
        %jit3A_411 = arith.constant 1 : i32
        %select_n3A_412 = arith.select %eq3A_410, %jit3A_411, %jit3A_408 : i32
        %rem3A_413 = arith.remsi %select_n3A_407, %select_n3A_412 : i32
        %ne3A_414 = arith.constant 0 : i32
        %ne3A_415 = arith.cmpi ne, %rem3A_413, %ne3A_414 : i32
        %lt3A_416 = arith.constant 0 : i32
        %lt3A_417 = arith.cmpi slt, %rem3A_413, %lt3A_416 : i32
        %lt3A_418 = arith.constant 0 : i32
        %lt3A_419 = arith.cmpi slt, %select_n3A_412, %lt3A_418 : i32
        %ne3A_420 = arith.xori %lt3A_417, %lt3A_419 : i1
        %and3A_421 = arith.andi %ne3A_420, %ne3A_415 : i1
        %add3A_422 = arith.addi %rem3A_413, %select_n3A_412 : i32
        %select_n3A_423 = arith.select %and3A_421, %add3A_422, %rem3A_413 : i32
        %mul3A_424 = arith.constant 8 : i32
        %mul3A_425 = arith.muli %select_n3A_423, %mul3A_424 : i32
        %add3A_426 = arith.addi %mul3A_383, %mul3A_425 : i32
        %dma_start3A_427 = arith.constant 0 : i32
        %dma_start3A_428 = arith.constant 0 : i32
        %dma_start3A_429 = tpu.memref_slice %arg3[%add3A_426, %dma_start3A_428] : memref<12800x128xf32, #tpu.memory_space<hbm>> -> memref<8x128xf32, #tpu.memory_space<hbm>>
        %dma_start3A_430 = tpu.memref_slice %arg10[%dma_start3A_427] : memref<2x!tpu.dma_semaphore, #tpu.memory_space<semaphore_mem>> -> memref<1x!tpu.dma_semaphore, #tpu.memory_space<semaphore_mem>>
        %dma_start3A_431 = tpu.memref_squeeze %dma_start3A_430 : memref<1x!tpu.dma_semaphore, #tpu.memory_space<semaphore_mem>> -> memref<!tpu.dma_semaphore, #tpu.memory_space<semaphore_mem>>
        %dma_start3A_432 = arith.constant 0 : i32
        %dma_start3A_433 = tpu.memref_slice %arg3[%add3A_426, %dma_start3A_432] : memref<12800x128xf32, #tpu.memory_space<hbm>> -> memref<8x128xf32, #tpu.memory_space<hbm>>
        tpu.enqueue_dma source(%dma_start3A_433 : memref<8x128xf32, #tpu.memory_space<hbm>>) target(%arg7 : memref<8x128xf32, #tpu.memory_space<vmem>>) target_semaphore(%dma_start3A_431 : memref<!tpu.dma_semaphore, #tpu.memory_space<semaphore_mem>>)
      } else {
      }
      %mul3A_243 = arith.constant 256 : i32
      %mul3A_244 = arith.muli %add3A_225, %mul3A_243 : i32
      %dma_wait3A_245 = arith.constant 1 : i32
      %dma_wait3A_246 = arith.constant 0 : i32
      %dma_wait3A_247 = tpu.memref_slice %arg2[%mul3A_244, %dma_wait3A_246] : memref<409600x128xf32, #tpu.memory_space<hbm>> -> memref<256x128xf32, #tpu.memory_space<hbm>>
      %dma_wait3A_248 = tpu.memref_slice %arg9[%dma_wait3A_245] : memref<2x!tpu.dma_semaphore, #tpu.memory_space<semaphore_mem>> -> memref<1x!tpu.dma_semaphore, #tpu.memory_space<semaphore_mem>>
      %dma_wait3A_249 = tpu.memref_squeeze %dma_wait3A_248 : memref<1x!tpu.dma_semaphore, #tpu.memory_space<semaphore_mem>> -> memref<!tpu.dma_semaphore, #tpu.memory_space<semaphore_mem>>
      %dma_wait3A_250 = arith.constant 0 : i32
      %dma_wait3A_251 = tpu.memref_slice %arg2[%mul3A_244, %dma_wait3A_250] : memref<409600x128xf32, #tpu.memory_space<hbm>> -> memref<256x128xf32, #tpu.memory_space<hbm>>
      tpu.wait_dma2 semaphore(%dma_wait3A_249 : memref<!tpu.dma_semaphore, #tpu.memory_space<semaphore_mem>>) src(%dma_wait3A_251 : memref<256x128xf32, #tpu.memory_space<hbm>>) dst(%arg6 : memref<256x128xf32, #tpu.memory_space<vmem>>)
      %jit3A_252 = arith.constant 2048 : i32
      %div3A_253 = arith.divsi %mul3A_244, %jit3A_252 : i32
      %sign3A_254 = arith.constant 0 : i32
      %sign3A_255 = arith.cmpi sgt, %mul3A_244, %sign3A_254 : i32
      %sign3A_256 = arith.extui %sign3A_255 : i1 to i32
      %sign3A_257 = arith.constant 0 : i32
      %sign3A_258 = arith.cmpi slt, %mul3A_244, %sign3A_257 : i32
      %sign3A_259 = arith.extui %sign3A_258 : i1 to i32
      %sign3A_260 = arith.subi %sign3A_256, %sign3A_259 : i32
      %sign3A_261 = arith.constant 0 : i32
      %sign3A_262 = arith.cmpi sgt, %jit3A_252, %sign3A_261 : i32
      %sign3A_263 = arith.extui %sign3A_262 : i1 to i32
      %sign3A_264 = arith.constant 0 : i32
      %sign3A_265 = arith.cmpi slt, %jit3A_252, %sign3A_264 : i32
      %sign3A_266 = arith.extui %sign3A_265 : i1 to i32
      %sign3A_267 = arith.subi %sign3A_263, %sign3A_266 : i32
      %ne3A_268 = arith.cmpi ne, %sign3A_260, %sign3A_267 : i32
      %rem3A_269 = arith.remsi %mul3A_244, %jit3A_252 : i32
      %ne3A_270 = arith.constant 0 : i32
      %ne3A_271 = arith.cmpi ne, %rem3A_269, %ne3A_270 : i32
      %and3A_272 = arith.andi %ne3A_268, %ne3A_271 : i1
      %sub3A_273 = arith.constant 1 : i32
      %sub3A_274 = arith.subi %div3A_253, %sub3A_273 : i32
      %select_n3A_275 = arith.select %and3A_272, %sub3A_274, %div3A_253 : i32
      %mul3A_276 = arith.constant 64 : i32
      %mul3A_277 = arith.muli %select_n3A_275, %mul3A_276 : i32
      %jit3A_278 = arith.constant 256 : i32
      %div3A_279 = arith.divsi %mul3A_244, %jit3A_278 : i32
      %sign3A_280 = arith.constant 0 : i32
      %sign3A_281 = arith.cmpi sgt, %mul3A_244, %sign3A_280 : i32
      %sign3A_282 = arith.extui %sign3A_281 : i1 to i32
      %sign3A_283 = arith.constant 0 : i32
      %sign3A_284 = arith.cmpi slt, %mul3A_244, %sign3A_283 : i32
      %sign3A_285 = arith.extui %sign3A_284 : i1 to i32
      %sign3A_286 = arith.subi %sign3A_282, %sign3A_285 : i32
      %sign3A_287 = arith.constant 0 : i32
      %sign3A_288 = arith.cmpi sgt, %jit3A_278, %sign3A_287 : i32
      %sign3A_289 = arith.extui %sign3A_288 : i1 to i32
      %sign3A_290 = arith.constant 0 : i32
      %sign3A_291 = arith.cmpi slt, %jit3A_278, %sign3A_290 : i32
      %sign3A_292 = arith.extui %sign3A_291 : i1 to i32
      %sign3A_293 = arith.subi %sign3A_289, %sign3A_292 : i32
      %ne3A_294 = arith.cmpi ne, %sign3A_286, %sign3A_293 : i32
      %rem3A_295 = arith.remsi %mul3A_244, %jit3A_278 : i32
      %ne3A_296 = arith.constant 0 : i32
      %ne3A_297 = arith.cmpi ne, %rem3A_295, %ne3A_296 : i32
      %and3A_298 = arith.andi %ne3A_294, %ne3A_297 : i1
      %sub3A_299 = arith.constant 1 : i32
      %sub3A_300 = arith.subi %div3A_279, %sub3A_299 : i32
      %select_n3A_301 = arith.select %and3A_298, %sub3A_300, %div3A_279 : i32
      %jit3A_302 = arith.constant 8 : i32
      %eq3A_303 = arith.constant 0 : i32
      %eq3A_304 = arith.cmpi eq, %jit3A_302, %eq3A_303 : i32
      %jit3A_305 = arith.constant 1 : i32
      %select_n3A_306 = arith.select %eq3A_304, %jit3A_305, %jit3A_302 : i32
      %rem3A_307 = arith.remsi %select_n3A_301, %select_n3A_306 : i32
      %ne3A_308 = arith.constant 0 : i32
      %ne3A_309 = arith.cmpi ne, %rem3A_307, %ne3A_308 : i32
      %lt3A_310 = arith.constant 0 : i32
      %lt3A_311 = arith.cmpi slt, %rem3A_307, %lt3A_310 : i32
      %lt3A_312 = arith.constant 0 : i32
      %lt3A_313 = arith.cmpi slt, %select_n3A_306, %lt3A_312 : i32
      %ne3A_314 = arith.xori %lt3A_311, %lt3A_313 : i1
      %and3A_315 = arith.andi %ne3A_314, %ne3A_309 : i1
      %add3A_316 = arith.addi %rem3A_307, %select_n3A_306 : i32
      %select_n3A_317 = arith.select %and3A_315, %add3A_316, %rem3A_307 : i32
      %mul3A_318 = arith.constant 8 : i32
      %mul3A_319 = arith.muli %select_n3A_317, %mul3A_318 : i32
      %add3A_320 = arith.addi %mul3A_277, %mul3A_319 : i32
      %dma_wait3A_321 = arith.constant 1 : i32
      %dma_wait3A_322 = arith.constant 0 : i32
      %dma_wait3A_323 = tpu.memref_slice %arg3[%add3A_320, %dma_wait3A_322] : memref<12800x128xf32, #tpu.memory_space<hbm>> -> memref<8x128xf32, #tpu.memory_space<hbm>>
      %dma_wait3A_324 = tpu.memref_slice %arg10[%dma_wait3A_321] : memref<2x!tpu.dma_semaphore, #tpu.memory_space<semaphore_mem>> -> memref<1x!tpu.dma_semaphore, #tpu.memory_space<semaphore_mem>>
      %dma_wait3A_325 = tpu.memref_squeeze %dma_wait3A_324 : memref<1x!tpu.dma_semaphore, #tpu.memory_space<semaphore_mem>> -> memref<!tpu.dma_semaphore, #tpu.memory_space<semaphore_mem>>
      %dma_wait3A_326 = arith.constant 0 : i32
      %dma_wait3A_327 = tpu.memref_slice %arg3[%add3A_320, %dma_wait3A_326] : memref<12800x128xf32, #tpu.memory_space<hbm>> -> memref<8x128xf32, #tpu.memory_space<hbm>>
      tpu.wait_dma2 semaphore(%dma_wait3A_325 : memref<!tpu.dma_semaphore, #tpu.memory_space<semaphore_mem>>) src(%dma_wait3A_327 : memref<8x128xf32, #tpu.memory_space<hbm>>) dst(%arg8 : memref<8x128xf32, #tpu.memory_space<vmem>>)
      %scan3A_328 = arith.constant 0 : i32
      %scan3A_329 = arith.constant 0 : i32
      %scan3A_330 = arith.constant 32 : i32
      %scan3A_331 = arith.addi %scan3A_329, %scan3A_330 : i32
      %scan3A_332 = arith.constant 1 : i32
      %scan3A_333 = scf.for %scan3A_346 = %scan3A_329 to %scan3A_331 step %scan3A_332 iter_args(%scan3A_347 = %scan3A_328) -> (i32)  : i32 {
        %mul3A_348 = arith.constant 8 : i32
        %mul3A_349 = arith.muli %scan3A_346, %mul3A_348 : i32
        %add3A_350 = arith.constant 0 : i32
        %add3A_351 = arith.addi %mul3A_349, %add3A_350 : i32
        %get3A = arith.index_cast %add3A_351 : i32 to index
        %get3A_352 = arith.constant 0 : index
        %get3A_353 = tpu.vector_load %arg6[%get3A, %get3A_352] {strides = array<i32>} : memref<256x128xf32, #tpu.memory_space<vmem>>, vector<1x16xf32>,
        %get3A_354 = vector.shape_cast %get3A_353 : vector<1x16xf32> to vector<16xf32>
        %mul3A_355 = arith.constant 8.000000e+00 : f32
        %mul3A_356 = vector.broadcast %mul3A_355 : f32 to vector<16xf32>
        %mul3A_357 = arith.mulf %get3A_354, %mul3A_356 : vector<16xf32>
        %get3A_358 = arith.constant 0 : i32
        %get3A_359 = arith.index_cast %get3A_358 : i32 to index
        %get3A_360 = arith.constant 0 : index
        %get3A_361 = tpu.vector_load %arg8[%get3A_359, %get3A_360] {strides = array<i32>} : memref<8x128xf32, #tpu.memory_space<vmem>>, vector<1x16xf32>,
        %get3A_362 = vector.shape_cast %get3A_361 : vector<1x16xf32> to vector<16xf32>
        %add3A_363 = arith.addf %mul3A_357, %get3A_362 : vector<16xf32>
        %swap3A = arith.index_cast %add3A_351 : i32 to index
        %swap3A_364 = arith.constant 0 : index
        %swap3A_365 = tpu.vector_load %arg6[%swap3A, %swap3A_364] {strides = array<i32>} : memref<256x128xf32, #tpu.memory_space<vmem>>, vector<1x16xf32>,
        %swap3A_366 = vector.shape_cast %swap3A_365 : vector<1x16xf32> to vector<16xf32>
        %swap3A_367 = vector.shape_cast %add3A_363 : vector<16xf32> to vector<1x16xf32>
        tpu.vector_store %arg6[%swap3A, %swap3A_364], %swap3A_367 {strides = array<i32>} : memref<256x128xf32, #tpu.memory_space<vmem>>, vector<1x16xf32>,
        %get3A_368 = arith.index_cast %add3A_351 : i32 to index
        %get3A_369 = arith.constant 16 : index
        %get3A_370 = tpu.vector_load %arg6[%get3A_368, %get3A_369] {strides = array<i32>} : memref<256x128xf32, #tpu.memory_space<vmem>>, vector<1x16xf32>,
        %get3A_371 = vector.shape_cast %get3A_370 : vector<1x16xf32> to vector<16xf32>
        %mul3A_372 = arith.constant 8.000000e+00 : f32
        %mul3A_373 = vector.broadcast %mul3A_372 : f32 to vector<16xf32>
        %mul3A_374 = arith.mulf %get3A_371, %mul3A_373 : vector<16xf32>
        %get3A_375 = arith.constant 0 : i32
        %get3A_376 = arith.index_cast %get3A_375 : i32 to index
        %get3A_377 = arith.constant 16 : index
        %get3A_378 = tpu.vector_load %arg8[%get3A_376, %get3A_377] {strides = array<i32>} : memref<8x128xf32, #tpu.memory_space<vmem>>, vector<1x16xf32>,
        %get3A_379 = vector.shape_cast %get3A_378 : vector<1x16xf32> to vector<16xf32>
        %add3A_380 = arith.addf %mul3A_374, %get3A_379 : vector<16xf32>
        %swap3A_381 = arith.index_cast %add3A_351 : i32 to index
        %swap3A_382 = arith.constant 16 : index
        %swap3A_383 = tpu.vector_load %arg6[%swap3A_381, %swap3A_382] {strides = array<i32>} : memref<256x128xf32, #tpu.memory_space<vmem>>, vector<1x16xf32>,
        %swap3A_384 = vector.shape_cast %swap3A_383 : vector<1x16xf32> to vector<16xf32>
        %swap3A_385 = vector.shape_cast %add3A_380 : vector<16xf32> to vector<1x16xf32>
        tpu.vector_store %arg6[%swap3A_381, %swap3A_382], %swap3A_385 {strides = array<i32>} : memref<256x128xf32, #tpu.memory_space<vmem>>, vector<1x16xf32>,
        %get3A_386 = arith.index_cast %add3A_351 : i32 to index
        %get3A_387 = arith.constant 32 : index
        %get3A_388 = tpu.vector_load %arg6[%get3A_386, %get3A_387] {strides = array<i32>} : memref<256x128xf32, #tpu.memory_space<vmem>>, vector<1x16xf32>,
        %get3A_389 = vector.shape_cast %get3A_388 : vector<1x16xf32> to vector<16xf32>
        %mul3A_390 = arith.constant 8.000000e+00 : f32
        %mul3A_391 = vector.broadcast %mul3A_390 : f32 to vector<16xf32>
        %mul3A_392 = arith.mulf %get3A_389, %mul3A_391 : vector<16xf32>
        %get3A_393 = arith.constant 0 : i32
        %get3A_394 = arith.index_cast %get3A_393 : i32 to index
        %get3A_395 = arith.constant 32 : index
        %get3A_396 = tpu.vector_load %arg8[%get3A_394, %get3A_395] {strides = array<i32>} : memref<8x128xf32, #tpu.memory_space<vmem>>, vector<1x16xf32>,
        %get3A_397 = vector.shape_cast %get3A_396 : vector<1x16xf32> to vector<16xf32>
        %add3A_398 = arith.addf %mul3A_392, %get3A_397 : vector<16xf32>
        %swap3A_399 = arith.index_cast %add3A_351 : i32 to index
        %swap3A_400 = arith.constant 32 : index
        %swap3A_401 = tpu.vector_load %arg6[%swap3A_399, %swap3A_400] {strides = array<i32>} : memref<256x128xf32, #tpu.memory_space<vmem>>, vector<1x16xf32>,
        %swap3A_402 = vector.shape_cast %swap3A_401 : vector<1x16xf32> to vector<16xf32>
        %swap3A_403 = vector.shape_cast %add3A_398 : vector<16xf32> to vector<1x16xf32>
        tpu.vector_store %arg6[%swap3A_399, %swap3A_400], %swap3A_403 {strides = array<i32>} : memref<256x128xf32, #tpu.memory_space<vmem>>, vector<1x16xf32>,
        %get3A_404 = arith.index_cast %add3A_351 : i32 to index
        %get3A_405 = arith.constant 48 : index
        %get3A_406 = tpu.vector_load %arg6[%get3A_404, %get3A_405] {strides = array<i32>} : memref<256x128xf32, #tpu.memory_space<vmem>>, vector<1x16xf32>,
        %get3A_407 = vector.shape_cast %get3A_406 : vector<1x16xf32> to vector<16xf32>
        %mul3A_408 = arith.constant 8.000000e+00 : f32
        %mul3A_409 = vector.broadcast %mul3A_408 : f32 to vector<16xf32>
        %mul3A_410 = arith.mulf %get3A_407, %mul3A_409 : vector<16xf32>
        %get3A_411 = arith.constant 0 : i32
        %get3A_412 = arith.index_cast %get3A_411 : i32 to index
        %get3A_413 = arith.constant 48 : index
        %get3A_414 = tpu.vector_load %arg8[%get3A_412, %get3A_413] {strides = array<i32>} : memref<8x128xf32, #tpu.memory_space<vmem>>, vector<1x16xf32>,
        %get3A_415 = vector.shape_cast %get3A_414 : vector<1x16xf32> to vector<16xf32>
        %add3A_416 = arith.addf %mul3A_410, %get3A_415 : vector<16xf32>
        %swap3A_417 = arith.index_cast %add3A_351 : i32 to index
        %swap3A_418 = arith.constant 48 : index
        %swap3A_419 = tpu.vector_load %arg6[%swap3A_417, %swap3A_418] {strides = array<i32>} : memref<256x128xf32, #tpu.memory_space<vmem>>, vector<1x16xf32>,
        %swap3A_420 = vector.shape_cast %swap3A_419 : vector<1x16xf32> to vector<16xf32>
        %swap3A_421 = vector.shape_cast %add3A_416 : vector<16xf32> to vector<1x16xf32>
        tpu.vector_store %arg6[%swap3A_417, %swap3A_418], %swap3A_421 {strides = array<i32>} : memref<256x128xf32, #tpu.memory_space<vmem>>, vector<1x16xf32>,
        %get3A_422 = arith.index_cast %add3A_351 : i32 to index
        %get3A_423 = arith.constant 64 : index
        %get3A_424 = tpu.vector_load %arg6[%get3A_422, %get3A_423] {strides = array<i32>} : memref<256x128xf32, #tpu.memory_space<vmem>>, vector<1x16xf32>,
        %get3A_425 = vector.shape_cast %get3A_424 : vector<1x16xf32> to vector<16xf32>
        %mul3A_426 = arith.constant 8.000000e+00 : f32
        %mul3A_427 = vector.broadcast %mul3A_426 : f32 to vector<16xf32>
        %mul3A_428 = arith.mulf %get3A_425, %mul3A_427 : vector<16xf32>
        %get3A_429 = arith.constant 0 : i32
        %get3A_430 = arith.index_cast %get3A_429 : i32 to index
        %get3A_431 = arith.constant 64 : index
        %get3A_432 = tpu.vector_load %arg8[%get3A_430, %get3A_431] {strides = array<i32>} : memref<8x128xf32, #tpu.memory_space<vmem>>, vector<1x16xf32>,
        %get3A_433 = vector.shape_cast %get3A_432 : vector<1x16xf32> to vector<16xf32>
        %add3A_434 = arith.addf %mul3A_428, %get3A_433 : vector<16xf32>
        %swap3A_435 = arith.index_cast %add3A_351 : i32 to index
        %swap3A_436 = arith.constant 64 : index
        %swap3A_437 = tpu.vector_load %arg6[%swap3A_435, %swap3A_436] {strides = array<i32>} : memref<256x128xf32, #tpu.memory_space<vmem>>, vector<1x16xf32>,
        %swap3A_438 = vector.shape_cast %swap3A_437 : vector<1x16xf32> to vector<16xf32>
        %swap3A_439 = vector.shape_cast %add3A_434 : vector<16xf32> to vector<1x16xf32>
        tpu.vector_store %arg6[%swap3A_435, %swap3A_436], %swap3A_439 {strides = array<i32>} : memref<256x128xf32, #tpu.memory_space<vmem>>, vector<1x16xf32>,
        %get3A_440 = arith.index_cast %add3A_351 : i32 to index
        %get3A_441 = arith.constant 80 : index
        %get3A_442 = tpu.vector_load %arg6[%get3A_440, %get3A_441] {strides = array<i32>} : memref<256x128xf32, #tpu.memory_space<vmem>>, vector<1x16xf32>,
        %get3A_443 = vector.shape_cast %get3A_442 : vector<1x16xf32> to vector<16xf32>
        %mul3A_444 = arith.constant 8.000000e+00 : f32
        %mul3A_445 = vector.broadcast %mul3A_444 : f32 to vector<16xf32>
        %mul3A_446 = arith.mulf %get3A_443, %mul3A_445 : vector<16xf32>
        %get3A_447 = arith.constant 0 : i32
        %get3A_448 = arith.index_cast %get3A_447 : i32 to index
        %get3A_449 = arith.constant 80 : index
        %get3A_450 = tpu.vector_load %arg8[%get3A_448, %get3A_449] {strides = array<i32>} : memref<8x128xf32, #tpu.memory_space<vmem>>, vector<1x16xf32>,
        %get3A_451 = vector.shape_cast %get3A_450 : vector<1x16xf32> to vector<16xf32>
        %add3A_452 = arith.addf %mul3A_446, %get3A_451 : vector<16xf32>
        %swap3A_453 = arith.index_cast %add3A_351 : i32 to index
        %swap3A_454 = arith.constant 80 : index
        %swap3A_455 = tpu.vector_load %arg6[%swap3A_453, %swap3A_454] {strides = array<i32>} : memref<256x128xf32, #tpu.memory_space<vmem>>, vector<1x16xf32>,
        %swap3A_456 = vector.shape_cast %swap3A_455 : vector<1x16xf32> to vector<16xf32>
        %swap3A_457 = vector.shape_cast %add3A_452 : vector<16xf32> to vector<1x16xf32>
        tpu.vector_store %arg6[%swap3A_453, %swap3A_454], %swap3A_457 {strides = array<i32>} : memref<256x128xf32, #tpu.memory_space<vmem>>, vector<1x16xf32>,
        %get3A_458 = arith.index_cast %add3A_351 : i32 to index
        %get3A_459 = arith.constant 96 : index
        %get3A_460 = tpu.vector_load %arg6[%get3A_458, %get3A_459] {strides = array<i32>} : memref<256x128xf32, #tpu.memory_space<vmem>>, vector<1x16xf32>,
        %get3A_461 = vector.shape_cast %get3A_460 : vector<1x16xf32> to vector<16xf32>
        %mul3A_462 = arith.constant 8.000000e+00 : f32
        %mul3A_463 = vector.broadcast %mul3A_462 : f32 to vector<16xf32>
        %mul3A_464 = arith.mulf %get3A_461, %mul3A_463 : vector<16xf32>
        %get3A_465 = arith.constant 0 : i32
        %get3A_466 = arith.index_cast %get3A_465 : i32 to index
        %get3A_467 = arith.constant 96 : index
        %get3A_468 = tpu.vector_load %arg8[%get3A_466, %get3A_467] {strides = array<i32>} : memref<8x128xf32, #tpu.memory_space<vmem>>, vector<1x16xf32>,
        %get3A_469 = vector.shape_cast %get3A_468 : vector<1x16xf32> to vector<16xf32>
        %add3A_470 = arith.addf %mul3A_464, %get3A_469 : vector<16xf32>
        %swap3A_471 = arith.index_cast %add3A_351 : i32 to index
        %swap3A_472 = arith.constant 96 : index
        %swap3A_473 = tpu.vector_load %arg6[%swap3A_471, %swap3A_472] {strides = array<i32>} : memref<256x128xf32, #tpu.memory_space<vmem>>, vector<1x16xf32>,
        %swap3A_474 = vector.shape_cast %swap3A_473 : vector<1x16xf32> to vector<16xf32>
        %swap3A_475 = vector.shape_cast %add3A_470 : vector<16xf32> to vector<1x16xf32>
        tpu.vector_store %arg6[%swap3A_471, %swap3A_472], %swap3A_475 {strides = array<i32>} : memref<256x128xf32, #tpu.memory_space<vmem>>, vector<1x16xf32>,
        %get3A_476 = arith.index_cast %add3A_351 : i32 to index
        %get3A_477 = arith.constant 112 : index
        %get3A_478 = tpu.vector_load %arg6[%get3A_476, %get3A_477] {strides = array<i32>} : memref<256x128xf32, #tpu.memory_space<vmem>>, vector<1x16xf32>,
        %get3A_479 = vector.shape_cast %get3A_478 : vector<1x16xf32> to vector<16xf32>
        %mul3A_480 = arith.constant 8.000000e+00 : f32
        %mul3A_481 = vector.broadcast %mul3A_480 : f32 to vector<16xf32>
        %mul3A_482 = arith.mulf %get3A_479, %mul3A_481 : vector<16xf32>
        %get3A_483 = arith.constant 0 : i32
        %get3A_484 = arith.index_cast %get3A_483 : i32 to index
        %get3A_485 = arith.constant 112 : index
        %get3A_486 = tpu.vector_load %arg8[%get3A_484, %get3A_485] {strides = array<i32>} : memref<8x128xf32, #tpu.memory_space<vmem>>, vector<1x16xf32>,
        %get3A_487 = vector.shape_cast %get3A_486 : vector<1x16xf32> to vector<16xf32>
        %add3A_488 = arith.addf %mul3A_482, %get3A_487 : vector<16xf32>
        %swap3A_489 = arith.index_cast %add3A_351 : i32 to index
        %swap3A_490 = arith.constant 112 : index
        %swap3A_491 = tpu.vector_load %arg6[%swap3A_489, %swap3A_490] {strides = array<i32>} : memref<256x128xf32, #tpu.memory_space<vmem>>, vector<1x16xf32>,
        %swap3A_492 = vector.shape_cast %swap3A_491 : vector<1x16xf32> to vector<16xf32>
        %swap3A_493 = vector.shape_cast %add3A_488 : vector<16xf32> to vector<1x16xf32>
        tpu.vector_store %arg6[%swap3A_489, %swap3A_490], %swap3A_493 {strides = array<i32>} : memref<256x128xf32, #tpu.memory_space<vmem>>, vector<1x16xf32>,
        %mul3A_494 = arith.constant 8 : i32
        %mul3A_495 = arith.muli %scan3A_346, %mul3A_494 : i32
        %add3A_496 = arith.constant 1 : i32
        %add3A_497 = arith.addi %mul3A_495, %add3A_496 : i32
        %get3A_498 = arith.index_cast %add3A_497 : i32 to index
        %get3A_499 = arith.constant 0 : index
        %get3A_500 = tpu.vector_load %arg6[%get3A_498, %get3A_499] {strides = array<i32>} : memref<256x128xf32, #tpu.memory_space<vmem>>, vector<1x16xf32>,
        %get3A_501 = vector.shape_cast %get3A_500 : vector<1x16xf32> to vector<16xf32>
        %mul3A_502 = arith.constant 8.000000e+00 : f32
        %mul3A_503 = vector.broadcast %mul3A_502 : f32 to vector<16xf32>
        %mul3A_504 = arith.mulf %get3A_501, %mul3A_503 : vector<16xf32>
        %get3A_505 = arith.constant 1 : i32
        %get3A_506 = arith.index_cast %get3A_505 : i32 to index
        %get3A_507 = arith.constant 0 : index
        %get3A_508 = tpu.vector_load %arg8[%get3A_506, %get3A_507] {strides = array<i32>} : memref<8x128xf32, #tpu.memory_space<vmem>>, vector<1x16xf32>,
        %get3A_509 = vector.shape_cast %get3A_508 : vector<1x16xf32> to vector<16xf32>
        %add3A_510 = arith.addf %mul3A_504, %get3A_509 : vector<16xf32>
        %swap3A_511 = arith.index_cast %add3A_497 : i32 to index
        %swap3A_512 = arith.constant 0 : index
        %swap3A_513 = tpu.vector_load %arg6[%swap3A_511, %swap3A_512] {strides = array<i32>} : memref<256x128xf32, #tpu.memory_space<vmem>>, vector<1x16xf32>,
        %swap3A_514 = vector.shape_cast %swap3A_513 : vector<1x16xf32> to vector<16xf32>
        %swap3A_515 = vector.shape_cast %add3A_510 : vector<16xf32> to vector<1x16xf32>
        tpu.vector_store %arg6[%swap3A_511, %swap3A_512], %swap3A_515 {strides = array<i32>} : memref<256x128xf32, #tpu.memory_space<vmem>>, vector<1x16xf32>,
        %get3A_516 = arith.index_cast %add3A_497 : i32 to index
        %get3A_517 = arith.constant 16 : index
        %get3A_518 = tpu.vector_load %arg6[%get3A_516, %get3A_517] {strides = array<i32>} : memref<256x128xf32, #tpu.memory_space<vmem>>, vector<1x16xf32>,
        %get3A_519 = vector.shape_cast %get3A_518 : vector<1x16xf32> to vector<16xf32>
        %mul3A_520 = arith.constant 8.000000e+00 : f32
        %mul3A_521 = vector.broadcast %mul3A_520 : f32 to vector<16xf32>
        %mul3A_522 = arith.mulf %get3A_519, %mul3A_521 : vector<16xf32>
        %get3A_523 = arith.constant 1 : i32
        %get3A_524 = arith.index_cast %get3A_523 : i32 to index
        %get3A_525 = arith.constant 16 : index
        %get3A_526 = tpu.vector_load %arg8[%get3A_524, %get3A_525] {strides = array<i32>} : memref<8x128xf32, #tpu.memory_space<vmem>>, vector<1x16xf32>,
        %get3A_527 = vector.shape_cast %get3A_526 : vector<1x16xf32> to vector<16xf32>
        %add3A_528 = arith.addf %mul3A_522, %get3A_527 : vector<16xf32>
        %swap3A_529 = arith.index_cast %add3A_497 : i32 to index
        %swap3A_530 = arith.constant 16 : index
        %swap3A_531 = tpu.vector_load %arg6[%swap3A_529, %swap3A_530] {strides = array<i32>} : memref<256x128xf32, #tpu.memory_space<vmem>>, vector<1x16xf32>,
        %swap3A_532 = vector.shape_cast %swap3A_531 : vector<1x16xf32> to vector<16xf32>
        %swap3A_533 = vector.shape_cast %add3A_528 : vector<16xf32> to vector<1x16xf32>
        tpu.vector_store %arg6[%swap3A_529, %swap3A_530], %swap3A_533 {strides = array<i32>} : memref<256x128xf32, #tpu.memory_space<vmem>>, vector<1x16xf32>,
        %get3A_534 = arith.index_cast %add3A_497 : i32 to index
        %get3A_535 = arith.constant 32 : index
        %get3A_536 = tpu.vector_load %arg6[%get3A_534, %get3A_535] {strides = array<i32>} : memref<256x128xf32, #tpu.memory_space<vmem>>, vector<1x16xf32>,
        %get3A_537 = vector.shape_cast %get3A_536 : vector<1x16xf32> to vector<16xf32>
        %mul3A_538 = arith.constant 8.000000e+00 : f32
        %mul3A_539 = vector.broadcast %mul3A_538 : f32 to vector<16xf32>
        %mul3A_540 = arith.mulf %get3A_537, %mul3A_539 : vector<16xf32>
        %get3A_541 = arith.constant 1 : i32
        %get3A_542 = arith.index_cast %get3A_541 : i32 to index
        %get3A_543 = arith.constant 32 : index
        %get3A_544 = tpu.vector_load %arg8[%get3A_542, %get3A_543] {strides = array<i32>} : memref<8x128xf32, #tpu.memory_space<vmem>>, vector<1x16xf32>,
        %get3A_545 = vector.shape_cast %get3A_544 : vector<1x16xf32> to vector<16xf32>
        %add3A_546 = arith.addf %mul3A_540, %get3A_545 : vector<16xf32>
        %swap3A_547 = arith.index_cast %add3A_497 : i32 to index
        %swap3A_548 = arith.constant 32 : index
        %swap3A_549 = tpu.vector_load %arg6[%swap3A_547, %swap3A_548] {strides = array<i32>} : memref<256x128xf32, #tpu.memory_space<vmem>>, vector<1x16xf32>,
        %swap3A_550 = vector.shape_cast %swap3A_549 : vector<1x16xf32> to vector<16xf32>
        %swap3A_551 = vector.shape_cast %add3A_546 : vector<16xf32> to vector<1x16xf32>
        tpu.vector_store %arg6[%swap3A_547, %swap3A_548], %swap3A_551 {strides = array<i32>} : memref<256x128xf32, #tpu.memory_space<vmem>>, vector<1x16xf32>,
        %get3A_552 = arith.index_cast %add3A_497 : i32 to index
        %get3A_553 = arith.constant 48 : index
        %get3A_554 = tpu.vector_load %arg6[%get3A_552, %get3A_553] {strides = array<i32>} : memref<256x128xf32, #tpu.memory_space<vmem>>, vector<1x16xf32>,
        %get3A_555 = vector.shape_cast %get3A_554 : vector<1x16xf32> to vector<16xf32>
        %mul3A_556 = arith.constant 8.000000e+00 : f32
        %mul3A_557 = vector.broadcast %mul3A_556 : f32 to vector<16xf32>
        %mul3A_558 = arith.mulf %get3A_555, %mul3A_557 : vector<16xf32>
        %get3A_559 = arith.constant 1 : i32
        %get3A_560 = arith.index_cast %get3A_559 : i32 to index
        %get3A_561 = arith.constant 48 : index
        %get3A_562 = tpu.vector_load %arg8[%get3A_560, %get3A_561] {strides = array<i32>} : memref<8x128xf32, #tpu.memory_space<vmem>>, vector<1x16xf32>,
        %get3A_563 = vector.shape_cast %get3A_562 : vector<1x16xf32> to vector<16xf32>
        %add3A_564 = arith.addf %mul3A_558, %get3A_563 : vector<16xf32>
        %swap3A_565 = arith.index_cast %add3A_497 : i32 to index
        %swap3A_566 = arith.constant 48 : index
        %swap3A_567 = tpu.vector_load %arg6[%swap3A_565, %swap3A_566] {strides = array<i32>} : memref<256x128xf32, #tpu.memory_space<vmem>>, vector<1x16xf32>,
        %swap3A_568 = vector.shape_cast %swap3A_567 : vector<1x16xf32> to vector<16xf32>
        %swap3A_569 = vector.shape_cast %add3A_564 : vector<16xf32> to vector<1x16xf32>
        tpu.vector_store %arg6[%swap3A_565, %swap3A_566], %swap3A_569 {strides = array<i32>} : memref<256x128xf32, #tpu.memory_space<vmem>>, vector<1x16xf32>,
        %get3A_570 = arith.index_cast %add3A_497 : i32 to index
        %get3A_571 = arith.constant 64 : index
        %get3A_572 = tpu.vector_load %arg6[%get3A_570, %get3A_571] {strides = array<i32>} : memref<256x128xf32, #tpu.memory_space<vmem>>, vector<1x16xf32>,
        %get3A_573 = vector.shape_cast %get3A_572 : vector<1x16xf32> to vector<16xf32>
        %mul3A_574 = arith.constant 8.000000e+00 : f32
        %mul3A_575 = vector.broadcast %mul3A_574 : f32 to vector<16xf32>
        %mul3A_576 = arith.mulf %get3A_573, %mul3A_575 : vector<16xf32>
        %get3A_577 = arith.constant 1 : i32
        %get3A_578 = arith.index_cast %get3A_577 : i32 to index
        %get3A_579 = arith.constant 64 : index
        %get3A_580 = tpu.vector_load %arg8[%get3A_578, %get3A_579] {strides = array<i32>} : memref<8x128xf32, #tpu.memory_space<vmem>>, vector<1x16xf32>,
        %get3A_581 = vector.shape_cast %get3A_580 : vector<1x16xf32> to vector<16xf32>
        %add3A_582 = arith.addf %mul3A_576, %get3A_581 : vector<16xf32>
        %swap3A_583 = arith.index_cast %add3A_497 : i32 to index
        %swap3A_584 = arith.constant 64 : index
        %swap3A_585 = tpu.vector_load %arg6[%swap3A_583, %swap3A_584] {strides = array<i32>} : memref<256x128xf32, #tpu.memory_space<vmem>>, vector<1x16xf32>,
        %swap3A_586 = vector.shape_cast %swap3A_585 : vector<1x16xf32> to vector<16xf32>
        %swap3A_587 = vector.shape_cast %add3A_582 : vector<16xf32> to vector<1x16xf32>
        tpu.vector_store %arg6[%swap3A_583, %swap3A_584], %swap3A_587 {strides = array<i32>} : memref<256x128xf32, #tpu.memory_space<vmem>>, vector<1x16xf32>,
        %get3A_588 = arith.index_cast %add3A_497 : i32 to index
        %get3A_589 = arith.constant 80 : index
        %get3A_590 = tpu.vector_load %arg6[%get3A_588, %get3A_589] {strides = array<i32>} : memref<256x128xf32, #tpu.memory_space<vmem>>, vector<1x16xf32>,
        %get3A_591 = vector.shape_cast %get3A_590 : vector<1x16xf32> to vector<16xf32>
        %mul3A_592 = arith.constant 8.000000e+00 : f32
        %mul3A_593 = vector.broadcast %mul3A_592 : f32 to vector<16xf32>
        %mul3A_594 = arith.mulf %get3A_591, %mul3A_593 : vector<16xf32>
        %get3A_595 = arith.constant 1 : i32
        %get3A_596 = arith.index_cast %get3A_595 : i32 to index
        %get3A_597 = arith.constant 80 : index
        %get3A_598 = tpu.vector_load %arg8[%get3A_596, %get3A_597] {strides = array<i32>} : memref<8x128xf32, #tpu.memory_space<vmem>>, vector<1x16xf32>,
        %get3A_599 = vector.shape_cast %get3A_598 : vector<1x16xf32> to vector<16xf32>
        %add3A_600 = arith.addf %mul3A_594, %get3A_599 : vector<16xf32>
        %swap3A_601 = arith.index_cast %add3A_497 : i32 to index
        %swap3A_602 = arith.constant 80 : index
        %swap3A_603 = tpu.vector_load %arg6[%swap3A_601, %swap3A_602] {strides = array<i32>} : memref<256x128xf32, #tpu.memory_space<vmem>>, vector<1x16xf32>,
        %swap3A_604 = vector.shape_cast %swap3A_603 : vector<1x16xf32> to vector<16xf32>
        %swap3A_605 = vector.shape_cast %add3A_600 : vector<16xf32> to vector<1x16xf32>
        tpu.vector_store %arg6[%swap3A_601, %swap3A_602], %swap3A_605 {strides = array<i32>} : memref<256x128xf32, #tpu.memory_space<vmem>>, vector<1x16xf32>,
        %get3A_606 = arith.index_cast %add3A_497 : i32 to index
        %get3A_607 = arith.constant 96 : index
        %get3A_608 = tpu.vector_load %arg6[%get3A_606, %get3A_607] {strides = array<i32>} : memref<256x128xf32, #tpu.memory_space<vmem>>, vector<1x16xf32>,
        %get3A_609 = vector.shape_cast %get3A_608 : vector<1x16xf32> to vector<16xf32>
        %mul3A_610 = arith.constant 8.000000e+00 : f32
        %mul3A_611 = vector.broadcast %mul3A_610 : f32 to vector<16xf32>
        %mul3A_612 = arith.mulf %get3A_609, %mul3A_611 : vector<16xf32>
        %get3A_613 = arith.constant 1 : i32
        %get3A_614 = arith.index_cast %get3A_613 : i32 to index
        %get3A_615 = arith.constant 96 : index
        %get3A_616 = tpu.vector_load %arg8[%get3A_614, %get3A_615] {strides = array<i32>} : memref<8x128xf32, #tpu.memory_space<vmem>>, vector<1x16xf32>,
        %get3A_617 = vector.shape_cast %get3A_616 : vector<1x16xf32> to vector<16xf32>
        %add3A_618 = arith.addf %mul3A_612, %get3A_617 : vector<16xf32>
        %swap3A_619 = arith.index_cast %add3A_497 : i32 to index
        %swap3A_620 = arith.constant 96 : index
        %swap3A_621 = tpu.vector_load %arg6[%swap3A_619, %swap3A_620] {strides = array<i32>} : memref<256x128xf32, #tpu.memory_space<vmem>>, vector<1x16xf32>,
        %swap3A_622 = vector.shape_cast %swap3A_621 : vector<1x16xf32> to vector<16xf32>
        %swap3A_623 = vector.shape_cast %add3A_618 : vector<16xf32> to vector<1x16xf32>
        tpu.vector_store %arg6[%swap3A_619, %swap3A_620], %swap3A_623 {strides = array<i32>} : memref<256x128xf32, #tpu.memory_space<vmem>>, vector<1x16xf32>,
        %get3A_624 = arith.index_cast %add3A_497 : i32 to index
        %get3A_625 = arith.constant 112 : index
        %get3A_626 = tpu.vector_load %arg6[%get3A_624, %get3A_625] {strides = array<i32>} : memref<256x128xf32, #tpu.memory_space<vmem>>, vector<1x16xf32>,
        %get3A_627 = vector.shape_cast %get3A_626 : vector<1x16xf32> to vector<16xf32>
        %mul3A_628 = arith.constant 8.000000e+00 : f32
        %mul3A_629 = vector.broadcast %mul3A_628 : f32 to vector<16xf32>
        %mul3A_630 = arith.mulf %get3A_627, %mul3A_629 : vector<16xf32>
        %get3A_631 = arith.constant 1 : i32
        %get3A_632 = arith.index_cast %get3A_631 : i32 to index
        %get3A_633 = arith.constant 112 : index
        %get3A_634 = tpu.vector_load %arg8[%get3A_632, %get3A_633] {strides = array<i32>} : memref<8x128xf32, #tpu.memory_space<vmem>>, vector<1x16xf32>,
        %get3A_635 = vector.shape_cast %get3A_634 : vector<1x16xf32> to vector<16xf32>
        %add3A_636 = arith.addf %mul3A_630, %get3A_635 : vector<16xf32>
        %swap3A_637 = arith.index_cast %add3A_497 : i32 to index
        %swap3A_638 = arith.constant 112 : index
        %swap3A_639 = tpu.vector_load %arg6[%swap3A_637, %swap3A_638] {strides = array<i32>} : memref<256x128xf32, #tpu.memory_space<vmem>>, vector<1x16xf32>,
        %swap3A_640 = vector.shape_cast %swap3A_639 : vector<1x16xf32> to vector<16xf32>
        %swap3A_641 = vector.shape_cast %add3A_636 : vector<16xf32> to vector<1x16xf32>
        tpu.vector_store %arg6[%swap3A_637, %swap3A_638], %swap3A_641 {strides = array<i32>} : memref<256x128xf32, #tpu.memory_space<vmem>>, vector<1x16xf32>,
        %mul3A_642 = arith.constant 8 : i32
        %mul3A_643 = arith.muli %scan3A_346, %mul3A_642 : i32
        %add3A_644 = arith.constant 2 : i32
        %add3A_645 = arith.addi %mul3A_643, %add3A_644 : i32
        %get3A_646 = arith.index_cast %add3A_645 : i32 to index
        %get3A_647 = arith.constant 0 : index
        %get3A_648 = tpu.vector_load %arg6[%get3A_646, %get3A_647] {strides = array<i32>} : memref<256x128xf32, #tpu.memory_space<vmem>>, vector<1x16xf32>,
        %get3A_649 = vector.shape_cast %get3A_648 : vector<1x16xf32> to vector<16xf32>
        %mul3A_650 = arith.constant 8.000000e+00 : f32
        %mul3A_651 = vector.broadcast %mul3A_650 : f32 to vector<16xf32>
        %mul3A_652 = arith.mulf %get3A_649, %mul3A_651 : vector<16xf32>
        %get3A_653 = arith.constant 2 : i32
        %get3A_654 = arith.index_cast %get3A_653 : i32 to index
        %get3A_655 = arith.constant 0 : index
        %get3A_656 = tpu.vector_load %arg8[%get3A_654, %get3A_655] {strides = array<i32>} : memref<8x128xf32, #tpu.memory_space<vmem>>, vector<1x16xf32>,
        %get3A_657 = vector.shape_cast %get3A_656 : vector<1x16xf32> to vector<16xf32>
        %add3A_658 = arith.addf %mul3A_652, %get3A_657 : vector<16xf32>
        %swap3A_659 = arith.index_cast %add3A_645 : i32 to index
        %swap3A_660 = arith.constant 0 : index
        %swap3A_661 = tpu.vector_load %arg6[%swap3A_659, %swap3A_660] {strides = array<i32>} : memref<256x128xf32, #tpu.memory_space<vmem>>, vector<1x16xf32>,
        %swap3A_662 = vector.shape_cast %swap3A_661 : vector<1x16xf32> to vector<16xf32>
        %swap3A_663 = vector.shape_cast %add3A_658 : vector<16xf32> to vector<1x16xf32>
        tpu.vector_store %arg6[%swap3A_659, %swap3A_660], %swap3A_663 {strides = array<i32>} : memref<256x128xf32, #tpu.memory_space<vmem>>, vector<1x16xf32>,
        %get3A_664 = arith.index_cast %add3A_645 : i32 to index
        %get3A_665 = arith.constant 16 : index
        %get3A_666 = tpu.vector_load %arg6[%get3A_664, %get3A_665] {strides = array<i32>} : memref<256x128xf32, #tpu.memory_space<vmem>>, vector<1x16xf32>,
        %get3A_667 = vector.shape_cast %get3A_666 : vector<1x16xf32> to vector<16xf32>
        %mul3A_668 = arith.constant 8.000000e+00 : f32
        %mul3A_669 = vector.broadcast %mul3A_668 : f32 to vector<16xf32>
        %mul3A_670 = arith.mulf %get3A_667, %mul3A_669 : vector<16xf32>
        %get3A_671 = arith.constant 2 : i32
        %get3A_672 = arith.index_cast %get3A_671 : i32 to index
        %get3A_673 = arith.constant 16 : index
        %get3A_674 = tpu.vector_load %arg8[%get3A_672, %get3A_673] {strides = array<i32>} : memref<8x128xf32, #tpu.memory_space<vmem>>, vector<1x16xf32>,
        %get3A_675 = vector.shape_cast %get3A_674 : vector<1x16xf32> to vector<16xf32>
        %add3A_676 = arith.addf %mul3A_670, %get3A_675 : vector<16xf32>
        %swap3A_677 = arith.index_cast %add3A_645 : i32 to index
        %swap3A_678 = arith.constant 16 : index
        %swap3A_679 = tpu.vector_load %arg6[%swap3A_677, %swap3A_678] {strides = array<i32>} : memref<256x128xf32, #tpu.memory_space<vmem>>, vector<1x16xf32>,
        %swap3A_680 = vector.shape_cast %swap3A_679 : vector<1x16xf32> to vector<16xf32>
        %swap3A_681 = vector.shape_cast %add3A_676 : vector<16xf32> to vector<1x16xf32>
        tpu.vector_store %arg6[%swap3A_677, %swap3A_678], %swap3A_681 {strides = array<i32>} : memref<256x128xf32, #tpu.memory_space<vmem>>, vector<1x16xf32>,
        %get3A_682 = arith.index_cast %add3A_645 : i32 to index
        %get3A_683 = arith.constant 32 : index
        %get3A_684 = tpu.vector_load %arg6[%get3A_682, %get3A_683] {strides = array<i32>} : memref<256x128xf32, #tpu.memory_space<vmem>>, vector<1x16xf32>,
        %get3A_685 = vector.shape_cast %get3A_684 : vector<1x16xf32> to vector<16xf32>
        %mul3A_686 = arith.constant 8.000000e+00 : f32
        %mul3A_687 = vector.broadcast %mul3A_686 : f32 to vector<16xf32>
        %mul3A_688 = arith.mulf %get3A_685, %mul3A_687 : vector<16xf32>
        %get3A_689 = arith.constant 2 : i32
        %get3A_690 = arith.index_cast %get3A_689 : i32 to index
        %get3A_691 = arith.constant 32 : index
        %get3A_692 = tpu.vector_load %arg8[%get3A_690, %get3A_691] {strides = array<i32>} : memref<8x128xf32, #tpu.memory_space<vmem>>, vector<1x16xf32>,
        %get3A_693 = vector.shape_cast %get3A_692 : vector<1x16xf32> to vector<16xf32>
        %add3A_694 = arith.addf %mul3A_688, %get3A_693 : vector<16xf32>
        %swap3A_695 = arith.index_cast %add3A_645 : i32 to index
        %swap3A_696 = arith.constant 32 : index
        %swap3A_697 = tpu.vector_load %arg6[%swap3A_695, %swap3A_696] {strides = array<i32>} : memref<256x128xf32, #tpu.memory_space<vmem>>, vector<1x16xf32>,
        %swap3A_698 = vector.shape_cast %swap3A_697 : vector<1x16xf32> to vector<16xf32>
        %swap3A_699 = vector.shape_cast %add3A_694 : vector<16xf32> to vector<1x16xf32>
        tpu.vector_store %arg6[%swap3A_695, %swap3A_696], %swap3A_699 {strides = array<i32>} : memref<256x128xf32, #tpu.memory_space<vmem>>, vector<1x16xf32>,
        %get3A_700 = arith.index_cast %add3A_645 : i32 to index
        %get3A_701 = arith.constant 48 : index
        %get3A_702 = tpu.vector_load %arg6[%get3A_700, %get3A_701] {strides = array<i32>} : memref<256x128xf32, #tpu.memory_space<vmem>>, vector<1x16xf32>,
        %get3A_703 = vector.shape_cast %get3A_702 : vector<1x16xf32> to vector<16xf32>
        %mul3A_704 = arith.constant 8.000000e+00 : f32
        %mul3A_705 = vector.broadcast %mul3A_704 : f32 to vector<16xf32>
        %mul3A_706 = arith.mulf %get3A_703, %mul3A_705 : vector<16xf32>
        %get3A_707 = arith.constant 2 : i32
        %get3A_708 = arith.index_cast %get3A_707 : i32 to index
        %get3A_709 = arith.constant 48 : index
        %get3A_710 = tpu.vector_load %arg8[%get3A_708, %get3A_709] {strides = array<i32>} : memref<8x128xf32, #tpu.memory_space<vmem>>, vector<1x16xf32>,
        %get3A_711 = vector.shape_cast %get3A_710 : vector<1x16xf32> to vector<16xf32>
        %add3A_712 = arith.addf %mul3A_706, %get3A_711 : vector<16xf32>
        %swap3A_713 = arith.index_cast %add3A_645 : i32 to index
        %swap3A_714 = arith.constant 48 : index
        %swap3A_715 = tpu.vector_load %arg6[%swap3A_713, %swap3A_714] {strides = array<i32>} : memref<256x128xf32, #tpu.memory_space<vmem>>, vector<1x16xf32>,
        %swap3A_716 = vector.shape_cast %swap3A_715 : vector<1x16xf32> to vector<16xf32>
        %swap3A_717 = vector.shape_cast %add3A_712 : vector<16xf32> to vector<1x16xf32>
        tpu.vector_store %arg6[%swap3A_713, %swap3A_714], %swap3A_717 {strides = array<i32>} : memref<256x128xf32, #tpu.memory_space<vmem>>, vector<1x16xf32>,
        %get3A_718 = arith.index_cast %add3A_645 : i32 to index
        %get3A_719 = arith.constant 64 : index
        %get3A_720 = tpu.vector_load %arg6[%get3A_718, %get3A_719] {strides = array<i32>} : memref<256x128xf32, #tpu.memory_space<vmem>>, vector<1x16xf32>,
        %get3A_721 = vector.shape_cast %get3A_720 : vector<1x16xf32> to vector<16xf32>
        %mul3A_722 = arith.constant 8.000000e+00 : f32
        %mul3A_723 = vector.broadcast %mul3A_722 : f32 to vector<16xf32>
        %mul3A_724 = arith.mulf %get3A_721, %mul3A_723 : vector<16xf32>
        %get3A_725 = arith.constant 2 : i32
        %get3A_726 = arith.index_cast %get3A_725 : i32 to index
        %get3A_727 = arith.constant 64 : index
        %get3A_728 = tpu.vector_load %arg8[%get3A_726, %get3A_727] {strides = array<i32>} : memref<8x128xf32, #tpu.memory_space<vmem>>, vector<1x16xf32>,
        %get3A_729 = vector.shape_cast %get3A_728 : vector<1x16xf32> to vector<16xf32>
        %add3A_730 = arith.addf %mul3A_724, %get3A_729 : vector<16xf32>
        %swap3A_731 = arith.index_cast %add3A_645 : i32 to index
        %swap3A_732 = arith.constant 64 : index
        %swap3A_733 = tpu.vector_load %arg6[%swap3A_731, %swap3A_732] {strides = array<i32>} : memref<256x128xf32, #tpu.memory_space<vmem>>, vector<1x16xf32>,
        %swap3A_734 = vector.shape_cast %swap3A_733 : vector<1x16xf32> to vector<16xf32>
        %swap3A_735 = vector.shape_cast %add3A_730 : vector<16xf32> to vector<1x16xf32>
        tpu.vector_store %arg6[%swap3A_731, %swap3A_732], %swap3A_735 {strides = array<i32>} : memref<256x128xf32, #tpu.memory_space<vmem>>, vector<1x16xf32>,
        %get3A_736 = arith.index_cast %add3A_645 : i32 to index
        %get3A_737 = arith.constant 80 : index
        %get3A_738 = tpu.vector_load %arg6[%get3A_736, %get3A_737] {strides = array<i32>} : memref<256x128xf32, #tpu.memory_space<vmem>>, vector<1x16xf32>,
        %get3A_739 = vector.shape_cast %get3A_738 : vector<1x16xf32> to vector<16xf32>
        %mul3A_740 = arith.constant 8.000000e+00 : f32
        %mul3A_741 = vector.broadcast %mul3A_740 : f32 to vector<16xf32>
        %mul3A_742 = arith.mulf %get3A_739, %mul3A_741 : vector<16xf32>
        %get3A_743 = arith.constant 2 : i32
        %get3A_744 = arith.index_cast %get3A_743 : i32 to index
        %get3A_745 = arith.constant 80 : index
        %get3A_746 = tpu.vector_load %arg8[%get3A_744, %get3A_745] {strides = array<i32>} : memref<8x128xf32, #tpu.memory_space<vmem>>, vector<1x16xf32>,
        %get3A_747 = vector.shape_cast %get3A_746 : vector<1x16xf32> to vector<16xf32>
        %add3A_748 = arith.addf %mul3A_742, %get3A_747 : vector<16xf32>
        %swap3A_749 = arith.index_cast %add3A_645 : i32 to index
        %swap3A_750 = arith.constant 80 : index
        %swap3A_751 = tpu.vector_load %arg6[%swap3A_749, %swap3A_750] {strides = array<i32>} : memref<256x128xf32, #tpu.memory_space<vmem>>, vector<1x16xf32>,
        %swap3A_752 = vector.shape_cast %swap3A_751 : vector<1x16xf32> to vector<16xf32>
        %swap3A_753 = vector.shape_cast %add3A_748 : vector<16xf32> to vector<1x16xf32>
        tpu.vector_store %arg6[%swap3A_749, %swap3A_750], %swap3A_753 {strides = array<i32>} : memref<256x128xf32, #tpu.memory_space<vmem>>, vector<1x16xf32>,
        %get3A_754 = arith.index_cast %add3A_645 : i32 to index
        %get3A_755 = arith.constant 96 : index
        %get3A_756 = tpu.vector_load %arg6[%get3A_754, %get3A_755] {strides = array<i32>} : memref<256x128xf32, #tpu.memory_space<vmem>>, vector<1x16xf32>,
        %get3A_757 = vector.shape_cast %get3A_756 : vector<1x16xf32> to vector<16xf32>
        %mul3A_758 = arith.constant 8.000000e+00 : f32
        %mul3A_759 = vector.broadcast %mul3A_758 : f32 to vector<16xf32>
        %mul3A_760 = arith.mulf %get3A_757, %mul3A_759 : vector<16xf32>
        %get3A_761 = arith.constant 2 : i32
        %get3A_762 = arith.index_cast %get3A_761 : i32 to index
        %get3A_763 = arith.constant 96 : index
        %get3A_764 = tpu.vector_load %arg8[%get3A_762, %get3A_763] {strides = array<i32>} : memref<8x128xf32, #tpu.memory_space<vmem>>, vector<1x16xf32>,
        %get3A_765 = vector.shape_cast %get3A_764 : vector<1x16xf32> to vector<16xf32>
        %add3A_766 = arith.addf %mul3A_760, %get3A_765 : vector<16xf32>
        %swap3A_767 = arith.index_cast %add3A_645 : i32 to index
        %swap3A_768 = arith.constant 96 : index
        %swap3A_769 = tpu.vector_load %arg6[%swap3A_767, %swap3A_768] {strides = array<i32>} : memref<256x128xf32, #tpu.memory_space<vmem>>, vector<1x16xf32>,
        %swap3A_770 = vector.shape_cast %swap3A_769 : vector<1x16xf32> to vector<16xf32>
        %swap3A_771 = vector.shape_cast %add3A_766 : vector<16xf32> to vector<1x16xf32>
        tpu.vector_store %arg6[%swap3A_767, %swap3A_768], %swap3A_771 {strides = array<i32>} : memref<256x128xf32, #tpu.memory_space<vmem>>, vector<1x16xf32>,
        %get3A_772 = arith.index_cast %add3A_645 : i32 to index
        %get3A_773 = arith.constant 112 : index
        %get3A_774 = tpu.vector_load %arg6[%get3A_772, %get3A_773] {strides = array<i32>} : memref<256x128xf32, #tpu.memory_space<vmem>>, vector<1x16xf32>,
        %get3A_775 = vector.shape_cast %get3A_774 : vector<1x16xf32> to vector<16xf32>
        %mul3A_776 = arith.constant 8.000000e+00 : f32
        %mul3A_777 = vector.broadcast %mul3A_776 : f32 to vector<16xf32>
        %mul3A_778 = arith.mulf %get3A_775, %mul3A_777 : vector<16xf32>
        %get3A_779 = arith.constant 2 : i32
        %get3A_780 = arith.index_cast %get3A_779 : i32 to index
        %get3A_781 = arith.constant 112 : index
        %get3A_782 = tpu.vector_load %arg8[%get3A_780, %get3A_781] {strides = array<i32>} : memref<8x128xf32, #tpu.memory_space<vmem>>, vector<1x16xf32>,
        %get3A_783 = vector.shape_cast %get3A_782 : vector<1x16xf32> to vector<16xf32>
        %add3A_784 = arith.addf %mul3A_778, %get3A_783 : vector<16xf32>
        %swap3A_785 = arith.index_cast %add3A_645 : i32 to index
        %swap3A_786 = arith.constant 112 : index
        %swap3A_787 = tpu.vector_load %arg6[%swap3A_785, %swap3A_786] {strides = array<i32>} : memref<256x128xf32, #tpu.memory_space<vmem>>, vector<1x16xf32>,
        %swap3A_788 = vector.shape_cast %swap3A_787 : vector<1x16xf32> to vector<16xf32>
        %swap3A_789 = vector.shape_cast %add3A_784 : vector<16xf32> to vector<1x16xf32>
        tpu.vector_store %arg6[%swap3A_785, %swap3A_786], %swap3A_789 {strides = array<i32>} : memref<256x128xf32, #tpu.memory_space<vmem>>, vector<1x16xf32>,
        %mul3A_790 = arith.constant 8 : i32
        %mul3A_791 = arith.muli %scan3A_346, %mul3A_790 : i32
        %add3A_792 = arith.constant 3 : i32
        %add3A_793 = arith.addi %mul3A_791, %add3A_792 : i32
        %get3A_794 = arith.index_cast %add3A_793 : i32 to index
        %get3A_795 = arith.constant 0 : index
        %get3A_796 = tpu.vector_load %arg6[%get3A_794, %get3A_795] {strides = array<i32>} : memref<256x128xf32, #tpu.memory_space<vmem>>, vector<1x16xf32>,
        %get3A_797 = vector.shape_cast %get3A_796 : vector<1x16xf32> to vector<16xf32>
        %mul3A_798 = arith.constant 8.000000e+00 : f32
        %mul3A_799 = vector.broadcast %mul3A_798 : f32 to vector<16xf32>
        %mul3A_800 = arith.mulf %get3A_797, %mul3A_799 : vector<16xf32>
        %get3A_801 = arith.constant 3 : i32
        %get3A_802 = arith.index_cast %get3A_801 : i32 to index
        %get3A_803 = arith.constant 0 : index
        %get3A_804 = tpu.vector_load %arg8[%get3A_802, %get3A_803] {strides = array<i32>} : memref<8x128xf32, #tpu.memory_space<vmem>>, vector<1x16xf32>,
        %get3A_805 = vector.shape_cast %get3A_804 : vector<1x16xf32> to vector<16xf32>
        %add3A_806 = arith.addf %mul3A_800, %get3A_805 : vector<16xf32>
        %swap3A_807 = arith.index_cast %add3A_793 : i32 to index
        %swap3A_808 = arith.constant 0 : index
        %swap3A_809 = tpu.vector_load %arg6[%swap3A_807, %swap3A_808] {strides = array<i32>} : memref<256x128xf32, #tpu.memory_space<vmem>>, vector<1x16xf32>,
        %swap3A_810 = vector.shape_cast %swap3A_809 : vector<1x16xf32> to vector<16xf32>
        %swap3A_811 = vector.shape_cast %add3A_806 : vector<16xf32> to vector<1x16xf32>
        tpu.vector_store %arg6[%swap3A_807, %swap3A_808], %swap3A_811 {strides = array<i32>} : memref<256x128xf32, #tpu.memory_space<vmem>>, vector<1x16xf32>,
        %get3A_812 = arith.index_cast %add3A_793 : i32 to index
        %get3A_813 = arith.constant 16 : index
        %get3A_814 = tpu.vector_load %arg6[%get3A_812, %get3A_813] {strides = array<i32>} : memref<256x128xf32, #tpu.memory_space<vmem>>, vector<1x16xf32>,
        %get3A_815 = vector.shape_cast %get3A_814 : vector<1x16xf32> to vector<16xf32>
        %mul3A_816 = arith.constant 8.000000e+00 : f32
        %mul3A_817 = vector.broadcast %mul3A_816 : f32 to vector<16xf32>
        %mul3A_818 = arith.mulf %get3A_815, %mul3A_817 : vector<16xf32>
        %get3A_819 = arith.constant 3 : i32
        %get3A_820 = arith.index_cast %get3A_819 : i32 to index
        %get3A_821 = arith.constant 16 : index
        %get3A_822 = tpu.vector_load %arg8[%get3A_820, %get3A_821] {strides = array<i32>} : memref<8x128xf32, #tpu.memory_space<vmem>>, vector<1x16xf32>,
        %get3A_823 = vector.shape_cast %get3A_822 : vector<1x16xf32> to vector<16xf32>
        %add3A_824 = arith.addf %mul3A_818, %get3A_823 : vector<16xf32>
        %swap3A_825 = arith.index_cast %add3A_793 : i32 to index
        %swap3A_826 = arith.constant 16 : index
        %swap3A_827 = tpu.vector_load %arg6[%swap3A_825, %swap3A_826] {strides = array<i32>} : memref<256x128xf32, #tpu.memory_space<vmem>>, vector<1x16xf32>,
        %swap3A_828 = vector.shape_cast %swap3A_827 : vector<1x16xf32> to vector<16xf32>
        %swap3A_829 = vector.shape_cast %add3A_824 : vector<16xf32> to vector<1x16xf32>
        tpu.vector_store %arg6[%swap3A_825, %swap3A_826], %swap3A_829 {strides = array<i32>} : memref<256x128xf32, #tpu.memory_space<vmem>>, vector<1x16xf32>,
        %get3A_830 = arith.index_cast %add3A_793 : i32 to index
        %get3A_831 = arith.constant 32 : index
        %get3A_832 = tpu.vector_load %arg6[%get3A_830, %get3A_831] {strides = array<i32>} : memref<256x128xf32, #tpu.memory_space<vmem>>, vector<1x16xf32>,
        %get3A_833 = vector.shape_cast %get3A_832 : vector<1x16xf32> to vector<16xf32>
        %mul3A_834 = arith.constant 8.000000e+00 : f32
        %mul3A_835 = vector.broadcast %mul3A_834 : f32 to vector<16xf32>
        %mul3A_836 = arith.mulf %get3A_833, %mul3A_835 : vector<16xf32>
        %get3A_837 = arith.constant 3 : i32
        %get3A_838 = arith.index_cast %get3A_837 : i32 to index
        %get3A_839 = arith.constant 32 : index
        %get3A_840 = tpu.vector_load %arg8[%get3A_838, %get3A_839] {strides = array<i32>} : memref<8x128xf32, #tpu.memory_space<vmem>>, vector<1x16xf32>,
        %get3A_841 = vector.shape_cast %get3A_840 : vector<1x16xf32> to vector<16xf32>
        %add3A_842 = arith.addf %mul3A_836, %get3A_841 : vector<16xf32>
        %swap3A_843 = arith.index_cast %add3A_793 : i32 to index
        %swap3A_844 = arith.constant 32 : index
        %swap3A_845 = tpu.vector_load %arg6[%swap3A_843, %swap3A_844] {strides = array<i32>} : memref<256x128xf32, #tpu.memory_space<vmem>>, vector<1x16xf32>,
        %swap3A_846 = vector.shape_cast %swap3A_845 : vector<1x16xf32> to vector<16xf32>
        %swap3A_847 = vector.shape_cast %add3A_842 : vector<16xf32> to vector<1x16xf32>
        tpu.vector_store %arg6[%swap3A_843, %swap3A_844], %swap3A_847 {strides = array<i32>} : memref<256x128xf32, #tpu.memory_space<vmem>>, vector<1x16xf32>,
        %get3A_848 = arith.index_cast %add3A_793 : i32 to index
        %get3A_849 = arith.constant 48 : index
        %get3A_850 = tpu.vector_load %arg6[%get3A_848, %get3A_849] {strides = array<i32>} : memref<256x128xf32, #tpu.memory_space<vmem>>, vector<1x16xf32>,
        %get3A_851 = vector.shape_cast %get3A_850 : vector<1x16xf32> to vector<16xf32>
        %mul3A_852 = arith.constant 8.000000e+00 : f32
        %mul3A_853 = vector.broadcast %mul3A_852 : f32 to vector<16xf32>
        %mul3A_854 = arith.mulf %get3A_851, %mul3A_853 : vector<16xf32>
        %get3A_855 = arith.constant 3 : i32
        %get3A_856 = arith.index_cast %get3A_855 : i32 to index
        %get3A_857 = arith.constant 48 : index
        %get3A_858 = tpu.vector_load %arg8[%get3A_856, %get3A_857] {strides = array<i32>} : memref<8x128xf32, #tpu.memory_space<vmem>>, vector<1x16xf32>,
        %get3A_859 = vector.shape_cast %get3A_858 : vector<1x16xf32> to vector<16xf32>
        %add3A_860 = arith.addf %mul3A_854, %get3A_859 : vector<16xf32>
        %swap3A_861 = arith.index_cast %add3A_793 : i32 to index
        %swap3A_862 = arith.constant 48 : index
        %swap3A_863 = tpu.vector_load %arg6[%swap3A_861, %swap3A_862] {strides = array<i32>} : memref<256x128xf32, #tpu.memory_space<vmem>>, vector<1x16xf32>,
        %swap3A_864 = vector.shape_cast %swap3A_863 : vector<1x16xf32> to vector<16xf32>
        %swap3A_865 = vector.shape_cast %add3A_860 : vector<16xf32> to vector<1x16xf32>
        tpu.vector_store %arg6[%swap3A_861, %swap3A_862], %swap3A_865 {strides = array<i32>} : memref<256x128xf32, #tpu.memory_space<vmem>>, vector<1x16xf32>,
        %get3A_866 = arith.index_cast %add3A_793 : i32 to index
        %get3A_867 = arith.constant 64 : index
        %get3A_868 = tpu.vector_load %arg6[%get3A_866, %get3A_867] {strides = array<i32>} : memref<256x128xf32, #tpu.memory_space<vmem>>, vector<1x16xf32>,
        %get3A_869 = vector.shape_cast %get3A_868 : vector<1x16xf32> to vector<16xf32>
        %mul3A_870 = arith.constant 8.000000e+00 : f32
        %mul3A_871 = vector.broadcast %mul3A_870 : f32 to vector<16xf32>
        %mul3A_872 = arith.mulf %get3A_869, %mul3A_871 : vector<16xf32>
        %get3A_873 = arith.constant 3 : i32
        %get3A_874 = arith.index_cast %get3A_873 : i32 to index
        %get3A_875 = arith.constant 64 : index
        %get3A_876 = tpu.vector_load %arg8[%get3A_874, %get3A_875] {strides = array<i32>} : memref<8x128xf32, #tpu.memory_space<vmem>>, vector<1x16xf32>,
        %get3A_877 = vector.shape_cast %get3A_876 : vector<1x16xf32> to vector<16xf32>
        %add3A_878 = arith.addf %mul3A_872, %get3A_877 : vector<16xf32>
        %swap3A_879 = arith.index_cast %add3A_793 : i32 to index
        %swap3A_880 = arith.constant 64 : index
        %swap3A_881 = tpu.vector_load %arg6[%swap3A_879, %swap3A_880] {strides = array<i32>} : memref<256x128xf32, #tpu.memory_space<vmem>>, vector<1x16xf32>,
        %swap3A_882 = vector.shape_cast %swap3A_881 : vector<1x16xf32> to vector<16xf32>
        %swap3A_883 = vector.shape_cast %add3A_878 : vector<16xf32> to vector<1x16xf32>
        tpu.vector_store %arg6[%swap3A_879, %swap3A_880], %swap3A_883 {strides = array<i32>} : memref<256x128xf32, #tpu.memory_space<vmem>>, vector<1x16xf32>,
        %get3A_884 = arith.index_cast %add3A_793 : i32 to index
        %get3A_885 = arith.constant 80 : index
        %get3A_886 = tpu.vector_load %arg6[%get3A_884, %get3A_885] {strides = array<i32>} : memref<256x128xf32, #tpu.memory_space<vmem>>, vector<1x16xf32>,
        %get3A_887 = vector.shape_cast %get3A_886 : vector<1x16xf32> to vector<16xf32>
        %mul3A_888 = arith.constant 8.000000e+00 : f32
        %mul3A_889 = vector.broadcast %mul3A_888 : f32 to vector<16xf32>
        %mul3A_890 = arith.mulf %get3A_887, %mul3A_889 : vector<16xf32>
        %get3A_891 = arith.constant 3 : i32
        %get3A_892 = arith.index_cast %get3A_891 : i32 to index
        %get3A_893 = arith.constant 80 : index
        %get3A_894 = tpu.vector_load %arg8[%get3A_892, %get3A_893] {strides = array<i32>} : memref<8x128xf32, #tpu.memory_space<vmem>>, vector<1x16xf32>,
        %get3A_895 = vector.shape_cast %get3A_894 : vector<1x16xf32> to vector<16xf32>
        %add3A_896 = arith.addf %mul3A_890, %get3A_895 : vector<16xf32>
        %swap3A_897 = arith.index_cast %add3A_793 : i32 to index
        %swap3A_898 = arith.constant 80 : index
        %swap3A_899 = tpu.vector_load %arg6[%swap3A_897, %swap3A_898] {strides = array<i32>} : memref<256x128xf32, #tpu.memory_space<vmem>>, vector<1x16xf32>,
        %swap3A_900 = vector.shape_cast %swap3A_899 : vector<1x16xf32> to vector<16xf32>
        %swap3A_901 = vector.shape_cast %add3A_896 : vector<16xf32> to vector<1x16xf32>
        tpu.vector_store %arg6[%swap3A_897, %swap3A_898], %swap3A_901 {strides = array<i32>} : memref<256x128xf32, #tpu.memory_space<vmem>>, vector<1x16xf32>,
        %get3A_902 = arith.index_cast %add3A_793 : i32 to index
        %get3A_903 = arith.constant 96 : index
        %get3A_904 = tpu.vector_load %arg6[%get3A_902, %get3A_903] {strides = array<i32>} : memref<256x128xf32, #tpu.memory_space<vmem>>, vector<1x16xf32>,
        %get3A_905 = vector.shape_cast %get3A_904 : vector<1x16xf32> to vector<16xf32>
        %mul3A_906 = arith.constant 8.000000e+00 : f32
        %mul3A_907 = vector.broadcast %mul3A_906 : f32 to vector<16xf32>
        %mul3A_908 = arith.mulf %get3A_905, %mul3A_907 : vector<16xf32>
        %get3A_909 = arith.constant 3 : i32
        %get3A_910 = arith.index_cast %get3A_909 : i32 to index
        %get3A_911 = arith.constant 96 : index
        %get3A_912 = tpu.vector_load %arg8[%get3A_910, %get3A_911] {strides = array<i32>} : memref<8x128xf32, #tpu.memory_space<vmem>>, vector<1x16xf32>,
        %get3A_913 = vector.shape_cast %get3A_912 : vector<1x16xf32> to vector<16xf32>
        %add3A_914 = arith.addf %mul3A_908, %get3A_913 : vector<16xf32>
        %swap3A_915 = arith.index_cast %add3A_793 : i32 to index
        %swap3A_916 = arith.constant 96 : index
        %swap3A_917 = tpu.vector_load %arg6[%swap3A_915, %swap3A_916] {strides = array<i32>} : memref<256x128xf32, #tpu.memory_space<vmem>>, vector<1x16xf32>,
        %swap3A_918 = vector.shape_cast %swap3A_917 : vector<1x16xf32> to vector<16xf32>
        %swap3A_919 = vector.shape_cast %add3A_914 : vector<16xf32> to vector<1x16xf32>
        tpu.vector_store %arg6[%swap3A_915, %swap3A_916], %swap3A_919 {strides = array<i32>} : memref<256x128xf32, #tpu.memory_space<vmem>>, vector<1x16xf32>,
        %get3A_920 = arith.index_cast %add3A_793 : i32 to index
        %get3A_921 = arith.constant 112 : index
        %get3A_922 = tpu.vector_load %arg6[%get3A_920, %get3A_921] {strides = array<i32>} : memref<256x128xf32, #tpu.memory_space<vmem>>, vector<1x16xf32>,
        %get3A_923 = vector.shape_cast %get3A_922 : vector<1x16xf32> to vector<16xf32>
        %mul3A_924 = arith.constant 8.000000e+00 : f32
        %mul3A_925 = vector.broadcast %mul3A_924 : f32 to vector<16xf32>
        %mul3A_926 = arith.mulf %get3A_923, %mul3A_925 : vector<16xf32>
        %get3A_927 = arith.constant 3 : i32
        %get3A_928 = arith.index_cast %get3A_927 : i32 to index
        %get3A_929 = arith.constant 112 : index
        %get3A_930 = tpu.vector_load %arg8[%get3A_928, %get3A_929] {strides = array<i32>} : memref<8x128xf32, #tpu.memory_space<vmem>>, vector<1x16xf32>,
        %get3A_931 = vector.shape_cast %get3A_930 : vector<1x16xf32> to vector<16xf32>
        %add3A_932 = arith.addf %mul3A_926, %get3A_931 : vector<16xf32>
        %swap3A_933 = arith.index_cast %add3A_793 : i32 to index
        %swap3A_934 = arith.constant 112 : index
        %swap3A_935 = tpu.vector_load %arg6[%swap3A_933, %swap3A_934] {strides = array<i32>} : memref<256x128xf32, #tpu.memory_space<vmem>>, vector<1x16xf32>,
        %swap3A_936 = vector.shape_cast %swap3A_935 : vector<1x16xf32> to vector<16xf32>
        %swap3A_937 = vector.shape_cast %add3A_932 : vector<16xf32> to vector<1x16xf32>
        tpu.vector_store %arg6[%swap3A_933, %swap3A_934], %swap3A_937 {strides = array<i32>} : memref<256x128xf32, #tpu.memory_space<vmem>>, vector<1x16xf32>,
        %mul3A_938 = arith.constant 8 : i32
        %mul3A_939 = arith.muli %scan3A_346, %mul3A_938 : i32
        %add3A_940 = arith.constant 4 : i32
        %add3A_941 = arith.addi %mul3A_939, %add3A_940 : i32
        %get3A_942 = arith.index_cast %add3A_941 : i32 to index
        %get3A_943 = arith.constant 0 : index
        %get3A_944 = tpu.vector_load %arg6[%get3A_942, %get3A_943] {strides = array<i32>} : memref<256x128xf32, #tpu.memory_space<vmem>>, vector<1x16xf32>,
        %get3A_945 = vector.shape_cast %get3A_944 : vector<1x16xf32> to vector<16xf32>
        %mul3A_946 = arith.constant 8.000000e+00 : f32
        %mul3A_947 = vector.broadcast %mul3A_946 : f32 to vector<16xf32>
        %mul3A_948 = arith.mulf %get3A_945, %mul3A_947 : vector<16xf32>
        %get3A_949 = arith.constant 4 : i32
        %get3A_950 = arith.index_cast %get3A_949 : i32 to index
        %get3A_951 = arith.constant 0 : index
        %get3A_952 = tpu.vector_load %arg8[%get3A_950, %get3A_951] {strides = array<i32>} : memref<8x128xf32, #tpu.memory_space<vmem>>, vector<1x16xf32>,
        %get3A_953 = vector.shape_cast %get3A_952 : vector<1x16xf32> to vector<16xf32>
        %add3A_954 = arith.addf %mul3A_948, %get3A_953 : vector<16xf32>
        %swap3A_955 = arith.index_cast %add3A_941 : i32 to index
        %swap3A_956 = arith.constant 0 : index
        %swap3A_957 = tpu.vector_load %arg6[%swap3A_955, %swap3A_956] {strides = array<i32>} : memref<256x128xf32, #tpu.memory_space<vmem>>, vector<1x16xf32>,
        %swap3A_958 = vector.shape_cast %swap3A_957 : vector<1x16xf32> to vector<16xf32>
        %swap3A_959 = vector.shape_cast %add3A_954 : vector<16xf32> to vector<1x16xf32>
        tpu.vector_store %arg6[%swap3A_955, %swap3A_956], %swap3A_959 {strides = array<i32>} : memref<256x128xf32, #tpu.memory_space<vmem>>, vector<1x16xf32>,
        %get3A_960 = arith.index_cast %add3A_941 : i32 to index
        %get3A_961 = arith.constant 16 : index
        %get3A_962 = tpu.vector_load %arg6[%get3A_960, %get3A_961] {strides = array<i32>} : memref<256x128xf32, #tpu.memory_space<vmem>>, vector<1x16xf32>,
        %get3A_963 = vector.shape_cast %get3A_962 : vector<1x16xf32> to vector<16xf32>
        %mul3A_964 = arith.constant 8.000000e+00 : f32
        %mul3A_965 = vector.broadcast %mul3A_964 : f32 to vector<16xf32>
        %mul3A_966 = arith.mulf %get3A_963, %mul3A_965 : vector<16xf32>
        %get3A_967 = arith.constant 4 : i32
        %get3A_968 = arith.index_cast %get3A_967 : i32 to index
        %get3A_969 = arith.constant 16 : index
        %get3A_970 = tpu.vector_load %arg8[%get3A_968, %get3A_969] {strides = array<i32>} : memref<8x128xf32, #tpu.memory_space<vmem>>, vector<1x16xf32>,
        %get3A_971 = vector.shape_cast %get3A_970 : vector<1x16xf32> to vector<16xf32>
        %add3A_972 = arith.addf %mul3A_966, %get3A_971 : vector<16xf32>
        %swap3A_973 = arith.index_cast %add3A_941 : i32 to index
        %swap3A_974 = arith.constant 16 : index
        %swap3A_975 = tpu.vector_load %arg6[%swap3A_973, %swap3A_974] {strides = array<i32>} : memref<256x128xf32, #tpu.memory_space<vmem>>, vector<1x16xf32>,
        %swap3A_976 = vector.shape_cast %swap3A_975 : vector<1x16xf32> to vector<16xf32>
        %swap3A_977 = vector.shape_cast %add3A_972 : vector<16xf32> to vector<1x16xf32>
        tpu.vector_store %arg6[%swap3A_973, %swap3A_974], %swap3A_977 {strides = array<i32>} : memref<256x128xf32, #tpu.memory_space<vmem>>, vector<1x16xf32>,
        %get3A_978 = arith.index_cast %add3A_941 : i32 to index
        %get3A_979 = arith.constant 32 : index
        %get3A_980 = tpu.vector_load %arg6[%get3A_978, %get3A_979] {strides = array<i32>} : memref<256x128xf32, #tpu.memory_space<vmem>>, vector<1x16xf32>,
        %get3A_981 = vector.shape_cast %get3A_980 : vector<1x16xf32> to vector<16xf32>
        %mul3A_982 = arith.constant 8.000000e+00 : f32
        %mul3A_983 = vector.broadcast %mul3A_982 : f32 to vector<16xf32>
        %mul3A_984 = arith.mulf %get3A_981, %mul3A_983 : vector<16xf32>
        %get3A_985 = arith.constant 4 : i32
        %get3A_986 = arith.index_cast %get3A_985 : i32 to index
        %get3A_987 = arith.constant 32 : index
        %get3A_988 = tpu.vector_load %arg8[%get3A_986, %get3A_987] {strides = array<i32>} : memref<8x128xf32, #tpu.memory_space<vmem>>, vector<1x16xf32>,
        %get3A_989 = vector.shape_cast %get3A_988 : vector<1x16xf32> to vector<16xf32>
        %add3A_990 = arith.addf %mul3A_984, %get3A_989 : vector<16xf32>
        %swap3A_991 = arith.index_cast %add3A_941 : i32 to index
        %swap3A_992 = arith.constant 32 : index
        %swap3A_993 = tpu.vector_load %arg6[%swap3A_991, %swap3A_992] {strides = array<i32>} : memref<256x128xf32, #tpu.memory_space<vmem>>, vector<1x16xf32>,
        %swap3A_994 = vector.shape_cast %swap3A_993 : vector<1x16xf32> to vector<16xf32>
        %swap3A_995 = vector.shape_cast %add3A_990 : vector<16xf32> to vector<1x16xf32>
        tpu.vector_store %arg6[%swap3A_991, %swap3A_992], %swap3A_995 {strides = array<i32>} : memref<256x128xf32, #tpu.memory_space<vmem>>, vector<1x16xf32>,
        %get3A_996 = arith.index_cast %add3A_941 : i32 to index
        %get3A_997 = arith.constant 48 : index
        %get3A_998 = tpu.vector_load %arg6[%get3A_996, %get3A_997] {strides = array<i32>} : memref<256x128xf32, #tpu.memory_space<vmem>>, vector<1x16xf32>,
        %get3A_999 = vector.shape_cast %get3A_998 : vector<1x16xf32> to vector<16xf32>
        %mul3A_1000 = arith.constant 8.000000e+00 : f32
        %mul3A_1001 = vector.broadcast %mul3A_1000 : f32 to vector<16xf32>
        %mul3A_1002 = arith.mulf %get3A_999, %mul3A_1001 : vector<16xf32>
        %get3A_1003 = arith.constant 4 : i32
        %get3A_1004 = arith.index_cast %get3A_1003 : i32 to index
        %get3A_1005 = arith.constant 48 : index
        %get3A_1006 = tpu.vector_load %arg8[%get3A_1004, %get3A_1005] {strides = array<i32>} : memref<8x128xf32, #tpu.memory_space<vmem>>, vector<1x16xf32>,
        %get3A_1007 = vector.shape_cast %get3A_1006 : vector<1x16xf32> to vector<16xf32>
        %add3A_1008 = arith.addf %mul3A_1002, %get3A_1007 : vector<16xf32>
        %swap3A_1009 = arith.index_cast %add3A_941 : i32 to index
        %swap3A_1010 = arith.constant 48 : index
        %swap3A_1011 = tpu.vector_load %arg6[%swap3A_1009, %swap3A_1010] {strides = array<i32>} : memref<256x128xf32, #tpu.memory_space<vmem>>, vector<1x16xf32>,
        %swap3A_1012 = vector.shape_cast %swap3A_1011 : vector<1x16xf32> to vector<16xf32>
        %swap3A_1013 = vector.shape_cast %add3A_1008 : vector<16xf32> to vector<1x16xf32>
        tpu.vector_store %arg6[%swap3A_1009, %swap3A_1010], %swap3A_1013 {strides = array<i32>} : memref<256x128xf32, #tpu.memory_space<vmem>>, vector<1x16xf32>,
        %get3A_1014 = arith.index_cast %add3A_941 : i32 to index
        %get3A_1015 = arith.constant 64 : index
        %get3A_1016 = tpu.vector_load %arg6[%get3A_1014, %get3A_1015] {strides = array<i32>} : memref<256x128xf32, #tpu.memory_space<vmem>>, vector<1x16xf32>,
        %get3A_1017 = vector.shape_cast %get3A_1016 : vector<1x16xf32> to vector<16xf32>
        %mul3A_1018 = arith.constant 8.000000e+00 : f32
        %mul3A_1019 = vector.broadcast %mul3A_1018 : f32 to vector<16xf32>
        %mul3A_1020 = arith.mulf %get3A_1017, %mul3A_1019 : vector<16xf32>
        %get3A_1021 = arith.constant 4 : i32
        %get3A_1022 = arith.index_cast %get3A_1021 : i32 to index
        %get3A_1023 = arith.constant 64 : index
        %get3A_1024 = tpu.vector_load %arg8[%get3A_1022, %get3A_1023] {strides = array<i32>} : memref<8x128xf32, #tpu.memory_space<vmem>>, vector<1x16xf32>,
        %get3A_1025 = vector.shape_cast %get3A_1024 : vector<1x16xf32> to vector<16xf32>
        %add3A_1026 = arith.addf %mul3A_1020, %get3A_1025 : vector<16xf32>
        %swap3A_1027 = arith.index_cast %add3A_941 : i32 to index
        %swap3A_1028 = arith.constant 64 : index
        %swap3A_1029 = tpu.vector_load %arg6[%swap3A_1027, %swap3A_1028] {strides = array<i32>} : memref<256x128xf32, #tpu.memory_space<vmem>>, vector<1x16xf32>,
        %swap3A_1030 = vector.shape_cast %swap3A_1029 : vector<1x16xf32> to vector<16xf32>
        %swap3A_1031 = vector.shape_cast %add3A_1026 : vector<16xf32> to vector<1x16xf32>
        tpu.vector_store %arg6[%swap3A_1027, %swap3A_1028], %swap3A_1031 {strides = array<i32>} : memref<256x128xf32, #tpu.memory_space<vmem>>, vector<1x16xf32>,
        %get3A_1032 = arith.index_cast %add3A_941 : i32 to index
        %get3A_1033 = arith.constant 80 : index
        %get3A_1034 = tpu.vector_load %arg6[%get3A_1032, %get3A_1033] {strides = array<i32>} : memref<256x128xf32, #tpu.memory_space<vmem>>, vector<1x16xf32>,
        %get3A_1035 = vector.shape_cast %get3A_1034 : vector<1x16xf32> to vector<16xf32>
        %mul3A_1036 = arith.constant 8.000000e+00 : f32
        %mul3A_1037 = vector.broadcast %mul3A_1036 : f32 to vector<16xf32>
        %mul3A_1038 = arith.mulf %get3A_1035, %mul3A_1037 : vector<16xf32>
        %get3A_1039 = arith.constant 4 : i32
        %get3A_1040 = arith.index_cast %get3A_1039 : i32 to index
        %get3A_1041 = arith.constant 80 : index
        %get3A_1042 = tpu.vector_load %arg8[%get3A_1040, %get3A_1041] {strides = array<i32>} : memref<8x128xf32, #tpu.memory_space<vmem>>, vector<1x16xf32>,
        %get3A_1043 = vector.shape_cast %get3A_1042 : vector<1x16xf32> to vector<16xf32>
        %add3A_1044 = arith.addf %mul3A_1038, %get3A_1043 : vector<16xf32>
        %swap3A_1045 = arith.index_cast %add3A_941 : i32 to index
        %swap3A_1046 = arith.constant 80 : index
        %swap3A_1047 = tpu.vector_load %arg6[%swap3A_1045, %swap3A_1046] {strides = array<i32>} : memref<256x128xf32, #tpu.memory_space<vmem>>, vector<1x16xf32>,
        %swap3A_1048 = vector.shape_cast %swap3A_1047 : vector<1x16xf32> to vector<16xf32>
        %swap3A_1049 = vector.shape_cast %add3A_1044 : vector<16xf32> to vector<1x16xf32>
        tpu.vector_store %arg6[%swap3A_1045, %swap3A_1046], %swap3A_1049 {strides = array<i32>} : memref<256x128xf32, #tpu.memory_space<vmem>>, vector<1x16xf32>,
        %get3A_1050 = arith.index_cast %add3A_941 : i32 to index
        %get3A_1051 = arith.constant 96 : index
        %get3A_1052 = tpu.vector_load %arg6[%get3A_1050, %get3A_1051] {strides = array<i32>} : memref<256x128xf32, #tpu.memory_space<vmem>>, vector<1x16xf32>,
        %get3A_1053 = vector.shape_cast %get3A_1052 : vector<1x16xf32> to vector<16xf32>
        %mul3A_1054 = arith.constant 8.000000e+00 : f32
        %mul3A_1055 = vector.broadcast %mul3A_1054 : f32 to vector<16xf32>
        %mul3A_1056 = arith.mulf %get3A_1053, %mul3A_1055 : vector<16xf32>
        %get3A_1057 = arith.constant 4 : i32
        %get3A_1058 = arith.index_cast %get3A_1057 : i32 to index
        %get3A_1059 = arith.constant 96 : index
        %get3A_1060 = tpu.vector_load %arg8[%get3A_1058, %get3A_1059] {strides = array<i32>} : memref<8x128xf32, #tpu.memory_space<vmem>>, vector<1x16xf32>,
        %get3A_1061 = vector.shape_cast %get3A_1060 : vector<1x16xf32> to vector<16xf32>
        %add3A_1062 = arith.addf %mul3A_1056, %get3A_1061 : vector<16xf32>
        %swap3A_1063 = arith.index_cast %add3A_941 : i32 to index
        %swap3A_1064 = arith.constant 96 : index
        %swap3A_1065 = tpu.vector_load %arg6[%swap3A_1063, %swap3A_1064] {strides = array<i32>} : memref<256x128xf32, #tpu.memory_space<vmem>>, vector<1x16xf32>,
        %swap3A_1066 = vector.shape_cast %swap3A_1065 : vector<1x16xf32> to vector<16xf32>
        %swap3A_1067 = vector.shape_cast %add3A_1062 : vector<16xf32> to vector<1x16xf32>
        tpu.vector_store %arg6[%swap3A_1063, %swap3A_1064], %swap3A_1067 {strides = array<i32>} : memref<256x128xf32, #tpu.memory_space<vmem>>, vector<1x16xf32>,
        %get3A_1068 = arith.index_cast %add3A_941 : i32 to index
        %get3A_1069 = arith.constant 112 : index
        %get3A_1070 = tpu.vector_load %arg6[%get3A_1068, %get3A_1069] {strides = array<i32>} : memref<256x128xf32, #tpu.memory_space<vmem>>, vector<1x16xf32>,
        %get3A_1071 = vector.shape_cast %get3A_1070 : vector<1x16xf32> to vector<16xf32>
        %mul3A_1072 = arith.constant 8.000000e+00 : f32
        %mul3A_1073 = vector.broadcast %mul3A_1072 : f32 to vector<16xf32>
        %mul3A_1074 = arith.mulf %get3A_1071, %mul3A_1073 : vector<16xf32>
        %get3A_1075 = arith.constant 4 : i32
        %get3A_1076 = arith.index_cast %get3A_1075 : i32 to index
        %get3A_1077 = arith.constant 112 : index
        %get3A_1078 = tpu.vector_load %arg8[%get3A_1076, %get3A_1077] {strides = array<i32>} : memref<8x128xf32, #tpu.memory_space<vmem>>, vector<1x16xf32>,
        %get3A_1079 = vector.shape_cast %get3A_1078 : vector<1x16xf32> to vector<16xf32>
        %add3A_1080 = arith.addf %mul3A_1074, %get3A_1079 : vector<16xf32>
        %swap3A_1081 = arith.index_cast %add3A_941 : i32 to index
        %swap3A_1082 = arith.constant 112 : index
        %swap3A_1083 = tpu.vector_load %arg6[%swap3A_1081, %swap3A_1082] {strides = array<i32>} : memref<256x128xf32, #tpu.memory_space<vmem>>, vector<1x16xf32>,
        %swap3A_1084 = vector.shape_cast %swap3A_1083 : vector<1x16xf32> to vector<16xf32>
        %swap3A_1085 = vector.shape_cast %add3A_1080 : vector<16xf32> to vector<1x16xf32>
        tpu.vector_store %arg6[%swap3A_1081, %swap3A_1082], %swap3A_1085 {strides = array<i32>} : memref<256x128xf32, #tpu.memory_space<vmem>>, vector<1x16xf32>,
        %mul3A_1086 = arith.constant 8 : i32
        %mul3A_1087 = arith.muli %scan3A_346, %mul3A_1086 : i32
        %add3A_1088 = arith.constant 5 : i32
        %add3A_1089 = arith.addi %mul3A_1087, %add3A_1088 : i32
        %get3A_1090 = arith.index_cast %add3A_1089 : i32 to index
        %get3A_1091 = arith.constant 0 : index
        %get3A_1092 = tpu.vector_load %arg6[%get3A_1090, %get3A_1091] {strides = array<i32>} : memref<256x128xf32, #tpu.memory_space<vmem>>, vector<1x16xf32>,
        %get3A_1093 = vector.shape_cast %get3A_1092 : vector<1x16xf32> to vector<16xf32>
        %mul3A_1094 = arith.constant 8.000000e+00 : f32
        %mul3A_1095 = vector.broadcast %mul3A_1094 : f32 to vector<16xf32>
        %mul3A_1096 = arith.mulf %get3A_1093, %mul3A_1095 : vector<16xf32>
        %get3A_1097 = arith.constant 5 : i32
        %get3A_1098 = arith.index_cast %get3A_1097 : i32 to index
        %get3A_1099 = arith.constant 0 : index
        %get3A_1100 = tpu.vector_load %arg8[%get3A_1098, %get3A_1099] {strides = array<i32>} : memref<8x128xf32, #tpu.memory_space<vmem>>, vector<1x16xf32>,
        %get3A_1101 = vector.shape_cast %get3A_1100 : vector<1x16xf32> to vector<16xf32>
        %add3A_1102 = arith.addf %mul3A_1096, %get3A_1101 : vector<16xf32>
        %swap3A_1103 = arith.index_cast %add3A_1089 : i32 to index
        %swap3A_1104 = arith.constant 0 : index
        %swap3A_1105 = tpu.vector_load %arg6[%swap3A_1103, %swap3A_1104] {strides = array<i32>} : memref<256x128xf32, #tpu.memory_space<vmem>>, vector<1x16xf32>,
        %swap3A_1106 = vector.shape_cast %swap3A_1105 : vector<1x16xf32> to vector<16xf32>
        %swap3A_1107 = vector.shape_cast %add3A_1102 : vector<16xf32> to vector<1x16xf32>
        tpu.vector_store %arg6[%swap3A_1103, %swap3A_1104], %swap3A_1107 {strides = array<i32>} : memref<256x128xf32, #tpu.memory_space<vmem>>, vector<1x16xf32>,
        %get3A_1108 = arith.index_cast %add3A_1089 : i32 to index
        %get3A_1109 = arith.constant 16 : index
        %get3A_1110 = tpu.vector_load %arg6[%get3A_1108, %get3A_1109] {strides = array<i32>} : memref<256x128xf32, #tpu.memory_space<vmem>>, vector<1x16xf32>,
        %get3A_1111 = vector.shape_cast %get3A_1110 : vector<1x16xf32> to vector<16xf32>
        %mul3A_1112 = arith.constant 8.000000e+00 : f32
        %mul3A_1113 = vector.broadcast %mul3A_1112 : f32 to vector<16xf32>
        %mul3A_1114 = arith.mulf %get3A_1111, %mul3A_1113 : vector<16xf32>
        %get3A_1115 = arith.constant 5 : i32
        %get3A_1116 = arith.index_cast %get3A_1115 : i32 to index
        %get3A_1117 = arith.constant 16 : index
        %get3A_1118 = tpu.vector_load %arg8[%get3A_1116, %get3A_1117] {strides = array<i32>} : memref<8x128xf32, #tpu.memory_space<vmem>>, vector<1x16xf32>,
        %get3A_1119 = vector.shape_cast %get3A_1118 : vector<1x16xf32> to vector<16xf32>
        %add3A_1120 = arith.addf %mul3A_1114, %get3A_1119 : vector<16xf32>
        %swap3A_1121 = arith.index_cast %add3A_1089 : i32 to index
        %swap3A_1122 = arith.constant 16 : index
        %swap3A_1123 = tpu.vector_load %arg6[%swap3A_1121, %swap3A_1122] {strides = array<i32>} : memref<256x128xf32, #tpu.memory_space<vmem>>, vector<1x16xf32>,
        %swap3A_1124 = vector.shape_cast %swap3A_1123 : vector<1x16xf32> to vector<16xf32>
        %swap3A_1125 = vector.shape_cast %add3A_1120 : vector<16xf32> to vector<1x16xf32>
        tpu.vector_store %arg6[%swap3A_1121, %swap3A_1122], %swap3A_1125 {strides = array<i32>} : memref<256x128xf32, #tpu.memory_space<vmem>>, vector<1x16xf32>,
        %get3A_1126 = arith.index_cast %add3A_1089 : i32 to index
        %get3A_1127 = arith.constant 32 : index
        %get3A_1128 = tpu.vector_load %arg6[%get3A_1126, %get3A_1127] {strides = array<i32>} : memref<256x128xf32, #tpu.memory_space<vmem>>, vector<1x16xf32>,
        %get3A_1129 = vector.shape_cast %get3A_1128 : vector<1x16xf32> to vector<16xf32>
        %mul3A_1130 = arith.constant 8.000000e+00 : f32
        %mul3A_1131 = vector.broadcast %mul3A_1130 : f32 to vector<16xf32>
        %mul3A_1132 = arith.mulf %get3A_1129, %mul3A_1131 : vector<16xf32>
        %get3A_1133 = arith.constant 5 : i32
        %get3A_1134 = arith.index_cast %get3A_1133 : i32 to index
        %get3A_1135 = arith.constant 32 : index
        %get3A_1136 = tpu.vector_load %arg8[%get3A_1134, %get3A_1135] {strides = array<i32>} : memref<8x128xf32, #tpu.memory_space<vmem>>, vector<1x16xf32>,
        %get3A_1137 = vector.shape_cast %get3A_1136 : vector<1x16xf32> to vector<16xf32>
        %add3A_1138 = arith.addf %mul3A_1132, %get3A_1137 : vector<16xf32>
        %swap3A_1139 = arith.index_cast %add3A_1089 : i32 to index
        %swap3A_1140 = arith.constant 32 : index
        %swap3A_1141 = tpu.vector_load %arg6[%swap3A_1139, %swap3A_1140] {strides = array<i32>} : memref<256x128xf32, #tpu.memory_space<vmem>>, vector<1x16xf32>,
        %swap3A_1142 = vector.shape_cast %swap3A_1141 : vector<1x16xf32> to vector<16xf32>
        %swap3A_1143 = vector.shape_cast %add3A_1138 : vector<16xf32> to vector<1x16xf32>
        tpu.vector_store %arg6[%swap3A_1139, %swap3A_1140], %swap3A_1143 {strides = array<i32>} : memref<256x128xf32, #tpu.memory_space<vmem>>, vector<1x16xf32>,
        %get3A_1144 = arith.index_cast %add3A_1089 : i32 to index
        %get3A_1145 = arith.constant 48 : index
        %get3A_1146 = tpu.vector_load %arg6[%get3A_1144, %get3A_1145] {strides = array<i32>} : memref<256x128xf32, #tpu.memory_space<vmem>>, vector<1x16xf32>,
        %get3A_1147 = vector.shape_cast %get3A_1146 : vector<1x16xf32> to vector<16xf32>
        %mul3A_1148 = arith.constant 8.000000e+00 : f32
        %mul3A_1149 = vector.broadcast %mul3A_1148 : f32 to vector<16xf32>
        %mul3A_1150 = arith.mulf %get3A_1147, %mul3A_1149 : vector<16xf32>
        %get3A_1151 = arith.constant 5 : i32
        %get3A_1152 = arith.index_cast %get3A_1151 : i32 to index
        %get3A_1153 = arith.constant 48 : index
        %get3A_1154 = tpu.vector_load %arg8[%get3A_1152, %get3A_1153] {strides = array<i32>} : memref<8x128xf32, #tpu.memory_space<vmem>>, vector<1x16xf32>,
        %get3A_1155 = vector.shape_cast %get3A_1154 : vector<1x16xf32> to vector<16xf32>
        %add3A_1156 = arith.addf %mul3A_1150, %get3A_1155 : vector<16xf32>
        %swap3A_1157 = arith.index_cast %add3A_1089 : i32 to index
        %swap3A_1158 = arith.constant 48 : index
        %swap3A_1159 = tpu.vector_load %arg6[%swap3A_1157, %swap3A_1158] {strides = array<i32>} : memref<256x128xf32, #tpu.memory_space<vmem>>, vector<1x16xf32>,
        %swap3A_1160 = vector.shape_cast %swap3A_1159 : vector<1x16xf32> to vector<16xf32>
        %swap3A_1161 = vector.shape_cast %add3A_1156 : vector<16xf32> to vector<1x16xf32>
        tpu.vector_store %arg6[%swap3A_1157, %swap3A_1158], %swap3A_1161 {strides = array<i32>} : memref<256x128xf32, #tpu.memory_space<vmem>>, vector<1x16xf32>,
        %get3A_1162 = arith.index_cast %add3A_1089 : i32 to index
        %get3A_1163 = arith.constant 64 : index
        %get3A_1164 = tpu.vector_load %arg6[%get3A_1162, %get3A_1163] {strides = array<i32>} : memref<256x128xf32, #tpu.memory_space<vmem>>, vector<1x16xf32>,
        %get3A_1165 = vector.shape_cast %get3A_1164 : vector<1x16xf32> to vector<16xf32>
        %mul3A_1166 = arith.constant 8.000000e+00 : f32
        %mul3A_1167 = vector.broadcast %mul3A_1166 : f32 to vector<16xf32>
        %mul3A_1168 = arith.mulf %get3A_1165, %mul3A_1167 : vector<16xf32>
        %get3A_1169 = arith.constant 5 : i32
        %get3A_1170 = arith.index_cast %get3A_1169 : i32 to index
        %get3A_1171 = arith.constant 64 : index
        %get3A_1172 = tpu.vector_load %arg8[%get3A_1170, %get3A_1171] {strides = array<i32>} : memref<8x128xf32, #tpu.memory_space<vmem>>, vector<1x16xf32>,
        %get3A_1173 = vector.shape_cast %get3A_1172 : vector<1x16xf32> to vector<16xf32>
        %add3A_1174 = arith.addf %mul3A_1168, %get3A_1173 : vector<16xf32>
        %swap3A_1175 = arith.index_cast %add3A_1089 : i32 to index
        %swap3A_1176 = arith.constant 64 : index
        %swap3A_1177 = tpu.vector_load %arg6[%swap3A_1175, %swap3A_1176] {strides = array<i32>} : memref<256x128xf32, #tpu.memory_space<vmem>>, vector<1x16xf32>,
        %swap3A_1178 = vector.shape_cast %swap3A_1177 : vector<1x16xf32> to vector<16xf32>
        %swap3A_1179 = vector.shape_cast %add3A_1174 : vector<16xf32> to vector<1x16xf32>
        tpu.vector_store %arg6[%swap3A_1175, %swap3A_1176], %swap3A_1179 {strides = array<i32>} : memref<256x128xf32, #tpu.memory_space<vmem>>, vector<1x16xf32>,
        %get3A_1180 = arith.index_cast %add3A_1089 : i32 to index
        %get3A_1181 = arith.constant 80 : index
        %get3A_1182 = tpu.vector_load %arg6[%get3A_1180, %get3A_1181] {strides = array<i32>} : memref<256x128xf32, #tpu.memory_space<vmem>>, vector<1x16xf32>,
        %get3A_1183 = vector.shape_cast %get3A_1182 : vector<1x16xf32> to vector<16xf32>
        %mul3A_1184 = arith.constant 8.000000e+00 : f32
        %mul3A_1185 = vector.broadcast %mul3A_1184 : f32 to vector<16xf32>
        %mul3A_1186 = arith.mulf %get3A_1183, %mul3A_1185 : vector<16xf32>
        %get3A_1187 = arith.constant 5 : i32
        %get3A_1188 = arith.index_cast %get3A_1187 : i32 to index
        %get3A_1189 = arith.constant 80 : index
        %get3A_1190 = tpu.vector_load %arg8[%get3A_1188, %get3A_1189] {strides = array<i32>} : memref<8x128xf32, #tpu.memory_space<vmem>>, vector<1x16xf32>,
        %get3A_1191 = vector.shape_cast %get3A_1190 : vector<1x16xf32> to vector<16xf32>
        %add3A_1192 = arith.addf %mul3A_1186, %get3A_1191 : vector<16xf32>
        %swap3A_1193 = arith.index_cast %add3A_1089 : i32 to index
        %swap3A_1194 = arith.constant 80 : index
        %swap3A_1195 = tpu.vector_load %arg6[%swap3A_1193, %swap3A_1194] {strides = array<i32>} : memref<256x128xf32, #tpu.memory_space<vmem>>, vector<1x16xf32>,
        %swap3A_1196 = vector.shape_cast %swap3A_1195 : vector<1x16xf32> to vector<16xf32>
        %swap3A_1197 = vector.shape_cast %add3A_1192 : vector<16xf32> to vector<1x16xf32>
        tpu.vector_store %arg6[%swap3A_1193, %swap3A_1194], %swap3A_1197 {strides = array<i32>} : memref<256x128xf32, #tpu.memory_space<vmem>>, vector<1x16xf32>,
        %get3A_1198 = arith.index_cast %add3A_1089 : i32 to index
        %get3A_1199 = arith.constant 96 : index
        %get3A_1200 = tpu.vector_load %arg6[%get3A_1198, %get3A_1199] {strides = array<i32>} : memref<256x128xf32, #tpu.memory_space<vmem>>, vector<1x16xf32>,
        %get3A_1201 = vector.shape_cast %get3A_1200 : vector<1x16xf32> to vector<16xf32>
        %mul3A_1202 = arith.constant 8.000000e+00 : f32
        %mul3A_1203 = vector.broadcast %mul3A_1202 : f32 to vector<16xf32>
        %mul3A_1204 = arith.mulf %get3A_1201, %mul3A_1203 : vector<16xf32>
        %get3A_1205 = arith.constant 5 : i32
        %get3A_1206 = arith.index_cast %get3A_1205 : i32 to index
        %get3A_1207 = arith.constant 96 : index
        %get3A_1208 = tpu.vector_load %arg8[%get3A_1206, %get3A_1207] {strides = array<i32>} : memref<8x128xf32, #tpu.memory_space<vmem>>, vector<1x16xf32>,
        %get3A_1209 = vector.shape_cast %get3A_1208 : vector<1x16xf32> to vector<16xf32>
        %add3A_1210 = arith.addf %mul3A_1204, %get3A_1209 : vector<16xf32>
        %swap3A_1211 = arith.index_cast %add3A_1089 : i32 to index
        %swap3A_1212 = arith.constant 96 : index
        %swap3A_1213 = tpu.vector_load %arg6[%swap3A_1211, %swap3A_1212] {strides = array<i32>} : memref<256x128xf32, #tpu.memory_space<vmem>>, vector<1x16xf32>,
        %swap3A_1214 = vector.shape_cast %swap3A_1213 : vector<1x16xf32> to vector<16xf32>
        %swap3A_1215 = vector.shape_cast %add3A_1210 : vector<16xf32> to vector<1x16xf32>
        tpu.vector_store %arg6[%swap3A_1211, %swap3A_1212], %swap3A_1215 {strides = array<i32>} : memref<256x128xf32, #tpu.memory_space<vmem>>, vector<1x16xf32>,
        %get3A_1216 = arith.index_cast %add3A_1089 : i32 to index
        %get3A_1217 = arith.constant 112 : index
        %get3A_1218 = tpu.vector_load %arg6[%get3A_1216, %get3A_1217] {strides = array<i32>} : memref<256x128xf32, #tpu.memory_space<vmem>>, vector<1x16xf32>,
        %get3A_1219 = vector.shape_cast %get3A_1218 : vector<1x16xf32> to vector<16xf32>
        %mul3A_1220 = arith.constant 8.000000e+00 : f32
        %mul3A_1221 = vector.broadcast %mul3A_1220 : f32 to vector<16xf32>
        %mul3A_1222 = arith.mulf %get3A_1219, %mul3A_1221 : vector<16xf32>
        %get3A_1223 = arith.constant 5 : i32
        %get3A_1224 = arith.index_cast %get3A_1223 : i32 to index
        %get3A_1225 = arith.constant 112 : index
        %get3A_1226 = tpu.vector_load %arg8[%get3A_1224, %get3A_1225] {strides = array<i32>} : memref<8x128xf32, #tpu.memory_space<vmem>>, vector<1x16xf32>,
        %get3A_1227 = vector.shape_cast %get3A_1226 : vector<1x16xf32> to vector<16xf32>
        %add3A_1228 = arith.addf %mul3A_1222, %get3A_1227 : vector<16xf32>
        %swap3A_1229 = arith.index_cast %add3A_1089 : i32 to index
        %swap3A_1230 = arith.constant 112 : index
        %swap3A_1231 = tpu.vector_load %arg6[%swap3A_1229, %swap3A_1230] {strides = array<i32>} : memref<256x128xf32, #tpu.memory_space<vmem>>, vector<1x16xf32>,
        %swap3A_1232 = vector.shape_cast %swap3A_1231 : vector<1x16xf32> to vector<16xf32>
        %swap3A_1233 = vector.shape_cast %add3A_1228 : vector<16xf32> to vector<1x16xf32>
        tpu.vector_store %arg6[%swap3A_1229, %swap3A_1230], %swap3A_1233 {strides = array<i32>} : memref<256x128xf32, #tpu.memory_space<vmem>>, vector<1x16xf32>,
        %mul3A_1234 = arith.constant 8 : i32
        %mul3A_1235 = arith.muli %scan3A_346, %mul3A_1234 : i32
        %add3A_1236 = arith.constant 6 : i32
        %add3A_1237 = arith.addi %mul3A_1235, %add3A_1236 : i32
        %get3A_1238 = arith.index_cast %add3A_1237 : i32 to index
        %get3A_1239 = arith.constant 0 : index
        %get3A_1240 = tpu.vector_load %arg6[%get3A_1238, %get3A_1239] {strides = array<i32>} : memref<256x128xf32, #tpu.memory_space<vmem>>, vector<1x16xf32>,
        %get3A_1241 = vector.shape_cast %get3A_1240 : vector<1x16xf32> to vector<16xf32>
        %mul3A_1242 = arith.constant 8.000000e+00 : f32
        %mul3A_1243 = vector.broadcast %mul3A_1242 : f32 to vector<16xf32>
        %mul3A_1244 = arith.mulf %get3A_1241, %mul3A_1243 : vector<16xf32>
        %get3A_1245 = arith.constant 6 : i32
        %get3A_1246 = arith.index_cast %get3A_1245 : i32 to index
        %get3A_1247 = arith.constant 0 : index
        %get3A_1248 = tpu.vector_load %arg8[%get3A_1246, %get3A_1247] {strides = array<i32>} : memref<8x128xf32, #tpu.memory_space<vmem>>, vector<1x16xf32>,
        %get3A_1249 = vector.shape_cast %get3A_1248 : vector<1x16xf32> to vector<16xf32>
        %add3A_1250 = arith.addf %mul3A_1244, %get3A_1249 : vector<16xf32>
        %swap3A_1251 = arith.index_cast %add3A_1237 : i32 to index
        %swap3A_1252 = arith.constant 0 : index
        %swap3A_1253 = tpu.vector_load %arg6[%swap3A_1251, %swap3A_1252] {strides = array<i32>} : memref<256x128xf32, #tpu.memory_space<vmem>>, vector<1x16xf32>,
        %swap3A_1254 = vector.shape_cast %swap3A_1253 : vector<1x16xf32> to vector<16xf32>
        %swap3A_1255 = vector.shape_cast %add3A_1250 : vector<16xf32> to vector<1x16xf32>
        tpu.vector_store %arg6[%swap3A_1251, %swap3A_1252], %swap3A_1255 {strides = array<i32>} : memref<256x128xf32, #tpu.memory_space<vmem>>, vector<1x16xf32>,
        %get3A_1256 = arith.index_cast %add3A_1237 : i32 to index
        %get3A_1257 = arith.constant 16 : index
        %get3A_1258 = tpu.vector_load %arg6[%get3A_1256, %get3A_1257] {strides = array<i32>} : memref<256x128xf32, #tpu.memory_space<vmem>>, vector<1x16xf32>,
        %get3A_1259 = vector.shape_cast %get3A_1258 : vector<1x16xf32> to vector<16xf32>
        %mul3A_1260 = arith.constant 8.000000e+00 : f32
        %mul3A_1261 = vector.broadcast %mul3A_1260 : f32 to vector<16xf32>
        %mul3A_1262 = arith.mulf %get3A_1259, %mul3A_1261 : vector<16xf32>
        %get3A_1263 = arith.constant 6 : i32
        %get3A_1264 = arith.index_cast %get3A_1263 : i32 to index
        %get3A_1265 = arith.constant 16 : index
        %get3A_1266 = tpu.vector_load %arg8[%get3A_1264, %get3A_1265] {strides = array<i32>} : memref<8x128xf32, #tpu.memory_space<vmem>>, vector<1x16xf32>,
        %get3A_1267 = vector.shape_cast %get3A_1266 : vector<1x16xf32> to vector<16xf32>
        %add3A_1268 = arith.addf %mul3A_1262, %get3A_1267 : vector<16xf32>
        %swap3A_1269 = arith.index_cast %add3A_1237 : i32 to index
        %swap3A_1270 = arith.constant 16 : index
        %swap3A_1271 = tpu.vector_load %arg6[%swap3A_1269, %swap3A_1270] {strides = array<i32>} : memref<256x128xf32, #tpu.memory_space<vmem>>, vector<1x16xf32>,
        %swap3A_1272 = vector.shape_cast %swap3A_1271 : vector<1x16xf32> to vector<16xf32>
        %swap3A_1273 = vector.shape_cast %add3A_1268 : vector<16xf32> to vector<1x16xf32>
        tpu.vector_store %arg6[%swap3A_1269, %swap3A_1270], %swap3A_1273 {strides = array<i32>} : memref<256x128xf32, #tpu.memory_space<vmem>>, vector<1x16xf32>,
        %get3A_1274 = arith.index_cast %add3A_1237 : i32 to index
        %get3A_1275 = arith.constant 32 : index
        %get3A_1276 = tpu.vector_load %arg6[%get3A_1274, %get3A_1275] {strides = array<i32>} : memref<256x128xf32, #tpu.memory_space<vmem>>, vector<1x16xf32>,
        %get3A_1277 = vector.shape_cast %get3A_1276 : vector<1x16xf32> to vector<16xf32>
        %mul3A_1278 = arith.constant 8.000000e+00 : f32
        %mul3A_1279 = vector.broadcast %mul3A_1278 : f32 to vector<16xf32>
        %mul3A_1280 = arith.mulf %get3A_1277, %mul3A_1279 : vector<16xf32>
        %get3A_1281 = arith.constant 6 : i32
        %get3A_1282 = arith.index_cast %get3A_1281 : i32 to index
        %get3A_1283 = arith.constant 32 : index
        %get3A_1284 = tpu.vector_load %arg8[%get3A_1282, %get3A_1283] {strides = array<i32>} : memref<8x128xf32, #tpu.memory_space<vmem>>, vector<1x16xf32>,
        %get3A_1285 = vector.shape_cast %get3A_1284 : vector<1x16xf32> to vector<16xf32>
        %add3A_1286 = arith.addf %mul3A_1280, %get3A_1285 : vector<16xf32>
        %swap3A_1287 = arith.index_cast %add3A_1237 : i32 to index
        %swap3A_1288 = arith.constant 32 : index
        %swap3A_1289 = tpu.vector_load %arg6[%swap3A_1287, %swap3A_1288] {strides = array<i32>} : memref<256x128xf32, #tpu.memory_space<vmem>>, vector<1x16xf32>,
        %swap3A_1290 = vector.shape_cast %swap3A_1289 : vector<1x16xf32> to vector<16xf32>
        %swap3A_1291 = vector.shape_cast %add3A_1286 : vector<16xf32> to vector<1x16xf32>
        tpu.vector_store %arg6[%swap3A_1287, %swap3A_1288], %swap3A_1291 {strides = array<i32>} : memref<256x128xf32, #tpu.memory_space<vmem>>, vector<1x16xf32>,
        %get3A_1292 = arith.index_cast %add3A_1237 : i32 to index
        %get3A_1293 = arith.constant 48 : index
        %get3A_1294 = tpu.vector_load %arg6[%get3A_1292, %get3A_1293] {strides = array<i32>} : memref<256x128xf32, #tpu.memory_space<vmem>>, vector<1x16xf32>,
        %get3A_1295 = vector.shape_cast %get3A_1294 : vector<1x16xf32> to vector<16xf32>
        %mul3A_1296 = arith.constant 8.000000e+00 : f32
        %mul3A_1297 = vector.broadcast %mul3A_1296 : f32 to vector<16xf32>
        %mul3A_1298 = arith.mulf %get3A_1295, %mul3A_1297 : vector<16xf32>
        %get3A_1299 = arith.constant 6 : i32
        %get3A_1300 = arith.index_cast %get3A_1299 : i32 to index
        %get3A_1301 = arith.constant 48 : index
        %get3A_1302 = tpu.vector_load %arg8[%get3A_1300, %get3A_1301] {strides = array<i32>} : memref<8x128xf32, #tpu.memory_space<vmem>>, vector<1x16xf32>,
        %get3A_1303 = vector.shape_cast %get3A_1302 : vector<1x16xf32> to vector<16xf32>
        %add3A_1304 = arith.addf %mul3A_1298, %get3A_1303 : vector<16xf32>
        %swap3A_1305 = arith.index_cast %add3A_1237 : i32 to index
        %swap3A_1306 = arith.constant 48 : index
        %swap3A_1307 = tpu.vector_load %arg6[%swap3A_1305, %swap3A_1306] {strides = array<i32>} : memref<256x128xf32, #tpu.memory_space<vmem>>, vector<1x16xf32>,
        %swap3A_1308 = vector.shape_cast %swap3A_1307 : vector<1x16xf32> to vector<16xf32>
        %swap3A_1309 = vector.shape_cast %add3A_1304 : vector<16xf32> to vector<1x16xf32>
        tpu.vector_store %arg6[%swap3A_1305, %swap3A_1306], %swap3A_1309 {strides = array<i32>} : memref<256x128xf32, #tpu.memory_space<vmem>>, vector<1x16xf32>,
        %get3A_1310 = arith.index_cast %add3A_1237 : i32 to index
        %get3A_1311 = arith.constant 64 : index
        %get3A_1312 = tpu.vector_load %arg6[%get3A_1310, %get3A_1311] {strides = array<i32>} : memref<256x128xf32, #tpu.memory_space<vmem>>, vector<1x16xf32>,
        %get3A_1313 = vector.shape_cast %get3A_1312 : vector<1x16xf32> to vector<16xf32>
        %mul3A_1314 = arith.constant 8.000000e+00 : f32
        %mul3A_1315 = vector.broadcast %mul3A_1314 : f32 to vector<16xf32>
        %mul3A_1316 = arith.mulf %get3A_1313, %mul3A_1315 : vector<16xf32>
        %get3A_1317 = arith.constant 6 : i32
        %get3A_1318 = arith.index_cast %get3A_1317 : i32 to index
        %get3A_1319 = arith.constant 64 : index
        %get3A_1320 = tpu.vector_load %arg8[%get3A_1318, %get3A_1319] {strides = array<i32>} : memref<8x128xf32, #tpu.memory_space<vmem>>, vector<1x16xf32>,
        %get3A_1321 = vector.shape_cast %get3A_1320 : vector<1x16xf32> to vector<16xf32>
        %add3A_1322 = arith.addf %mul3A_1316, %get3A_1321 : vector<16xf32>
        %swap3A_1323 = arith.index_cast %add3A_1237 : i32 to index
        %swap3A_1324 = arith.constant 64 : index
        %swap3A_1325 = tpu.vector_load %arg6[%swap3A_1323, %swap3A_1324] {strides = array<i32>} : memref<256x128xf32, #tpu.memory_space<vmem>>, vector<1x16xf32>,
        %swap3A_1326 = vector.shape_cast %swap3A_1325 : vector<1x16xf32> to vector<16xf32>
        %swap3A_1327 = vector.shape_cast %add3A_1322 : vector<16xf32> to vector<1x16xf32>
        tpu.vector_store %arg6[%swap3A_1323, %swap3A_1324], %swap3A_1327 {strides = array<i32>} : memref<256x128xf32, #tpu.memory_space<vmem>>, vector<1x16xf32>,
        %get3A_1328 = arith.index_cast %add3A_1237 : i32 to index
        %get3A_1329 = arith.constant 80 : index
        %get3A_1330 = tpu.vector_load %arg6[%get3A_1328, %get3A_1329] {strides = array<i32>} : memref<256x128xf32, #tpu.memory_space<vmem>>, vector<1x16xf32>,
        %get3A_1331 = vector.shape_cast %get3A_1330 : vector<1x16xf32> to vector<16xf32>
        %mul3A_1332 = arith.constant 8.000000e+00 : f32
        %mul3A_1333 = vector.broadcast %mul3A_1332 : f32 to vector<16xf32>
        %mul3A_1334 = arith.mulf %get3A_1331, %mul3A_1333 : vector<16xf32>
        %get3A_1335 = arith.constant 6 : i32
        %get3A_1336 = arith.index_cast %get3A_1335 : i32 to index
        %get3A_1337 = arith.constant 80 : index
        %get3A_1338 = tpu.vector_load %arg8[%get3A_1336, %get3A_1337] {strides = array<i32>} : memref<8x128xf32, #tpu.memory_space<vmem>>, vector<1x16xf32>,
        %get3A_1339 = vector.shape_cast %get3A_1338 : vector<1x16xf32> to vector<16xf32>
        %add3A_1340 = arith.addf %mul3A_1334, %get3A_1339 : vector<16xf32>
        %swap3A_1341 = arith.index_cast %add3A_1237 : i32 to index
        %swap3A_1342 = arith.constant 80 : index
        %swap3A_1343 = tpu.vector_load %arg6[%swap3A_1341, %swap3A_1342] {strides = array<i32>} : memref<256x128xf32, #tpu.memory_space<vmem>>, vector<1x16xf32>,
        %swap3A_1344 = vector.shape_cast %swap3A_1343 : vector<1x16xf32> to vector<16xf32>
        %swap3A_1345 = vector.shape_cast %add3A_1340 : vector<16xf32> to vector<1x16xf32>
        tpu.vector_store %arg6[%swap3A_1341, %swap3A_1342], %swap3A_1345 {strides = array<i32>} : memref<256x128xf32, #tpu.memory_space<vmem>>, vector<1x16xf32>,
        %get3A_1346 = arith.index_cast %add3A_1237 : i32 to index
        %get3A_1347 = arith.constant 96 : index
        %get3A_1348 = tpu.vector_load %arg6[%get3A_1346, %get3A_1347] {strides = array<i32>} : memref<256x128xf32, #tpu.memory_space<vmem>>, vector<1x16xf32>,
        %get3A_1349 = vector.shape_cast %get3A_1348 : vector<1x16xf32> to vector<16xf32>
        %mul3A_1350 = arith.constant 8.000000e+00 : f32
        %mul3A_1351 = vector.broadcast %mul3A_1350 : f32 to vector<16xf32>
        %mul3A_1352 = arith.mulf %get3A_1349, %mul3A_1351 : vector<16xf32>
        %get3A_1353 = arith.constant 6 : i32
        %get3A_1354 = arith.index_cast %get3A_1353 : i32 to index
        %get3A_1355 = arith.constant 96 : index
        %get3A_1356 = tpu.vector_load %arg8[%get3A_1354, %get3A_1355] {strides = array<i32>} : memref<8x128xf32, #tpu.memory_space<vmem>>, vector<1x16xf32>,
        %get3A_1357 = vector.shape_cast %get3A_1356 : vector<1x16xf32> to vector<16xf32>
        %add3A_1358 = arith.addf %mul3A_1352, %get3A_1357 : vector<16xf32>
        %swap3A_1359 = arith.index_cast %add3A_1237 : i32 to index
        %swap3A_1360 = arith.constant 96 : index
        %swap3A_1361 = tpu.vector_load %arg6[%swap3A_1359, %swap3A_1360] {strides = array<i32>} : memref<256x128xf32, #tpu.memory_space<vmem>>, vector<1x16xf32>,
        %swap3A_1362 = vector.shape_cast %swap3A_1361 : vector<1x16xf32> to vector<16xf32>
        %swap3A_1363 = vector.shape_cast %add3A_1358 : vector<16xf32> to vector<1x16xf32>
        tpu.vector_store %arg6[%swap3A_1359, %swap3A_1360], %swap3A_1363 {strides = array<i32>} : memref<256x128xf32, #tpu.memory_space<vmem>>, vector<1x16xf32>,
        %get3A_1364 = arith.index_cast %add3A_1237 : i32 to index
        %get3A_1365 = arith.constant 112 : index
        %get3A_1366 = tpu.vector_load %arg6[%get3A_1364, %get3A_1365] {strides = array<i32>} : memref<256x128xf32, #tpu.memory_space<vmem>>, vector<1x16xf32>,
        %get3A_1367 = vector.shape_cast %get3A_1366 : vector<1x16xf32> to vector<16xf32>
        %mul3A_1368 = arith.constant 8.000000e+00 : f32
        %mul3A_1369 = vector.broadcast %mul3A_1368 : f32 to vector<16xf32>
        %mul3A_1370 = arith.mulf %get3A_1367, %mul3A_1369 : vector<16xf32>
        %get3A_1371 = arith.constant 6 : i32
        %get3A_1372 = arith.index_cast %get3A_1371 : i32 to index
        %get3A_1373 = arith.constant 112 : index
        %get3A_1374 = tpu.vector_load %arg8[%get3A_1372, %get3A_1373] {strides = array<i32>} : memref<8x128xf32, #tpu.memory_space<vmem>>, vector<1x16xf32>,
        %get3A_1375 = vector.shape_cast %get3A_1374 : vector<1x16xf32> to vector<16xf32>
        %add3A_1376 = arith.addf %mul3A_1370, %get3A_1375 : vector<16xf32>
        %swap3A_1377 = arith.index_cast %add3A_1237 : i32 to index
        %swap3A_1378 = arith.constant 112 : index
        %swap3A_1379 = tpu.vector_load %arg6[%swap3A_1377, %swap3A_1378] {strides = array<i32>} : memref<256x128xf32, #tpu.memory_space<vmem>>, vector<1x16xf32>,
        %swap3A_1380 = vector.shape_cast %swap3A_1379 : vector<1x16xf32> to vector<16xf32>
        %swap3A_1381 = vector.shape_cast %add3A_1376 : vector<16xf32> to vector<1x16xf32>
        tpu.vector_store %arg6[%swap3A_1377, %swap3A_1378], %swap3A_1381 {strides = array<i32>} : memref<256x128xf32, #tpu.memory_space<vmem>>, vector<1x16xf32>,
        %mul3A_1382 = arith.constant 8 : i32
        %mul3A_1383 = arith.muli %scan3A_346, %mul3A_1382 : i32
        %add3A_1384 = arith.constant 7 : i32
        %add3A_1385 = arith.addi %mul3A_1383, %add3A_1384 : i32
        %get3A_1386 = arith.index_cast %add3A_1385 : i32 to index
        %get3A_1387 = arith.constant 0 : index
        %get3A_1388 = tpu.vector_load %arg6[%get3A_1386, %get3A_1387] {strides = array<i32>} : memref<256x128xf32, #tpu.memory_space<vmem>>, vector<1x16xf32>,
        %get3A_1389 = vector.shape_cast %get3A_1388 : vector<1x16xf32> to vector<16xf32>
        %mul3A_1390 = arith.constant 8.000000e+00 : f32
        %mul3A_1391 = vector.broadcast %mul3A_1390 : f32 to vector<16xf32>
        %mul3A_1392 = arith.mulf %get3A_1389, %mul3A_1391 : vector<16xf32>
        %get3A_1393 = arith.constant 7 : i32
        %get3A_1394 = arith.index_cast %get3A_1393 : i32 to index
        %get3A_1395 = arith.constant 0 : index
        %get3A_1396 = tpu.vector_load %arg8[%get3A_1394, %get3A_1395] {strides = array<i32>} : memref<8x128xf32, #tpu.memory_space<vmem>>, vector<1x16xf32>,
        %get3A_1397 = vector.shape_cast %get3A_1396 : vector<1x16xf32> to vector<16xf32>
        %add3A_1398 = arith.addf %mul3A_1392, %get3A_1397 : vector<16xf32>
        %swap3A_1399 = arith.index_cast %add3A_1385 : i32 to index
        %swap3A_1400 = arith.constant 0 : index
        %swap3A_1401 = tpu.vector_load %arg6[%swap3A_1399, %swap3A_1400] {strides = array<i32>} : memref<256x128xf32, #tpu.memory_space<vmem>>, vector<1x16xf32>,
        %swap3A_1402 = vector.shape_cast %swap3A_1401 : vector<1x16xf32> to vector<16xf32>
        %swap3A_1403 = vector.shape_cast %add3A_1398 : vector<16xf32> to vector<1x16xf32>
        tpu.vector_store %arg6[%swap3A_1399, %swap3A_1400], %swap3A_1403 {strides = array<i32>} : memref<256x128xf32, #tpu.memory_space<vmem>>, vector<1x16xf32>,
        %get3A_1404 = arith.index_cast %add3A_1385 : i32 to index
        %get3A_1405 = arith.constant 16 : index
        %get3A_1406 = tpu.vector_load %arg6[%get3A_1404, %get3A_1405] {strides = array<i32>} : memref<256x128xf32, #tpu.memory_space<vmem>>, vector<1x16xf32>,
        %get3A_1407 = vector.shape_cast %get3A_1406 : vector<1x16xf32> to vector<16xf32>
        %mul3A_1408 = arith.constant 8.000000e+00 : f32
        %mul3A_1409 = vector.broadcast %mul3A_1408 : f32 to vector<16xf32>
        %mul3A_1410 = arith.mulf %get3A_1407, %mul3A_1409 : vector<16xf32>
        %get3A_1411 = arith.constant 7 : i32
        %get3A_1412 = arith.index_cast %get3A_1411 : i32 to index
        %get3A_1413 = arith.constant 16 : index
        %get3A_1414 = tpu.vector_load %arg8[%get3A_1412, %get3A_1413] {strides = array<i32>} : memref<8x128xf32, #tpu.memory_space<vmem>>, vector<1x16xf32>,
        %get3A_1415 = vector.shape_cast %get3A_1414 : vector<1x16xf32> to vector<16xf32>
        %add3A_1416 = arith.addf %mul3A_1410, %get3A_1415 : vector<16xf32>
        %swap3A_1417 = arith.index_cast %add3A_1385 : i32 to index
        %swap3A_1418 = arith.constant 16 : index
        %swap3A_1419 = tpu.vector_load %arg6[%swap3A_1417, %swap3A_1418] {strides = array<i32>} : memref<256x128xf32, #tpu.memory_space<vmem>>, vector<1x16xf32>,
        %swap3A_1420 = vector.shape_cast %swap3A_1419 : vector<1x16xf32> to vector<16xf32>
        %swap3A_1421 = vector.shape_cast %add3A_1416 : vector<16xf32> to vector<1x16xf32>
        tpu.vector_store %arg6[%swap3A_1417, %swap3A_1418], %swap3A_1421 {strides = array<i32>} : memref<256x128xf32, #tpu.memory_space<vmem>>, vector<1x16xf32>,
        %get3A_1422 = arith.index_cast %add3A_1385 : i32 to index
        %get3A_1423 = arith.constant 32 : index
        %get3A_1424 = tpu.vector_load %arg6[%get3A_1422, %get3A_1423] {strides = array<i32>} : memref<256x128xf32, #tpu.memory_space<vmem>>, vector<1x16xf32>,
        %get3A_1425 = vector.shape_cast %get3A_1424 : vector<1x16xf32> to vector<16xf32>
        %mul3A_1426 = arith.constant 8.000000e+00 : f32
        %mul3A_1427 = vector.broadcast %mul3A_1426 : f32 to vector<16xf32>
        %mul3A_1428 = arith.mulf %get3A_1425, %mul3A_1427 : vector<16xf32>
        %get3A_1429 = arith.constant 7 : i32
        %get3A_1430 = arith.index_cast %get3A_1429 : i32 to index
        %get3A_1431 = arith.constant 32 : index
        %get3A_1432 = tpu.vector_load %arg8[%get3A_1430, %get3A_1431] {strides = array<i32>} : memref<8x128xf32, #tpu.memory_space<vmem>>, vector<1x16xf32>,
        %get3A_1433 = vector.shape_cast %get3A_1432 : vector<1x16xf32> to vector<16xf32>
        %add3A_1434 = arith.addf %mul3A_1428, %get3A_1433 : vector<16xf32>
        %swap3A_1435 = arith.index_cast %add3A_1385 : i32 to index
        %swap3A_1436 = arith.constant 32 : index
        %swap3A_1437 = tpu.vector_load %arg6[%swap3A_1435, %swap3A_1436] {strides = array<i32>} : memref<256x128xf32, #tpu.memory_space<vmem>>, vector<1x16xf32>,
        %swap3A_1438 = vector.shape_cast %swap3A_1437 : vector<1x16xf32> to vector<16xf32>
        %swap3A_1439 = vector.shape_cast %add3A_1434 : vector<16xf32> to vector<1x16xf32>
        tpu.vector_store %arg6[%swap3A_1435, %swap3A_1436], %swap3A_1439 {strides = array<i32>} : memref<256x128xf32, #tpu.memory_space<vmem>>, vector<1x16xf32>,
        %get3A_1440 = arith.index_cast %add3A_1385 : i32 to index
        %get3A_1441 = arith.constant 48 : index
        %get3A_1442 = tpu.vector_load %arg6[%get3A_1440, %get3A_1441] {strides = array<i32>} : memref<256x128xf32, #tpu.memory_space<vmem>>, vector<1x16xf32>,
        %get3A_1443 = vector.shape_cast %get3A_1442 : vector<1x16xf32> to vector<16xf32>
        %mul3A_1444 = arith.constant 8.000000e+00 : f32
        %mul3A_1445 = vector.broadcast %mul3A_1444 : f32 to vector<16xf32>
        %mul3A_1446 = arith.mulf %get3A_1443, %mul3A_1445 : vector<16xf32>
        %get3A_1447 = arith.constant 7 : i32
        %get3A_1448 = arith.index_cast %get3A_1447 : i32 to index
        %get3A_1449 = arith.constant 48 : index
        %get3A_1450 = tpu.vector_load %arg8[%get3A_1448, %get3A_1449] {strides = array<i32>} : memref<8x128xf32, #tpu.memory_space<vmem>>, vector<1x16xf32>,
        %get3A_1451 = vector.shape_cast %get3A_1450 : vector<1x16xf32> to vector<16xf32>
        %add3A_1452 = arith.addf %mul3A_1446, %get3A_1451 : vector<16xf32>
        %swap3A_1453 = arith.index_cast %add3A_1385 : i32 to index
        %swap3A_1454 = arith.constant 48 : index
        %swap3A_1455 = tpu.vector_load %arg6[%swap3A_1453, %swap3A_1454] {strides = array<i32>} : memref<256x128xf32, #tpu.memory_space<vmem>>, vector<1x16xf32>,
        %swap3A_1456 = vector.shape_cast %swap3A_1455 : vector<1x16xf32> to vector<16xf32>
        %swap3A_1457 = vector.shape_cast %add3A_1452 : vector<16xf32> to vector<1x16xf32>
        tpu.vector_store %arg6[%swap3A_1453, %swap3A_1454], %swap3A_1457 {strides = array<i32>} : memref<256x128xf32, #tpu.memory_space<vmem>>, vector<1x16xf32>,
        %get3A_1458 = arith.index_cast %add3A_1385 : i32 to index
        %get3A_1459 = arith.constant 64 : index
        %get3A_1460 = tpu.vector_load %arg6[%get3A_1458, %get3A_1459] {strides = array<i32>} : memref<256x128xf32, #tpu.memory_space<vmem>>, vector<1x16xf32>,
        %get3A_1461 = vector.shape_cast %get3A_1460 : vector<1x16xf32> to vector<16xf32>
        %mul3A_1462 = arith.constant 8.000000e+00 : f32
        %mul3A_1463 = vector.broadcast %mul3A_1462 : f32 to vector<16xf32>
        %mul3A_1464 = arith.mulf %get3A_1461, %mul3A_1463 : vector<16xf32>
        %get3A_1465 = arith.constant 7 : i32
        %get3A_1466 = arith.index_cast %get3A_1465 : i32 to index
        %get3A_1467 = arith.constant 64 : index
        %get3A_1468 = tpu.vector_load %arg8[%get3A_1466, %get3A_1467] {strides = array<i32>} : memref<8x128xf32, #tpu.memory_space<vmem>>, vector<1x16xf32>,
        %get3A_1469 = vector.shape_cast %get3A_1468 : vector<1x16xf32> to vector<16xf32>
        %add3A_1470 = arith.addf %mul3A_1464, %get3A_1469 : vector<16xf32>
        %swap3A_1471 = arith.index_cast %add3A_1385 : i32 to index
        %swap3A_1472 = arith.constant 64 : index
        %swap3A_1473 = tpu.vector_load %arg6[%swap3A_1471, %swap3A_1472] {strides = array<i32>} : memref<256x128xf32, #tpu.memory_space<vmem>>, vector<1x16xf32>,
        %swap3A_1474 = vector.shape_cast %swap3A_1473 : vector<1x16xf32> to vector<16xf32>
        %swap3A_1475 = vector.shape_cast %add3A_1470 : vector<16xf32> to vector<1x16xf32>
        tpu.vector_store %arg6[%swap3A_1471, %swap3A_1472], %swap3A_1475 {strides = array<i32>} : memref<256x128xf32, #tpu.memory_space<vmem>>, vector<1x16xf32>,
        %get3A_1476 = arith.index_cast %add3A_1385 : i32 to index
        %get3A_1477 = arith.constant 80 : index
        %get3A_1478 = tpu.vector_load %arg6[%get3A_1476, %get3A_1477] {strides = array<i32>} : memref<256x128xf32, #tpu.memory_space<vmem>>, vector<1x16xf32>,
        %get3A_1479 = vector.shape_cast %get3A_1478 : vector<1x16xf32> to vector<16xf32>
        %mul3A_1480 = arith.constant 8.000000e+00 : f32
        %mul3A_1481 = vector.broadcast %mul3A_1480 : f32 to vector<16xf32>
        %mul3A_1482 = arith.mulf %get3A_1479, %mul3A_1481 : vector<16xf32>
        %get3A_1483 = arith.constant 7 : i32
        %get3A_1484 = arith.index_cast %get3A_1483 : i32 to index
        %get3A_1485 = arith.constant 80 : index
        %get3A_1486 = tpu.vector_load %arg8[%get3A_1484, %get3A_1485] {strides = array<i32>} : memref<8x128xf32, #tpu.memory_space<vmem>>, vector<1x16xf32>,
        %get3A_1487 = vector.shape_cast %get3A_1486 : vector<1x16xf32> to vector<16xf32>
        %add3A_1488 = arith.addf %mul3A_1482, %get3A_1487 : vector<16xf32>
        %swap3A_1489 = arith.index_cast %add3A_1385 : i32 to index
        %swap3A_1490 = arith.constant 80 : index
        %swap3A_1491 = tpu.vector_load %arg6[%swap3A_1489, %swap3A_1490] {strides = array<i32>} : memref<256x128xf32, #tpu.memory_space<vmem>>, vector<1x16xf32>,
        %swap3A_1492 = vector.shape_cast %swap3A_1491 : vector<1x16xf32> to vector<16xf32>
        %swap3A_1493 = vector.shape_cast %add3A_1488 : vector<16xf32> to vector<1x16xf32>
        tpu.vector_store %arg6[%swap3A_1489, %swap3A_1490], %swap3A_1493 {strides = array<i32>} : memref<256x128xf32, #tpu.memory_space<vmem>>, vector<1x16xf32>,
        %get3A_1494 = arith.index_cast %add3A_1385 : i32 to index
        %get3A_1495 = arith.constant 96 : index
        %get3A_1496 = tpu.vector_load %arg6[%get3A_1494, %get3A_1495] {strides = array<i32>} : memref<256x128xf32, #tpu.memory_space<vmem>>, vector<1x16xf32>,
        %get3A_1497 = vector.shape_cast %get3A_1496 : vector<1x16xf32> to vector<16xf32>
        %mul3A_1498 = arith.constant 8.000000e+00 : f32
        %mul3A_1499 = vector.broadcast %mul3A_1498 : f32 to vector<16xf32>
        %mul3A_1500 = arith.mulf %get3A_1497, %mul3A_1499 : vector<16xf32>
        %get3A_1501 = arith.constant 7 : i32
        %get3A_1502 = arith.index_cast %get3A_1501 : i32 to index
        %get3A_1503 = arith.constant 96 : index
        %get3A_1504 = tpu.vector_load %arg8[%get3A_1502, %get3A_1503] {strides = array<i32>} : memref<8x128xf32, #tpu.memory_space<vmem>>, vector<1x16xf32>,
        %get3A_1505 = vector.shape_cast %get3A_1504 : vector<1x16xf32> to vector<16xf32>
        %add3A_1506 = arith.addf %mul3A_1500, %get3A_1505 : vector<16xf32>
        %swap3A_1507 = arith.index_cast %add3A_1385 : i32 to index
        %swap3A_1508 = arith.constant 96 : index
        %swap3A_1509 = tpu.vector_load %arg6[%swap3A_1507, %swap3A_1508] {strides = array<i32>} : memref<256x128xf32, #tpu.memory_space<vmem>>, vector<1x16xf32>,
        %swap3A_1510 = vector.shape_cast %swap3A_1509 : vector<1x16xf32> to vector<16xf32>
        %swap3A_1511 = vector.shape_cast %add3A_1506 : vector<16xf32> to vector<1x16xf32>
        tpu.vector_store %arg6[%swap3A_1507, %swap3A_1508], %swap3A_1511 {strides = array<i32>} : memref<256x128xf32, #tpu.memory_space<vmem>>, vector<1x16xf32>,
        %get3A_1512 = arith.index_cast %add3A_1385 : i32 to index
        %get3A_1513 = arith.constant 112 : index
        %get3A_1514 = tpu.vector_load %arg6[%get3A_1512, %get3A_1513] {strides = array<i32>} : memref<256x128xf32, #tpu.memory_space<vmem>>, vector<1x16xf32>,
        %get3A_1515 = vector.shape_cast %get3A_1514 : vector<1x16xf32> to vector<16xf32>
        %mul3A_1516 = arith.constant 8.000000e+00 : f32
        %mul3A_1517 = vector.broadcast %mul3A_1516 : f32 to vector<16xf32>
        %mul3A_1518 = arith.mulf %get3A_1515, %mul3A_1517 : vector<16xf32>
        %get3A_1519 = arith.constant 7 : i32
        %get3A_1520 = arith.index_cast %get3A_1519 : i32 to index
        %get3A_1521 = arith.constant 112 : index
        %get3A_1522 = tpu.vector_load %arg8[%get3A_1520, %get3A_1521] {strides = array<i32>} : memref<8x128xf32, #tpu.memory_space<vmem>>, vector<1x16xf32>,
        %get3A_1523 = vector.shape_cast %get3A_1522 : vector<1x16xf32> to vector<16xf32>
        %add3A_1524 = arith.addf %mul3A_1518, %get3A_1523 : vector<16xf32>
        %swap3A_1525 = arith.index_cast %add3A_1385 : i32 to index
        %swap3A_1526 = arith.constant 112 : index
        %swap3A_1527 = tpu.vector_load %arg6[%swap3A_1525, %swap3A_1526] {strides = array<i32>} : memref<256x128xf32, #tpu.memory_space<vmem>>, vector<1x16xf32>,
        %swap3A_1528 = vector.shape_cast %swap3A_1527 : vector<1x16xf32> to vector<16xf32>
        %swap3A_1529 = vector.shape_cast %add3A_1524 : vector<16xf32> to vector<1x16xf32>
        tpu.vector_store %arg6[%swap3A_1525, %swap3A_1526], %swap3A_1529 {strides = array<i32>} : memref<256x128xf32, #tpu.memory_space<vmem>>, vector<1x16xf32>,
        %scan3A_1530 = arith.constant 0 : i32
        scf.yield %scan3A_1530 : i32
      }
      %scan3A_334 = arith.constant 32 : i32
      %mul3A_335 = arith.constant 256 : i32
      %mul3A_336 = arith.muli %add3A_225, %mul3A_335 : i32
      %add3A_337 = arith.addi %mul3A_2, %mul3A_336 : i32
      %dma_start3A_338 = arith.constant 1 : i32
      %dma_start3A_339 = arith.constant 0 : i32
      %dma_start3A_340 = tpu.memref_slice %arg4[%add3A_337, %dma_start3A_339] : memref<409600x128xf32, #tpu.memory_space<hbm>> -> memref<256x128xf32, #tpu.memory_space<hbm>>
      %dma_start3A_341 = tpu.memref_slice %arg11[%dma_start3A_338] : memref<2x!tpu.dma_semaphore, #tpu.memory_space<semaphore_mem>> -> memref<1x!tpu.dma_semaphore, #tpu.memory_space<semaphore_mem>>
      %dma_start3A_342 = tpu.memref_squeeze %dma_start3A_341 : memref<1x!tpu.dma_semaphore, #tpu.memory_space<semaphore_mem>> -> memref<!tpu.dma_semaphore, #tpu.memory_space<semaphore_mem>>
      %dma_start3A_343 = arith.constant 0 : i32
      %dma_start3A_344 = tpu.memref_slice %arg4[%add3A_337, %dma_start3A_343] : memref<409600x128xf32, #tpu.memory_space<hbm>> -> memref<256x128xf32, #tpu.memory_space<hbm>>
      tpu.enqueue_dma source(%arg6 : memref<256x128xf32, #tpu.memory_space<vmem>>) target(%dma_start3A_344 : memref<256x128xf32, #tpu.memory_space<hbm>>) target_semaphore(%dma_start3A_342 : memref<!tpu.dma_semaphore, #tpu.memory_space<semaphore_mem>>)
      %scan3A_345 = arith.constant 0 : i32
      scf.yield %scan3A_345 : i32
    }
    %scan3A_82 = arith.constant 25 : i32
    %dma_wait3A = arith.constant 0 : i32
    %dma_wait3A_83 = arith.constant 12288 : i32
    %dma_wait3A_84 = arith.constant 0 : i32
    %dma_wait3A_85 = tpu.memref_slice %arg4[%dma_wait3A_83, %dma_wait3A_84] : memref<409600x128xf32, #tpu.memory_space<hbm>> -> memref<256x128xf32, #tpu.memory_space<hbm>>
    %dma_wait3A_86 = tpu.memref_slice %arg11[%dma_wait3A] : memref<2x!tpu.dma_semaphore, #tpu.memory_space<semaphore_mem>> -> memref<1x!tpu.dma_semaphore, #tpu.memory_space<semaphore_mem>>
    %dma_wait3A_87 = tpu.memref_squeeze %dma_wait3A_86 : memref<1x!tpu.dma_semaphore, #tpu.memory_space<semaphore_mem>> -> memref<!tpu.dma_semaphore, #tpu.memory_space<semaphore_mem>>
    %dma_wait3A_88 = arith.constant 12288 : i32
    %dma_wait3A_89 = arith.constant 0 : i32
    %dma_wait3A_90 = tpu.memref_slice %arg4[%dma_wait3A_88, %dma_wait3A_89] : memref<409600x128xf32, #tpu.memory_space<hbm>> -> memref<256x128xf32, #tpu.memory_space<hbm>>
    tpu.wait_dma2 semaphore(%dma_wait3A_87 : memref<!tpu.dma_semaphore, #tpu.memory_space<semaphore_mem>>) src(%arg5 : memref<256x128xf32, #tpu.memory_space<vmem>>) dst(%dma_wait3A_90 : memref<256x128xf32, #tpu.memory_space<hbm>>)
    %dma_wait3A_91 = arith.constant 1 : i32
    %dma_wait3A_92 = arith.constant 12544 : i32
    %dma_wait3A_93 = arith.constant 0 : i32
    %dma_wait3A_94 = tpu.memref_slice %arg4[%dma_wait3A_92, %dma_wait3A_93] : memref<409600x128xf32, #tpu.memory_space<hbm>> -> memref<256x128xf32, #tpu.memory_space<hbm>>
    %dma_wait3A_95 = tpu.memref_slice %arg11[%dma_wait3A_91] : memref<2x!tpu.dma_semaphore, #tpu.memory_space<semaphore_mem>> -> memref<1x!tpu.dma_semaphore, #tpu.memory_space<semaphore_mem>>
    %dma_wait3A_96 = tpu.memref_squeeze %dma_wait3A_95 : memref<1x!tpu.dma_semaphore, #tpu.memory_space<semaphore_mem>> -> memref<!tpu.dma_semaphore, #tpu.memory_space<semaphore_mem>>
    %dma_wait3A_97 = arith.constant 12544 : i32
    %dma_wait3A_98 = arith.constant 0 : i32
    %dma_wait3A_99 = tpu.memref_slice %arg4[%dma_wait3A_97, %dma_wait3A_98] : memref<409600x128xf32, #tpu.memory_space<hbm>> -> memref<256x128xf32, #tpu.memory_space<hbm>>
    tpu.wait_dma2 semaphore(%dma_wait3A_96 : memref<!tpu.dma_semaphore, #tpu.memory_space<semaphore_mem>>) src(%arg6 : memref<256x128xf32, #tpu.memory_space<vmem>>) dst(%dma_wait3A_99 : memref<256x128xf32, #tpu.memory_space<hbm>>)
    return
  }
}

</mosaic_0001>

<sc_bundles>
// kernel: kernel.3.cloned.1.call-start
scs
__scs_entry_jumppad:
0x0: {  	(pc) =	sbr.rel $0x88, $3  }
0x1: {  	(tag) =	ssettag $0x0;
	lr =	simm.s32 $0x1  }
0x2: {  	[smem:$0x3F9F] =	sst lr;
	_ =	strace $0xD0000000  }
0x3: {  	_ = 	snop  }
0x4: {  	_ = 	snop  }
0x5: {  	_ = 	snop  }
0x6: {  	_ = 	snop  }
0x7: {  	_ = 	snop  }
__scs_overlays_trampoline_lowered:
0x8: {  	[smem:$0x3FAE] =	sst s0  }
0x9: {  	[smem:$0x3FAF] =	sst s1  }
0xa: {  	[smem:$0x3FB0] =	sst s2  }
0xb: {  	[smem:$0x3FB1] =	sst s3  }
0xc: {  	[smem:$0x3FB2] =	sst s4  }
0xd: {  	[smem:$0x3FB3] =	sst s5  }
0xe: {  	[smem:$0x3FB4] =	sst s6  }
0xf: {  	[smem:$0x3FB5] =	sst s7  }
0x10: {  	[smem:$0x3FB6] =	sst s8  }
0x11: {  	[smem:$0x3FB7] =	sst s9;
	s0 =	simm.s32 @!p0 $0x0  }
0x12: {  	s1 =	sld [smem:$0x3F9D];
	s0 =	simm.s32 @p0 $0x1  }
0x13: {  	[smem:$0x3FB8] =	sst s0;
	s0 =	simm.s32 @!p1 $0x0  }
0x14: {  	s2 =	sld [smem:$0x3F9C];
	s0 =	simm.s32 @p1 $0x1  }
0x15: {  	[smem:$0x3FB9] =	sst s0;
	s0 =	simm.s32 @!p2 $0x0  }
0x16: {  	s3 =	sld [smem:$0x3FDB];
	s0 =	simm.s32 @p2 $0x1  }
0x17: {  	s4 =	simm.s32 $0x1BF5;
	[smem:$0x3FBB] =	sst s0  }
0x18: {  	s0 =	sld [smem:$0x3F9E];
	_ =	swait.ge [sflag:s4], $0x0  }
0x19: {  	s7 =	sld [smem:$0x3F9F]  }
0x1a: {  	s8 =	sadd.s32 $0xFFFFE003, lr  }
0x1b: {  	s9 =	sadd.s32 $0xFFFFFEF7, lr;
	s5 =	simm.s32 $0xFFFFFFFF;
	p2 =	slt.u32 s8, $0xFFFFF086  }
0x1c: {  	p1 =	slt.u32 s9, $0xF7A;
	s5 =	simm.s32 @!p2 $0x0  }
0x1d: {  	s5 =	simm.s32 @p1 $0x1;
	p0 =	seq.s32 s7, s2  }
0x1e: {  	s7 =	smul.u32 @!p0 $0xF7A, s2;
	p2 =	seq.s32 @!p0 s5, $0x0  }
0x1f: {  	s9 =	smul.u32 $0xF7A, s1;
	s8 =	simm.s32 @!p0 $0x1BF5;
	p2 =	por !p2, p0  }
0x20: {  	[sflag:s8] =	ssyncset.s32 @!p0 $0xFFFFF086;
	s6 =	sadd.s32 @!p0 s3, s7;
	s7 =	simm.s32 @!p0 $0x108  }
0x21: {  	s3 =	sadd.s32 s3, s9;
	s6 =	sadd.s32 @!p0 $0x88, s6;
	s7 =	simm.s32 @p2 $0x1082  }
0x22: {  	[simem:s7], [sflag:s8] =	dma.local @!p0 [hbm:s6], $0xF7A  }
0x23: {  	s9 =	sor.u32 $0xD0000000, s2;
	s6 =	simm.s32 $0x108;
	_ =	swait.ge @!p0 [sflag:s8], $0x0  }
0x24: {  	s3 =	sadd.s32 $0x88, s3;
	s6 =	simm.s32 @!p1 $0x1082;
	[sflag:s4] =	ssyncset.s32 $0xFFFFF086  }
0x25: {  	[simem:s6], [sflag:s4] =	dma.local [hbm:s3], $0xF7A  }
0x26: {  	[smem:$0x3F9F] =	sst s1;
	(tag) =	ssettag s2;
	_ =	strace s9  }
0x27: {  	s1 =	sld [smem:$0x3FAF]  }
0x28: {  	s2 =	sld [smem:$0x3FB0]  }
0x29: {  	s4 =	sld [smem:$0x3FB2]  }
0x2a: {  	p0 =	seq.s32 s5, $0x0;
	s5 =	sld [smem:$0x3FB3]  }
0x2b: {  	s6 =	sld [smem:$0x3FB4]  }
0x2c: {  	s7 =	sld [smem:$0x3FB5]  }
0x2d: {  	s3 =	simm.s32 $0x108;
	s8 =	sld [smem:$0x3FB6]  }
0x2e: {  	s3 =	simm.s32 @!p0 $0x1082;
	s9 =	sld [smem:$0x3FB7]  }
0x2f: {  	lr =	sadd.s32 s0, s3;
	s0 =	sld [smem:$0x3FAE]  }
0x30: {  	s3 =	sld [smem:$0x3FB1]  }
0x31: {  	[smem:$0x3FBA] =	sst s10  }
0x32: {  	s10 =	sld [smem:$0x3FB8];
	_ =	sdelay $0x3  }
0x33: {  	p0 =	seq.s32 s10, $0x1;
	s10 =	sld [smem:$0x3FBA];
	_ =	sdelay $0x3  }
0x34: {  	[smem:$0x3FBA] =	sst s10  }
0x35: {  	s10 =	sld [smem:$0x3FB9];
	_ =	sdelay $0x3  }
0x36: {  	p1 =	seq.s32 s10, $0x1;
	s10 =	sld [smem:$0x3FBA];
	_ =	sdelay $0x3  }
0x37: {  	[smem:$0x3FBA] =	sst s10  }
0x38: {  	s10 =	sld [smem:$0x3FBB]  }
0x39: {  	_ = 	snop;
	(pc) =	sbr.ind lr, $3  }
0x3a: {  	_ = 	snop  }
0x3b: {  	_ = 	snop  }
0x3c: {  	p2 =	seq.s32 s10, $0x1;
	s10 =	sld [smem:$0x3FBA]  }
0x3d: {  	_ =	shalt  }
0x3e: {  	_ =	shalt  }
0x3f: {  	_ =	shalt  }
0x40: {  	_ =	shalt  }
0x41: {  	_ =	shalt  }
0x42: {  	_ =	shalt  }
0x43: {  	_ =	shalt  }
0x44: {  	_ =	shalt  }
0x45: {  	_ =	shalt  }
0x46: {  	_ =	shalt  }
0x47: {  	_ =	shalt  }
0x48: {  	_ =	shalt  }
0x49: {  	_ =	shalt  }
0x4a: {  	_ =	shalt  }
0x4b: {  	_ =	shalt  }
0x4c: {  	_ =	shalt  }
0x4d: {  	_ =	shalt  }
0x4e: {  	_ =	shalt  }
0x4f: {  	_ =	shalt  }
0x50: {  	_ =	shalt  }
0x51: {  	_ =	shalt  }
0x52: {  	_ =	shalt  }
0x53: {  	_ =	shalt  }
0x54: {  	_ =	shalt  }
0x55: {  	_ =	shalt  }
0x56: {  	_ =	shalt  }
0x57: {  	_ =	shalt  }
0x58: {  	_ =	shalt  }
0x59: {  	_ =	shalt  }
0x5a: {  	_ =	shalt  }
0x5b: {  	_ =	shalt  }
0x5c: {  	_ =	shalt  }
0x5d: {  	_ =	shalt  }
0x5e: {  	_ =	shalt  }
0x5f: {  	_ =	shalt  }
0x60: {  	_ =	shalt  }
0x61: {  	_ =	shalt  }
0x62: {  	_ =	shalt  }
0x63: {  	_ =	shalt  }
0x64: {  	_ =	shalt  }
0x65: {  	_ =	shalt  }
0x66: {  	_ =	shalt  }
0x67: {  	_ =	shalt  }
0x68: {  	_ =	shalt  }
0x69: {  	_ =	shalt  }
0x6a: {  	_ =	shalt  }
0x6b: {  	_ =	shalt  }
0x6c: {  	_ =	shalt  }
0x6d: {  	_ =	shalt  }
0x6e: {  	_ =	shalt  }
0x6f: {  	_ =	shalt  }
0x70: {  	_ =	shalt  }
0x71: {  	_ =	shalt  }
0x72: {  	_ =	shalt  }
0x73: {  	_ =	shalt  }
0x74: {  	_ =	shalt  }
0x75: {  	_ =	shalt  }
0x76: {  	_ =	shalt  }
0x77: {  	_ =	shalt  }
0x78: {  	_ =	shalt  }
0x79: {  	_ =	shalt  }
0x7a: {  	_ =	shalt  }
0x7b: {  	_ =	shalt  }
0x7c: {  	_ =	shalt  }
0x7d: {  	_ =	shalt  }
0x7e: {  	_ =	shalt  }
0x7f: {  	_ =	shalt  }
0x80: {  	_ =	shalt  }
0x81: {  	_ =	shalt  }
0x82: {  	_ =	shalt  }
0x83: {  	_ =	shalt  }
0x84: {  	_ =	shalt  }
0x85: {  	_ =	shalt  }
0x86: {  	_ =	shalt  }
0x87: {  	_ =	shalt  }
.Lfunc_end0:
.L_simem_size_0:
called_computation_lowered:
.L_overlay_start_0:
0x88: {  	s2 =	sld [smem:$0x3FD9]  }
0x89: {  	s3 =	sld [smem:$0x3FFE];
	_ =	sdelay $0x1  }
0x8a: {  	s1 =	srdreg.scid  }
0x8b: {  	s0 =	sand.u32 $0x1, s1  }
0x8c: {  	s17 =	sshll.u32 s0, $0xA;
	s2 =	sadd.s32 s3, s2  }
0x8d: {  	s2 =	sadd.s32 s2, s17  }
0x8e: {  	[smem:$0x3FC6] =	sst s2  }
0x8f: {  	_ = 	snop  }
0x90: {  	s2 =	sld [smem:$0x3FC9]  }
0x91: {  	s18 =	sld [smem:$0x3FD0];
	(tm) =	ssettm $0x1  }
0x92: {  	s4 =	sld [smem:$0x3FFB];
	_ =	sdelay $0x3  }
0x93: {  	_ =	strace s4  }
0x94: {  	s4 =	sld [smem:$0x3FFC];
	_ =	sdelay $0x3  }
0x95: {  	_ =	strace s4  }
0x96: {  	s4 =	sld [smem:$0x3FFD];
	_ =	sdelay $0x3  }
0x97: {  	_ =	strace s4  }
0x98: {  	_ =	strace $0x8FFFFFFF  }
0x99: {  	s19 =	sld [smem:$0x3FDB];
	_ =	sdelay $0x1  }
0x9a: {  	s5 =	simm.s32 $_scs_section_size  }
0x9b: {  	s6 =	simm.s32 $_size__tile_overlayer_lowered;
	s7 =	simm.s32 $_tile_overlayer_lowered  }
0x9c: {  	s22 =	simm.s32 $0x1BFF;
	s21 =	sshll.u32 s7, $0x1;
	s4 =	sadd.s32 s5, s19  }
0x9d: {  	s8 =	simm.s32 $0x0;
	s20 =	sshll.u32 s6, $0x1;
	s6 =	sadd.s32 s21, s4  }
0x9e: {  	[timem:s8], [sflag:s22] =	dma.local [hbm:s6], s20  }
0x9f: {  	_ =	swait.ge [sflag:s22], s20  }
0xa0: {  	s5 =	ssub.s32 $0x0, s20;
	[sflag:s22] =	ssyncset.done $0x0  }
0xa1: {  	[sflag:s22] =	ssyncadd.s32 s5;
	_ =	sdelay $0x1  }
0xa2: {  	s23 =	simm.s32 $0x1B8B  }
0xa3: {  	_ =	swait.ge [sflag:s23], $0x1  }
0xa4: {  	[sflag:s23] =	ssyncset.done $0x0  }
0xa5: {  	s25 =	simm.s32 $0x1B8E;
	s24 =	sld [smem:$0x3FFE];
	[sflag:s23] =	ssyncadd.s32 $0xFFFFFFFF  }
0xa6: {  	s26 =	simm.s32 $execute0_lowered;
	[smem:$0x3FD2] =	sst s25  }
0xa7: {  	s6 =	sshll.u32 s26, $0x1;
	_ =	strace $0x80000046;
	[dreg:$0x1] =	wrdreg $0xFFFFFFFF  }
0xa8: {  	s28 =	simm.s32 $_size_execute0_lowered;
	s4 =	sadd.s32 s4, s6;
	[dreg:$0x0] =	wrdreg $0x0  }
0xa9: {  	s6 =	sshll.u32 s28, $0x1;
	[dreg:$0x2] =	wrdreg s4  }
0xaa: {  	[dreg:$0x3] =	wrdreg s6  }
0xab: {  	[dreg:$0x4] =	wrdreg $0xC0  }
0xac: {  	_ =	task [dreg:s8], $0x5FFFF  }
0xad: {  	[dreg:$0x1] =	wrdreg $0xFFFFFFFF  }
0xae: {  	[dreg:$0x0] =	wrdreg $0x60  }
0xaf: {  	[dreg:$0x2] =	wrdreg s2  }
0xb0: {  	[dreg:$0x3] =	wrdreg s24  }
0xb1: {  	[dreg:$0x4] =	wrdreg s18  }
0xb2: {  	[dreg:$0x5] =	wrdreg $0x9  }
0xb3: {  	_ =	task.clear_ibuf [dreg:s8], $0x6FFFF;
	_ =	strace $0x90000046  }
0xb4: {  	s29 =	simm.s32 $0x9;
	_ =	strace $0x80000048  }
0xb5: {  	_ =	swait.ge [sflag:s29], $0x1  }
0xb6: {  	[sflag:s29] =	ssyncadd.s32 $0xFFFFFFFF  }
0xb7: {  	_ =	strace $0x90000048  }
0xb8: {  	_ =	sfence  }
0xb9: {  	s30 =	sld [smem:$0x0];
	_ =	sdelay $0x2  }
0xba: {  	s31 =	sshll.u32 s1, $0xD;
	s1 =	sshrl.u32 s1, $0x2  }
0xbb: {  	s3 =	sand.u32 $0x4000, s31;
	s1 =	sadd.s32 s1, s30  }
0xbc: {  	s0 =	sor.u32 s3, s0;
	s1 =	sshll.u32 s1, $0x11  }
0xbd: {  	s0 =	sor.u32 s1, s0  }
0xbe: {  	s0 =	sadd.s32 $0x8F2B, s0  }
0xbf: {  	[sflag:s0] =	ssyncadd.remote.s32 $0x1  }
0xc0: {  	_ =	sfence.sel $0xFFFF  }
0xc1: {  	[dreg:$0x0] =	wrdreg $0xFFFFFFFF;
	(pc) =	sbr.abs _section_cstart, $3  }
0xc2: {  	[dreg:$0x1] =	wrdreg $0xFFFFFFFF  }
0xc3: {  	_ =	task.clear_ibuf [dreg:s8], $0x2FFFF;
	_ =	strace $0x9FFFFFFF  }
0xc4: {  	(tm) =	ssettm $0x7FFFFFFF  }
0xc5: {  	_ =	shalt  }
tec
execute0_lowered:
.L_overlay_start_1:
0x0: {  	(tag) =	ssettag $0x1  }
0x1: {  	s1 =	rddreg [dreg:$0x0]  }
0x2: {  	s5 =	rddreg [dreg:$0x1];
	s2 =	srdreg.scid  }
0x3: {  	s0 =	stileid.u32;
	s3 =	rddreg [dreg:$0x2];
	s4 =	simm.s32 $0x0  }
0x4: {  	s13 =	simm.s32 $0x8000;
	s14 =	simm.s32 $0x10400;
	s15 =	simm.s32 $0x1  }
0x5: {  	s16 =	simm.s32 $0x3;
	s17 =	simm.s32 $0x2;
	s18 =	simm.s32 $0x4  }
0x6: {  	s19 =	simm.s32 $0x5;
	s20 =	simm.s32 $0x6;
	s21 =	simm.s32 $0x0  }
0x7: {  	s6 =	sand.u32 $0x1, s2;
	s7 =	sshll.u32 s0, $0x1;
	s2 =	rddreg [dreg:$0x3]  }
0x8: {  	[smem:$0x7FF] =	sst s4;
	s5 =	sadd.s32 $0x400, s5;
	s9 =	sor.u32 s6, s7  }
0x9: {  	s6 =	ssub.s32 $0x2, s6;
	s7 =	smul.u32 $0xC800, s9;
	s8 =	sshll.u32 s9, $0xB  }
0xa: {  	s10 =	sshrl.u32 s6, $0x1;
	s11 =	smul.u32 $0x32000, s9;
	s8 =	sand.u32 $0x1800, s8  }
0xb: {  	s12 =	ssub.s32 s6, s10;
	s6 =	smul.u32 $0x3200, s9;
	s7 =	sand.u32 $0x1FE000, s7  }
0xc: {  	_ =	strace $0x80000047;
	s9 =	smul.u32 $0x190000, s9;
	s7 =	sor.u32 s8, s7  }
0xd: {  	s10 =	sadd.s32 $0x200, s6;
	s8 =	sshrl.u32 s7, $0x3;
	s7 =	sadd.s32 s1, s11  }
0xe: {  	s11 =	smax.u32 s12, $0x1;
	s12 =	simm.s32 $0x10000;
	s8 =	sadd.s32 s5, s8  }
.LBB2_1:
0xf: {  	[tilespmem:s4], [sflag:$0x1] =	stream.linear.gather [hbm4b:s7+s4], $0x8000, $0x38;
	[tilespmem:$0x10800] =	vst v63  }
0x10: {  	s22 =	simm.s32 $0x0  }
0x11: {  	[tilespmem:s12], [sflag:$0x3] =	stream.linear.gather [hbm4b:s8+s4], $0x400, $0x38;
	[tilespmem:$0x10800] =	vst v63  }
.LBB2_2:
0x12: {  	p0 =	seq.s32 s22, $0x0;
	s23 =	sshllo.u32 s22, $0x1  }
0x13: {  	s24 =	simm.s32 @!p0 $0x6;
	s25 =	sshll.u32 s23, $0x8  }
0x14: {  	_ =	swait.ge @!p0 [sflag:s24], $0x8000;
	s25 =	sadd.s32 s6, s25  }
0x15: {  	s30 =	simm.s32 $0x0;
	[sflag:s24] =	ssyncset.done @!p0 $0x0;
	s26 =	sshll.u32 s25, $0x4  }
0x16: {  	s31 =	sshrl.u32 s25, $0x1;
	[sflag:s24] =	ssyncadd.s32 @!p0 $0xFFFF8000;
	s29 =	sadd.s32 s1, s26  }
0x17: {  	[tilespmem:s13], [sflag:$0x2] =	stream.linear.gather [hbm4b:s29+s30], $0x8000, $0x38;
	[tilespmem:$0x10800] =	vst v63  }
0x18: {  	s24 =	sadd.s32 s5, s31  }
0x19: {  	[tilespmem:s14], [sflag:$0x4] =	stream.linear.gather [hbm4b:s24+s30], $0x400, $0x38;
	[tilespmem:$0x10800] =	vst v63  }
0x1a: {  	_ =	swait.ge [sflag:s15], $0x8000  }
0x1b: {  	[sflag:s15] =	ssyncset.done $0x0  }
0x1c: {  	[sflag:s15] =	ssyncadd.s32 $0xFFFF8000  }
0x1d: {  	_ =	swait.ge [sflag:s16], $0x400  }
0x1e: {  	[sflag:s16] =	ssyncset.done $0x0  }
0x1f: {  	s24 =	simm.s32 $0x0;
	[sflag:s16] =	ssyncadd.s32 $0xFFFFFC00  }
0x20: {  	v0 =	vld [tilespmem:s24+$0x0];
	_ =	sdelay $0x1  }
0x21: {  	v1 =	vld [tilespmem:$0x10000];
	_ =	sdelay $0x2  }
0x22: {  	v0 =	vmul.f32 $8.000000000e+00, v0;
	_ =	sdelay $0x1  }
0x23: {  	v0 =	vadd.f32 v1, v0  }
0x24: {  	v1 =	vld [tilespmem:s24+$0x10]  }
0x25: {  	[tilespmem:s24+$0x0] =	vst v0  }
0x26: {  	v0 =	vld [tilespmem:$0x10010];
	_ =	sdelay $0x2  }
0x27: {  	v1 =	vmul.f32 $8.000000000e+00, v1;
	_ =	sdelay $0x1  }
0x28: {  	v0 =	vadd.f32 v0, v1  }
0x29: {  	v1 =	vld [tilespmem:s24+$0x20]  }
0x2a: {  	[tilespmem:s24+$0x10] =	vst v0  }
0x2b: {  	v0 =	vld [tilespmem:$0x10020];
	_ =	sdelay $0x2  }
0x2c: {  	v1 =	vmul.f32 $8.000000000e+00, v1;
	_ =	sdelay $0x1  }
0x2d: {  	v0 =	vadd.f32 v0, v1  }
0x2e: {  	v1 =	vld [tilespmem:s24+$0x30]  }
0x2f: {  	[tilespmem:s24+$0x20] =	vst v0  }
0x30: {  	v0 =	vld [tilespmem:$0x10030];
	_ =	sdelay $0x2  }
0x31: {  	v1 =	vmul.f32 $8.000000000e+00, v1;
	_ =	sdelay $0x1  }
0x32: {  	v0 =	vadd.f32 v0, v1  }
0x33: {  	v1 =	vld [tilespmem:s24+$0x40]  }
0x34: {  	[tilespmem:s24+$0x30] =	vst v0  }
0x35: {  	v0 =	vld [tilespmem:$0x10040];
	_ =	sdelay $0x2  }
0x36: {  	v1 =	vmul.f32 $8.000000000e+00, v1;
	_ =	sdelay $0x1  }
0x37: {  	v0 =	vadd.f32 v0, v1  }
0x38: {  	v1 =	vld [tilespmem:s24+$0x50]  }
0x39: {  	[tilespmem:s24+$0x40] =	vst v0  }
0x3a: {  	v0 =	vld [tilespmem:$0x10050];
	_ =	sdelay $0x2  }
0x3b: {  	v1 =	vmul.f32 $8.000000000e+00, v1;
	_ =	sdelay $0x1  }
0x3c: {  	v0 =	vadd.f32 v0, v1  }
0x3d: {  	v1 =	vld [tilespmem:s24+$0x60]  }
0x3e: {  	[tilespmem:s24+$0x50] =	vst v0  }
0x3f: {  	v0 =	vld [tilespmem:$0x10060];
	_ =	sdelay $0x2  }
0x40: {  	v1 =	vmul.f32 $8.000000000e+00, v1;
	_ =	sdelay $0x1  }
0x41: {  	v0 =	vadd.f32 v0, v1  }
0x42: {  	v1 =	vld [tilespmem:s24+$0x70]  }
0x43: {  	[tilespmem:s24+$0x60] =	vst v0  }
0x44: {  	v0 =	vld [tilespmem:$0x10070];
	_ =	sdelay $0x2  }
0x45: {  	v1 =	vmul.f32 $8.000000000e+00, v1;
	_ =	sdelay $0x1  }
0x46: {  	v0 =	vadd.f32 v0, v1  }
0x47: {  	v1 =	vld [tilespmem:s24+$0x80]  }
0x48: {  	[tilespmem:s24+$0x70] =	vst v0  }
0x49: {  	v0 =	vld [tilespmem:$0x10080];
	_ =	sdelay $0x2  }
0x4a: {  	v1 =	vmul.f32 $8.000000000e+00, v1;
	_ =	sdelay $0x1  }
0x4b: {  	v0 =	vadd.f32 v0, v1  }
0x4c: {  	v1 =	vld [tilespmem:s24+$0x90]  }
0x4d: {  	[tilespmem:s24+$0x80] =	vst v0  }
0x4e: {  	v0 =	vld [tilespmem:$0x10090];
	_ =	sdelay $0x2  }
0x4f: {  	v1 =	vmul.f32 $8.000000000e+00, v1;
	_ =	sdelay $0x1  }
0x50: {  	v0 =	vadd.f32 v0, v1  }
0x51: {  	v1 =	vld [tilespmem:s24+$0xA0]  }
0x52: {  	[tilespmem:s24+$0x90] =	vst v0  }
0x53: {  	v0 =	vld [tilespmem:$0x100A0];
	_ =	sdelay $0x2  }
0x54: {  	v1 =	vmul.f32 $8.000000000e+00, v1;
	_ =	sdelay $0x1  }
0x55: {  	v0 =	vadd.f32 v0, v1  }
0x56: {  	v1 =	vld [tilespmem:s24+$0xB0]  }
0x57: {  	[tilespmem:s24+$0xA0] =	vst v0  }
0x58: {  	v0 =	vld [tilespmem:$0x100B0];
	_ =	sdelay $0x2  }
0x59: {  	v1 =	vmul.f32 $8.000000000e+00, v1;
	_ =	sdelay $0x1  }
0x5a: {  	v0 =	vadd.f32 v0, v1  }
0x5b: {  	v1 =	vld [tilespmem:s24+$0xC0]  }
0x5c: {  	[tilespmem:s24+$0xB0] =	vst v0  }
0x5d: {  	v0 =	vld [tilespmem:$0x100C0];
	_ =	sdelay $0x2  }
0x5e: {  	v1 =	vmul.f32 $8.000000000e+00, v1;
	_ =	sdelay $0x1  }
0x5f: {  	v0 =	vadd.f32 v0, v1  }
0x60: {  	v1 =	vld [tilespmem:s24+$0xD0]  }
0x61: {  	[tilespmem:s24+$0xC0] =	vst v0  }
0x62: {  	v0 =	vld [tilespmem:$0x100D0];
	_ =	sdelay $0x2  }
0x63: {  	v1 =	vmul.f32 $8.000000000e+00, v1;
	_ =	sdelay $0x1  }
0x64: {  	v0 =	vadd.f32 v0, v1  }
0x65: {  	v1 =	vld [tilespmem:s24+$0xE0]  }
0x66: {  	[tilespmem:s24+$0xD0] =	vst v0  }
0x67: {  	v0 =	vld [tilespmem:$0x100E0];
	_ =	sdelay $0x2  }
0x68: {  	v1 =	vmul.f32 $8.000000000e+00, v1;
	_ =	sdelay $0x1  }
0x69: {  	v0 =	vadd.f32 v0, v1  }
0x6a: {  	v1 =	vld [tilespmem:s24+$0xF0]  }
0x6b: {  	[tilespmem:s24+$0xE0] =	vst v0  }
0x6c: {  	v0 =	vld [tilespmem:$0x100F0];
	_ =	sdelay $0x2  }
0x6d: {  	v1 =	vmul.f32 $8.000000000e+00, v1;
	_ =	sdelay $0x1  }
0x6e: {  	v0 =	vadd.f32 v0, v1  }
0x6f: {  	v1 =	vld [tilespmem:s24+$0x100]  }
0x70: {  	[tilespmem:s24+$0xF0] =	vst v0  }
0x71: {  	v0 =	vld [tilespmem:$0x10100];
	_ =	sdelay $0x2  }
0x72: {  	v1 =	vmul.f32 $8.000000000e+00, v1;
	_ =	sdelay $0x1  }
0x73: {  	v0 =	vadd.f32 v0, v1  }
0x74: {  	v1 =	vld [tilespmem:s24+$0x110]  }
0x75: {  	[tilespmem:s24+$0x100] =	vst v0  }
0x76: {  	v0 =	vld [tilespmem:$0x10110];
	_ =	sdelay $0x2  }
0x77: {  	v1 =	vmul.f32 $8.000000000e+00, v1;
	_ =	sdelay $0x1  }
0x78: {  	v0 =	vadd.f32 v0, v1  }
0x79: {  	v1 =	vld [tilespmem:s24+$0x120]  }
0x7a: {  	[tilespmem:s24+$0x110] =	vst v0  }
0x7b: {  	v0 =	vld [tilespmem:$0x10120];
	_ =	sdelay $0x2  }
0x7c: {  	v1 =	vmul.f32 $8.000000000e+00, v1;
	_ =	sdelay $0x1  }
0x7d: {  	v0 =	vadd.f32 v0, v1  }
0x7e: {  	v1 =	vld [tilespmem:s24+$0x130]  }
0x7f: {  	[tilespmem:s24+$0x120] =	vst v0  }
0x80: {  	v0 =	vld [tilespmem:$0x10130];
	_ =	sdelay $0x2  }
0x81: {  	v1 =	vmul.f32 $8.000000000e+00, v1;
	_ =	sdelay $0x1  }
0x82: {  	v0 =	vadd.f32 v0, v1  }
0x83: {  	v1 =	vld [tilespmem:s24+$0x140]  }
0x84: {  	[tilespmem:s24+$0x130] =	vst v0  }
0x85: {  	v0 =	vld [tilespmem:$0x10140];
	_ =	sdelay $0x2  }
0x86: {  	v1 =	vmul.f32 $8.000000000e+00, v1;
	_ =	sdelay $0x1  }
0x87: {  	v0 =	vadd.f32 v0, v1  }
0x88: {  	v1 =	vld [tilespmem:s24+$0x150]  }
0x89: {  	[tilespmem:s24+$0x140] =	vst v0  }
0x8a: {  	v0 =	vld [tilespmem:$0x10150];
	_ =	sdelay $0x2  }
0x8b: {  	v1 =	vmul.f32 $8.000000000e+00, v1;
	_ =	sdelay $0x1  }
0x8c: {  	v0 =	vadd.f32 v0, v1  }
0x8d: {  	v1 =	vld [tilespmem:s24+$0x160]  }
0x8e: {  	[tilespmem:s24+$0x150] =	vst v0  }
0x8f: {  	v0 =	vld [tilespmem:$0x10160];
	_ =	sdelay $0x2  }
0x90: {  	v1 =	vmul.f32 $8.000000000e+00, v1;
	_ =	sdelay $0x1  }
0x91: {  	v0 =	vadd.f32 v0, v1  }
0x92: {  	v1 =	vld [tilespmem:s24+$0x170]  }
0x93: {  	[tilespmem:s24+$0x160] =	vst v0  }
0x94: {  	v0 =	vld [tilespmem:$0x10170];
	_ =	sdelay $0x2  }
0x95: {  	v1 =	vmul.f32 $8.000000000e+00, v1;
	_ =	sdelay $0x1  }
0x96: {  	v0 =	vadd.f32 v0, v1  }
0x97: {  	v1 =	vld [tilespmem:s24+$0x180]  }
0x98: {  	[tilespmem:s24+$0x170] =	vst v0  }
0x99: {  	v0 =	vld [tilespmem:$0x10180];
	_ =	sdelay $0x2  }
0x9a: {  	v1 =	vmul.f32 $8.000000000e+00, v1;
	_ =	sdelay $0x1  }
0x9b: {  	v0 =	vadd.f32 v0, v1  }
0x9c: {  	v1 =	vld [tilespmem:s24+$0x190]  }
0x9d: {  	[tilespmem:s24+$0x180] =	vst v0  }
0x9e: {  	v0 =	vld [tilespmem:$0x10190];
	_ =	sdelay $0x2  }
0x9f: {  	v1 =	vmul.f32 $8.000000000e+00, v1;
	_ =	sdelay $0x1  }
0xa0: {  	v0 =	vadd.f32 v0, v1  }
0xa1: {  	v1 =	vld [tilespmem:s24+$0x1A0]  }
0xa2: {  	[tilespmem:s24+$0x190] =	vst v0  }
0xa3: {  	v0 =	vld [tilespmem:$0x101A0];
	_ =	sdelay $0x2  }
0xa4: {  	v1 =	vmul.f32 $8.000000000e+00, v1;
	_ =	sdelay $0x1  }
0xa5: {  	v0 =	vadd.f32 v0, v1  }
0xa6: {  	v1 =	vld [tilespmem:s24+$0x1B0]  }
0xa7: {  	[tilespmem:s24+$0x1A0] =	vst v0  }
0xa8: {  	v0 =	vld [tilespmem:$0x101B0];
	_ =	sdelay $0x2  }
0xa9: {  	v1 =	vmul.f32 $8.000000000e+00, v1;
	_ =	sdelay $0x1  }
0xaa: {  	v0 =	vadd.f32 v0, v1  }
0xab: {  	v1 =	vld [tilespmem:s24+$0x1C0]  }
0xac: {  	[tilespmem:s24+$0x1B0] =	vst v0  }
0xad: {  	v0 =	vld [tilespmem:$0x101C0];
	_ =	sdelay $0x2  }
0xae: {  	v1 =	vmul.f32 $8.000000000e+00, v1;
	_ =	sdelay $0x1  }
0xaf: {  	v0 =	vadd.f32 v0, v1  }
0xb0: {  	v1 =	vld [tilespmem:s24+$0x1D0]  }
0xb1: {  	[tilespmem:s24+$0x1C0] =	vst v0  }
0xb2: {  	v0 =	vld [tilespmem:$0x101D0];
	_ =	sdelay $0x2  }
0xb3: {  	v1 =	vmul.f32 $8.000000000e+00, v1;
	_ =	sdelay $0x1  }
0xb4: {  	v0 =	vadd.f32 v0, v1  }
0xb5: {  	v1 =	vld [tilespmem:s24+$0x1E0]  }
0xb6: {  	[tilespmem:s24+$0x1D0] =	vst v0  }
0xb7: {  	v0 =	vld [tilespmem:$0x101E0];
	_ =	sdelay $0x2  }
0xb8: {  	v1 =	vmul.f32 $8.000000000e+00, v1;
	_ =	sdelay $0x1  }
0xb9: {  	v0 =	vadd.f32 v0, v1  }
0xba: {  	v1 =	vld [tilespmem:s24+$0x1F0]  }
0xbb: {  	[tilespmem:s24+$0x1E0] =	vst v0  }
0xbc: {  	v0 =	vld [tilespmem:$0x101F0];
	_ =	sdelay $0x2  }
0xbd: {  	v1 =	vmul.f32 $8.000000000e+00, v1;
	_ =	sdelay $0x1  }
0xbe: {  	v0 =	vadd.f32 v0, v1  }
0xbf: {  	v1 =	vld [tilespmem:s24+$0x200]  }
0xc0: {  	[tilespmem:s24+$0x1F0] =	vst v0  }
0xc1: {  	v0 =	vld [tilespmem:$0x10200];
	_ =	sdelay $0x2  }
0xc2: {  	v1 =	vmul.f32 $8.000000000e+00, v1;
	_ =	sdelay $0x1  }
0xc3: {  	v0 =	vadd.f32 v0, v1  }
0xc4: {  	v1 =	vld [tilespmem:s24+$0x210]  }
0xc5: {  	[tilespmem:s24+$0x200] =	vst v0  }
0xc6: {  	v0 =	vld [tilespmem:$0x10210];
	_ =	sdelay $0x2  }
0xc7: {  	v1 =	vmul.f32 $8.000000000e+00, v1;
	_ =	sdelay $0x1  }
0xc8: {  	v0 =	vadd.f32 v0, v1  }
0xc9: {  	v1 =	vld [tilespmem:s24+$0x220]  }
0xca: {  	[tilespmem:s24+$0x210] =	vst v0  }
0xcb: {  	v0 =	vld [tilespmem:$0x10220];
	_ =	sdelay $0x2  }
0xcc: {  	v1 =	vmul.f32 $8.000000000e+00, v1;
	_ =	sdelay $0x1  }
0xcd: {  	v0 =	vadd.f32 v0, v1  }
0xce: {  	v1 =	vld [tilespmem:s24+$0x230]  }
0xcf: {  	[tilespmem:s24+$0x220] =	vst v0  }
0xd0: {  	v0 =	vld [tilespmem:$0x10230];
	_ =	sdelay $0x2  }
0xd1: {  	v1 =	vmul.f32 $8.000000000e+00, v1;
	_ =	sdelay $0x1  }
0xd2: {  	v0 =	vadd.f32 v0, v1  }
0xd3: {  	v1 =	vld [tilespmem:s24+$0x240]  }
0xd4: {  	[tilespmem:s24+$0x230] =	vst v0  }
0xd5: {  	v0 =	vld [tilespmem:$0x10240];
	_ =	sdelay $0x2  }
0xd6: {  	v1 =	vmul.f32 $8.000000000e+00, v1;
	_ =	sdelay $0x1  }
0xd7: {  	v0 =	vadd.f32 v0, v1  }
0xd8: {  	v1 =	vld [tilespmem:s24+$0x250]  }
0xd9: {  	[tilespmem:s24+$0x240] =	vst v0  }
0xda: {  	v0 =	vld [tilespmem:$0x10250];
	_ =	sdelay $0x2  }
0xdb: {  	v1 =	vmul.f32 $8.000000000e+00, v1;
	_ =	sdelay $0x1  }
0xdc: {  	v0 =	vadd.f32 v0, v1  }
0xdd: {  	v1 =	vld [tilespmem:s24+$0x260]  }
0xde: {  	[tilespmem:s24+$0x250] =	vst v0  }
0xdf: {  	v0 =	vld [tilespmem:$0x10260];
	_ =	sdelay $0x2  }
0xe0: {  	v1 =	vmul.f32 $8.000000000e+00, v1;
	_ =	sdelay $0x1  }
0xe1: {  	v0 =	vadd.f32 v0, v1  }
0xe2: {  	v1 =	vld [tilespmem:s24+$0x270]  }
0xe3: {  	[tilespmem:s24+$0x260] =	vst v0  }
0xe4: {  	v0 =	vld [tilespmem:$0x10270];
	_ =	sdelay $0x2  }
0xe5: {  	v1 =	vmul.f32 $8.000000000e+00, v1;
	_ =	sdelay $0x1  }
0xe6: {  	v0 =	vadd.f32 v0, v1  }
0xe7: {  	v1 =	vld [tilespmem:s24+$0x280]  }
0xe8: {  	[tilespmem:s24+$0x270] =	vst v0  }
0xe9: {  	v0 =	vld [tilespmem:$0x10280];
	_ =	sdelay $0x2  }
0xea: {  	v1 =	vmul.f32 $8.000000000e+00, v1;
	_ =	sdelay $0x1  }
0xeb: {  	v0 =	vadd.f32 v0, v1  }
0xec: {  	v1 =	vld [tilespmem:s24+$0x290]  }
0xed: {  	[tilespmem:s24+$0x280] =	vst v0  }
0xee: {  	v0 =	vld [tilespmem:$0x10290];
	_ =	sdelay $0x2  }
0xef: {  	v1 =	vmul.f32 $8.000000000e+00, v1;
	_ =	sdelay $0x1  }
0xf0: {  	v0 =	vadd.f32 v0, v1  }
0xf1: {  	v1 =	vld [tilespmem:s24+$0x2A0]  }
0xf2: {  	[tilespmem:s24+$0x290] =	vst v0  }
0xf3: {  	v0 =	vld [tilespmem:$0x102A0];
	_ =	sdelay $0x2  }
0xf4: {  	v1 =	vmul.f32 $8.000000000e+00, v1;
	_ =	sdelay $0x1  }
0xf5: {  	v0 =	vadd.f32 v0, v1  }
0xf6: {  	v1 =	vld [tilespmem:s24+$0x2B0]  }
0xf7: {  	[tilespmem:s24+$0x2A0] =	vst v0  }
0xf8: {  	v0 =	vld [tilespmem:$0x102B0];
	_ =	sdelay $0x2  }
0xf9: {  	v1 =	vmul.f32 $8.000000000e+00, v1;
	_ =	sdelay $0x1  }
0xfa: {  	v0 =	vadd.f32 v0, v1  }
0xfb: {  	v1 =	vld [tilespmem:s24+$0x2C0]  }
0xfc: {  	[tilespmem:s24+$0x2B0] =	vst v0  }
0xfd: {  	v0 =	vld [tilespmem:$0x102C0];
	_ =	sdelay $0x2  }
0xfe: {  	v1 =	vmul.f32 $8.000000000e+00, v1;
	_ =	sdelay $0x1  }
0xff: {  	v0 =	vadd.f32 v0, v1  }
0x100: {  	v1 =	vld [tilespmem:s24+$0x2D0]  }
0x101: {  	[tilespmem:s24+$0x2C0] =	vst v0  }
0x102: {  	v0 =	vld [tilespmem:$0x102D0];
	_ =	sdelay $0x2  }
0x103: {  	v1 =	vmul.f32 $8.000000000e+00, v1;
	_ =	sdelay $0x1  }
0x104: {  	v0 =	vadd.f32 v0, v1  }
0x105: {  	v1 =	vld [tilespmem:s24+$0x2E0]  }
0x106: {  	[tilespmem:s24+$0x2D0] =	vst v0  }
0x107: {  	v0 =	vld [tilespmem:$0x102E0];
	_ =	sdelay $0x2  }
0x108: {  	v1 =	vmul.f32 $8.000000000e+00, v1;
	_ =	sdelay $0x1  }
0x109: {  	v0 =	vadd.f32 v0, v1  }
0x10a: {  	v1 =	vld [tilespmem:s24+$0x2F0]  }
0x10b: {  	[tilespmem:s24+$0x2E0] =	vst v0  }
0x10c: {  	v0 =	vld [tilespmem:$0x102F0];
	_ =	sdelay $0x2  }
0x10d: {  	v1 =	vmul.f32 $8.000000000e+00, v1;
	_ =	sdelay $0x1  }
0x10e: {  	v0 =	vadd.f32 v0, v1  }
0x10f: {  	v1 =	vld [tilespmem:s24+$0x300]  }
0x110: {  	[tilespmem:s24+$0x2F0] =	vst v0  }
0x111: {  	v0 =	vld [tilespmem:$0x10300];
	_ =	sdelay $0x2  }
0x112: {  	v1 =	vmul.f32 $8.000000000e+00, v1;
	_ =	sdelay $0x1  }
0x113: {  	v0 =	vadd.f32 v0, v1  }
0x114: {  	v1 =	vld [tilespmem:s24+$0x310]  }
0x115: {  	[tilespmem:s24+$0x300] =	vst v0  }
0x116: {  	v0 =	vld [tilespmem:$0x10310];
	_ =	sdelay $0x2  }
0x117: {  	v1 =	vmul.f32 $8.000000000e+00, v1;
	_ =	sdelay $0x1  }
0x118: {  	v0 =	vadd.f32 v0, v1  }
0x119: {  	v1 =	vld [tilespmem:s24+$0x320]  }
0x11a: {  	[tilespmem:s24+$0x310] =	vst v0  }
0x11b: {  	v0 =	vld [tilespmem:$0x10320];
	_ =	sdelay $0x2  }
0x11c: {  	v1 =	vmul.f32 $8.000000000e+00, v1;
	_ =	sdelay $0x1  }
0x11d: {  	v0 =	vadd.f32 v0, v1  }
0x11e: {  	v1 =	vld [tilespmem:s24+$0x330]  }
0x11f: {  	[tilespmem:s24+$0x320] =	vst v0  }
0x120: {  	v0 =	vld [tilespmem:$0x10330];
	_ =	sdelay $0x2  }
0x121: {  	v1 =	vmul.f32 $8.000000000e+00, v1;
	_ =	sdelay $0x1  }
0x122: {  	v0 =	vadd.f32 v0, v1  }
0x123: {  	v1 =	vld [tilespmem:s24+$0x340]  }
0x124: {  	[tilespmem:s24+$0x330] =	vst v0  }
0x125: {  	v0 =	vld [tilespmem:$0x10340];
	_ =	sdelay $0x2  }
0x126: {  	v1 =	vmul.f32 $8.000000000e+00, v1;
	_ =	sdelay $0x1  }
0x127: {  	v0 =	vadd.f32 v0, v1  }
0x128: {  	v1 =	vld [tilespmem:s24+$0x350]  }
0x129: {  	[tilespmem:s24+$0x340] =	vst v0  }
0x12a: {  	v0 =	vld [tilespmem:$0x10350];
	_ =	sdelay $0x2  }
0x12b: {  	v1 =	vmul.f32 $8.000000000e+00, v1;
	_ =	sdelay $0x1  }
0x12c: {  	v0 =	vadd.f32 v0, v1  }
0x12d: {  	v1 =	vld [tilespmem:s24+$0x360]  }
0x12e: {  	[tilespmem:s24+$0x350] =	vst v0  }
0x12f: {  	v0 =	vld [tilespmem:$0x10360];
	_ =	sdelay $0x2  }
0x130: {  	v1 =	vmul.f32 $8.000000000e+00, v1;
	_ =	sdelay $0x1  }
0x131: {  	v0 =	vadd.f32 v0, v1  }
0x132: {  	v1 =	vld [tilespmem:s24+$0x370]  }
0x133: {  	[tilespmem:s24+$0x360] =	vst v0  }
0x134: {  	v0 =	vld [tilespmem:$0x10370];
	_ =	sdelay $0x2  }
0x135: {  	v1 =	vmul.f32 $8.000000000e+00, v1;
	_ =	sdelay $0x1  }
0x136: {  	v0 =	vadd.f32 v0, v1  }
0x137: {  	v1 =	vld [tilespmem:s24+$0x380]  }
0x138: {  	[tilespmem:s24+$0x370] =	vst v0  }
0x139: {  	v0 =	vld [tilespmem:$0x10380];
	_ =	sdelay $0x2  }
0x13a: {  	v1 =	vmul.f32 $8.000000000e+00, v1;
	_ =	sdelay $0x1  }
0x13b: {  	v0 =	vadd.f32 v0, v1  }
0x13c: {  	v1 =	vld [tilespmem:s24+$0x390]  }
0x13d: {  	[tilespmem:s24+$0x380] =	vst v0  }
0x13e: {  	v0 =	vld [tilespmem:$0x10390];
	_ =	sdelay $0x2  }
0x13f: {  	v1 =	vmul.f32 $8.000000000e+00, v1;
	_ =	sdelay $0x1  }
0x140: {  	v0 =	vadd.f32 v0, v1  }
0x141: {  	v1 =	vld [tilespmem:s24+$0x3A0]  }
0x142: {  	[tilespmem:s24+$0x390] =	vst v0  }
0x143: {  	v0 =	vld [tilespmem:$0x103A0];
	_ =	sdelay $0x2  }
0x144: {  	v1 =	vmul.f32 $8.000000000e+00, v1;
	_ =	sdelay $0x1  }
0x145: {  	v0 =	vadd.f32 v0, v1  }
0x146: {  	v1 =	vld [tilespmem:s24+$0x3B0]  }
0x147: {  	[tilespmem:s24+$0x3A0] =	vst v0  }
0x148: {  	v0 =	vld [tilespmem:$0x103B0];
	_ =	sdelay $0x2  }
0x149: {  	v1 =	vmul.f32 $8.000000000e+00, v1;
	_ =	sdelay $0x1  }
0x14a: {  	v0 =	vadd.f32 v0, v1  }
0x14b: {  	v1 =	vld [tilespmem:s24+$0x3C0]  }
0x14c: {  	[tilespmem:s24+$0x3B0] =	vst v0  }
0x14d: {  	v0 =	vld [tilespmem:$0x103C0];
	_ =	sdelay $0x2  }
0x14e: {  	v1 =	vmul.f32 $8.000000000e+00, v1;
	_ =	sdelay $0x1  }
0x14f: {  	v0 =	vadd.f32 v0, v1  }
0x150: {  	v1 =	vld [tilespmem:s24+$0x3D0]  }
0x151: {  	[tilespmem:s24+$0x3C0] =	vst v0  }
0x152: {  	v0 =	vld [tilespmem:$0x103D0];
	_ =	sdelay $0x2  }
0x153: {  	v1 =	vmul.f32 $8.000000000e+00, v1;
	_ =	sdelay $0x1  }
0x154: {  	v0 =	vadd.f32 v0, v1  }
0x155: {  	v1 =	vld [tilespmem:s24+$0x3E0]  }
0x156: {  	[tilespmem:s24+$0x3D0] =	vst v0  }
0x157: {  	v0 =	vld [tilespmem:$0x103E0];
	_ =	sdelay $0x2  }
0x158: {  	v1 =	vmul.f32 $8.000000000e+00, v1;
	_ =	sdelay $0x1  }
0x159: {  	v0 =	vadd.f32 v0, v1  }
0x15a: {  	v1 =	vld [tilespmem:s24+$0x3F0]  }
0x15b: {  	[tilespmem:s24+$0x3E0] =	vst v0  }
0x15c: {  	v0 =	vld [tilespmem:$0x103F0];
	_ =	sdelay $0x2  }
0x15d: {  	v1 =	vmul.f32 $8.000000000e+00, v1;
	_ =	sdelay $0x1  }
0x15e: {  	s25 =	simm.s32 $0x2000;
	s26 =	simm.s32 $0x400;
	v0 =	vadd.f32 v0, v1  }
.LBB2_3:
0x15f: {  	p0 =	sne.s32 s25, $0x1F000;
	v1 =	vld [tilespmem:s26+$0x0]  }
0x160: {  	[tilespmem:s24+$0x3F0] =	vst v0;
	s24 =	smov.u32 s26  }
0x161: {  	v0 =	vld [tilespmem:$0x10000];
	_ =	sdelay $0x2  }
0x162: {  	v1 =	vmul.f32 $8.000000000e+00, v1;
	_ =	sdelay $0x1  }
0x163: {  	v0 =	vadd.f32 v0, v1  }
0x164: {  	v1 =	vld [tilespmem:s24+$0x10]  }
0x165: {  	[tilespmem:s24+$0x0] =	vst v0  }
0x166: {  	v0 =	vld [tilespmem:$0x10010];
	_ =	sdelay $0x2  }
0x167: {  	v1 =	vmul.f32 $8.000000000e+00, v1;
	_ =	sdelay $0x1  }
0x168: {  	v0 =	vadd.f32 v0, v1  }
0x169: {  	v1 =	vld [tilespmem:s24+$0x20]  }
0x16a: {  	[tilespmem:s24+$0x10] =	vst v0  }
0x16b: {  	v0 =	vld [tilespmem:$0x10020];
	_ =	sdelay $0x2  }
0x16c: {  	v1 =	vmul.f32 $8.000000000e+00, v1;
	_ =	sdelay $0x1  }
0x16d: {  	v0 =	vadd.f32 v0, v1  }
0x16e: {  	v1 =	vld [tilespmem:s24+$0x30]  }
0x16f: {  	[tilespmem:s24+$0x20] =	vst v0  }
0x170: {  	v0 =	vld [tilespmem:$0x10030];
	_ =	sdelay $0x2  }
0x171: {  	v1 =	vmul.f32 $8.000000000e+00, v1;
	_ =	sdelay $0x1  }
0x172: {  	v0 =	vadd.f32 v0, v1  }
0x173: {  	v1 =	vld [tilespmem:s24+$0x40]  }
0x174: {  	[tilespmem:s24+$0x30] =	vst v0  }
0x175: {  	v0 =	vld [tilespmem:$0x10040];
	_ =	sdelay $0x2  }
0x176: {  	v1 =	vmul.f32 $8.000000000e+00, v1;
	_ =	sdelay $0x1  }
0x177: {  	v0 =	vadd.f32 v0, v1  }
0x178: {  	v1 =	vld [tilespmem:s24+$0x50]  }
0x179: {  	[tilespmem:s24+$0x40] =	vst v0  }
0x17a: {  	v0 =	vld [tilespmem:$0x10050];
	_ =	sdelay $0x2  }
0x17b: {  	v1 =	vmul.f32 $8.000000000e+00, v1;
	_ =	sdelay $0x1  }
0x17c: {  	v0 =	vadd.f32 v0, v1  }
0x17d: {  	v1 =	vld [tilespmem:s24+$0x60]  }
0x17e: {  	[tilespmem:s24+$0x50] =	vst v0  }
0x17f: {  	v0 =	vld [tilespmem:$0x10060];
	_ =	sdelay $0x2  }
0x180: {  	v1 =	vmul.f32 $8.000000000e+00, v1;
	_ =	sdelay $0x1  }
0x181: {  	v0 =	vadd.f32 v0, v1  }
0x182: {  	v1 =	vld [tilespmem:s24+$0x70]  }
0x183: {  	[tilespmem:s24+$0x60] =	vst v0  }
0x184: {  	v0 =	vld [tilespmem:$0x10070];
	_ =	sdelay $0x2  }
0x185: {  	v1 =	vmul.f32 $8.000000000e+00, v1;
	_ =	sdelay $0x1  }
0x186: {  	v0 =	vadd.f32 v0, v1  }
0x187: {  	v1 =	vld [tilespmem:s24+$0x80]  }
0x188: {  	[tilespmem:s24+$0x70] =	vst v0  }
0x189: {  	v0 =	vld [tilespmem:$0x10080];
	_ =	sdelay $0x2  }
0x18a: {  	v1 =	vmul.f32 $8.000000000e+00, v1;
	_ =	sdelay $0x1  }
0x18b: {  	v0 =	vadd.f32 v0, v1  }
0x18c: {  	v1 =	vld [tilespmem:s24+$0x90]  }
0x18d: {  	[tilespmem:s24+$0x80] =	vst v0  }
0x18e: {  	v0 =	vld [tilespmem:$0x10090];
	_ =	sdelay $0x2  }
0x18f: {  	v1 =	vmul.f32 $8.000000000e+00, v1;
	_ =	sdelay $0x1  }
0x190: {  	v0 =	vadd.f32 v0, v1  }
0x191: {  	v1 =	vld [tilespmem:s24+$0xA0]  }
0x192: {  	[tilespmem:s24+$0x90] =	vst v0  }
0x193: {  	v0 =	vld [tilespmem:$0x100A0];
	_ =	sdelay $0x2  }
0x194: {  	v1 =	vmul.f32 $8.000000000e+00, v1;
	_ =	sdelay $0x1  }
0x195: {  	v0 =	vadd.f32 v0, v1  }
0x196: {  	v1 =	vld [tilespmem:s24+$0xB0]  }
0x197: {  	[tilespmem:s24+$0xA0] =	vst v0  }
0x198: {  	v0 =	vld [tilespmem:$0x100B0];
	_ =	sdelay $0x2  }
0x199: {  	v1 =	vmul.f32 $8.000000000e+00, v1;
	_ =	sdelay $0x1  }
0x19a: {  	v0 =	vadd.f32 v0, v1  }
0x19b: {  	v1 =	vld [tilespmem:s24+$0xC0]  }
0x19c: {  	[tilespmem:s24+$0xB0] =	vst v0  }
0x19d: {  	v0 =	vld [tilespmem:$0x100C0];
	_ =	sdelay $0x2  }
0x19e: {  	v1 =	vmul.f32 $8.000000000e+00, v1;
	_ =	sdelay $0x1  }
0x19f: {  	v0 =	vadd.f32 v0, v1  }
0x1a0: {  	v1 =	vld [tilespmem:s24+$0xD0]  }
0x1a1: {  	[tilespmem:s24+$0xC0] =	vst v0  }
0x1a2: {  	v0 =	vld [tilespmem:$0x100D0];
	_ =	sdelay $0x2  }
0x1a3: {  	v1 =	vmul.f32 $8.000000000e+00, v1;
	_ =	sdelay $0x1  }
0x1a4: {  	v0 =	vadd.f32 v0, v1  }
0x1a5: {  	v1 =	vld [tilespmem:s24+$0xE0]  }
0x1a6: {  	[tilespmem:s24+$0xD0] =	vst v0  }
0x1a7: {  	v0 =	vld [tilespmem:$0x100E0];
	_ =	sdelay $0x2  }
0x1a8: {  	v1 =	vmul.f32 $8.000000000e+00, v1;
	_ =	sdelay $0x1  }
0x1a9: {  	v0 =	vadd.f32 v0, v1  }
0x1aa: {  	v1 =	vld [tilespmem:s24+$0xF0]  }
0x1ab: {  	[tilespmem:s24+$0xE0] =	vst v0  }
0x1ac: {  	v0 =	vld [tilespmem:$0x100F0];
	_ =	sdelay $0x2  }
0x1ad: {  	v1 =	vmul.f32 $8.000000000e+00, v1;
	_ =	sdelay $0x1  }
0x1ae: {  	v0 =	vadd.f32 v0, v1  }
0x1af: {  	v1 =	vld [tilespmem:s24+$0x100]  }
0x1b0: {  	[tilespmem:s24+$0xF0] =	vst v0  }
0x1b1: {  	v0 =	vld [tilespmem:$0x10100];
	_ =	sdelay $0x2  }
0x1b2: {  	v1 =	vmul.f32 $8.000000000e+00, v1;
	_ =	sdelay $0x1  }
0x1b3: {  	v0 =	vadd.f32 v0, v1  }
0x1b4: {  	v1 =	vld [tilespmem:s24+$0x110]  }
0x1b5: {  	[tilespmem:s24+$0x100] =	vst v0  }
0x1b6: {  	v0 =	vld [tilespmem:$0x10110];
	_ =	sdelay $0x2  }
0x1b7: {  	v1 =	vmul.f32 $8.000000000e+00, v1;
	_ =	sdelay $0x1  }
0x1b8: {  	v0 =	vadd.f32 v0, v1  }
0x1b9: {  	v1 =	vld [tilespmem:s24+$0x120]  }
0x1ba: {  	[tilespmem:s24+$0x110] =	vst v0  }
0x1bb: {  	v0 =	vld [tilespmem:$0x10120];
	_ =	sdelay $0x2  }
0x1bc: {  	v1 =	vmul.f32 $8.000000000e+00, v1;
	_ =	sdelay $0x1  }
0x1bd: {  	v0 =	vadd.f32 v0, v1  }
0x1be: {  	v1 =	vld [tilespmem:s24+$0x130]  }
0x1bf: {  	[tilespmem:s24+$0x120] =	vst v0  }
0x1c0: {  	v0 =	vld [tilespmem:$0x10130];
	_ =	sdelay $0x2  }
0x1c1: {  	v1 =	vmul.f32 $8.000000000e+00, v1;
	_ =	sdelay $0x1  }
0x1c2: {  	v0 =	vadd.f32 v0, v1  }
0x1c3: {  	v1 =	vld [tilespmem:s24+$0x140]  }
0x1c4: {  	[tilespmem:s24+$0x130] =	vst v0  }
0x1c5: {  	v0 =	vld [tilespmem:$0x10140];
	_ =	sdelay $0x2  }
0x1c6: {  	v1 =	vmul.f32 $8.000000000e+00, v1;
	_ =	sdelay $0x1  }
0x1c7: {  	v0 =	vadd.f32 v0, v1  }
0x1c8: {  	v1 =	vld [tilespmem:s24+$0x150]  }
0x1c9: {  	[tilespmem:s24+$0x140] =	vst v0  }
0x1ca: {  	v0 =	vld [tilespmem:$0x10150];
	_ =	sdelay $0x2  }
0x1cb: {  	v1 =	vmul.f32 $8.000000000e+00, v1;
	_ =	sdelay $0x1  }
0x1cc: {  	v0 =	vadd.f32 v0, v1  }
0x1cd: {  	v1 =	vld [tilespmem:s24+$0x160]  }
0x1ce: {  	[tilespmem:s24+$0x150] =	vst v0  }
0x1cf: {  	v0 =	vld [tilespmem:$0x10160];
	_ =	sdelay $0x2  }
0x1d0: {  	v1 =	vmul.f32 $8.000000000e+00, v1;
	_ =	sdelay $0x1  }
0x1d1: {  	v0 =	vadd.f32 v0, v1  }
0x1d2: {  	v1 =	vld [tilespmem:s24+$0x170]  }
0x1d3: {  	[tilespmem:s24+$0x160] =	vst v0  }
0x1d4: {  	v0 =	vld [tilespmem:$0x10170];
	_ =	sdelay $0x2  }
0x1d5: {  	v1 =	vmul.f32 $8.000000000e+00, v1;
	_ =	sdelay $0x1  }
0x1d6: {  	v0 =	vadd.f32 v0, v1  }
0x1d7: {  	v1 =	vld [tilespmem:s24+$0x180]  }
0x1d8: {  	[tilespmem:s24+$0x170] =	vst v0  }
0x1d9: {  	v0 =	vld [tilespmem:$0x10180];
	_ =	sdelay $0x2  }
0x1da: {  	v1 =	vmul.f32 $8.000000000e+00, v1;
	_ =	sdelay $0x1  }
0x1db: {  	v0 =	vadd.f32 v0, v1  }
0x1dc: {  	v1 =	vld [tilespmem:s24+$0x190]  }
0x1dd: {  	[tilespmem:s24+$0x180] =	vst v0  }
0x1de: {  	v0 =	vld [tilespmem:$0x10190];
	_ =	sdelay $0x2  }
0x1df: {  	v1 =	vmul.f32 $8.000000000e+00, v1;
	_ =	sdelay $0x1  }
0x1e0: {  	v0 =	vadd.f32 v0, v1  }
0x1e1: {  	v1 =	vld [tilespmem:s24+$0x1A0]  }
0x1e2: {  	[tilespmem:s24+$0x190] =	vst v0  }
0x1e3: {  	v0 =	vld [tilespmem:$0x101A0];
	_ =	sdelay $0x2  }
0x1e4: {  	v1 =	vmul.f32 $8.000000000e+00, v1;
	_ =	sdelay $0x1  }
0x1e5: {  	v0 =	vadd.f32 v0, v1  }
0x1e6: {  	v1 =	vld [tilespmem:s24+$0x1B0]  }
0x1e7: {  	[tilespmem:s24+$0x1A0] =	vst v0  }
0x1e8: {  	v0 =	vld [tilespmem:$0x101B0];
	_ =	sdelay $0x2  }
0x1e9: {  	v1 =	vmul.f32 $8.000000000e+00, v1;
	_ =	sdelay $0x1  }
0x1ea: {  	v0 =	vadd.f32 v0, v1  }
0x1eb: {  	v1 =	vld [tilespmem:s24+$0x1C0]  }
0x1ec: {  	[tilespmem:s24+$0x1B0] =	vst v0  }
0x1ed: {  	v0 =	vld [tilespmem:$0x101C0];
	_ =	sdelay $0x2  }
0x1ee: {  	v1 =	vmul.f32 $8.000000000e+00, v1;
	_ =	sdelay $0x1  }
0x1ef: {  	v0 =	vadd.f32 v0, v1  }
0x1f0: {  	v1 =	vld [tilespmem:s24+$0x1D0]  }
0x1f1: {  	[tilespmem:s24+$0x1C0] =	vst v0  }
0x1f2: {  	v0 =	vld [tilespmem:$0x101D0];
	_ =	sdelay $0x2  }
0x1f3: {  	v1 =	vmul.f32 $8.000000000e+00, v1;
	_ =	sdelay $0x1  }
0x1f4: {  	v0 =	vadd.f32 v0, v1  }
0x1f5: {  	v1 =	vld [tilespmem:s24+$0x1E0]  }
0x1f6: {  	[tilespmem:s24+$0x1D0] =	vst v0  }
0x1f7: {  	v0 =	vld [tilespmem:$0x101E0];
	_ =	sdelay $0x2  }
0x1f8: {  	v1 =	vmul.f32 $8.000000000e+00, v1;
	_ =	sdelay $0x1  }
0x1f9: {  	v0 =	vadd.f32 v0, v1  }
0x1fa: {  	v1 =	vld [tilespmem:s24+$0x1F0]  }
0x1fb: {  	[tilespmem:s24+$0x1E0] =	vst v0  }
0x1fc: {  	v0 =	vld [tilespmem:$0x101F0];
	_ =	sdelay $0x2  }
0x1fd: {  	v1 =	vmul.f32 $8.000000000e+00, v1;
	_ =	sdelay $0x1  }
0x1fe: {  	v0 =	vadd.f32 v0, v1  }
0x1ff: {  	v1 =	vld [tilespmem:s24+$0x200]  }
0x200: {  	[tilespmem:s24+$0x1F0] =	vst v0  }
0x201: {  	v0 =	vld [tilespmem:$0x10200];
	_ =	sdelay $0x2  }
0x202: {  	v1 =	vmul.f32 $8.000000000e+00, v1;
	_ =	sdelay $0x1  }
0x203: {  	v0 =	vadd.f32 v0, v1  }
0x204: {  	v1 =	vld [tilespmem:s24+$0x210]  }
0x205: {  	[tilespmem:s24+$0x200] =	vst v0  }
0x206: {  	v0 =	vld [tilespmem:$0x10210];
	_ =	sdelay $0x2  }
0x207: {  	v1 =	vmul.f32 $8.000000000e+00, v1;
	_ =	sdelay $0x1  }
0x208: {  	v0 =	vadd.f32 v0, v1  }
0x209: {  	v1 =	vld [tilespmem:s24+$0x220]  }
0x20a: {  	[tilespmem:s24+$0x210] =	vst v0  }
0x20b: {  	v0 =	vld [tilespmem:$0x10220];
	_ =	sdelay $0x2  }
0x20c: {  	v1 =	vmul.f32 $8.000000000e+00, v1;
	_ =	sdelay $0x1  }
0x20d: {  	v0 =	vadd.f32 v0, v1  }
0x20e: {  	v1 =	vld [tilespmem:s24+$0x230]  }
0x20f: {  	[tilespmem:s24+$0x220] =	vst v0  }
0x210: {  	v0 =	vld [tilespmem:$0x10230];
	_ =	sdelay $0x2  }
0x211: {  	v1 =	vmul.f32 $8.000000000e+00, v1;
	_ =	sdelay $0x1  }
0x212: {  	v0 =	vadd.f32 v0, v1  }
0x213: {  	v1 =	vld [tilespmem:s24+$0x240]  }
0x214: {  	[tilespmem:s24+$0x230] =	vst v0  }
0x215: {  	v0 =	vld [tilespmem:$0x10240];
	_ =	sdelay $0x2  }
0x216: {  	v1 =	vmul.f32 $8.000000000e+00, v1;
	_ =	sdelay $0x1  }
0x217: {  	v0 =	vadd.f32 v0, v1  }
0x218: {  	v1 =	vld [tilespmem:s24+$0x250]  }
0x219: {  	[tilespmem:s24+$0x240] =	vst v0  }
0x21a: {  	v0 =	vld [tilespmem:$0x10250];
	_ =	sdelay $0x2  }
0x21b: {  	v1 =	vmul.f32 $8.000000000e+00, v1;
	_ =	sdelay $0x1  }
0x21c: {  	v0 =	vadd.f32 v0, v1  }
0x21d: {  	v1 =	vld [tilespmem:s24+$0x260]  }
0x21e: {  	[tilespmem:s24+$0x250] =	vst v0  }
0x21f: {  	v0 =	vld [tilespmem:$0x10260];
	_ =	sdelay $0x2  }
0x220: {  	v1 =	vmul.f32 $8.000000000e+00, v1;
	_ =	sdelay $0x1  }
0x221: {  	v0 =	vadd.f32 v0, v1  }
0x222: {  	v1 =	vld [tilespmem:s24+$0x270]  }
0x223: {  	[tilespmem:s24+$0x260] =	vst v0  }
0x224: {  	v0 =	vld [tilespmem:$0x10270];
	_ =	sdelay $0x2  }
0x225: {  	v1 =	vmul.f32 $8.000000000e+00, v1;
	_ =	sdelay $0x1  }
0x226: {  	v0 =	vadd.f32 v0, v1  }
0x227: {  	v1 =	vld [tilespmem:s24+$0x280]  }
0x228: {  	[tilespmem:s24+$0x270] =	vst v0  }
0x229: {  	v0 =	vld [tilespmem:$0x10280];
	_ =	sdelay $0x2  }
0x22a: {  	v1 =	vmul.f32 $8.000000000e+00, v1;
	_ =	sdelay $0x1  }
0x22b: {  	v0 =	vadd.f32 v0, v1  }
0x22c: {  	v1 =	vld [tilespmem:s24+$0x290]  }
0x22d: {  	[tilespmem:s24+$0x280] =	vst v0  }
0x22e: {  	v0 =	vld [tilespmem:$0x10290];
	_ =	sdelay $0x2  }
0x22f: {  	v1 =	vmul.f32 $8.000000000e+00, v1;
	_ =	sdelay $0x1  }
0x230: {  	v0 =	vadd.f32 v0, v1  }
0x231: {  	v1 =	vld [tilespmem:s24+$0x2A0]  }
0x232: {  	[tilespmem:s24+$0x290] =	vst v0  }
0x233: {  	v0 =	vld [tilespmem:$0x102A0];
	_ =	sdelay $0x2  }
0x234: {  	v1 =	vmul.f32 $8.000000000e+00, v1;
	_ =	sdelay $0x1  }
0x235: {  	v0 =	vadd.f32 v0, v1  }
0x236: {  	v1 =	vld [tilespmem:s24+$0x2B0]  }
0x237: {  	[tilespmem:s24+$0x2A0] =	vst v0  }
0x238: {  	v0 =	vld [tilespmem:$0x102B0];
	_ =	sdelay $0x2  }
0x239: {  	v1 =	vmul.f32 $8.000000000e+00, v1;
	_ =	sdelay $0x1  }
0x23a: {  	v0 =	vadd.f32 v0, v1  }
0x23b: {  	v1 =	vld [tilespmem:s24+$0x2C0]  }
0x23c: {  	[tilespmem:s24+$0x2B0] =	vst v0  }
0x23d: {  	v0 =	vld [tilespmem:$0x102C0];
	_ =	sdelay $0x2  }
0x23e: {  	v1 =	vmul.f32 $8.000000000e+00, v1;
	_ =	sdelay $0x1  }
0x23f: {  	v0 =	vadd.f32 v0, v1  }
0x240: {  	v1 =	vld [tilespmem:s24+$0x2D0]  }
0x241: {  	[tilespmem:s24+$0x2C0] =	vst v0  }
0x242: {  	v0 =	vld [tilespmem:$0x102D0];
	_ =	sdelay $0x2  }
0x243: {  	v1 =	vmul.f32 $8.000000000e+00, v1;
	_ =	sdelay $0x1  }
0x244: {  	v0 =	vadd.f32 v0, v1  }
0x245: {  	v1 =	vld [tilespmem:s24+$0x2E0]  }
0x246: {  	[tilespmem:s24+$0x2D0] =	vst v0  }
0x247: {  	v0 =	vld [tilespmem:$0x102E0];
	_ =	sdelay $0x2  }
0x248: {  	v1 =	vmul.f32 $8.000000000e+00, v1;
	_ =	sdelay $0x1  }
0x249: {  	v0 =	vadd.f32 v0, v1  }
0x24a: {  	v1 =	vld [tilespmem:s24+$0x2F0]  }
0x24b: {  	[tilespmem:s24+$0x2E0] =	vst v0  }
0x24c: {  	v0 =	vld [tilespmem:$0x102F0];
	_ =	sdelay $0x2  }
0x24d: {  	v1 =	vmul.f32 $8.000000000e+00, v1;
	_ =	sdelay $0x1  }
0x24e: {  	v0 =	vadd.f32 v0, v1  }
0x24f: {  	v1 =	vld [tilespmem:s24+$0x300]  }
0x250: {  	[tilespmem:s24+$0x2F0] =	vst v0  }
0x251: {  	v0 =	vld [tilespmem:$0x10300];
	_ =	sdelay $0x2  }
0x252: {  	v1 =	vmul.f32 $8.000000000e+00, v1;
	_ =	sdelay $0x1  }
0x253: {  	v0 =	vadd.f32 v0, v1  }
0x254: {  	v1 =	vld [tilespmem:s24+$0x310]  }
0x255: {  	[tilespmem:s24+$0x300] =	vst v0  }
0x256: {  	v0 =	vld [tilespmem:$0x10310];
	_ =	sdelay $0x2  }
0x257: {  	v1 =	vmul.f32 $8.000000000e+00, v1;
	_ =	sdelay $0x1  }
0x258: {  	v0 =	vadd.f32 v0, v1  }
0x259: {  	v1 =	vld [tilespmem:s24+$0x320]  }
0x25a: {  	[tilespmem:s24+$0x310] =	vst v0  }
0x25b: {  	v0 =	vld [tilespmem:$0x10320];
	_ =	sdelay $0x2  }
0x25c: {  	v1 =	vmul.f32 $8.000000000e+00, v1;
	_ =	sdelay $0x1  }
0x25d: {  	v0 =	vadd.f32 v0, v1  }
0x25e: {  	v1 =	vld [tilespmem:s24+$0x330]  }
0x25f: {  	[tilespmem:s24+$0x320] =	vst v0  }
0x260: {  	v0 =	vld [tilespmem:$0x10330];
	_ =	sdelay $0x2  }
0x261: {  	v1 =	vmul.f32 $8.000000000e+00, v1;
	_ =	sdelay $0x1  }
0x262: {  	v0 =	vadd.f32 v0, v1  }
0x263: {  	v1 =	vld [tilespmem:s24+$0x340]  }
0x264: {  	[tilespmem:s24+$0x330] =	vst v0  }
0x265: {  	v0 =	vld [tilespmem:$0x10340];
	_ =	sdelay $0x2  }
0x266: {  	v1 =	vmul.f32 $8.000000000e+00, v1;
	_ =	sdelay $0x1  }
0x267: {  	v0 =	vadd.f32 v0, v1  }
0x268: {  	v1 =	vld [tilespmem:s24+$0x350]  }
0x269: {  	[tilespmem:s24+$0x340] =	vst v0  }
0x26a: {  	v0 =	vld [tilespmem:$0x10350];
	_ =	sdelay $0x2  }
0x26b: {  	v1 =	vmul.f32 $8.000000000e+00, v1;
	_ =	sdelay $0x1  }
0x26c: {  	v0 =	vadd.f32 v0, v1  }
0x26d: {  	v1 =	vld [tilespmem:s24+$0x360]  }
0x26e: {  	[tilespmem:s24+$0x350] =	vst v0  }
0x26f: {  	v0 =	vld [tilespmem:$0x10360];
	_ =	sdelay $0x2  }
0x270: {  	v1 =	vmul.f32 $8.000000000e+00, v1;
	_ =	sdelay $0x1  }
0x271: {  	v0 =	vadd.f32 v0, v1  }
0x272: {  	v1 =	vld [tilespmem:s24+$0x370]  }
0x273: {  	[tilespmem:s24+$0x360] =	vst v0  }
0x274: {  	v0 =	vld [tilespmem:$0x10370];
	_ =	sdelay $0x2  }
0x275: {  	v1 =	vmul.f32 $8.000000000e+00, v1;
	_ =	sdelay $0x1  }
0x276: {  	v0 =	vadd.f32 v0, v1  }
0x277: {  	v1 =	vld [tilespmem:s24+$0x380]  }
0x278: {  	[tilespmem:s24+$0x370] =	vst v0  }
0x279: {  	v0 =	vld [tilespmem:$0x10380];
	_ =	sdelay $0x2  }
0x27a: {  	v1 =	vmul.f32 $8.000000000e+00, v1;
	_ =	sdelay $0x1  }
0x27b: {  	v0 =	vadd.f32 v0, v1  }
0x27c: {  	v1 =	vld [tilespmem:s24+$0x390]  }
0x27d: {  	[tilespmem:s24+$0x380] =	vst v0  }
0x27e: {  	v0 =	vld [tilespmem:$0x10390];
	_ =	sdelay $0x2  }
0x27f: {  	v1 =	vmul.f32 $8.000000000e+00, v1;
	_ =	sdelay $0x1  }
0x280: {  	v0 =	vadd.f32 v0, v1  }
0x281: {  	v1 =	vld [tilespmem:s24+$0x3A0]  }
0x282: {  	[tilespmem:s24+$0x390] =	vst v0  }
0x283: {  	v0 =	vld [tilespmem:$0x103A0];
	_ =	sdelay $0x2  }
0x284: {  	v1 =	vmul.f32 $8.000000000e+00, v1;
	_ =	sdelay $0x1  }
0x285: {  	v0 =	vadd.f32 v0, v1  }
0x286: {  	v1 =	vld [tilespmem:s24+$0x3B0]  }
0x287: {  	[tilespmem:s24+$0x3A0] =	vst v0  }
0x288: {  	v0 =	vld [tilespmem:$0x103B0];
	_ =	sdelay $0x2  }
0x289: {  	v1 =	vmul.f32 $8.000000000e+00, v1;
	_ =	sdelay $0x1  }
0x28a: {  	v0 =	vadd.f32 v0, v1  }
0x28b: {  	v1 =	vld [tilespmem:s24+$0x3C0]  }
0x28c: {  	[tilespmem:s24+$0x3B0] =	vst v0  }
0x28d: {  	v0 =	vld [tilespmem:$0x103C0];
	_ =	sdelay $0x2  }
0x28e: {  	v1 =	vmul.f32 $8.000000000e+00, v1;
	_ =	sdelay $0x1  }
0x28f: {  	v0 =	vadd.f32 v0, v1  }
0x290: {  	v1 =	vld [tilespmem:s24+$0x3D0]  }
0x291: {  	[tilespmem:s24+$0x3C0] =	vst v0  }
0x292: {  	v0 =	vld [tilespmem:$0x103D0];
	_ =	sdelay $0x2  }
0x293: {  	v1 =	vmul.f32 $8.000000000e+00, v1;
	_ =	sdelay $0x1  }
0x294: {  	v0 =	vadd.f32 v0, v1  }
0x295: {  	v1 =	vld [tilespmem:s24+$0x3E0]  }
0x296: {  	[tilespmem:s24+$0x3D0] =	vst v0  }
0x297: {  	v0 =	vld [tilespmem:$0x103E0];
	_ =	sdelay $0x2  }
0x298: {  	v1 =	vmul.f32 $8.000000000e+00, v1;
	_ =	sdelay $0x1  }
0x299: {  	v0 =	vadd.f32 v0, v1  }
0x29a: {  	v1 =	vld [tilespmem:s24+$0x3F0]  }
0x29b: {  	[tilespmem:s24+$0x3E0] =	vst v0  }
0x29c: {  	v0 =	vld [tilespmem:$0x103F0]  }
.Ltmp0:
0x29d: {  	(pc) =	sbr.rel @p0 .LBB2_3-.Ltmp0, $3  }
0x29e: {  	_ = 	snop  }
0x29f: {  	v1 =	vmul.f32 $8.000000000e+00, v1;
	_ =	sdelay $0x1  }
0x2a0: {  	s26 =	sshra.s32 s25, $0x2;
	s25 =	sadd.s32 $0x1000, s25;
	v0 =	vadd.f32 v0, v1  }
0x2a1: {  	v1 =	vld [tilespmem:s26+$0x0]  }
0x2a2: {  	[tilespmem:s24+$0x3F0] =	vst v0  }
0x2a3: {  	v0 =	vld [tilespmem:$0x10000];
	_ =	sdelay $0x2  }
0x2a4: {  	v1 =	vmul.f32 $8.000000000e+00, v1;
	_ =	sdelay $0x1  }
0x2a5: {  	v0 =	vadd.f32 v0, v1  }
0x2a6: {  	v1 =	vld [tilespmem:s26+$0x10]  }
0x2a7: {  	[tilespmem:s26+$0x0] =	vst v0  }
0x2a8: {  	v0 =	vld [tilespmem:$0x10010];
	_ =	sdelay $0x2  }
0x2a9: {  	v1 =	vmul.f32 $8.000000000e+00, v1;
	_ =	sdelay $0x1  }
0x2aa: {  	v0 =	vadd.f32 v0, v1  }
0x2ab: {  	v1 =	vld [tilespmem:s26+$0x20]  }
0x2ac: {  	[tilespmem:s26+$0x10] =	vst v0  }
0x2ad: {  	v0 =	vld [tilespmem:$0x10020];
	_ =	sdelay $0x2  }
0x2ae: {  	v1 =	vmul.f32 $8.000000000e+00, v1;
	_ =	sdelay $0x1  }
0x2af: {  	v0 =	vadd.f32 v0, v1  }
0x2b0: {  	v1 =	vld [tilespmem:s26+$0x30]  }
0x2b1: {  	[tilespmem:s26+$0x20] =	vst v0  }
0x2b2: {  	v0 =	vld [tilespmem:$0x10030];
	_ =	sdelay $0x2  }
0x2b3: {  	v1 =	vmul.f32 $8.000000000e+00, v1;
	_ =	sdelay $0x1  }
0x2b4: {  	v0 =	vadd.f32 v0, v1  }
0x2b5: {  	v1 =	vld [tilespmem:s26+$0x40]  }
0x2b6: {  	[tilespmem:s26+$0x30] =	vst v0  }
0x2b7: {  	v0 =	vld [tilespmem:$0x10040];
	_ =	sdelay $0x2  }
0x2b8: {  	v1 =	vmul.f32 $8.000000000e+00, v1;
	_ =	sdelay $0x1  }
0x2b9: {  	v0 =	vadd.f32 v0, v1  }
0x2ba: {  	v1 =	vld [tilespmem:s26+$0x50]  }
0x2bb: {  	[tilespmem:s26+$0x40] =	vst v0  }
0x2bc: {  	v0 =	vld [tilespmem:$0x10050];
	_ =	sdelay $0x2  }
0x2bd: {  	v1 =	vmul.f32 $8.000000000e+00, v1;
	_ =	sdelay $0x1  }
0x2be: {  	v0 =	vadd.f32 v0, v1  }
0x2bf: {  	v1 =	vld [tilespmem:s26+$0x60]  }
0x2c0: {  	[tilespmem:s26+$0x50] =	vst v0  }
0x2c1: {  	v0 =	vld [tilespmem:$0x10060];
	_ =	sdelay $0x2  }
0x2c2: {  	v1 =	vmul.f32 $8.000000000e+00, v1;
	_ =	sdelay $0x1  }
0x2c3: {  	v0 =	vadd.f32 v0, v1  }
0x2c4: {  	v1 =	vld [tilespmem:s26+$0x70]  }
0x2c5: {  	[tilespmem:s26+$0x60] =	vst v0  }
0x2c6: {  	v0 =	vld [tilespmem:$0x10070];
	_ =	sdelay $0x2  }
0x2c7: {  	v1 =	vmul.f32 $8.000000000e+00, v1;
	_ =	sdelay $0x1  }
0x2c8: {  	v0 =	vadd.f32 v0, v1  }
0x2c9: {  	v1 =	vld [tilespmem:s26+$0x80]  }
0x2ca: {  	[tilespmem:s26+$0x70] =	vst v0  }
0x2cb: {  	v0 =	vld [tilespmem:$0x10080];
	_ =	sdelay $0x2  }
0x2cc: {  	v1 =	vmul.f32 $8.000000000e+00, v1;
	_ =	sdelay $0x1  }
0x2cd: {  	v0 =	vadd.f32 v0, v1  }
0x2ce: {  	v1 =	vld [tilespmem:s26+$0x90]  }
0x2cf: {  	[tilespmem:s26+$0x80] =	vst v0  }
0x2d0: {  	v0 =	vld [tilespmem:$0x10090];
	_ =	sdelay $0x2  }
0x2d1: {  	v1 =	vmul.f32 $8.000000000e+00, v1;
	_ =	sdelay $0x1  }
0x2d2: {  	v0 =	vadd.f32 v0, v1  }
0x2d3: {  	v1 =	vld [tilespmem:s26+$0xA0]  }
0x2d4: {  	[tilespmem:s26+$0x90] =	vst v0  }
0x2d5: {  	v0 =	vld [tilespmem:$0x100A0];
	_ =	sdelay $0x2  }
0x2d6: {  	v1 =	vmul.f32 $8.000000000e+00, v1;
	_ =	sdelay $0x1  }
0x2d7: {  	v0 =	vadd.f32 v0, v1  }
0x2d8: {  	v1 =	vld [tilespmem:s26+$0xB0]  }
0x2d9: {  	[tilespmem:s26+$0xA0] =	vst v0  }
0x2da: {  	v0 =	vld [tilespmem:$0x100B0];
	_ =	sdelay $0x2  }
0x2db: {  	v1 =	vmul.f32 $8.000000000e+00, v1;
	_ =	sdelay $0x1  }
0x2dc: {  	v0 =	vadd.f32 v0, v1  }
0x2dd: {  	v1 =	vld [tilespmem:s26+$0xC0]  }
0x2de: {  	[tilespmem:s26+$0xB0] =	vst v0  }
0x2df: {  	v0 =	vld [tilespmem:$0x100C0];
	_ =	sdelay $0x2  }
0x2e0: {  	v1 =	vmul.f32 $8.000000000e+00, v1;
	_ =	sdelay $0x1  }
0x2e1: {  	v0 =	vadd.f32 v0, v1  }
0x2e2: {  	v1 =	vld [tilespmem:s26+$0xD0]  }
0x2e3: {  	[tilespmem:s26+$0xC0] =	vst v0  }
0x2e4: {  	v0 =	vld [tilespmem:$0x100D0];
	_ =	sdelay $0x2  }
0x2e5: {  	v1 =	vmul.f32 $8.000000000e+00, v1;
	_ =	sdelay $0x1  }
0x2e6: {  	v0 =	vadd.f32 v0, v1  }
0x2e7: {  	v1 =	vld [tilespmem:s26+$0xE0]  }
0x2e8: {  	[tilespmem:s26+$0xD0] =	vst v0  }
0x2e9: {  	v0 =	vld [tilespmem:$0x100E0];
	_ =	sdelay $0x2  }
0x2ea: {  	v1 =	vmul.f32 $8.000000000e+00, v1;
	_ =	sdelay $0x1  }
0x2eb: {  	v0 =	vadd.f32 v0, v1  }
0x2ec: {  	v1 =	vld [tilespmem:s26+$0xF0]  }
0x2ed: {  	[tilespmem:s26+$0xE0] =	vst v0  }
0x2ee: {  	v0 =	vld [tilespmem:$0x100F0];
	_ =	sdelay $0x2  }
0x2ef: {  	v1 =	vmul.f32 $8.000000000e+00, v1;
	_ =	sdelay $0x1  }
0x2f0: {  	v0 =	vadd.f32 v0, v1  }
0x2f1: {  	v1 =	vld [tilespmem:s26+$0x100]  }
0x2f2: {  	[tilespmem:s26+$0xF0] =	vst v0  }
0x2f3: {  	v0 =	vld [tilespmem:$0x10100];
	_ =	sdelay $0x2  }
0x2f4: {  	v1 =	vmul.f32 $8.000000000e+00, v1;
	_ =	sdelay $0x1  }
0x2f5: {  	v0 =	vadd.f32 v0, v1  }
0x2f6: {  	v1 =	vld [tilespmem:s26+$0x110]  }
0x2f7: {  	[tilespmem:s26+$0x100] =	vst v0  }
0x2f8: {  	v0 =	vld [tilespmem:$0x10110];
	_ =	sdelay $0x2  }
0x2f9: {  	v1 =	vmul.f32 $8.000000000e+00, v1;
	_ =	sdelay $0x1  }
0x2fa: {  	v0 =	vadd.f32 v0, v1  }
0x2fb: {  	v1 =	vld [tilespmem:s26+$0x120]  }
0x2fc: {  	[tilespmem:s26+$0x110] =	vst v0  }
0x2fd: {  	v0 =	vld [tilespmem:$0x10120];
	_ =	sdelay $0x2  }
0x2fe: {  	v1 =	vmul.f32 $8.000000000e+00, v1;
	_ =	sdelay $0x1  }
0x2ff: {  	v0 =	vadd.f32 v0, v1  }
0x300: {  	v1 =	vld [tilespmem:s26+$0x130]  }
0x301: {  	[tilespmem:s26+$0x120] =	vst v0  }
0x302: {  	v0 =	vld [tilespmem:$0x10130];
	_ =	sdelay $0x2  }
0x303: {  	v1 =	vmul.f32 $8.000000000e+00, v1;
	_ =	sdelay $0x1  }
0x304: {  	v0 =	vadd.f32 v0, v1  }
0x305: {  	v1 =	vld [tilespmem:s26+$0x140]  }
0x306: {  	[tilespmem:s26+$0x130] =	vst v0  }
0x307: {  	v0 =	vld [tilespmem:$0x10140];
	_ =	sdelay $0x2  }
0x308: {  	v1 =	vmul.f32 $8.000000000e+00, v1;
	_ =	sdelay $0x1  }
0x309: {  	v0 =	vadd.f32 v0, v1  }
0x30a: {  	v1 =	vld [tilespmem:s26+$0x150]  }
0x30b: {  	[tilespmem:s26+$0x140] =	vst v0  }
0x30c: {  	v0 =	vld [tilespmem:$0x10150];
	_ =	sdelay $0x2  }
0x30d: {  	v1 =	vmul.f32 $8.000000000e+00, v1;
	_ =	sdelay $0x1  }
0x30e: {  	v0 =	vadd.f32 v0, v1  }
0x30f: {  	v1 =	vld [tilespmem:s26+$0x160]  }
0x310: {  	[tilespmem:s26+$0x150] =	vst v0  }
0x311: {  	v0 =	vld [tilespmem:$0x10160];
	_ =	sdelay $0x2  }
0x312: {  	v1 =	vmul.f32 $8.000000000e+00, v1;
	_ =	sdelay $0x1  }
0x313: {  	v0 =	vadd.f32 v0, v1  }
0x314: {  	v1 =	vld [tilespmem:s26+$0x170]  }
0x315: {  	[tilespmem:s26+$0x160] =	vst v0  }
0x316: {  	v0 =	vld [tilespmem:$0x10170];
	_ =	sdelay $0x2  }
0x317: {  	v1 =	vmul.f32 $8.000000000e+00, v1;
	_ =	sdelay $0x1  }
0x318: {  	v0 =	vadd.f32 v0, v1  }
0x319: {  	v1 =	vld [tilespmem:s26+$0x180]  }
0x31a: {  	[tilespmem:s26+$0x170] =	vst v0  }
0x31b: {  	v0 =	vld [tilespmem:$0x10180];
	_ =	sdelay $0x2  }
0x31c: {  	v1 =	vmul.f32 $8.000000000e+00, v1;
	_ =	sdelay $0x1  }
0x31d: {  	v0 =	vadd.f32 v0, v1  }
0x31e: {  	v1 =	vld [tilespmem:s26+$0x190]  }
0x31f: {  	[tilespmem:s26+$0x180] =	vst v0  }
0x320: {  	v0 =	vld [tilespmem:$0x10190];
	_ =	sdelay $0x2  }
0x321: {  	v1 =	vmul.f32 $8.000000000e+00, v1;
	_ =	sdelay $0x1  }
0x322: {  	v0 =	vadd.f32 v0, v1  }
0x323: {  	v1 =	vld [tilespmem:s26+$0x1A0]  }
0x324: {  	[tilespmem:s26+$0x190] =	vst v0  }
0x325: {  	v0 =	vld [tilespmem:$0x101A0];
	_ =	sdelay $0x2  }
0x326: {  	v1 =	vmul.f32 $8.000000000e+00, v1;
	_ =	sdelay $0x1  }
0x327: {  	v0 =	vadd.f32 v0, v1  }
0x328: {  	v1 =	vld [tilespmem:s26+$0x1B0]  }
0x329: {  	[tilespmem:s26+$0x1A0] =	vst v0  }
0x32a: {  	v0 =	vld [tilespmem:$0x101B0];
	_ =	sdelay $0x2  }
0x32b: {  	v1 =	vmul.f32 $8.000000000e+00, v1;
	_ =	sdelay $0x1  }
0x32c: {  	v0 =	vadd.f32 v0, v1  }
0x32d: {  	v1 =	vld [tilespmem:s26+$0x1C0]  }
0x32e: {  	[tilespmem:s26+$0x1B0] =	vst v0  }
0x32f: {  	v0 =	vld [tilespmem:$0x101C0];
	_ =	sdelay $0x2  }
0x330: {  	v1 =	vmul.f32 $8.000000000e+00, v1;
	_ =	sdelay $0x1  }
0x331: {  	v0 =	vadd.f32 v0, v1  }
0x332: {  	v1 =	vld [tilespmem:s26+$0x1D0]  }
0x333: {  	[tilespmem:s26+$0x1C0] =	vst v0  }
0x334: {  	v0 =	vld [tilespmem:$0x101D0];
	_ =	sdelay $0x2  }
0x335: {  	v1 =	vmul.f32 $8.000000000e+00, v1;
	_ =	sdelay $0x1  }
0x336: {  	v0 =	vadd.f32 v0, v1  }
0x337: {  	v1 =	vld [tilespmem:s26+$0x1E0]  }
0x338: {  	[tilespmem:s26+$0x1D0] =	vst v0  }
0x339: {  	v0 =	vld [tilespmem:$0x101E0];
	_ =	sdelay $0x2  }
0x33a: {  	v1 =	vmul.f32 $8.000000000e+00, v1;
	_ =	sdelay $0x1  }
0x33b: {  	v0 =	vadd.f32 v0, v1  }
0x33c: {  	v1 =	vld [tilespmem:s26+$0x1F0]  }
0x33d: {  	[tilespmem:s26+$0x1E0] =	vst v0  }
0x33e: {  	v0 =	vld [tilespmem:$0x101F0];
	_ =	sdelay $0x2  }
0x33f: {  	v1 =	vmul.f32 $8.000000000e+00, v1;
	_ =	sdelay $0x1  }
0x340: {  	v0 =	vadd.f32 v0, v1  }
0x341: {  	v1 =	vld [tilespmem:s26+$0x200]  }
0x342: {  	[tilespmem:s26+$0x1F0] =	vst v0  }
0x343: {  	v0 =	vld [tilespmem:$0x10200];
	_ =	sdelay $0x2  }
0x344: {  	v1 =	vmul.f32 $8.000000000e+00, v1;
	_ =	sdelay $0x1  }
0x345: {  	v0 =	vadd.f32 v0, v1  }
0x346: {  	v1 =	vld [tilespmem:s26+$0x210]  }
0x347: {  	[tilespmem:s26+$0x200] =	vst v0  }
0x348: {  	v0 =	vld [tilespmem:$0x10210];
	_ =	sdelay $0x2  }
0x349: {  	v1 =	vmul.f32 $8.000000000e+00, v1;
	_ =	sdelay $0x1  }
0x34a: {  	v0 =	vadd.f32 v0, v1  }
0x34b: {  	v1 =	vld [tilespmem:s26+$0x220]  }
0x34c: {  	[tilespmem:s26+$0x210] =	vst v0  }
0x34d: {  	v0 =	vld [tilespmem:$0x10220];
	_ =	sdelay $0x2  }
0x34e: {  	v1 =	vmul.f32 $8.000000000e+00, v1;
	_ =	sdelay $0x1  }
0x34f: {  	v0 =	vadd.f32 v0, v1  }
0x350: {  	v1 =	vld [tilespmem:s26+$0x230]  }
0x351: {  	[tilespmem:s26+$0x220] =	vst v0  }
0x352: {  	v0 =	vld [tilespmem:$0x10230];
	_ =	sdelay $0x2  }
0x353: {  	v1 =	vmul.f32 $8.000000000e+00, v1;
	_ =	sdelay $0x1  }
0x354: {  	v0 =	vadd.f32 v0, v1  }
0x355: {  	v1 =	vld [tilespmem:s26+$0x240]  }
0x356: {  	[tilespmem:s26+$0x230] =	vst v0  }
0x357: {  	v0 =	vld [tilespmem:$0x10240];
	_ =	sdelay $0x2  }
0x358: {  	v1 =	vmul.f32 $8.000000000e+00, v1;
	_ =	sdelay $0x1  }
0x359: {  	v0 =	vadd.f32 v0, v1  }
0x35a: {  	v1 =	vld [tilespmem:s26+$0x250]  }
0x35b: {  	[tilespmem:s26+$0x240] =	vst v0  }
0x35c: {  	v0 =	vld [tilespmem:$0x10250];
	_ =	sdelay $0x2  }
0x35d: {  	v1 =	vmul.f32 $8.000000000e+00, v1;
	_ =	sdelay $0x1  }
0x35e: {  	v0 =	vadd.f32 v0, v1  }
0x35f: {  	v1 =	vld [tilespmem:s26+$0x260]  }
0x360: {  	[tilespmem:s26+$0x250] =	vst v0  }
0x361: {  	v0 =	vld [tilespmem:$0x10260];
	_ =	sdelay $0x2  }
0x362: {  	v1 =	vmul.f32 $8.000000000e+00, v1;
	_ =	sdelay $0x1  }
0x363: {  	v0 =	vadd.f32 v0, v1  }
0x364: {  	v1 =	vld [tilespmem:s26+$0x270]  }
0x365: {  	[tilespmem:s26+$0x260] =	vst v0  }
0x366: {  	v0 =	vld [tilespmem:$0x10270];
	_ =	sdelay $0x2  }
0x367: {  	v1 =	vmul.f32 $8.000000000e+00, v1;
	_ =	sdelay $0x1  }
0x368: {  	v0 =	vadd.f32 v0, v1  }
0x369: {  	v1 =	vld [tilespmem:s26+$0x280]  }
0x36a: {  	[tilespmem:s26+$0x270] =	vst v0  }
0x36b: {  	v0 =	vld [tilespmem:$0x10280];
	_ =	sdelay $0x2  }
0x36c: {  	v1 =	vmul.f32 $8.000000000e+00, v1;
	_ =	sdelay $0x1  }
0x36d: {  	v0 =	vadd.f32 v0, v1  }
0x36e: {  	v1 =	vld [tilespmem:s26+$0x290]  }
0x36f: {  	[tilespmem:s26+$0x280] =	vst v0  }
0x370: {  	v0 =	vld [tilespmem:$0x10290];
	_ =	sdelay $0x2  }
0x371: {  	v1 =	vmul.f32 $8.000000000e+00, v1;
	_ =	sdelay $0x1  }
0x372: {  	v0 =	vadd.f32 v0, v1  }
0x373: {  	v1 =	vld [tilespmem:s26+$0x2A0]  }
0x374: {  	[tilespmem:s26+$0x290] =	vst v0  }
0x375: {  	v0 =	vld [tilespmem:$0x102A0];
	_ =	sdelay $0x2  }
0x376: {  	v1 =	vmul.f32 $8.000000000e+00, v1;
	_ =	sdelay $0x1  }
0x377: {  	v0 =	vadd.f32 v0, v1  }
0x378: {  	v1 =	vld [tilespmem:s26+$0x2B0]  }
0x379: {  	[tilespmem:s26+$0x2A0] =	vst v0  }
0x37a: {  	v0 =	vld [tilespmem:$0x102B0];
	_ =	sdelay $0x2  }
0x37b: {  	v1 =	vmul.f32 $8.000000000e+00, v1;
	_ =	sdelay $0x1  }
0x37c: {  	v0 =	vadd.f32 v0, v1  }
0x37d: {  	v1 =	vld [tilespmem:s26+$0x2C0]  }
0x37e: {  	[tilespmem:s26+$0x2B0] =	vst v0  }
0x37f: {  	v0 =	vld [tilespmem:$0x102C0];
	_ =	sdelay $0x2  }
0x380: {  	v1 =	vmul.f32 $8.000000000e+00, v1;
	_ =	sdelay $0x1  }
0x381: {  	v0 =	vadd.f32 v0, v1  }
0x382: {  	v1 =	vld [tilespmem:s26+$0x2D0]  }
0x383: {  	[tilespmem:s26+$0x2C0] =	vst v0  }
0x384: {  	v0 =	vld [tilespmem:$0x102D0];
	_ =	sdelay $0x2  }
0x385: {  	v1 =	vmul.f32 $8.000000000e+00, v1;
	_ =	sdelay $0x1  }
0x386: {  	v0 =	vadd.f32 v0, v1  }
0x387: {  	v1 =	vld [tilespmem:s26+$0x2E0]  }
0x388: {  	[tilespmem:s26+$0x2D0] =	vst v0  }
0x389: {  	v0 =	vld [tilespmem:$0x102E0];
	_ =	sdelay $0x2  }
0x38a: {  	v1 =	vmul.f32 $8.000000000e+00, v1;
	_ =	sdelay $0x1  }
0x38b: {  	v0 =	vadd.f32 v0, v1  }
0x38c: {  	v1 =	vld [tilespmem:s26+$0x2F0]  }
0x38d: {  	[tilespmem:s26+$0x2E0] =	vst v0  }
0x38e: {  	v0 =	vld [tilespmem:$0x102F0];
	_ =	sdelay $0x2  }
0x38f: {  	v1 =	vmul.f32 $8.000000000e+00, v1;
	_ =	sdelay $0x1  }
0x390: {  	v0 =	vadd.f32 v0, v1  }
0x391: {  	v1 =	vld [tilespmem:s26+$0x300]  }
0x392: {  	[tilespmem:s26+$0x2F0] =	vst v0  }
0x393: {  	v0 =	vld [tilespmem:$0x10300];
	_ =	sdelay $0x2  }
0x394: {  	v1 =	vmul.f32 $8.000000000e+00, v1;
	_ =	sdelay $0x1  }
0x395: {  	v0 =	vadd.f32 v0, v1  }
0x396: {  	v1 =	vld [tilespmem:s26+$0x310]  }
0x397: {  	[tilespmem:s26+$0x300] =	vst v0  }
0x398: {  	v0 =	vld [tilespmem:$0x10310];
	_ =	sdelay $0x2  }
0x399: {  	v1 =	vmul.f32 $8.000000000e+00, v1;
	_ =	sdelay $0x1  }
0x39a: {  	v0 =	vadd.f32 v0, v1  }
0x39b: {  	v1 =	vld [tilespmem:s26+$0x320]  }
0x39c: {  	[tilespmem:s26+$0x310] =	vst v0  }
0x39d: {  	v0 =	vld [tilespmem:$0x10320];
	_ =	sdelay $0x2  }
0x39e: {  	v1 =	vmul.f32 $8.000000000e+00, v1;
	_ =	sdelay $0x1  }
0x39f: {  	v0 =	vadd.f32 v0, v1  }
0x3a0: {  	v1 =	vld [tilespmem:s26+$0x330]  }
0x3a1: {  	[tilespmem:s26+$0x320] =	vst v0  }
0x3a2: {  	v0 =	vld [tilespmem:$0x10330];
	_ =	sdelay $0x2  }
0x3a3: {  	v1 =	vmul.f32 $8.000000000e+00, v1;
	_ =	sdelay $0x1  }
0x3a4: {  	v0 =	vadd.f32 v0, v1  }
0x3a5: {  	v1 =	vld [tilespmem:s26+$0x340]  }
0x3a6: {  	[tilespmem:s26+$0x330] =	vst v0  }
0x3a7: {  	v0 =	vld [tilespmem:$0x10340];
	_ =	sdelay $0x2  }
0x3a8: {  	v1 =	vmul.f32 $8.000000000e+00, v1;
	_ =	sdelay $0x1  }
0x3a9: {  	v0 =	vadd.f32 v0, v1  }
0x3aa: {  	v1 =	vld [tilespmem:s26+$0x350]  }
0x3ab: {  	[tilespmem:s26+$0x340] =	vst v0  }
0x3ac: {  	v0 =	vld [tilespmem:$0x10350];
	_ =	sdelay $0x2  }
0x3ad: {  	v1 =	vmul.f32 $8.000000000e+00, v1;
	_ =	sdelay $0x1  }
0x3ae: {  	v0 =	vadd.f32 v0, v1  }
0x3af: {  	v1 =	vld [tilespmem:s26+$0x360]  }
0x3b0: {  	[tilespmem:s26+$0x350] =	vst v0  }
0x3b1: {  	v0 =	vld [tilespmem:$0x10360];
	_ =	sdelay $0x2  }
0x3b2: {  	v1 =	vmul.f32 $8.000000000e+00, v1;
	_ =	sdelay $0x1  }
0x3b3: {  	v0 =	vadd.f32 v0, v1  }
0x3b4: {  	v1 =	vld [tilespmem:s26+$0x370]  }
0x3b5: {  	[tilespmem:s26+$0x360] =	vst v0  }
0x3b6: {  	v0 =	vld [tilespmem:$0x10370];
	_ =	sdelay $0x2  }
0x3b7: {  	v1 =	vmul.f32 $8.000000000e+00, v1;
	_ =	sdelay $0x1  }
0x3b8: {  	v0 =	vadd.f32 v0, v1  }
0x3b9: {  	v1 =	vld [tilespmem:s26+$0x380]  }
0x3ba: {  	[tilespmem:s26+$0x370] =	vst v0  }
0x3bb: {  	v0 =	vld [tilespmem:$0x10380];
	_ =	sdelay $0x2  }
0x3bc: {  	v1 =	vmul.f32 $8.000000000e+00, v1;
	_ =	sdelay $0x1  }
0x3bd: {  	v0 =	vadd.f32 v0, v1  }
0x3be: {  	v1 =	vld [tilespmem:s26+$0x390]  }
0x3bf: {  	[tilespmem:s26+$0x380] =	vst v0  }
0x3c0: {  	v0 =	vld [tilespmem:$0x10390];
	_ =	sdelay $0x2  }
0x3c1: {  	v1 =	vmul.f32 $8.000000000e+00, v1;
	_ =	sdelay $0x1  }
0x3c2: {  	v0 =	vadd.f32 v0, v1  }
0x3c3: {  	v1 =	vld [tilespmem:s26+$0x3A0]  }
0x3c4: {  	[tilespmem:s26+$0x390] =	vst v0  }
0x3c5: {  	v0 =	vld [tilespmem:$0x103A0];
	_ =	sdelay $0x2  }
0x3c6: {  	v1 =	vmul.f32 $8.000000000e+00, v1;
	_ =	sdelay $0x1  }
0x3c7: {  	v0 =	vadd.f32 v0, v1  }
0x3c8: {  	v1 =	vld [tilespmem:s26+$0x3B0]  }
0x3c9: {  	[tilespmem:s26+$0x3A0] =	vst v0  }
0x3ca: {  	v0 =	vld [tilespmem:$0x103B0];
	_ =	sdelay $0x2  }
0x3cb: {  	v1 =	vmul.f32 $8.000000000e+00, v1;
	_ =	sdelay $0x1  }
0x3cc: {  	v0 =	vadd.f32 v0, v1  }
0x3cd: {  	v1 =	vld [tilespmem:s26+$0x3C0]  }
0x3ce: {  	[tilespmem:s26+$0x3B0] =	vst v0  }
0x3cf: {  	v0 =	vld [tilespmem:$0x103C0];
	_ =	sdelay $0x2  }
0x3d0: {  	v1 =	vmul.f32 $8.000000000e+00, v1;
	_ =	sdelay $0x1  }
0x3d1: {  	v0 =	vadd.f32 v0, v1  }
0x3d2: {  	v1 =	vld [tilespmem:s26+$0x3D0]  }
0x3d3: {  	[tilespmem:s26+$0x3C0] =	vst v0  }
0x3d4: {  	v0 =	vld [tilespmem:$0x103D0];
	_ =	sdelay $0x2  }
0x3d5: {  	v1 =	vmul.f32 $8.000000000e+00, v1;
	_ =	sdelay $0x1  }
0x3d6: {  	v0 =	vadd.f32 v0, v1  }
0x3d7: {  	v1 =	vld [tilespmem:s26+$0x3E0]  }
0x3d8: {  	[tilespmem:s26+$0x3D0] =	vst v0  }
0x3d9: {  	v0 =	vld [tilespmem:$0x103E0];
	_ =	sdelay $0x2  }
0x3da: {  	v1 =	vmul.f32 $8.000000000e+00, v1;
	_ =	sdelay $0x1  }
0x3db: {  	v0 =	vadd.f32 v0, v1  }
0x3dc: {  	v1 =	vld [tilespmem:s26+$0x3F0]  }
0x3dd: {  	[tilespmem:s26+$0x3E0] =	vst v0  }
0x3de: {  	v0 =	vld [tilespmem:$0x103F0];
	_ =	sdelay $0x2  }
0x3df: {  	v1 =	vmul.f32 $8.000000000e+00, v1  }
0x3e0: {  	s31 =	sshll.u32 s22, $0x10  }
0x3e1: {  	s24 =	sadd.s32 s9, s31;
	v0 =	vadd.f32 v0, v1  }
0x3e2: {  	s24 =	sshrl.u32 s24, $0x3  }
0x3e3: {  	p0 =	seq.s32 s22, $0x18;
	s24 =	sadd.s32 s3, s24;
	[tilespmem:s26+$0x3F0] =	vst v0  }
0x3e4: {  	[hbm4b:s24+s4] =	stream.linear.scatter [tilespmem:s4], [sflag:$0x5], $0x8000, $0x38;
	[tilespmem:$0x10800] =	vst v63  }
0x3e5: {  	s25 =	sshll.u32 @!p0 s22, $0x9;
	s24 =	simm.s32 @!p0 $0x5  }
0x3e6: {  	s25 =	sadd.s32 @!p0 s25, s10;
	_ =	swait.ge @!p0 [sflag:s24], $0x8000  }
0x3e7: {  	s26 =	sshll.u32 @!p0 s25, $0x4;
	[sflag:s24] =	ssyncset.done @!p0 $0x0  }
0x3e8: {  	[sflag:s24] =	ssyncadd.s32 @!p0 $0xFFFF8000;
	s24 =	sadd.s32 @!p0 s1, s26;
	s26 =	simm.s32 @!p0 $0x0  }
0x3e9: {  	[tilespmem:s26], [sflag:$0x1] =	stream.linear.gather @!p0 [hbm4b:s24+s26], $0x8000, $0x38;
	[tilespmem:$0x10800] =	vst v63  }
0x3ea: {  	s24 =	sshrl.u32 @!p0 s25, $0x1  }
0x3eb: {  	s25 =	simm.s32 @!p0 $0x10000;
	s24 =	sadd.s32 @!p0 s5, s24  }
0x3ec: {  	[tilespmem:s25], [sflag:$0x3] =	stream.linear.gather @!p0 [hbm4b:s24+s26], $0x400, $0x38;
	[tilespmem:$0x10800] =	vst v63  }
0x3ed: {  	_ =	swait.ge [sflag:s17], $0x8000  }
0x3ee: {  	[sflag:s17] =	ssyncset.done $0x0  }
0x3ef: {  	[sflag:s17] =	ssyncadd.s32 $0xFFFF8000  }
0x3f0: {  	_ =	swait.ge [sflag:s18], $0x400  }
0x3f1: {  	[sflag:s18] =	ssyncset.done $0x0  }
0x3f2: {  	s24 =	simm.s32 $0x0;
	[sflag:s18] =	ssyncadd.s32 $0xFFFFFC00  }
0x3f3: {  	v0 =	vld [tilespmem:s24+$0x8000];
	_ =	sdelay $0x1  }
0x3f4: {  	v1 =	vld [tilespmem:$0x10400];
	_ =	sdelay $0x2  }
0x3f5: {  	v0 =	vmul.f32 $8.000000000e+00, v0;
	_ =	sdelay $0x1  }
0x3f6: {  	v0 =	vadd.f32 v1, v0  }
0x3f7: {  	v1 =	vld [tilespmem:s24+$0x8010]  }
0x3f8: {  	[tilespmem:s24+$0x8000] =	vst v0  }
0x3f9: {  	v0 =	vld [tilespmem:$0x10410];
	_ =	sdelay $0x2  }
0x3fa: {  	v1 =	vmul.f32 $8.000000000e+00, v1;
	_ =	sdelay $0x1  }
0x3fb: {  	v0 =	vadd.f32 v0, v1  }
0x3fc: {  	v1 =	vld [tilespmem:s24+$0x8020]  }
0x3fd: {  	[tilespmem:s24+$0x8010] =	vst v0  }
0x3fe: {  	v0 =	vld [tilespmem:$0x10420];
	_ =	sdelay $0x2  }
0x3ff: {  	v1 =	vmul.f32 $8.000000000e+00, v1;
	_ =	sdelay $0x1  }
0x400: {  	v0 =	vadd.f32 v0, v1  }
0x401: {  	v1 =	vld [tilespmem:s24+$0x8030]  }
0x402: {  	[tilespmem:s24+$0x8020] =	vst v0  }
0x403: {  	v0 =	vld [tilespmem:$0x10430];
	_ =	sdelay $0x2  }
0x404: {  	v1 =	vmul.f32 $8.000000000e+00, v1;
	_ =	sdelay $0x1  }
0x405: {  	v0 =	vadd.f32 v0, v1  }
0x406: {  	v1 =	vld [tilespmem:s24+$0x8040]  }
0x407: {  	[tilespmem:s24+$0x8030] =	vst v0  }
0x408: {  	v0 =	vld [tilespmem:$0x10440];
	_ =	sdelay $0x2  }
0x409: {  	v1 =	vmul.f32 $8.000000000e+00, v1;
	_ =	sdelay $0x1  }
0x40a: {  	v0 =	vadd.f32 v0, v1  }
0x40b: {  	v1 =	vld [tilespmem:s24+$0x8050]  }
0x40c: {  	[tilespmem:s24+$0x8040] =	vst v0  }
0x40d: {  	v0 =	vld [tilespmem:$0x10450];
	_ =	sdelay $0x2  }
0x40e: {  	v1 =	vmul.f32 $8.000000000e+00, v1;
	_ =	sdelay $0x1  }
0x40f: {  	v0 =	vadd.f32 v0, v1  }
0x410: {  	v1 =	vld [tilespmem:s24+$0x8060]  }
0x411: {  	[tilespmem:s24+$0x8050] =	vst v0  }
0x412: {  	v0 =	vld [tilespmem:$0x10460];
	_ =	sdelay $0x2  }
0x413: {  	v1 =	vmul.f32 $8.000000000e+00, v1;
	_ =	sdelay $0x1  }
0x414: {  	v0 =	vadd.f32 v0, v1  }
0x415: {  	v1 =	vld [tilespmem:s24+$0x8070]  }
0x416: {  	[tilespmem:s24+$0x8060] =	vst v0  }
0x417: {  	v0 =	vld [tilespmem:$0x10470];
	_ =	sdelay $0x2  }
0x418: {  	v1 =	vmul.f32 $8.000000000e+00, v1;
	_ =	sdelay $0x1  }
0x419: {  	v0 =	vadd.f32 v0, v1  }
0x41a: {  	v1 =	vld [tilespmem:s24+$0x8080]  }
0x41b: {  	[tilespmem:s24+$0x8070] =	vst v0  }
0x41c: {  	v0 =	vld [tilespmem:$0x10480];
	_ =	sdelay $0x2  }
0x41d: {  	v1 =	vmul.f32 $8.000000000e+00, v1;
	_ =	sdelay $0x1  }
0x41e: {  	v0 =	vadd.f32 v0, v1  }
0x41f: {  	v1 =	vld [tilespmem:s24+$0x8090]  }
0x420: {  	[tilespmem:s24+$0x8080] =	vst v0  }
0x421: {  	v0 =	vld [tilespmem:$0x10490];
	_ =	sdelay $0x2  }
0x422: {  	v1 =	vmul.f32 $8.000000000e+00, v1;
	_ =	sdelay $0x1  }
0x423: {  	v0 =	vadd.f32 v0, v1  }
0x424: {  	v1 =	vld [tilespmem:s24+$0x80A0]  }
0x425: {  	[tilespmem:s24+$0x8090] =	vst v0  }
0x426: {  	v0 =	vld [tilespmem:$0x104A0];
	_ =	sdelay $0x2  }
0x427: {  	v1 =	vmul.f32 $8.000000000e+00, v1;
	_ =	sdelay $0x1  }
0x428: {  	v0 =	vadd.f32 v0, v1  }
0x429: {  	v1 =	vld [tilespmem:s24+$0x80B0]  }
0x42a: {  	[tilespmem:s24+$0x80A0] =	vst v0  }
0x42b: {  	v0 =	vld [tilespmem:$0x104B0];
	_ =	sdelay $0x2  }
0x42c: {  	v1 =	vmul.f32 $8.000000000e+00, v1;
	_ =	sdelay $0x1  }
0x42d: {  	v0 =	vadd.f32 v0, v1  }
0x42e: {  	v1 =	vld [tilespmem:s24+$0x80C0]  }
0x42f: {  	[tilespmem:s24+$0x80B0] =	vst v0  }
0x430: {  	v0 =	vld [tilespmem:$0x104C0];
	_ =	sdelay $0x2  }
0x431: {  	v1 =	vmul.f32 $8.000000000e+00, v1;
	_ =	sdelay $0x1  }
0x432: {  	v0 =	vadd.f32 v0, v1  }
0x433: {  	v1 =	vld [tilespmem:s24+$0x80D0]  }
0x434: {  	[tilespmem:s24+$0x80C0] =	vst v0  }
0x435: {  	v0 =	vld [tilespmem:$0x104D0];
	_ =	sdelay $0x2  }
0x436: {  	v1 =	vmul.f32 $8.000000000e+00, v1;
	_ =	sdelay $0x1  }
0x437: {  	v0 =	vadd.f32 v0, v1  }
0x438: {  	v1 =	vld [tilespmem:s24+$0x80E0]  }
0x439: {  	[tilespmem:s24+$0x80D0] =	vst v0  }
0x43a: {  	v0 =	vld [tilespmem:$0x104E0];
	_ =	sdelay $0x2  }
0x43b: {  	v1 =	vmul.f32 $8.000000000e+00, v1;
	_ =	sdelay $0x1  }
0x43c: {  	v0 =	vadd.f32 v0, v1  }
0x43d: {  	v1 =	vld [tilespmem:s24+$0x80F0]  }
0x43e: {  	[tilespmem:s24+$0x80E0] =	vst v0  }
0x43f: {  	v0 =	vld [tilespmem:$0x104F0];
	_ =	sdelay $0x2  }
0x440: {  	v1 =	vmul.f32 $8.000000000e+00, v1;
	_ =	sdelay $0x1  }
0x441: {  	v0 =	vadd.f32 v0, v1  }
0x442: {  	v1 =	vld [tilespmem:s24+$0x8100]  }
0x443: {  	[tilespmem:s24+$0x80F0] =	vst v0  }
0x444: {  	v0 =	vld [tilespmem:$0x10500];
	_ =	sdelay $0x2  }
0x445: {  	v1 =	vmul.f32 $8.000000000e+00, v1;
	_ =	sdelay $0x1  }
0x446: {  	v0 =	vadd.f32 v0, v1  }
0x447: {  	v1 =	vld [tilespmem:s24+$0x8110]  }
0x448: {  	[tilespmem:s24+$0x8100] =	vst v0  }
0x449: {  	v0 =	vld [tilespmem:$0x10510];
	_ =	sdelay $0x2  }
0x44a: {  	v1 =	vmul.f32 $8.000000000e+00, v1;
	_ =	sdelay $0x1  }
0x44b: {  	v0 =	vadd.f32 v0, v1  }
0x44c: {  	v1 =	vld [tilespmem:s24+$0x8120]  }
0x44d: {  	[tilespmem:s24+$0x8110] =	vst v0  }
0x44e: {  	v0 =	vld [tilespmem:$0x10520];
	_ =	sdelay $0x2  }
0x44f: {  	v1 =	vmul.f32 $8.000000000e+00, v1;
	_ =	sdelay $0x1  }
0x450: {  	v0 =	vadd.f32 v0, v1  }
0x451: {  	v1 =	vld [tilespmem:s24+$0x8130]  }
0x452: {  	[tilespmem:s24+$0x8120] =	vst v0  }
0x453: {  	v0 =	vld [tilespmem:$0x10530];
	_ =	sdelay $0x2  }
0x454: {  	v1 =	vmul.f32 $8.000000000e+00, v1;
	_ =	sdelay $0x1  }
0x455: {  	v0 =	vadd.f32 v0, v1  }
0x456: {  	v1 =	vld [tilespmem:s24+$0x8140]  }
0x457: {  	[tilespmem:s24+$0x8130] =	vst v0  }
0x458: {  	v0 =	vld [tilespmem:$0x10540];
	_ =	sdelay $0x2  }
0x459: {  	v1 =	vmul.f32 $8.000000000e+00, v1;
	_ =	sdelay $0x1  }
0x45a: {  	v0 =	vadd.f32 v0, v1  }
0x45b: {  	v1 =	vld [tilespmem:s24+$0x8150]  }
0x45c: {  	[tilespmem:s24+$0x8140] =	vst v0  }
0x45d: {  	v0 =	vld [tilespmem:$0x10550];
	_ =	sdelay $0x2  }
0x45e: {  	v1 =	vmul.f32 $8.000000000e+00, v1;
	_ =	sdelay $0x1  }
0x45f: {  	v0 =	vadd.f32 v0, v1  }
0x460: {  	v1 =	vld [tilespmem:s24+$0x8160]  }
0x461: {  	[tilespmem:s24+$0x8150] =	vst v0  }
0x462: {  	v0 =	vld [tilespmem:$0x10560];
	_ =	sdelay $0x2  }
0x463: {  	v1 =	vmul.f32 $8.000000000e+00, v1;
	_ =	sdelay $0x1  }
0x464: {  	v0 =	vadd.f32 v0, v1  }
0x465: {  	v1 =	vld [tilespmem:s24+$0x8170]  }
0x466: {  	[tilespmem:s24+$0x8160] =	vst v0  }
0x467: {  	v0 =	vld [tilespmem:$0x10570];
	_ =	sdelay $0x2  }
0x468: {  	v1 =	vmul.f32 $8.000000000e+00, v1;
	_ =	sdelay $0x1  }
0x469: {  	v0 =	vadd.f32 v0, v1  }
0x46a: {  	v1 =	vld [tilespmem:s24+$0x8180]  }
0x46b: {  	[tilespmem:s24+$0x8170] =	vst v0  }
0x46c: {  	v0 =	vld [tilespmem:$0x10580];
	_ =	sdelay $0x2  }
0x46d: {  	v1 =	vmul.f32 $8.000000000e+00, v1;
	_ =	sdelay $0x1  }
0x46e: {  	v0 =	vadd.f32 v0, v1  }
0x46f: {  	v1 =	vld [tilespmem:s24+$0x8190]  }
0x470: {  	[tilespmem:s24+$0x8180] =	vst v0  }
0x471: {  	v0 =	vld [tilespmem:$0x10590];
	_ =	sdelay $0x2  }
0x472: {  	v1 =	vmul.f32 $8.000000000e+00, v1;
	_ =	sdelay $0x1  }
0x473: {  	v0 =	vadd.f32 v0, v1  }
0x474: {  	v1 =	vld [tilespmem:s24+$0x81A0]  }
0x475: {  	[tilespmem:s24+$0x8190] =	vst v0  }
0x476: {  	v0 =	vld [tilespmem:$0x105A0];
	_ =	sdelay $0x2  }
0x477: {  	v1 =	vmul.f32 $8.000000000e+00, v1;
	_ =	sdelay $0x1  }
0x478: {  	v0 =	vadd.f32 v0, v1  }
0x479: {  	v1 =	vld [tilespmem:s24+$0x81B0]  }
0x47a: {  	[tilespmem:s24+$0x81A0] =	vst v0  }
0x47b: {  	v0 =	vld [tilespmem:$0x105B0];
	_ =	sdelay $0x2  }
0x47c: {  	v1 =	vmul.f32 $8.000000000e+00, v1;
	_ =	sdelay $0x1  }
0x47d: {  	v0 =	vadd.f32 v0, v1  }
0x47e: {  	v1 =	vld [tilespmem:s24+$0x81C0]  }
0x47f: {  	[tilespmem:s24+$0x81B0] =	vst v0  }
0x480: {  	v0 =	vld [tilespmem:$0x105C0];
	_ =	sdelay $0x2  }
0x481: {  	v1 =	vmul.f32 $8.000000000e+00, v1;
	_ =	sdelay $0x1  }
0x482: {  	v0 =	vadd.f32 v0, v1  }
0x483: {  	v1 =	vld [tilespmem:s24+$0x81D0]  }
0x484: {  	[tilespmem:s24+$0x81C0] =	vst v0  }
0x485: {  	v0 =	vld [tilespmem:$0x105D0];
	_ =	sdelay $0x2  }
0x486: {  	v1 =	vmul.f32 $8.000000000e+00, v1;
	_ =	sdelay $0x1  }
0x487: {  	v0 =	vadd.f32 v0, v1  }
0x488: {  	v1 =	vld [tilespmem:s24+$0x81E0]  }
0x489: {  	[tilespmem:s24+$0x81D0] =	vst v0  }
0x48a: {  	v0 =	vld [tilespmem:$0x105E0];
	_ =	sdelay $0x2  }
0x48b: {  	v1 =	vmul.f32 $8.000000000e+00, v1;
	_ =	sdelay $0x1  }
0x48c: {  	v0 =	vadd.f32 v0, v1  }
0x48d: {  	v1 =	vld [tilespmem:s24+$0x81F0]  }
0x48e: {  	[tilespmem:s24+$0x81E0] =	vst v0  }
0x48f: {  	v0 =	vld [tilespmem:$0x105F0];
	_ =	sdelay $0x2  }
0x490: {  	v1 =	vmul.f32 $8.000000000e+00, v1;
	_ =	sdelay $0x1  }
0x491: {  	v0 =	vadd.f32 v0, v1  }
0x492: {  	v1 =	vld [tilespmem:s24+$0x8200]  }
0x493: {  	[tilespmem:s24+$0x81F0] =	vst v0  }
0x494: {  	v0 =	vld [tilespmem:$0x10600];
	_ =	sdelay $0x2  }
0x495: {  	v1 =	vmul.f32 $8.000000000e+00, v1;
	_ =	sdelay $0x1  }
0x496: {  	v0 =	vadd.f32 v0, v1  }
0x497: {  	v1 =	vld [tilespmem:s24+$0x8210]  }
0x498: {  	[tilespmem:s24+$0x8200] =	vst v0  }
0x499: {  	v0 =	vld [tilespmem:$0x10610];
	_ =	sdelay $0x2  }
0x49a: {  	v1 =	vmul.f32 $8.000000000e+00, v1;
	_ =	sdelay $0x1  }
0x49b: {  	v0 =	vadd.f32 v0, v1  }
0x49c: {  	v1 =	vld [tilespmem:s24+$0x8220]  }
0x49d: {  	[tilespmem:s24+$0x8210] =	vst v0  }
0x49e: {  	v0 =	vld [tilespmem:$0x10620];
	_ =	sdelay $0x2  }
0x49f: {  	v1 =	vmul.f32 $8.000000000e+00, v1;
	_ =	sdelay $0x1  }
0x4a0: {  	v0 =	vadd.f32 v0, v1  }
0x4a1: {  	v1 =	vld [tilespmem:s24+$0x8230]  }
0x4a2: {  	[tilespmem:s24+$0x8220] =	vst v0  }
0x4a3: {  	v0 =	vld [tilespmem:$0x10630];
	_ =	sdelay $0x2  }
0x4a4: {  	v1 =	vmul.f32 $8.000000000e+00, v1;
	_ =	sdelay $0x1  }
0x4a5: {  	v0 =	vadd.f32 v0, v1  }
0x4a6: {  	v1 =	vld [tilespmem:s24+$0x8240]  }
0x4a7: {  	[tilespmem:s24+$0x8230] =	vst v0  }
0x4a8: {  	v0 =	vld [tilespmem:$0x10640];
	_ =	sdelay $0x2  }
0x4a9: {  	v1 =	vmul.f32 $8.000000000e+00, v1;
	_ =	sdelay $0x1  }
0x4aa: {  	v0 =	vadd.f32 v0, v1  }
0x4ab: {  	v1 =	vld [tilespmem:s24+$0x8250]  }
0x4ac: {  	[tilespmem:s24+$0x8240] =	vst v0  }
0x4ad: {  	v0 =	vld [tilespmem:$0x10650];
	_ =	sdelay $0x2  }
0x4ae: {  	v1 =	vmul.f32 $8.000000000e+00, v1;
	_ =	sdelay $0x1  }
0x4af: {  	v0 =	vadd.f32 v0, v1  }
0x4b0: {  	v1 =	vld [tilespmem:s24+$0x8260]  }
0x4b1: {  	[tilespmem:s24+$0x8250] =	vst v0  }
0x4b2: {  	v0 =	vld [tilespmem:$0x10660];
	_ =	sdelay $0x2  }
0x4b3: {  	v1 =	vmul.f32 $8.000000000e+00, v1;
	_ =	sdelay $0x1  }
0x4b4: {  	v0 =	vadd.f32 v0, v1  }
0x4b5: {  	v1 =	vld [tilespmem:s24+$0x8270]  }
0x4b6: {  	[tilespmem:s24+$0x8260] =	vst v0  }
0x4b7: {  	v0 =	vld [tilespmem:$0x10670];
	_ =	sdelay $0x2  }
0x4b8: {  	v1 =	vmul.f32 $8.000000000e+00, v1;
	_ =	sdelay $0x1  }
0x4b9: {  	v0 =	vadd.f32 v0, v1  }
0x4ba: {  	v1 =	vld [tilespmem:s24+$0x8280]  }
0x4bb: {  	[tilespmem:s24+$0x8270] =	vst v0  }
0x4bc: {  	v0 =	vld [tilespmem:$0x10680];
	_ =	sdelay $0x2  }
0x4bd: {  	v1 =	vmul.f32 $8.000000000e+00, v1;
	_ =	sdelay $0x1  }
0x4be: {  	v0 =	vadd.f32 v0, v1  }
0x4bf: {  	v1 =	vld [tilespmem:s24+$0x8290]  }
0x4c0: {  	[tilespmem:s24+$0x8280] =	vst v0  }
0x4c1: {  	v0 =	vld [tilespmem:$0x10690];
	_ =	sdelay $0x2  }
0x4c2: {  	v1 =	vmul.f32 $8.000000000e+00, v1;
	_ =	sdelay $0x1  }
0x4c3: {  	v0 =	vadd.f32 v0, v1  }
0x4c4: {  	v1 =	vld [tilespmem:s24+$0x82A0]  }
0x4c5: {  	[tilespmem:s24+$0x8290] =	vst v0  }
0x4c6: {  	v0 =	vld [tilespmem:$0x106A0];
	_ =	sdelay $0x2  }
0x4c7: {  	v1 =	vmul.f32 $8.000000000e+00, v1;
	_ =	sdelay $0x1  }
0x4c8: {  	v0 =	vadd.f32 v0, v1  }
0x4c9: {  	v1 =	vld [tilespmem:s24+$0x82B0]  }
0x4ca: {  	[tilespmem:s24+$0x82A0] =	vst v0  }
0x4cb: {  	v0 =	vld [tilespmem:$0x106B0];
	_ =	sdelay $0x2  }
0x4cc: {  	v1 =	vmul.f32 $8.000000000e+00, v1;
	_ =	sdelay $0x1  }
0x4cd: {  	v0 =	vadd.f32 v0, v1  }
0x4ce: {  	v1 =	vld [tilespmem:s24+$0x82C0]  }
0x4cf: {  	[tilespmem:s24+$0x82B0] =	vst v0  }
0x4d0: {  	v0 =	vld [tilespmem:$0x106C0];
	_ =	sdelay $0x2  }
0x4d1: {  	v1 =	vmul.f32 $8.000000000e+00, v1;
	_ =	sdelay $0x1  }
0x4d2: {  	v0 =	vadd.f32 v0, v1  }
0x4d3: {  	v1 =	vld [tilespmem:s24+$0x82D0]  }
0x4d4: {  	[tilespmem:s24+$0x82C0] =	vst v0  }
0x4d5: {  	v0 =	vld [tilespmem:$0x106D0];
	_ =	sdelay $0x2  }
0x4d6: {  	v1 =	vmul.f32 $8.000000000e+00, v1;
	_ =	sdelay $0x1  }
0x4d7: {  	v0 =	vadd.f32 v0, v1  }
0x4d8: {  	v1 =	vld [tilespmem:s24+$0x82E0]  }
0x4d9: {  	[tilespmem:s24+$0x82D0] =	vst v0  }
0x4da: {  	v0 =	vld [tilespmem:$0x106E0];
	_ =	sdelay $0x2  }
0x4db: {  	v1 =	vmul.f32 $8.000000000e+00, v1;
	_ =	sdelay $0x1  }
0x4dc: {  	v0 =	vadd.f32 v0, v1  }
0x4dd: {  	v1 =	vld [tilespmem:s24+$0x82F0]  }
0x4de: {  	[tilespmem:s24+$0x82E0] =	vst v0  }
0x4df: {  	v0 =	vld [tilespmem:$0x106F0];
	_ =	sdelay $0x2  }
0x4e0: {  	v1 =	vmul.f32 $8.000000000e+00, v1;
	_ =	sdelay $0x1  }
0x4e1: {  	v0 =	vadd.f32 v0, v1  }
0x4e2: {  	v1 =	vld [tilespmem:s24+$0x8300]  }
0x4e3: {  	[tilespmem:s24+$0x82F0] =	vst v0  }
0x4e4: {  	v0 =	vld [tilespmem:$0x10700];
	_ =	sdelay $0x2  }
0x4e5: {  	v1 =	vmul.f32 $8.000000000e+00, v1;
	_ =	sdelay $0x1  }
0x4e6: {  	v0 =	vadd.f32 v0, v1  }
0x4e7: {  	v1 =	vld [tilespmem:s24+$0x8310]  }
0x4e8: {  	[tilespmem:s24+$0x8300] =	vst v0  }
0x4e9: {  	v0 =	vld [tilespmem:$0x10710];
	_ =	sdelay $0x2  }
0x4ea: {  	v1 =	vmul.f32 $8.000000000e+00, v1;
	_ =	sdelay $0x1  }
0x4eb: {  	v0 =	vadd.f32 v0, v1  }
0x4ec: {  	v1 =	vld [tilespmem:s24+$0x8320]  }
0x4ed: {  	[tilespmem:s24+$0x8310] =	vst v0  }
0x4ee: {  	v0 =	vld [tilespmem:$0x10720];
	_ =	sdelay $0x2  }
0x4ef: {  	v1 =	vmul.f32 $8.000000000e+00, v1;
	_ =	sdelay $0x1  }
0x4f0: {  	v0 =	vadd.f32 v0, v1  }
0x4f1: {  	v1 =	vld [tilespmem:s24+$0x8330]  }
0x4f2: {  	[tilespmem:s24+$0x8320] =	vst v0  }
0x4f3: {  	v0 =	vld [tilespmem:$0x10730];
	_ =	sdelay $0x2  }
0x4f4: {  	v1 =	vmul.f32 $8.000000000e+00, v1;
	_ =	sdelay $0x1  }
0x4f5: {  	v0 =	vadd.f32 v0, v1  }
0x4f6: {  	v1 =	vld [tilespmem:s24+$0x8340]  }
0x4f7: {  	[tilespmem:s24+$0x8330] =	vst v0  }
0x4f8: {  	v0 =	vld [tilespmem:$0x10740];
	_ =	sdelay $0x2  }
0x4f9: {  	v1 =	vmul.f32 $8.000000000e+00, v1;
	_ =	sdelay $0x1  }
0x4fa: {  	v0 =	vadd.f32 v0, v1  }
0x4fb: {  	v1 =	vld [tilespmem:s24+$0x8350]  }
0x4fc: {  	[tilespmem:s24+$0x8340] =	vst v0  }
0x4fd: {  	v0 =	vld [tilespmem:$0x10750];
	_ =	sdelay $0x2  }
0x4fe: {  	v1 =	vmul.f32 $8.000000000e+00, v1;
	_ =	sdelay $0x1  }
0x4ff: {  	v0 =	vadd.f32 v0, v1  }
0x500: {  	v1 =	vld [tilespmem:s24+$0x8360]  }
0x501: {  	[tilespmem:s24+$0x8350] =	vst v0  }
0x502: {  	v0 =	vld [tilespmem:$0x10760];
	_ =	sdelay $0x2  }
0x503: {  	v1 =	vmul.f32 $8.000000000e+00, v1;
	_ =	sdelay $0x1  }
0x504: {  	v0 =	vadd.f32 v0, v1  }
0x505: {  	v1 =	vld [tilespmem:s24+$0x8370]  }
0x506: {  	[tilespmem:s24+$0x8360] =	vst v0  }
0x507: {  	v0 =	vld [tilespmem:$0x10770];
	_ =	sdelay $0x2  }
0x508: {  	v1 =	vmul.f32 $8.000000000e+00, v1;
	_ =	sdelay $0x1  }
0x509: {  	v0 =	vadd.f32 v0, v1  }
0x50a: {  	v1 =	vld [tilespmem:s24+$0x8380]  }
0x50b: {  	[tilespmem:s24+$0x8370] =	vst v0  }
0x50c: {  	v0 =	vld [tilespmem:$0x10780];
	_ =	sdelay $0x2  }
0x50d: {  	v1 =	vmul.f32 $8.000000000e+00, v1;
	_ =	sdelay $0x1  }
0x50e: {  	v0 =	vadd.f32 v0, v1  }
0x50f: {  	v1 =	vld [tilespmem:s24+$0x8390]  }
0x510: {  	[tilespmem:s24+$0x8380] =	vst v0  }
0x511: {  	v0 =	vld [tilespmem:$0x10790];
	_ =	sdelay $0x2  }
0x512: {  	v1 =	vmul.f32 $8.000000000e+00, v1;
	_ =	sdelay $0x1  }
0x513: {  	v0 =	vadd.f32 v0, v1  }
0x514: {  	v1 =	vld [tilespmem:s24+$0x83A0]  }
0x515: {  	[tilespmem:s24+$0x8390] =	vst v0  }
0x516: {  	v0 =	vld [tilespmem:$0x107A0];
	_ =	sdelay $0x2  }
0x517: {  	v1 =	vmul.f32 $8.000000000e+00, v1;
	_ =	sdelay $0x1  }
0x518: {  	v0 =	vadd.f32 v0, v1  }
0x519: {  	v1 =	vld [tilespmem:s24+$0x83B0]  }
0x51a: {  	[tilespmem:s24+$0x83A0] =	vst v0  }
0x51b: {  	v0 =	vld [tilespmem:$0x107B0];
	_ =	sdelay $0x2  }
0x51c: {  	v1 =	vmul.f32 $8.000000000e+00, v1;
	_ =	sdelay $0x1  }
0x51d: {  	v0 =	vadd.f32 v0, v1  }
0x51e: {  	v1 =	vld [tilespmem:s24+$0x83C0]  }
0x51f: {  	[tilespmem:s24+$0x83B0] =	vst v0  }
0x520: {  	v0 =	vld [tilespmem:$0x107C0];
	_ =	sdelay $0x2  }
0x521: {  	v1 =	vmul.f32 $8.000000000e+00, v1;
	_ =	sdelay $0x1  }
0x522: {  	v0 =	vadd.f32 v0, v1  }
0x523: {  	v1 =	vld [tilespmem:s24+$0x83D0]  }
0x524: {  	[tilespmem:s24+$0x83C0] =	vst v0  }
0x525: {  	v0 =	vld [tilespmem:$0x107D0];
	_ =	sdelay $0x2  }
0x526: {  	v1 =	vmul.f32 $8.000000000e+00, v1;
	_ =	sdelay $0x1  }
0x527: {  	v0 =	vadd.f32 v0, v1  }
0x528: {  	v1 =	vld [tilespmem:s24+$0x83E0]  }
0x529: {  	[tilespmem:s24+$0x83D0] =	vst v0  }
0x52a: {  	v0 =	vld [tilespmem:$0x107E0];
	_ =	sdelay $0x2  }
0x52b: {  	v1 =	vmul.f32 $8.000000000e+00, v1;
	_ =	sdelay $0x1  }
0x52c: {  	v0 =	vadd.f32 v0, v1  }
0x52d: {  	v1 =	vld [tilespmem:s24+$0x83F0]  }
0x52e: {  	[tilespmem:s24+$0x83E0] =	vst v0  }
0x52f: {  	v0 =	vld [tilespmem:$0x107F0];
	_ =	sdelay $0x2  }
0x530: {  	v1 =	vmul.f32 $8.000000000e+00, v1;
	_ =	sdelay $0x1  }
0x531: {  	s26 =	simm.s32 $0x400;
	s25 =	simm.s32 $0x2000;
	v0 =	vadd.f32 v0, v1  }
.LBB2_5:
0x532: {  	p0 =	sne.s32 s25, $0x1F000;
	v1 =	vld [tilespmem:s26+$0x8000]  }
0x533: {  	[tilespmem:s24+$0x83F0] =	vst v0;
	s24 =	smov.u32 s26  }
0x534: {  	v0 =	vld [tilespmem:$0x10400];
	_ =	sdelay $0x2  }
0x535: {  	v1 =	vmul.f32 $8.000000000e+00, v1;
	_ =	sdelay $0x1  }
0x536: {  	v0 =	vadd.f32 v0, v1  }
0x537: {  	v1 =	vld [tilespmem:s24+$0x8010]  }
0x538: {  	[tilespmem:s24+$0x8000] =	vst v0  }
0x539: {  	v0 =	vld [tilespmem:$0x10410];
	_ =	sdelay $0x2  }
0x53a: {  	v1 =	vmul.f32 $8.000000000e+00, v1;
	_ =	sdelay $0x1  }
0x53b: {  	v0 =	vadd.f32 v0, v1  }
0x53c: {  	v1 =	vld [tilespmem:s24+$0x8020]  }
0x53d: {  	[tilespmem:s24+$0x8010] =	vst v0  }
0x53e: {  	v0 =	vld [tilespmem:$0x10420];
	_ =	sdelay $0x2  }
0x53f: {  	v1 =	vmul.f32 $8.000000000e+00, v1;
	_ =	sdelay $0x1  }
0x540: {  	v0 =	vadd.f32 v0, v1  }
0x541: {  	v1 =	vld [tilespmem:s24+$0x8030]  }
0x542: {  	[tilespmem:s24+$0x8020] =	vst v0  }
0x543: {  	v0 =	vld [tilespmem:$0x10430];
	_ =	sdelay $0x2  }
0x544: {  	v1 =	vmul.f32 $8.000000000e+00, v1;
	_ =	sdelay $0x1  }
0x545: {  	v0 =	vadd.f32 v0, v1  }
0x546: {  	v1 =	vld [tilespmem:s24+$0x8040]  }
0x547: {  	[tilespmem:s24+$0x8030] =	vst v0  }
0x548: {  	v0 =	vld [tilespmem:$0x10440];
	_ =	sdelay $0x2  }
0x549: {  	v1 =	vmul.f32 $8.000000000e+00, v1;
	_ =	sdelay $0x1  }
0x54a: {  	v0 =	vadd.f32 v0, v1  }
0x54b: {  	v1 =	vld [tilespmem:s24+$0x8050]  }
0x54c: {  	[tilespmem:s24+$0x8040] =	vst v0  }
0x54d: {  	v0 =	vld [tilespmem:$0x10450];
	_ =	sdelay $0x2  }
0x54e: {  	v1 =	vmul.f32 $8.000000000e+00, v1;
	_ =	sdelay $0x1  }
0x54f: {  	v0 =	vadd.f32 v0, v1  }
0x550: {  	v1 =	vld [tilespmem:s24+$0x8060]  }
0x551: {  	[tilespmem:s24+$0x8050] =	vst v0  }
0x552: {  	v0 =	vld [tilespmem:$0x10460];
	_ =	sdelay $0x2  }
0x553: {  	v1 =	vmul.f32 $8.000000000e+00, v1;
	_ =	sdelay $0x1  }
0x554: {  	v0 =	vadd.f32 v0, v1  }
0x555: {  	v1 =	vld [tilespmem:s24+$0x8070]  }
0x556: {  	[tilespmem:s24+$0x8060] =	vst v0  }
0x557: {  	v0 =	vld [tilespmem:$0x10470];
	_ =	sdelay $0x2  }
0x558: {  	v1 =	vmul.f32 $8.000000000e+00, v1;
	_ =	sdelay $0x1  }
0x559: {  	v0 =	vadd.f32 v0, v1  }
0x55a: {  	v1 =	vld [tilespmem:s24+$0x8080]  }
0x55b: {  	[tilespmem:s24+$0x8070] =	vst v0  }
0x55c: {  	v0 =	vld [tilespmem:$0x10480];
	_ =	sdelay $0x2  }
0x55d: {  	v1 =	vmul.f32 $8.000000000e+00, v1;
	_ =	sdelay $0x1  }
0x55e: {  	v0 =	vadd.f32 v0, v1  }
0x55f: {  	v1 =	vld [tilespmem:s24+$0x8090]  }
0x560: {  	[tilespmem:s24+$0x8080] =	vst v0  }
0x561: {  	v0 =	vld [tilespmem:$0x10490];
	_ =	sdelay $0x2  }
0x562: {  	v1 =	vmul.f32 $8.000000000e+00, v1;
	_ =	sdelay $0x1  }
0x563: {  	v0 =	vadd.f32 v0, v1  }
0x564: {  	v1 =	vld [tilespmem:s24+$0x80A0]  }
0x565: {  	[tilespmem:s24+$0x8090] =	vst v0  }
0x566: {  	v0 =	vld [tilespmem:$0x104A0];
	_ =	sdelay $0x2  }
0x567: {  	v1 =	vmul.f32 $8.000000000e+00, v1;
	_ =	sdelay $0x1  }
0x568: {  	v0 =	vadd.f32 v0, v1  }
0x569: {  	v1 =	vld [tilespmem:s24+$0x80B0]  }
0x56a: {  	[tilespmem:s24+$0x80A0] =	vst v0  }
0x56b: {  	v0 =	vld [tilespmem:$0x104B0];
	_ =	sdelay $0x2  }
0x56c: {  	v1 =	vmul.f32 $8.000000000e+00, v1;
	_ =	sdelay $0x1  }
0x56d: {  	v0 =	vadd.f32 v0, v1  }
0x56e: {  	v1 =	vld [tilespmem:s24+$0x80C0]  }
0x56f: {  	[tilespmem:s24+$0x80B0] =	vst v0  }
0x570: {  	v0 =	vld [tilespmem:$0x104C0];
	_ =	sdelay $0x2  }
0x571: {  	v1 =	vmul.f32 $8.000000000e+00, v1;
	_ =	sdelay $0x1  }
0x572: {  	v0 =	vadd.f32 v0, v1  }
0x573: {  	v1 =	vld [tilespmem:s24+$0x80D0]  }
0x574: {  	[tilespmem:s24+$0x80C0] =	vst v0  }
0x575: {  	v0 =	vld [tilespmem:$0x104D0];
	_ =	sdelay $0x2  }
0x576: {  	v1 =	vmul.f32 $8.000000000e+00, v1;
	_ =	sdelay $0x1  }
0x577: {  	v0 =	vadd.f32 v0, v1  }
0x578: {  	v1 =	vld [tilespmem:s24+$0x80E0]  }
0x579: {  	[tilespmem:s24+$0x80D0] =	vst v0  }
0x57a: {  	v0 =	vld [tilespmem:$0x104E0];
	_ =	sdelay $0x2  }
0x57b: {  	v1 =	vmul.f32 $8.000000000e+00, v1;
	_ =	sdelay $0x1  }
0x57c: {  	v0 =	vadd.f32 v0, v1  }
0x57d: {  	v1 =	vld [tilespmem:s24+$0x80F0]  }
0x57e: {  	[tilespmem:s24+$0x80E0] =	vst v0  }
0x57f: {  	v0 =	vld [tilespmem:$0x104F0];
	_ =	sdelay $0x2  }
0x580: {  	v1 =	vmul.f32 $8.000000000e+00, v1;
	_ =	sdelay $0x1  }
0x581: {  	v0 =	vadd.f32 v0, v1  }
0x582: {  	v1 =	vld [tilespmem:s24+$0x8100]  }
0x583: {  	[tilespmem:s24+$0x80F0] =	vst v0  }
0x584: {  	v0 =	vld [tilespmem:$0x10500];
	_ =	sdelay $0x2  }
0x585: {  	v1 =	vmul.f32 $8.000000000e+00, v1;
	_ =	sdelay $0x1  }
0x586: {  	v0 =	vadd.f32 v0, v1  }
0x587: {  	v1 =	vld [tilespmem:s24+$0x8110]  }
0x588: {  	[tilespmem:s24+$0x8100] =	vst v0  }
0x589: {  	v0 =	vld [tilespmem:$0x10510];
	_ =	sdelay $0x2  }
0x58a: {  	v1 =	vmul.f32 $8.000000000e+00, v1;
	_ =	sdelay $0x1  }
0x58b: {  	v0 =	vadd.f32 v0, v1  }
0x58c: {  	v1 =	vld [tilespmem:s24+$0x8120]  }
0x58d: {  	[tilespmem:s24+$0x8110] =	vst v0  }
0x58e: {  	v0 =	vld [tilespmem:$0x10520];
	_ =	sdelay $0x2  }
0x58f: {  	v1 =	vmul.f32 $8.000000000e+00, v1;
	_ =	sdelay $0x1  }
0x590: {  	v0 =	vadd.f32 v0, v1  }
0x591: {  	v1 =	vld [tilespmem:s24+$0x8130]  }
0x592: {  	[tilespmem:s24+$0x8120] =	vst v0  }
0x593: {  	v0 =	vld [tilespmem:$0x10530];
	_ =	sdelay $0x2  }
0x594: {  	v1 =	vmul.f32 $8.000000000e+00, v1;
	_ =	sdelay $0x1  }
0x595: {  	v0 =	vadd.f32 v0, v1  }
0x596: {  	v1 =	vld [tilespmem:s24+$0x8140]  }
0x597: {  	[tilespmem:s24+$0x8130] =	vst v0  }
0x598: {  	v0 =	vld [tilespmem:$0x10540];
	_ =	sdelay $0x2  }
0x599: {  	v1 =	vmul.f32 $8.000000000e+00, v1;
	_ =	sdelay $0x1  }
0x59a: {  	v0 =	vadd.f32 v0, v1  }
0x59b: {  	v1 =	vld [tilespmem:s24+$0x8150]  }
0x59c: {  	[tilespmem:s24+$0x8140] =	vst v0  }
0x59d: {  	v0 =	vld [tilespmem:$0x10550];
	_ =	sdelay $0x2  }
0x59e: {  	v1 =	vmul.f32 $8.000000000e+00, v1;
	_ =	sdelay $0x1  }
0x59f: {  	v0 =	vadd.f32 v0, v1  }
0x5a0: {  	v1 =	vld [tilespmem:s24+$0x8160]  }
0x5a1: {  	[tilespmem:s24+$0x8150] =	vst v0  }
0x5a2: {  	v0 =	vld [tilespmem:$0x10560];
	_ =	sdelay $0x2  }
0x5a3: {  	v1 =	vmul.f32 $8.000000000e+00, v1;
	_ =	sdelay $0x1  }
0x5a4: {  	v0 =	vadd.f32 v0, v1  }
0x5a5: {  	v1 =	vld [tilespmem:s24+$0x8170]  }
0x5a6: {  	[tilespmem:s24+$0x8160] =	vst v0  }
0x5a7: {  	v0 =	vld [tilespmem:$0x10570];
	_ =	sdelay $0x2  }
0x5a8: {  	v1 =	vmul.f32 $8.000000000e+00, v1;
	_ =	sdelay $0x1  }
0x5a9: {  	v0 =	vadd.f32 v0, v1  }
0x5aa: {  	v1 =	vld [tilespmem:s24+$0x8180]  }
0x5ab: {  	[tilespmem:s24+$0x8170] =	vst v0  }
0x5ac: {  	v0 =	vld [tilespmem:$0x10580];
	_ =	sdelay $0x2  }
0x5ad: {  	v1 =	vmul.f32 $8.000000000e+00, v1;
	_ =	sdelay $0x1  }
0x5ae: {  	v0 =	vadd.f32 v0, v1  }
0x5af: {  	v1 =	vld [tilespmem:s24+$0x8190]  }
0x5b0: {  	[tilespmem:s24+$0x8180] =	vst v0  }
0x5b1: {  	v0 =	vld [tilespmem:$0x10590];
	_ =	sdelay $0x2  }
0x5b2: {  	v1 =	vmul.f32 $8.000000000e+00, v1;
	_ =	sdelay $0x1  }
0x5b3: {  	v0 =	vadd.f32 v0, v1  }
0x5b4: {  	v1 =	vld [tilespmem:s24+$0x81A0]  }
0x5b5: {  	[tilespmem:s24+$0x8190] =	vst v0  }
0x5b6: {  	v0 =	vld [tilespmem:$0x105A0];
	_ =	sdelay $0x2  }
0x5b7: {  	v1 =	vmul.f32 $8.000000000e+00, v1;
	_ =	sdelay $0x1  }
0x5b8: {  	v0 =	vadd.f32 v0, v1  }
0x5b9: {  	v1 =	vld [tilespmem:s24+$0x81B0]  }
0x5ba: {  	[tilespmem:s24+$0x81A0] =	vst v0  }
0x5bb: {  	v0 =	vld [tilespmem:$0x105B0];
	_ =	sdelay $0x2  }
0x5bc: {  	v1 =	vmul.f32 $8.000000000e+00, v1;
	_ =	sdelay $0x1  }
0x5bd: {  	v0 =	vadd.f32 v0, v1  }
0x5be: {  	v1 =	vld [tilespmem:s24+$0x81C0]  }
0x5bf: {  	[tilespmem:s24+$0x81B0] =	vst v0  }
0x5c0: {  	v0 =	vld [tilespmem:$0x105C0];
	_ =	sdelay $0x2  }
0x5c1: {  	v1 =	vmul.f32 $8.000000000e+00, v1;
	_ =	sdelay $0x1  }
0x5c2: {  	v0 =	vadd.f32 v0, v1  }
0x5c3: {  	v1 =	vld [tilespmem:s24+$0x81D0]  }
0x5c4: {  	[tilespmem:s24+$0x81C0] =	vst v0  }
0x5c5: {  	v0 =	vld [tilespmem:$0x105D0];
	_ =	sdelay $0x2  }
0x5c6: {  	v1 =	vmul.f32 $8.000000000e+00, v1;
	_ =	sdelay $0x1  }
0x5c7: {  	v0 =	vadd.f32 v0, v1  }
0x5c8: {  	v1 =	vld [tilespmem:s24+$0x81E0]  }
0x5c9: {  	[tilespmem:s24+$0x81D0] =	vst v0  }
0x5ca: {  	v0 =	vld [tilespmem:$0x105E0];
	_ =	sdelay $0x2  }
0x5cb: {  	v1 =	vmul.f32 $8.000000000e+00, v1;
	_ =	sdelay $0x1  }
0x5cc: {  	v0 =	vadd.f32 v0, v1  }
0x5cd: {  	v1 =	vld [tilespmem:s24+$0x81F0]  }
0x5ce: {  	[tilespmem:s24+$0x81E0] =	vst v0  }
0x5cf: {  	v0 =	vld [tilespmem:$0x105F0];
	_ =	sdelay $0x2  }
0x5d0: {  	v1 =	vmul.f32 $8.000000000e+00, v1;
	_ =	sdelay $0x1  }
0x5d1: {  	v0 =	vadd.f32 v0, v1  }
0x5d2: {  	v1 =	vld [tilespmem:s24+$0x8200]  }
0x5d3: {  	[tilespmem:s24+$0x81F0] =	vst v0  }
0x5d4: {  	v0 =	vld [tilespmem:$0x10600];
	_ =	sdelay $0x2  }
0x5d5: {  	v1 =	vmul.f32 $8.000000000e+00, v1;
	_ =	sdelay $0x1  }
0x5d6: {  	v0 =	vadd.f32 v0, v1  }
0x5d7: {  	v1 =	vld [tilespmem:s24+$0x8210]  }
0x5d8: {  	[tilespmem:s24+$0x8200] =	vst v0  }
0x5d9: {  	v0 =	vld [tilespmem:$0x10610];
	_ =	sdelay $0x2  }
0x5da: {  	v1 =	vmul.f32 $8.000000000e+00, v1;
	_ =	sdelay $0x1  }
0x5db: {  	v0 =	vadd.f32 v0, v1  }
0x5dc: {  	v1 =	vld [tilespmem:s24+$0x8220]  }
0x5dd: {  	[tilespmem:s24+$0x8210] =	vst v0  }
0x5de: {  	v0 =	vld [tilespmem:$0x10620];
	_ =	sdelay $0x2  }
0x5df: {  	v1 =	vmul.f32 $8.000000000e+00, v1;
	_ =	sdelay $0x1  }
0x5e0: {  	v0 =	vadd.f32 v0, v1  }
0x5e1: {  	v1 =	vld [tilespmem:s24+$0x8230]  }
0x5e2: {  	[tilespmem:s24+$0x8220] =	vst v0  }
0x5e3: {  	v0 =	vld [tilespmem:$0x10630];
	_ =	sdelay $0x2  }
0x5e4: {  	v1 =	vmul.f32 $8.000000000e+00, v1;
	_ =	sdelay $0x1  }
0x5e5: {  	v0 =	vadd.f32 v0, v1  }
0x5e6: {  	v1 =	vld [tilespmem:s24+$0x8240]  }
0x5e7: {  	[tilespmem:s24+$0x8230] =	vst v0  }
0x5e8: {  	v0 =	vld [tilespmem:$0x10640];
	_ =	sdelay $0x2  }
0x5e9: {  	v1 =	vmul.f32 $8.000000000e+00, v1;
	_ =	sdelay $0x1  }
0x5ea: {  	v0 =	vadd.f32 v0, v1  }
0x5eb: {  	v1 =	vld [tilespmem:s24+$0x8250]  }
0x5ec: {  	[tilespmem:s24+$0x8240] =	vst v0  }
0x5ed: {  	v0 =	vld [tilespmem:$0x10650];
	_ =	sdelay $0x2  }
0x5ee: {  	v1 =	vmul.f32 $8.000000000e+00, v1;
	_ =	sdelay $0x1  }
0x5ef: {  	v0 =	vadd.f32 v0, v1  }
0x5f0: {  	v1 =	vld [tilespmem:s24+$0x8260]  }
0x5f1: {  	[tilespmem:s24+$0x8250] =	vst v0  }
0x5f2: {  	v0 =	vld [tilespmem:$0x10660];
	_ =	sdelay $0x2  }
0x5f3: {  	v1 =	vmul.f32 $8.000000000e+00, v1;
	_ =	sdelay $0x1  }
0x5f4: {  	v0 =	vadd.f32 v0, v1  }
0x5f5: {  	v1 =	vld [tilespmem:s24+$0x8270]  }
0x5f6: {  	[tilespmem:s24+$0x8260] =	vst v0  }
0x5f7: {  	v0 =	vld [tilespmem:$0x10670];
	_ =	sdelay $0x2  }
0x5f8: {  	v1 =	vmul.f32 $8.000000000e+00, v1;
	_ =	sdelay $0x1  }
0x5f9: {  	v0 =	vadd.f32 v0, v1  }
0x5fa: {  	v1 =	vld [tilespmem:s24+$0x8280]  }
0x5fb: {  	[tilespmem:s24+$0x8270] =	vst v0  }
0x5fc: {  	v0 =	vld [tilespmem:$0x10680];
	_ =	sdelay $0x2  }
0x5fd: {  	v1 =	vmul.f32 $8.000000000e+00, v1;
	_ =	sdelay $0x1  }
0x5fe: {  	v0 =	vadd.f32 v0, v1  }
0x5ff: {  	v1 =	vld [tilespmem:s24+$0x8290]  }
0x600: {  	[tilespmem:s24+$0x8280] =	vst v0  }
0x601: {  	v0 =	vld [tilespmem:$0x10690];
	_ =	sdelay $0x2  }
0x602: {  	v1 =	vmul.f32 $8.000000000e+00, v1;
	_ =	sdelay $0x1  }
0x603: {  	v0 =	vadd.f32 v0, v1  }
0x604: {  	v1 =	vld [tilespmem:s24+$0x82A0]  }
0x605: {  	[tilespmem:s24+$0x8290] =	vst v0  }
0x606: {  	v0 =	vld [tilespmem:$0x106A0];
	_ =	sdelay $0x2  }
0x607: {  	v1 =	vmul.f32 $8.000000000e+00, v1;
	_ =	sdelay $0x1  }
0x608: {  	v0 =	vadd.f32 v0, v1  }
0x609: {  	v1 =	vld [tilespmem:s24+$0x82B0]  }
0x60a: {  	[tilespmem:s24+$0x82A0] =	vst v0  }
0x60b: {  	v0 =	vld [tilespmem:$0x106B0];
	_ =	sdelay $0x2  }
0x60c: {  	v1 =	vmul.f32 $8.000000000e+00, v1;
	_ =	sdelay $0x1  }
0x60d: {  	v0 =	vadd.f32 v0, v1  }
0x60e: {  	v1 =	vld [tilespmem:s24+$0x82C0]  }
0x60f: {  	[tilespmem:s24+$0x82B0] =	vst v0  }
0x610: {  	v0 =	vld [tilespmem:$0x106C0];
	_ =	sdelay $0x2  }
0x611: {  	v1 =	vmul.f32 $8.000000000e+00, v1;
	_ =	sdelay $0x1  }
0x612: {  	v0 =	vadd.f32 v0, v1  }
0x613: {  	v1 =	vld [tilespmem:s24+$0x82D0]  }
0x614: {  	[tilespmem:s24+$0x82C0] =	vst v0  }
0x615: {  	v0 =	vld [tilespmem:$0x106D0];
	_ =	sdelay $0x2  }
0x616: {  	v1 =	vmul.f32 $8.000000000e+00, v1;
	_ =	sdelay $0x1  }
0x617: {  	v0 =	vadd.f32 v0, v1  }
0x618: {  	v1 =	vld [tilespmem:s24+$0x82E0]  }
0x619: {  	[tilespmem:s24+$0x82D0] =	vst v0  }
0x61a: {  	v0 =	vld [tilespmem:$0x106E0];
	_ =	sdelay $0x2  }
0x61b: {  	v1 =	vmul.f32 $8.000000000e+00, v1;
	_ =	sdelay $0x1  }
0x61c: {  	v0 =	vadd.f32 v0, v1  }
0x61d: {  	v1 =	vld [tilespmem:s24+$0x82F0]  }
0x61e: {  	[tilespmem:s24+$0x82E0] =	vst v0  }
0x61f: {  	v0 =	vld [tilespmem:$0x106F0];
	_ =	sdelay $0x2  }
0x620: {  	v1 =	vmul.f32 $8.000000000e+00, v1;
	_ =	sdelay $0x1  }
0x621: {  	v0 =	vadd.f32 v0, v1  }
0x622: {  	v1 =	vld [tilespmem:s24+$0x8300]  }
0x623: {  	[tilespmem:s24+$0x82F0] =	vst v0  }
0x624: {  	v0 =	vld [tilespmem:$0x10700];
	_ =	sdelay $0x2  }
0x625: {  	v1 =	vmul.f32 $8.000000000e+00, v1;
	_ =	sdelay $0x1  }
0x626: {  	v0 =	vadd.f32 v0, v1  }
0x627: {  	v1 =	vld [tilespmem:s24+$0x8310]  }
0x628: {  	[tilespmem:s24+$0x8300] =	vst v0  }
0x629: {  	v0 =	vld [tilespmem:$0x10710];
	_ =	sdelay $0x2  }
0x62a: {  	v1 =	vmul.f32 $8.000000000e+00, v1;
	_ =	sdelay $0x1  }
0x62b: {  	v0 =	vadd.f32 v0, v1  }
0x62c: {  	v1 =	vld [tilespmem:s24+$0x8320]  }
0x62d: {  	[tilespmem:s24+$0x8310] =	vst v0  }
0x62e: {  	v0 =	vld [tilespmem:$0x10720];
	_ =	sdelay $0x2  }
0x62f: {  	v1 =	vmul.f32 $8.000000000e+00, v1;
	_ =	sdelay $0x1  }
0x630: {  	v0 =	vadd.f32 v0, v1  }
0x631: {  	v1 =	vld [tilespmem:s24+$0x8330]  }
0x632: {  	[tilespmem:s24+$0x8320] =	vst v0  }
0x633: {  	v0 =	vld [tilespmem:$0x10730];
	_ =	sdelay $0x2  }
0x634: {  	v1 =	vmul.f32 $8.000000000e+00, v1;
	_ =	sdelay $0x1  }
0x635: {  	v0 =	vadd.f32 v0, v1  }
0x636: {  	v1 =	vld [tilespmem:s24+$0x8340]  }
0x637: {  	[tilespmem:s24+$0x8330] =	vst v0  }
0x638: {  	v0 =	vld [tilespmem:$0x10740];
	_ =	sdelay $0x2  }
0x639: {  	v1 =	vmul.f32 $8.000000000e+00, v1;
	_ =	sdelay $0x1  }
0x63a: {  	v0 =	vadd.f32 v0, v1  }
0x63b: {  	v1 =	vld [tilespmem:s24+$0x8350]  }
0x63c: {  	[tilespmem:s24+$0x8340] =	vst v0  }
0x63d: {  	v0 =	vld [tilespmem:$0x10750];
	_ =	sdelay $0x2  }
0x63e: {  	v1 =	vmul.f32 $8.000000000e+00, v1;
	_ =	sdelay $0x1  }
0x63f: {  	v0 =	vadd.f32 v0, v1  }
0x640: {  	v1 =	vld [tilespmem:s24+$0x8360]  }
0x641: {  	[tilespmem:s24+$0x8350] =	vst v0  }
0x642: {  	v0 =	vld [tilespmem:$0x10760];
	_ =	sdelay $0x2  }
0x643: {  	v1 =	vmul.f32 $8.000000000e+00, v1;
	_ =	sdelay $0x1  }
0x644: {  	v0 =	vadd.f32 v0, v1  }
0x645: {  	v1 =	vld [tilespmem:s24+$0x8370]  }
0x646: {  	[tilespmem:s24+$0x8360] =	vst v0  }
0x647: {  	v0 =	vld [tilespmem:$0x10770];
	_ =	sdelay $0x2  }
0x648: {  	v1 =	vmul.f32 $8.000000000e+00, v1;
	_ =	sdelay $0x1  }
0x649: {  	v0 =	vadd.f32 v0, v1  }
0x64a: {  	v1 =	vld [tilespmem:s24+$0x8380]  }
0x64b: {  	[tilespmem:s24+$0x8370] =	vst v0  }
0x64c: {  	v0 =	vld [tilespmem:$0x10780];
	_ =	sdelay $0x2  }
0x64d: {  	v1 =	vmul.f32 $8.000000000e+00, v1;
	_ =	sdelay $0x1  }
0x64e: {  	v0 =	vadd.f32 v0, v1  }
0x64f: {  	v1 =	vld [tilespmem:s24+$0x8390]  }
0x650: {  	[tilespmem:s24+$0x8380] =	vst v0  }
0x651: {  	v0 =	vld [tilespmem:$0x10790];
	_ =	sdelay $0x2  }
0x652: {  	v1 =	vmul.f32 $8.000000000e+00, v1;
	_ =	sdelay $0x1  }
0x653: {  	v0 =	vadd.f32 v0, v1  }
0x654: {  	v1 =	vld [tilespmem:s24+$0x83A0]  }
0x655: {  	[tilespmem:s24+$0x8390] =	vst v0  }
0x656: {  	v0 =	vld [tilespmem:$0x107A0];
	_ =	sdelay $0x2  }
0x657: {  	v1 =	vmul.f32 $8.000000000e+00, v1;
	_ =	sdelay $0x1  }
0x658: {  	v0 =	vadd.f32 v0, v1  }
0x659: {  	v1 =	vld [tilespmem:s24+$0x83B0]  }
0x65a: {  	[tilespmem:s24+$0x83A0] =	vst v0  }
0x65b: {  	v0 =	vld [tilespmem:$0x107B0];
	_ =	sdelay $0x2  }
0x65c: {  	v1 =	vmul.f32 $8.000000000e+00, v1;
	_ =	sdelay $0x1  }
0x65d: {  	v0 =	vadd.f32 v0, v1  }
0x65e: {  	v1 =	vld [tilespmem:s24+$0x83C0]  }
0x65f: {  	[tilespmem:s24+$0x83B0] =	vst v0  }
0x660: {  	v0 =	vld [tilespmem:$0x107C0];
	_ =	sdelay $0x2  }
0x661: {  	v1 =	vmul.f32 $8.000000000e+00, v1;
	_ =	sdelay $0x1  }
0x662: {  	v0 =	vadd.f32 v0, v1  }
0x663: {  	v1 =	vld [tilespmem:s24+$0x83D0]  }
0x664: {  	[tilespmem:s24+$0x83C0] =	vst v0  }
0x665: {  	v0 =	vld [tilespmem:$0x107D0];
	_ =	sdelay $0x2  }
0x666: {  	v1 =	vmul.f32 $8.000000000e+00, v1;
	_ =	sdelay $0x1  }
0x667: {  	v0 =	vadd.f32 v0, v1  }
0x668: {  	v1 =	vld [tilespmem:s24+$0x83E0]  }
0x669: {  	[tilespmem:s24+$0x83D0] =	vst v0  }
0x66a: {  	v0 =	vld [tilespmem:$0x107E0];
	_ =	sdelay $0x2  }
0x66b: {  	v1 =	vmul.f32 $8.000000000e+00, v1;
	_ =	sdelay $0x1  }
0x66c: {  	v0 =	vadd.f32 v0, v1  }
0x66d: {  	v1 =	vld [tilespmem:s24+$0x83F0]  }
0x66e: {  	[tilespmem:s24+$0x83E0] =	vst v0  }
0x66f: {  	v0 =	vld [tilespmem:$0x107F0]  }
.Ltmp1:
0x670: {  	(pc) =	sbr.rel @p0 .LBB2_5-.Ltmp1, $3  }
0x671: {  	_ = 	snop  }
0x672: {  	v1 =	vmul.f32 $8.000000000e+00, v1;
	_ =	sdelay $0x1  }
0x673: {  	s26 =	sshra.s32 s25, $0x2;
	s25 =	sadd.s32 $0x1000, s25;
	v0 =	vadd.f32 v0, v1  }
0x674: {  	v1 =	vld [tilespmem:s26+$0x8000]  }
0x675: {  	[tilespmem:s24+$0x83F0] =	vst v0  }
0x676: {  	v0 =	vld [tilespmem:$0x10400];
	_ =	sdelay $0x2  }
0x677: {  	v1 =	vmul.f32 $8.000000000e+00, v1;
	_ =	sdelay $0x1  }
0x678: {  	v0 =	vadd.f32 v0, v1  }
0x679: {  	v61 =	vld [tilespmem:s26+$0x8010]  }
0x67a: {  	[tilespmem:s26+$0x8000] =	vst v0  }
0x67b: {  	v0 =	vld [tilespmem:$0x10410];
	_ =	sdelay $0x2  }
0x67c: {  	v1 =	vmul.f32 $8.000000000e+00, v61;
	_ =	sdelay $0x1  }
0x67d: {  	v0 =	vadd.f32 v0, v1  }
0x67e: {  	v62 =	vld [tilespmem:s26+$0x8020]  }
0x67f: {  	[tilespmem:s26+$0x8010] =	vst v0  }
0x680: {  	v0 =	vld [tilespmem:$0x10420];
	_ =	sdelay $0x2  }
0x681: {  	v1 =	vmul.f32 $8.000000000e+00, v62;
	_ =	sdelay $0x1  }
0x682: {  	v0 =	vadd.f32 v0, v1  }
0x683: {  	v63 =	vld [tilespmem:s26+$0x8030]  }
0x684: {  	[tilespmem:s26+$0x8020] =	vst v0  }
0x685: {  	v0 =	vld [tilespmem:$0x10430];
	_ =	sdelay $0x2  }
0x686: {  	v1 =	vmul.f32 $8.000000000e+00, v63;
	_ =	sdelay $0x1  }
0x687: {  	v0 =	vadd.f32 v0, v1  }
0x688: {  	v4 =	vld [tilespmem:s26+$0x8040]  }
0x689: {  	[tilespmem:s26+$0x8030] =	vst v0  }
0x68a: {  	v0 =	vld [tilespmem:$0x10440];
	_ =	sdelay $0x2  }
0x68b: {  	v1 =	vmul.f32 $8.000000000e+00, v4;
	_ =	sdelay $0x1  }
0x68c: {  	v0 =	vadd.f32 v0, v1  }
0x68d: {  	v5 =	vld [tilespmem:s26+$0x8050]  }
0x68e: {  	[tilespmem:s26+$0x8040] =	vst v0  }
0x68f: {  	v0 =	vld [tilespmem:$0x10450];
	_ =	sdelay $0x2  }
0x690: {  	v1 =	vmul.f32 $8.000000000e+00, v5;
	_ =	sdelay $0x1  }
0x691: {  	v0 =	vadd.f32 v0, v1  }
0x692: {  	v6 =	vld [tilespmem:s26+$0x8060]  }
0x693: {  	[tilespmem:s26+$0x8050] =	vst v0  }
0x694: {  	v0 =	vld [tilespmem:$0x10460];
	_ =	sdelay $0x2  }
0x695: {  	v1 =	vmul.f32 $8.000000000e+00, v6;
	_ =	sdelay $0x1  }
0x696: {  	v0 =	vadd.f32 v0, v1  }
0x697: {  	v7 =	vld [tilespmem:s26+$0x8070]  }
0x698: {  	[tilespmem:s26+$0x8060] =	vst v0  }
0x699: {  	v0 =	vld [tilespmem:$0x10470];
	_ =	sdelay $0x2  }
0x69a: {  	v1 =	vmul.f32 $8.000000000e+00, v7;
	_ =	sdelay $0x1  }
0x69b: {  	v0 =	vadd.f32 v0, v1  }
0x69c: {  	v8 =	vld [tilespmem:s26+$0x8080]  }
0x69d: {  	[tilespmem:s26+$0x8070] =	vst v0  }
0x69e: {  	v0 =	vld [tilespmem:$0x10480];
	_ =	sdelay $0x2  }
0x69f: {  	v1 =	vmul.f32 $8.000000000e+00, v8;
	_ =	sdelay $0x1  }
0x6a0: {  	v0 =	vadd.f32 v0, v1  }
0x6a1: {  	v9 =	vld [tilespmem:s26+$0x8090]  }
0x6a2: {  	[tilespmem:s26+$0x8080] =	vst v0  }
0x6a3: {  	v0 =	vld [tilespmem:$0x10490];
	_ =	sdelay $0x2  }
0x6a4: {  	v1 =	vmul.f32 $8.000000000e+00, v9;
	_ =	sdelay $0x1  }
0x6a5: {  	v0 =	vadd.f32 v0, v1  }
0x6a6: {  	v10 =	vld [tilespmem:s26+$0x80A0]  }
0x6a7: {  	[tilespmem:s26+$0x8090] =	vst v0  }
0x6a8: {  	v0 =	vld [tilespmem:$0x104A0];
	_ =	sdelay $0x2  }
0x6a9: {  	v1 =	vmul.f32 $8.000000000e+00, v10;
	_ =	sdelay $0x1  }
0x6aa: {  	v0 =	vadd.f32 v0, v1  }
0x6ab: {  	v11 =	vld [tilespmem:s26+$0x80B0]  }
0x6ac: {  	[tilespmem:s26+$0x80A0] =	vst v0  }
0x6ad: {  	v0 =	vld [tilespmem:$0x104B0];
	_ =	sdelay $0x2  }
0x6ae: {  	v1 =	vmul.f32 $8.000000000e+00, v11;
	_ =	sdelay $0x1  }
0x6af: {  	v0 =	vadd.f32 v0, v1  }
0x6b0: {  	v12 =	vld [tilespmem:s26+$0x80C0]  }
0x6b1: {  	[tilespmem:s26+$0x80B0] =	vst v0  }
0x6b2: {  	v0 =	vld [tilespmem:$0x104C0];
	_ =	sdelay $0x2  }
0x6b3: {  	v1 =	vmul.f32 $8.000000000e+00, v12;
	_ =	sdelay $0x1  }
0x6b4: {  	v0 =	vadd.f32 v0, v1  }
0x6b5: {  	v13 =	vld [tilespmem:s26+$0x80D0]  }
0x6b6: {  	[tilespmem:s26+$0x80C0] =	vst v0  }
0x6b7: {  	v0 =	vld [tilespmem:$0x104D0];
	_ =	sdelay $0x2  }
0x6b8: {  	v1 =	vmul.f32 $8.000000000e+00, v13;
	_ =	sdelay $0x1  }
0x6b9: {  	v0 =	vadd.f32 v0, v1  }
0x6ba: {  	v14 =	vld [tilespmem:s26+$0x80E0]  }
0x6bb: {  	[tilespmem:s26+$0x80D0] =	vst v0  }
0x6bc: {  	v0 =	vld [tilespmem:$0x104E0];
	_ =	sdelay $0x2  }
0x6bd: {  	v1 =	vmul.f32 $8.000000000e+00, v14;
	_ =	sdelay $0x1  }
0x6be: {  	v0 =	vadd.f32 v0, v1  }
0x6bf: {  	v15 =	vld [tilespmem:s26+$0x80F0]  }
0x6c0: {  	[tilespmem:s26+$0x80E0] =	vst v0  }
0x6c1: {  	v0 =	vld [tilespmem:$0x104F0];
	_ =	sdelay $0x2  }
0x6c2: {  	v1 =	vmul.f32 $8.000000000e+00, v15;
	_ =	sdelay $0x1  }
0x6c3: {  	v0 =	vadd.f32 v0, v1  }
0x6c4: {  	v16 =	vld [tilespmem:s26+$0x8100]  }
0x6c5: {  	[tilespmem:s26+$0x80F0] =	vst v0  }
0x6c6: {  	v0 =	vld [tilespmem:$0x10500];
	_ =	sdelay $0x2  }
0x6c7: {  	v1 =	vmul.f32 $8.000000000e+00, v16;
	_ =	sdelay $0x1  }
0x6c8: {  	v0 =	vadd.f32 v0, v1  }
0x6c9: {  	v17 =	vld [tilespmem:s26+$0x8110]  }
0x6ca: {  	[tilespmem:s26+$0x8100] =	vst v0  }
0x6cb: {  	v0 =	vld [tilespmem:$0x10510];
	_ =	sdelay $0x2  }
0x6cc: {  	v1 =	vmul.f32 $8.000000000e+00, v17;
	_ =	sdelay $0x1  }
0x6cd: {  	v0 =	vadd.f32 v0, v1  }
0x6ce: {  	v18 =	vld [tilespmem:s26+$0x8120]  }
0x6cf: {  	[tilespmem:s26+$0x8110] =	vst v0  }
0x6d0: {  	v0 =	vld [tilespmem:$0x10520];
	_ =	sdelay $0x2  }
0x6d1: {  	v1 =	vmul.f32 $8.000000000e+00, v18;
	_ =	sdelay $0x1  }
0x6d2: {  	v0 =	vadd.f32 v0, v1  }
0x6d3: {  	v19 =	vld [tilespmem:s26+$0x8130]  }
0x6d4: {  	[tilespmem:s26+$0x8120] =	vst v0  }
0x6d5: {  	v0 =	vld [tilespmem:$0x10530];
	_ =	sdelay $0x2  }
0x6d6: {  	v1 =	vmul.f32 $8.000000000e+00, v19;
	_ =	sdelay $0x1  }
0x6d7: {  	v0 =	vadd.f32 v0, v1  }
0x6d8: {  	v20 =	vld [tilespmem:s26+$0x8140]  }
0x6d9: {  	[tilespmem:s26+$0x8130] =	vst v0  }
0x6da: {  	v0 =	vld [tilespmem:$0x10540];
	_ =	sdelay $0x2  }
0x6db: {  	v1 =	vmul.f32 $8.000000000e+00, v20;
	_ =	sdelay $0x1  }
0x6dc: {  	v0 =	vadd.f32 v0, v1  }
0x6dd: {  	v21 =	vld [tilespmem:s26+$0x8150]  }
0x6de: {  	[tilespmem:s26+$0x8140] =	vst v0  }
0x6df: {  	v0 =	vld [tilespmem:$0x10550];
	_ =	sdelay $0x2  }
0x6e0: {  	v1 =	vmul.f32 $8.000000000e+00, v21;
	_ =	sdelay $0x1  }
0x6e1: {  	v0 =	vadd.f32 v0, v1  }
0x6e2: {  	v22 =	vld [tilespmem:s26+$0x8160]  }
0x6e3: {  	[tilespmem:s26+$0x8150] =	vst v0  }
0x6e4: {  	v0 =	vld [tilespmem:$0x10560];
	_ =	sdelay $0x2  }
0x6e5: {  	v1 =	vmul.f32 $8.000000000e+00, v22;
	_ =	sdelay $0x1  }
0x6e6: {  	v0 =	vadd.f32 v0, v1  }
0x6e7: {  	v23 =	vld [tilespmem:s26+$0x8170]  }
0x6e8: {  	[tilespmem:s26+$0x8160] =	vst v0  }
0x6e9: {  	v0 =	vld [tilespmem:$0x10570];
	_ =	sdelay $0x2  }
0x6ea: {  	v1 =	vmul.f32 $8.000000000e+00, v23;
	_ =	sdelay $0x1  }
0x6eb: {  	v0 =	vadd.f32 v0, v1  }
0x6ec: {  	v24 =	vld [tilespmem:s26+$0x8180]  }
0x6ed: {  	[tilespmem:s26+$0x8170] =	vst v0  }
0x6ee: {  	v0 =	vld [tilespmem:$0x10580];
	_ =	sdelay $0x2  }
0x6ef: {  	v1 =	vmul.f32 $8.000000000e+00, v24;
	_ =	sdelay $0x1  }
0x6f0: {  	v0 =	vadd.f32 v0, v1  }
0x6f1: {  	v25 =	vld [tilespmem:s26+$0x8190]  }
0x6f2: {  	[tilespmem:s26+$0x8180] =	vst v0  }
0x6f3: {  	v0 =	vld [tilespmem:$0x10590];
	_ =	sdelay $0x2  }
0x6f4: {  	v1 =	vmul.f32 $8.000000000e+00, v25;
	_ =	sdelay $0x1  }
0x6f5: {  	v0 =	vadd.f32 v0, v1  }
0x6f6: {  	v26 =	vld [tilespmem:s26+$0x81A0]  }
0x6f7: {  	[tilespmem:s26+$0x8190] =	vst v0  }
0x6f8: {  	v0 =	vld [tilespmem:$0x105A0];
	_ =	sdelay $0x2  }
0x6f9: {  	v1 =	vmul.f32 $8.000000000e+00, v26;
	_ =	sdelay $0x1  }
0x6fa: {  	v0 =	vadd.f32 v0, v1  }
0x6fb: {  	v27 =	vld [tilespmem:s26+$0x81B0]  }
0x6fc: {  	[tilespmem:s26+$0x81A0] =	vst v0  }
0x6fd: {  	v0 =	vld [tilespmem:$0x105B0];
	_ =	sdelay $0x2  }
0x6fe: {  	v1 =	vmul.f32 $8.000000000e+00, v27;
	_ =	sdelay $0x1  }
0x6ff: {  	v0 =	vadd.f32 v0, v1  }
0x700: {  	v28 =	vld [tilespmem:s26+$0x81C0]  }
0x701: {  	[tilespmem:s26+$0x81B0] =	vst v0  }
0x702: {  	v0 =	vld [tilespmem:$0x105C0];
	_ =	sdelay $0x2  }
0x703: {  	v1 =	vmul.f32 $8.000000000e+00, v28;
	_ =	sdelay $0x1  }
0x704: {  	v0 =	vadd.f32 v0, v1  }
0x705: {  	v29 =	vld [tilespmem:s26+$0x81D0]  }
0x706: {  	[tilespmem:s26+$0x81C0] =	vst v0  }
0x707: {  	v0 =	vld [tilespmem:$0x105D0];
	_ =	sdelay $0x2  }
0x708: {  	v1 =	vmul.f32 $8.000000000e+00, v29;
	_ =	sdelay $0x1  }
0x709: {  	v0 =	vadd.f32 v0, v1  }
0x70a: {  	v30 =	vld [tilespmem:s26+$0x81E0]  }
0x70b: {  	[tilespmem:s26+$0x81D0] =	vst v0  }
0x70c: {  	v0 =	vld [tilespmem:$0x105E0];
	_ =	sdelay $0x2  }
0x70d: {  	v1 =	vmul.f32 $8.000000000e+00, v30;
	_ =	sdelay $0x1  }
0x70e: {  	v0 =	vadd.f32 v0, v1  }
0x70f: {  	v31 =	vld [tilespmem:s26+$0x81F0]  }
0x710: {  	[tilespmem:s26+$0x81E0] =	vst v0  }
0x711: {  	v0 =	vld [tilespmem:$0x105F0];
	_ =	sdelay $0x2  }
0x712: {  	v1 =	vmul.f32 $8.000000000e+00, v31;
	_ =	sdelay $0x1  }
0x713: {  	v0 =	vadd.f32 v0, v1  }
0x714: {  	v32 =	vld [tilespmem:s26+$0x8200]  }
0x715: {  	[tilespmem:s26+$0x81F0] =	vst v0  }
0x716: {  	v0 =	vld [tilespmem:$0x10600];
	_ =	sdelay $0x2  }
0x717: {  	v1 =	vmul.f32 $8.000000000e+00, v32;
	_ =	sdelay $0x1  }
0x718: {  	v0 =	vadd.f32 v0, v1  }
0x719: {  	v33 =	vld [tilespmem:s26+$0x8210]  }
0x71a: {  	[tilespmem:s26+$0x8200] =	vst v0  }
0x71b: {  	v0 =	vld [tilespmem:$0x10610];
	_ =	sdelay $0x2  }
0x71c: {  	v1 =	vmul.f32 $8.000000000e+00, v33;
	_ =	sdelay $0x1  }
0x71d: {  	v0 =	vadd.f32 v0, v1  }
0x71e: {  	v34 =	vld [tilespmem:s26+$0x8220]  }
0x71f: {  	[tilespmem:s26+$0x8210] =	vst v0  }
0x720: {  	v0 =	vld [tilespmem:$0x10620];
	_ =	sdelay $0x2  }
0x721: {  	v1 =	vmul.f32 $8.000000000e+00, v34;
	_ =	sdelay $0x1  }
0x722: {  	v0 =	vadd.f32 v0, v1  }
0x723: {  	v35 =	vld [tilespmem:s26+$0x8230]  }
0x724: {  	[tilespmem:s26+$0x8220] =	vst v0  }
0x725: {  	v0 =	vld [tilespmem:$0x10630];
	_ =	sdelay $0x2  }
0x726: {  	v1 =	vmul.f32 $8.000000000e+00, v35;
	_ =	sdelay $0x1  }
0x727: {  	v0 =	vadd.f32 v0, v1  }
0x728: {  	v36 =	vld [tilespmem:s26+$0x8240]  }
0x729: {  	[tilespmem:s26+$0x8230] =	vst v0  }
0x72a: {  	v0 =	vld [tilespmem:$0x10640];
	_ =	sdelay $0x2  }
0x72b: {  	v1 =	vmul.f32 $8.000000000e+00, v36;
	_ =	sdelay $0x1  }
0x72c: {  	v0 =	vadd.f32 v0, v1  }
0x72d: {  	v37 =	vld [tilespmem:s26+$0x8250]  }
0x72e: {  	[tilespmem:s26+$0x8240] =	vst v0  }
0x72f: {  	v0 =	vld [tilespmem:$0x10650];
	_ =	sdelay $0x2  }
0x730: {  	v1 =	vmul.f32 $8.000000000e+00, v37;
	_ =	sdelay $0x1  }
0x731: {  	v0 =	vadd.f32 v0, v1  }
0x732: {  	v38 =	vld [tilespmem:s26+$0x8260]  }
0x733: {  	[tilespmem:s26+$0x8250] =	vst v0  }
0x734: {  	v0 =	vld [tilespmem:$0x10660];
	_ =	sdelay $0x2  }
0x735: {  	v1 =	vmul.f32 $8.000000000e+00, v38;
	_ =	sdelay $0x1  }
0x736: {  	v0 =	vadd.f32 v0, v1  }
0x737: {  	v39 =	vld [tilespmem:s26+$0x8270]  }
0x738: {  	[tilespmem:s26+$0x8260] =	vst v0  }
0x739: {  	v0 =	vld [tilespmem:$0x10670];
	_ =	sdelay $0x2  }
0x73a: {  	v1 =	vmul.f32 $8.000000000e+00, v39;
	_ =	sdelay $0x1  }
0x73b: {  	v0 =	vadd.f32 v0, v1  }
0x73c: {  	v40 =	vld [tilespmem:s26+$0x8280]  }
0x73d: {  	[tilespmem:s26+$0x8270] =	vst v0  }
0x73e: {  	v0 =	vld [tilespmem:$0x10680];
	_ =	sdelay $0x2  }
0x73f: {  	v1 =	vmul.f32 $8.000000000e+00, v40;
	_ =	sdelay $0x1  }
0x740: {  	v0 =	vadd.f32 v0, v1  }
0x741: {  	v41 =	vld [tilespmem:s26+$0x8290]  }
0x742: {  	[tilespmem:s26+$0x8280] =	vst v0  }
0x743: {  	v0 =	vld [tilespmem:$0x10690];
	_ =	sdelay $0x2  }
0x744: {  	v1 =	vmul.f32 $8.000000000e+00, v41;
	_ =	sdelay $0x1  }
0x745: {  	v0 =	vadd.f32 v0, v1  }
0x746: {  	v42 =	vld [tilespmem:s26+$0x82A0]  }
0x747: {  	[tilespmem:s26+$0x8290] =	vst v0  }
0x748: {  	v0 =	vld [tilespmem:$0x106A0];
	_ =	sdelay $0x2  }
0x749: {  	v1 =	vmul.f32 $8.000000000e+00, v42;
	_ =	sdelay $0x1  }
0x74a: {  	v0 =	vadd.f32 v0, v1  }
0x74b: {  	v43 =	vld [tilespmem:s26+$0x82B0]  }
0x74c: {  	[tilespmem:s26+$0x82A0] =	vst v0  }
0x74d: {  	v0 =	vld [tilespmem:$0x106B0];
	_ =	sdelay $0x2  }
0x74e: {  	v1 =	vmul.f32 $8.000000000e+00, v43;
	_ =	sdelay $0x1  }
0x74f: {  	v0 =	vadd.f32 v0, v1  }
0x750: {  	v44 =	vld [tilespmem:s26+$0x82C0]  }
0x751: {  	[tilespmem:s26+$0x82B0] =	vst v0  }
0x752: {  	v0 =	vld [tilespmem:$0x106C0];
	_ =	sdelay $0x2  }
0x753: {  	v1 =	vmul.f32 $8.000000000e+00, v44;
	_ =	sdelay $0x1  }
0x754: {  	v0 =	vadd.f32 v0, v1  }
0x755: {  	v45 =	vld [tilespmem:s26+$0x82D0]  }
0x756: {  	[tilespmem:s26+$0x82C0] =	vst v0  }
0x757: {  	v0 =	vld [tilespmem:$0x106D0];
	_ =	sdelay $0x2  }
0x758: {  	v1 =	vmul.f32 $8.000000000e+00, v45;
	_ =	sdelay $0x1  }
0x759: {  	v0 =	vadd.f32 v0, v1  }
0x75a: {  	v46 =	vld [tilespmem:s26+$0x82E0]  }
0x75b: {  	[tilespmem:s26+$0x82D0] =	vst v0  }
0x75c: {  	v0 =	vld [tilespmem:$0x106E0];
	_ =	sdelay $0x2  }
0x75d: {  	v1 =	vmul.f32 $8.000000000e+00, v46;
	_ =	sdelay $0x1  }
0x75e: {  	v0 =	vadd.f32 v0, v1  }
0x75f: {  	v47 =	vld [tilespmem:s26+$0x82F0]  }
0x760: {  	[tilespmem:s26+$0x82E0] =	vst v0  }
0x761: {  	v0 =	vld [tilespmem:$0x106F0];
	_ =	sdelay $0x2  }
0x762: {  	v1 =	vmul.f32 $8.000000000e+00, v47;
	_ =	sdelay $0x1  }
0x763: {  	v0 =	vadd.f32 v0, v1  }
0x764: {  	v48 =	vld [tilespmem:s26+$0x8300]  }
0x765: {  	[tilespmem:s26+$0x82F0] =	vst v0  }
0x766: {  	v0 =	vld [tilespmem:$0x10700];
	_ =	sdelay $0x2  }
0x767: {  	v1 =	vmul.f32 $8.000000000e+00, v48;
	_ =	sdelay $0x1  }
0x768: {  	v0 =	vadd.f32 v0, v1  }
0x769: {  	v49 =	vld [tilespmem:s26+$0x8310]  }
0x76a: {  	[tilespmem:s26+$0x8300] =	vst v0  }
0x76b: {  	v0 =	vld [tilespmem:$0x10710];
	_ =	sdelay $0x2  }
0x76c: {  	v1 =	vmul.f32 $8.000000000e+00, v49;
	_ =	sdelay $0x1  }
0x76d: {  	v0 =	vadd.f32 v0, v1  }
0x76e: {  	v50 =	vld [tilespmem:s26+$0x8320]  }
0x76f: {  	[tilespmem:s26+$0x8310] =	vst v0  }
0x770: {  	v0 =	vld [tilespmem:$0x10720];
	_ =	sdelay $0x2  }
0x771: {  	v1 =	vmul.f32 $8.000000000e+00, v50;
	_ =	sdelay $0x1  }
0x772: {  	v0 =	vadd.f32 v0, v1  }
0x773: {  	v51 =	vld [tilespmem:s26+$0x8330]  }
0x774: {  	[tilespmem:s26+$0x8320] =	vst v0  }
0x775: {  	v0 =	vld [tilespmem:$0x10730];
	_ =	sdelay $0x2  }
0x776: {  	v1 =	vmul.f32 $8.000000000e+00, v51;
	_ =	sdelay $0x1  }
0x777: {  	v0 =	vadd.f32 v0, v1  }
0x778: {  	v52 =	vld [tilespmem:s26+$0x8340]  }
0x779: {  	[tilespmem:s26+$0x8330] =	vst v0  }
0x77a: {  	v0 =	vld [tilespmem:$0x10740];
	_ =	sdelay $0x2  }
0x77b: {  	v1 =	vmul.f32 $8.000000000e+00, v52;
	_ =	sdelay $0x1  }
0x77c: {  	v0 =	vadd.f32 v0, v1  }
0x77d: {  	v53 =	vld [tilespmem:s26+$0x8350]  }
0x77e: {  	[tilespmem:s26+$0x8340] =	vst v0  }
0x77f: {  	v0 =	vld [tilespmem:$0x10750];
	_ =	sdelay $0x2  }
0x780: {  	v1 =	vmul.f32 $8.000000000e+00, v53;
	_ =	sdelay $0x1  }
0x781: {  	v0 =	vadd.f32 v0, v1  }
0x782: {  	v54 =	vld [tilespmem:s26+$0x8360]  }
0x783: {  	[tilespmem:s26+$0x8350] =	vst v0  }
0x784: {  	v0 =	vld [tilespmem:$0x10760];
	_ =	sdelay $0x2  }
0x785: {  	v1 =	vmul.f32 $8.000000000e+00, v54;
	_ =	sdelay $0x1  }
0x786: {  	v0 =	vadd.f32 v0, v1  }
0x787: {  	v55 =	vld [tilespmem:s26+$0x8370]  }
0x788: {  	[tilespmem:s26+$0x8360] =	vst v0  }
0x789: {  	v0 =	vld [tilespmem:$0x10770];
	_ =	sdelay $0x2  }
0x78a: {  	v1 =	vmul.f32 $8.000000000e+00, v55;
	_ =	sdelay $0x1  }
0x78b: {  	v0 =	vadd.f32 v0, v1  }
0x78c: {  	v56 =	vld [tilespmem:s26+$0x8380]  }
0x78d: {  	[tilespmem:s26+$0x8370] =	vst v0  }
0x78e: {  	v0 =	vld [tilespmem:$0x10780];
	_ =	sdelay $0x2  }
0x78f: {  	v1 =	vmul.f32 $8.000000000e+00, v56;
	_ =	sdelay $0x1  }
0x790: {  	v0 =	vadd.f32 v0, v1  }
0x791: {  	v57 =	vld [tilespmem:s26+$0x8390]  }
0x792: {  	[tilespmem:s26+$0x8380] =	vst v0  }
0x793: {  	v0 =	vld [tilespmem:$0x10790];
	_ =	sdelay $0x2  }
0x794: {  	v1 =	vmul.f32 $8.000000000e+00, v57;
	_ =	sdelay $0x1  }
0x795: {  	v0 =	vadd.f32 v0, v1  }
0x796: {  	v58 =	vld [tilespmem:s26+$0x83A0]  }
0x797: {  	[tilespmem:s26+$0x8390] =	vst v0  }
0x798: {  	v0 =	vld [tilespmem:$0x107A0];
	_ =	sdelay $0x2  }
0x799: {  	v1 =	vmul.f32 $8.000000000e+00, v58;
	_ =	sdelay $0x1  }
0x79a: {  	v0 =	vadd.f32 v0, v1  }
0x79b: {  	v59 =	vld [tilespmem:s26+$0x83B0]  }
0x79c: {  	[tilespmem:s26+$0x83A0] =	vst v0  }
0x79d: {  	v0 =	vld [tilespmem:$0x107B0];
	_ =	sdelay $0x2  }
0x79e: {  	v1 =	vmul.f32 $8.000000000e+00, v59;
	_ =	sdelay $0x1  }
0x79f: {  	v0 =	vadd.f32 v0, v1  }
0x7a0: {  	v60 =	vld [tilespmem:s26+$0x83C0]  }
0x7a1: {  	[tilespmem:s26+$0x83B0] =	vst v0  }
0x7a2: {  	v0 =	vld [tilespmem:$0x107C0];
	_ =	sdelay $0x2  }
0x7a3: {  	v1 =	vmul.f32 $8.000000000e+00, v60;
	_ =	sdelay $0x1  }
0x7a4: {  	v0 =	vadd.f32 v0, v1  }
0x7a5: {  	v61 =	vld [tilespmem:s26+$0x83D0]  }
0x7a6: {  	[tilespmem:s26+$0x83C0] =	vst v0  }
0x7a7: {  	v0 =	vld [tilespmem:$0x107D0];
	_ =	sdelay $0x2  }
0x7a8: {  	v1 =	vmul.f32 $8.000000000e+00, v61;
	_ =	sdelay $0x1  }
0x7a9: {  	v0 =	vadd.f32 v0, v1  }
0x7aa: {  	v62 =	vld [tilespmem:s26+$0x83E0]  }
0x7ab: {  	[tilespmem:s26+$0x83D0] =	vst v0  }
0x7ac: {  	v0 =	vld [tilespmem:$0x107E0];
	_ =	sdelay $0x2  }
0x7ad: {  	v1 =	vmul.f32 $8.000000000e+00, v62;
	_ =	sdelay $0x1  }
0x7ae: {  	v0 =	vadd.f32 v0, v1  }
0x7af: {  	v63 =	vld [tilespmem:s26+$0x83F0]  }
0x7b0: {  	[tilespmem:s26+$0x83E0] =	vst v0  }
0x7b1: {  	v0 =	vld [tilespmem:$0x107F0];
	_ =	sdelay $0x1  }
0x7b2: {  	s22 =	sadd.s32 $0x1, s22  }
0x7b3: {  	p0 =	sne.s32 s22, $0x19;
	v1 =	vmul.f32 $8.000000000e+00, v63  }
.Ltmp2:
0x7b4: {  	s23 =	sshll.u32 s23, $0xF;
	(pc) =	sbr.rel @p0 .LBB2_2-.Ltmp2, $4  }
0x7b5: {  	s23 =	sadd.s32 s9, s23;
	v0 =	vadd.f32 v0, v1  }
0x7b6: {  	s23 =	sshrl.u32 s23, $0x3  }
0x7b7: {  	s23 =	sadd.s32 s3, s23;
	[tilespmem:s26+$0x83F0] =	vst v0  }
0x7b8: {  	[hbm4b:s23+s4] =	stream.linear.scatter [tilespmem:s13], [sflag:$0x6], $0x8000, $0x38;
	[tilespmem:$0x10800] =	vst v63  }
0x7b9: {  	s21 =	sadd.s32 $0x1, s21  }
0x7ba: {  	_ =	swait.ge [sflag:s19], $0x8000;
	p0 =	sne.s32 s21, s11  }
.Ltmp3:
0x7bb: {  	[sflag:s19] =	ssyncset.done $0x0;
	(pc) =	sbr.rel @p0 .LBB2_1-.Ltmp3, $4  }
0x7bc: {  	[sflag:s19] =	ssyncadd.s32 $0xFFFF8000  }
0x7bd: {  	_ =	swait.ge [sflag:s20], $0x8000  }
0x7be: {  	[sflag:s20] =	ssyncset.done $0x0  }
0x7bf: {  	[sflag:s20] =	ssyncadd.s32 $0xFFFF8000  }
0x7c0: {  	_ =	sfence.sel $0x180000  }
0x7c1: {  	[bflag:$0x0] =	sbarrier.arrive $0xFFFF  }
0x7c2: {  	p0 =	sne.s32 s0, $0x0;
	_ =	strace $0x90000047  }
0x7c3: {  	s0 =	sadd.s32 @!p0 $0x100000, s2;
	[bflag:$0x2] =	sbarrier.arrive $0xFFFF  }
0x7c4: {  	[sflag:s0] =	ssyncadd.tile.s32 @!p0 $0x1;
	_ =	shalt  }
.Lfunc_end2:
_tile_overlayer_lowered:
.L_overlay_start_2:
0x7c5: {  	(tag) =	ssettag $0x2  }
0x7c6: {  	s0 =	rddreg [dreg:$0x0];
	s2 =	stileid.u32  }
0x7c7: {  	s1 =	rddreg [dreg:$0x1];
	p0 =	sne.s32 s2, $0x0  }
0x7c8: {  	s3 =	rddreg [dreg:$0x2];
	[bflag:$0x3] =	sbarrier.arrive $0xFFFF;
	s2 =	simm.s32 @!p0 $0x1C07  }
0x7c9: {  	[timem:s3], [sflag:s2] =	dma.local @!p0 [hbm:s0], s1  }
0x7ca: {  	s0 =	simm.s32 @!p0 $0x7  }
0x7cb: {  	_ =	swait.ge @!p0 [sflag:s0], s1  }
0x7cc: {  	s1 =	ssub.s32 @!p0 $0x0, s1;
	[sflag:s0] =	ssyncset.done @!p0 $0x0  }
0x7cd: {  	[sflag:s0] =	ssyncadd.s32 @!p0 s1  }
0x7ce: {  	[bflag:$0x3] =	sbarrier.arrive $0xFFFF  }
0x7cf: {  	_ =	shalt  }

</sc_bundles>
